<compile_context>
chip_gen: v7x
topology: tpu7x:2x2x1
jax: 0.10.2.dev20260603
libtpu: 0.0.44.dev20260713+nightly
codegen_flags: <defaults>
</compile_context>

<pallas_src>
import functools

import jax
import jax.numpy as jnp
from jax import lax
from jax.experimental import pallas as pl
from jax.experimental.pallas import tpu as pltpu
from jax.experimental.pallas import tpu_sc as plsc

_N = 2048
_C = 32
_D = 256
_KNN = 32
_R = 256
_N_ITER = 5
_NSUB = 32
_RPW = None


def _soa_kernel(rois_ref, soa_ref):
    r = rois_ref[0]
    rt = r.T
    cx = (rt[0:1] + rt[3:4]) * 0.5
    cy = (rt[1:2] + rt[4:5]) * 0.5
    cz = (rt[2:3] + rt[5:6]) * 0.5
    sq = (cx * cx + cy * cy) + cz * cz
    absum = (jnp.abs(rt[0:1]) + jnp.abs(rt[1:2]) + jnp.abs(rt[2:3])
             + jnp.abs(rt[3:4]) + jnp.abs(rt[4:5]) + jnp.abs(rt[5:6]))
    validf = (absum > 0.0).astype(jnp.float32)
    sqp = jnp.where(validf > 0.5, sq, jnp.inf)
    pad = jnp.zeros((4, _N), jnp.float32)
    soa_ref[0] = jnp.concatenate([cx, cy, cz, sqp, pad], axis=0)


def _lane_iota():
    return lax.broadcasted_iota(jnp.int32, (16,), 0)


def _bcast_lane(v, lane):
    idx = jnp.full((16,), lane, jnp.int32)
    return v.at[idx].get(mode="promise_in_bounds")


def _rgather(v, idx):
    return v.at[idx].get(mode="promise_in_bounds")


def _bitonic_sort_vregs(vs):
    li = _lane_iota()
    n = len(vs) * 16
    k = 2
    while k <= n:
        s = k // 2
        while s >= 1:
            if s >= 16:
                sv = s // 16
                for p in range(len(vs) // 2):
                    v = ((p & ~(sv - 1)) << 1) | (p & (sv - 1))
                    up = ((16 * v) & k) == 0
                    a, b = vs[v], vs[v + sv]
                    lo = jnp.minimum(a, b)
                    hi = jnp.maximum(a, b)
                    vs[v], vs[v + sv] = (lo, hi) if up else (hi, lo)
            else:
                ls = s.bit_length() - 1
                lk = k.bit_length() - 1
                for v in range(len(vs)):
                    a = vs[v]
                    b = _rgather(a, li ^ s)
                    if k >= 16:
                        if ((16 * v) & k) != 0:
                            tm = (li & s) != 0
                        else:
                            tm = (li & s) == 0
                    else:
                        tm = (((li >> ls) ^ (li >> lk)) & 1) == 0
                    vs[v] = jnp.where(tm, jnp.minimum(a, b), jnp.maximum(a, b))
            s //= 2
        k *= 2
    return vs


def _sc_thresh_body(soa_hbm, t_hbm, soa_v, tbuf):
    nc = 2
    wid = lax.axis_index("s") * nc + lax.axis_index("c")
    segs_per_batch = _N // _RPW
    b = wid // segs_per_batch
    seg = wid % segs_per_batch
    row0 = seg * _RPW

    pltpu.sync_copy(soa_hbm.at[b], soa_v)

    inf16 = jnp.full((16,), jnp.inf, jnp.float32)
    li = _lane_iota()
    nvec = _N // 16

    def row_body(j, acc):
        nrow = row0 + j
        base = (nrow // 16) * 16
        lane = nrow % 16
        xr = _bcast_lane(soa_v[0, pl.ds(base, 16)], lane)
        yr = _bcast_lane(soa_v[1, pl.ds(base, 16)], lane)
        zr = _bcast_lane(soa_v[2, pl.ds(base, 16)], lane)
        sqr = _bcast_lane(soa_v[3, pl.ds(base, 16)], lane)

        def stream_body(jv, ms):
            o = jv * 16
            vx = soa_v[0, pl.ds(o, 16)]
            vy = soa_v[1, pl.ds(o, 16)]
            vz = soa_v[2, pl.ds(o, 16)]
            vs = soa_v[3, pl.ds(o, 16)]
            dot = (vx * xr + vy * yr) + vz * zr
            c = jnp.maximum((sqr - (dot + dot)) + vs, 0.0)
            out = []
            for i in range(8):
                lo = jnp.minimum(ms[i], c)
                c = jnp.maximum(ms[i], c)
                out.append(lo)
            return tuple(out)

        ms = lax.fori_loop(0, nvec, stream_body, (inf16,) * 8, unroll=4)

        vs_ = _bitonic_sort_vregs(list(ms))
        t = _bcast_lane(vs_[2], 0)

        acc = jnp.where(li == (j & 15), t, acc)
        tbuf[pl.ds((j // 16) * 16, 16)] = acc
        return acc

    lax.fori_loop(0, _RPW, row_body, jnp.zeros((16,), jnp.float32))
    pltpu.sync_copy(tbuf, t_hbm.at[b, pl.ds(row0, _RPW)])


def _rowcol_geom(ra, rr):
    cxr = (rr[:, 0:1] + rr[:, 3:4]) * 0.5
    cyr = (rr[:, 1:2] + rr[:, 4:5]) * 0.5
    czr = (rr[:, 2:3] + rr[:, 5:6]) * 0.5
    sq_r = (cxr * cxr + cyr * cyr) + czr * czr
    absum_r = (jnp.abs(rr[:, 0:1]) + jnp.abs(rr[:, 1:2]) + jnp.abs(rr[:, 2:3])
               + jnp.abs(rr[:, 3:4]) + jnp.abs(rr[:, 4:5]) + jnp.abs(rr[:, 5:6]))
    validf_r = (absum_r > 0.0).astype(jnp.float32)
    sqp_r = jnp.where(validf_r > 0.5, sq_r, jnp.inf)

    rat = ra.T
    cxa = (rat[0:1] + rat[3:4]) * 0.5
    cya = (rat[1:2] + rat[4:5]) * 0.5
    cza = (rat[2:3] + rat[5:6]) * 0.5
    sq_a = (cxa * cxa + cya * cya) + cza * cza
    absum_a = (jnp.abs(rat[0:1]) + jnp.abs(rat[1:2]) + jnp.abs(rat[2:3])
               + jnp.abs(rat[3:4]) + jnp.abs(rat[4:5]) + jnp.abs(rat[5:6]))
    validf_a = (absum_a > 0.0).astype(jnp.float32)
    sqp_a = jnp.where(validf_a > 0.5, sq_a, jnp.inf)

    dot = (cxa * cxr + cya * cyr) + cza * czr
    d = jnp.maximum((sqp_r - (dot + dot)) + sqp_a, 0.0)
    return d


def _aff_kernel(rois_all_ref, rois_row_ref, feats_all_ref, feats_row_ref,
                sigma_ref, aff_ref):
    d = _rowcol_geom(rois_all_ref[0], rois_row_ref[0])

    sigma = sigma_ref[0, 0]
    gk = jnp.exp(jnp.where(jnp.isfinite(d), d, 0.0) * (-0.5 / (sigma * sigma)))

    fa = feats_all_ref[0]
    fr = feats_row_ref[0]
    na = jnp.sqrt(jnp.sum(fa * fa, axis=1, keepdims=True))
    nr = jnp.sqrt(jnp.sum(fr * fr, axis=1, keepdims=True))
    fa = fa / jnp.maximum(na, 1e-6)
    fr = fr / jnp.maximum(nr, 1e-6)
    cos = lax.dot_general(fr.astype(jnp.bfloat16), fa.astype(jnp.bfloat16),
                          (((1,), (1,)), ((), ())),
                          preferred_element_type=jnp.float32)
    aff = jnp.clip((cos + 1.0) * 0.5, 0.0, 1.0)
    aff_ref[0] = (gk * aff).astype(jnp.bfloat16)


def _weights_kernel(rois_all_ref, rois_row_ref, aff_ref,
                    t_all_ref, t_row_ref, w_ref):
    i = pl.program_id(1)
    md0 = _rowcol_geom(rois_all_ref[0], rois_row_ref[0])
    row_ids = i * _R + lax.broadcasted_iota(jnp.int32, (_R, _N), 0)
    col_ids = lax.broadcasted_iota(jnp.int32, (_R, _N), 1)
    md = jnp.where(row_ids == col_ids, jnp.inf, md0)

    t_row = t_row_ref[0]
    t_col = t_all_ref[0].T
    tmax = jnp.maximum(t_row, t_col)
    adj = (md <= tmax) & jnp.isfinite(md)

    wu = jnp.where(adj, aff_ref[0].astype(jnp.float32), 0.0)
    rs = jnp.sum(wu, axis=1, keepdims=True)
    w_ref[0] = (wu / jnp.maximum(rs, 1e-6)).astype(jnp.bfloat16)


def _crf_kernel(w_ref, logits_ref, smooth_ref, out_ref):
    lg = logits_ref[0]
    wb = w_ref[0]
    smooth = smooth_ref[0, 0]
    ii = lax.broadcasted_iota(jnp.int32, (_C, _C), 0)
    jj = lax.broadcasted_iota(jnp.int32, (_C, _C), 1)
    compat = ((ii - jj) ** 2).astype(jnp.float32)
    compat = compat / jnp.maximum(jnp.max(compat), 1.0)

    q = jax.nn.softmax(lg, axis=-1)

    def body(_, carry):
        q, _refined = carry
        qn = jnp.dot(wb, q.astype(jnp.bfloat16),
                     preferred_element_type=jnp.float32)
        pt = jnp.dot(qn, compat, preferred_element_type=jnp.float32)
        refined = lg - smooth * pt
        q = jax.nn.softmax(refined, axis=-1)
        return q, refined

    _, refined = lax.fori_loop(0, _N_ITER, body, (q, lg))
    out_ref[0] = refined


def kernel(logits, rois, appearance_features, raw_sigma, raw_smoothness):
    global _RPW
    B, N, C = logits.shape
    _RPW = (B * N) // _NSUB

    sigma = jnp.maximum(jax.nn.softplus(raw_sigma), 1e-6).astype(jnp.float32)
    smooth = jax.nn.softplus(raw_smoothness).astype(jnp.float32)
    sigma = sigma.reshape(1, 1)
    smooth = smooth.reshape(1, 1)

    soa = pl.pallas_call(
        _soa_kernel,
        grid=(B,),
        in_specs=[pl.BlockSpec((1, N, 6), lambda b: (b, 0, 0))],
        out_specs=pl.BlockSpec((1, 8, N), lambda b: (b, 0, 0)),
        out_shape=jax.ShapeDtypeStruct((B, 8, N), jnp.float32),
    )(rois)

    mesh = plsc.VectorSubcoreMesh(core_axis_name="c", subcore_axis_name="s",
                                  num_cores=2)
    t2d = pl.kernel(
        _sc_thresh_body,
        out_type=jax.ShapeDtypeStruct((B, N), jnp.float32),
        mesh=mesh,
        scratch_types=[
            pltpu.VMEM((8, N), jnp.float32),
            pltpu.VMEM((_RPW,), jnp.float32),
        ],
    )(soa)
    t = t2d.reshape(B, N, 1)

    aff = pl.pallas_call(
        _aff_kernel,
        grid=(B, N // _R),
        in_specs=[
            pl.BlockSpec((1, N, 6), lambda b, i: (b, 0, 0)),
            pl.BlockSpec((1, _R, 6), lambda b, i: (b, i, 0)),
            pl.BlockSpec((1, N, _D), lambda b, i: (b, 0, 0)),
            pl.BlockSpec((1, _R, _D), lambda b, i: (b, i, 0)),
            pl.BlockSpec((1, 1), lambda b, i: (0, 0)),
        ],
        out_specs=pl.BlockSpec((1, _R, N), lambda b, i: (b, i, 0)),
        out_shape=jax.ShapeDtypeStruct((B, N, N), jnp.bfloat16),
    )(rois, rois, appearance_features, appearance_features, sigma)

    w = pl.pallas_call(
        _weights_kernel,
        grid=(B, N // _R),
        in_specs=[
            pl.BlockSpec((1, N, 6), lambda b, i: (b, 0, 0)),
            pl.BlockSpec((1, _R, 6), lambda b, i: (b, i, 0)),
            pl.BlockSpec((1, _R, N), lambda b, i: (b, i, 0)),
            pl.BlockSpec((1, N, 1), lambda b, i: (b, 0, 0)),
            pl.BlockSpec((1, _R, 1), lambda b, i: (b, i, 0)),
        ],
        out_specs=pl.BlockSpec((1, _R, N), lambda b, i: (b, i, 0)),
        out_shape=jax.ShapeDtypeStruct((B, N, N), jnp.bfloat16),
    )(rois, rois, aff, t, t)

    refined = pl.pallas_call(
        _crf_kernel,
        grid=(B,),
        in_specs=[
            pl.BlockSpec((1, N, N), lambda b: (b, 0, 0)),
            pl.BlockSpec((1, N, C), lambda b: (b, 0, 0)),
            pl.BlockSpec((1, 1), lambda b: (0, 0)),
        ],
        out_specs=pl.BlockSpec((1, N, C), lambda b: (b, 0, 0)),
        out_shape=jax.ShapeDtypeStruct((B, N, C), jnp.float32),
    )(w, logits, smooth)

    return refined

# --- scband reference (transcript-rebuilt; emitter-appended) ---
"""Pipeline reference for scband-crf-83580063580574 (READ-ONLY COPY).

The authoritative reference and input builder live on the scoring server;
editing this copy changes nothing except your own understanding.
"""

import jax, jax.numpy as jnp
import numpy as np


def _inverse_softplus(v):
    return float(np.log(np.expm1(v)))


def setup_inputs(seed: int = 0) -> dict:
    key = jax.random.key(seed)
    k1, k2, k3 = jax.random.split(key, 3)
    B, N, C, D = 4, 2048, 32, 256
    logits = jax.random.normal(k1, (B, N, C), dtype=jnp.float32)
    rois = jax.random.uniform(k2, (B, N, 6), dtype=jnp.float32)
    appearance_features = jax.random.normal(k3, (B, N, D), dtype=jnp.float32)
    raw_sigma = jnp.asarray(_inverse_softplus(1.0), dtype=jnp.float32)
    raw_smoothness = jnp.asarray(_inverse_softplus(1.0), dtype=jnp.float32)
    return {
        "logits": logits,
        "rois": rois,
        "appearance_features": appearance_features,
        "raw_sigma": raw_sigma,
        "raw_smoothness": raw_smoothness,
    }


def reference(logits, rois, appearance_features, raw_sigma, raw_smoothness):
    num_classes = 32
    n_iter = 5
    knn_k = 32
    B, N, C = logits.shape
    dtype = logits.dtype

    sigma = jnp.maximum(jax.nn.softplus(raw_sigma), 1e-06).astype(dtype)
    smoothness = jax.nn.softplus(raw_smoothness).astype(dtype)

    roi_centers = ((rois[:, :, :3] + rois[:, :, 3:]) / 2.0).astype(dtype)
    sq = jnp.sum(roi_centers * roi_centers, axis=-1)
    dist_sq = sq[:, :, None] + sq[:, None, :] - 2.0 * jnp.einsum('bnd,bmd->bnm', roi_centers, roi_centers)
    dist_sq = jnp.maximum(dist_sq, 0.0)

    identity = jnp.eye(N, dtype=bool)[None, :, :]
    valid_mask = jnp.sum(jnp.abs(rois), axis=-1) > 0
    valid_pairs = valid_mask[:, None, :] & valid_mask[:, :, None]

    # kNN adjacency
    k_eff = min(knn_k, max(N - 1, 1))
    masked_dist = jnp.where(valid_pairs & (~identity), dist_sq, jnp.inf)
    neg_top, knn_idx = jax.lax.top_k(-masked_dist, k_eff)
    knn_dist = -neg_top
    adjacency = jnp.zeros((B, N, N), dtype=bool)
    b_idx = jnp.arange(B)[:, None, None]
    n_idx = jnp.arange(N)[None, :, None]
    adjacency = adjacency.at[b_idx, n_idx, knn_idx].set(jnp.isfinite(knn_dist))
    adjacency = adjacency | jnp.swapaxes(adjacency, 1, 2)
    adjacency = adjacency & valid_pairs & (~identity)

    pairwise_kernel = jnp.exp(-0.5 * dist_sq / (sigma * sigma))

    feats = appearance_features.astype(dtype)
    norm = jnp.linalg.norm(feats, axis=-1, keepdims=True)
    feats = feats / jnp.maximum(norm, 1e-06)
    cosine = jnp.einsum('bnd,bmd->bnm', feats, feats)
    appearance_affinity = jnp.clip((cosine + 1.0) * 0.5, 0.0, 1.0)

    pairwise_kernel = pairwise_kernel * appearance_affinity
    pairwise_kernel = jnp.where(identity, jnp.asarray(0.0, dtype), pairwise_kernel)
    pairwise_kernel = pairwise_kernel * adjacency.astype(dtype)
    pairwise_kernel = pairwise_kernel / jnp.maximum(jnp.sum(pairwise_kernel, axis=-1, keepdims=True), 1e-06)

    q_probs = jax.nn.softmax(logits, axis=-1)
    idx = jnp.arange(num_classes, dtype=dtype)
    compat = (idx[:, None] - idx[None, :]) ** 2
    compat = compat / jnp.maximum(jnp.max(compat), 1.0)

    refined_logits = logits
    for _ in range(n_iter):
        q_neighbors = jnp.einsum('bnm,bmc->bnc', pairwise_kernel, q_probs)
        pairwise_term = jnp.einsum('bnc,cd->bnd', q_neighbors, compat)
        refined_logits = logits - smoothness * pairwise_term
        q_probs = jax.nn.softmax(refined_logits, axis=-1)
    return refined_logits

if __name__ == "__main__":
    import jax
    _d = setup_inputs()
    print(jax.jit(kernel)(*tuple(_d.values())))

</pallas_src>

<mosaic_0001>
#map = affine_map<(d0, d1) -> (0, 0, 0)>
#map1 = affine_map<(d0, d1) -> (0, 0)>
module attributes {stable_mosaic.version = 14 : i64} {
  func.func @_sc_thresh_body(%arg0: i32, %arg1: i32, %arg2: memref<4x8x2048xf32, #tpu.memory_space<hbm>>, %arg3: memref<4x2048xf32, #tpu.memory_space<hbm>>, %arg4: memref<8x2048xf32, #tpu.memory_space<vmem>>, %arg5: memref<256xf32, #tpu.memory_space<vmem>>) attributes {dimension_semantics = [#tpu.dimension_semantics<core_parallel>, #tpu.dimension_semantics<subcore_parallel>], iteration_bounds = array<i64: 2, 16>, scalar_prefetch = 0 : i64, scratch_operands = 2 : i64, tpu.core_type = #tpu.core_type<sc_vector_subcore>, window_params = [{transform_indices = #map}, {transform_indices = #map1}]} {
    %mul3A = arith.constant 2 : i32
    %mul3A_0 = arith.muli %arg1, %mul3A : i32
    %add3A = arith.addi %mul3A_0, %arg0 : i32
    %jit3A = arith.constant 8 : i32
    %div3A = arith.divsi %add3A, %jit3A : i32
    %sign3A = arith.constant 0 : i32
    %sign3A_1 = arith.cmpi sgt, %add3A, %sign3A : i32
    %sign3A_2 = arith.extui %sign3A_1 : i1 to i32
    %sign3A_3 = arith.constant 0 : i32
    %sign3A_4 = arith.cmpi slt, %add3A, %sign3A_3 : i32
    %sign3A_5 = arith.extui %sign3A_4 : i1 to i32
    %sign3A_6 = arith.subi %sign3A_2, %sign3A_5 : i32
    %sign3A_7 = arith.constant 0 : i32
    %sign3A_8 = arith.cmpi sgt, %jit3A, %sign3A_7 : i32
    %sign3A_9 = arith.extui %sign3A_8 : i1 to i32
    %sign3A_10 = arith.constant 0 : i32
    %sign3A_11 = arith.cmpi slt, %jit3A, %sign3A_10 : i32
    %sign3A_12 = arith.extui %sign3A_11 : i1 to i32
    %sign3A_13 = arith.subi %sign3A_9, %sign3A_12 : i32
    %ne3A = arith.cmpi ne, %sign3A_6, %sign3A_13 : i32
    %rem3A = arith.remsi %add3A, %jit3A : i32
    %ne3A_14 = arith.constant 0 : i32
    %ne3A_15 = arith.cmpi ne, %rem3A, %ne3A_14 : i32
    %and3A = arith.andi %ne3A, %ne3A_15 : i1
    %sub3A = arith.constant 1 : i32
    %sub3A_16 = arith.subi %div3A, %sub3A : i32
    %select_n3A = arith.select %and3A, %sub3A_16, %div3A : i32
    %jit3A_17 = arith.constant 8 : i32
    %eq3A = arith.constant 0 : i32
    %eq3A_18 = arith.cmpi eq, %jit3A_17, %eq3A : i32
    %jit3A_19 = arith.constant 1 : i32
    %select_n3A_20 = arith.select %eq3A_18, %jit3A_19, %jit3A_17 : i32
    %rem3A_21 = arith.remsi %add3A, %select_n3A_20 : i32
    %ne3A_22 = arith.constant 0 : i32
    %ne3A_23 = arith.cmpi ne, %rem3A_21, %ne3A_22 : i32
    %lt3A = arith.constant 0 : i32
    %lt3A_24 = arith.cmpi slt, %rem3A_21, %lt3A : i32
    %lt3A_25 = arith.constant 0 : i32
    %lt3A_26 = arith.cmpi slt, %select_n3A_20, %lt3A_25 : i32
    %ne3A_27 = arith.xori %lt3A_24, %lt3A_26 : i1
    %and3A_28 = arith.andi %ne3A_27, %ne3A_23 : i1
    %add3A_29 = arith.addi %rem3A_21, %select_n3A_20 : i32
    %select_n3A_30 = arith.select %and3A_28, %add3A_29, %rem3A_21 : i32
    %mul3A_31 = arith.constant 256 : i32
    %mul3A_32 = arith.muli %select_n3A_30, %mul3A_31 : i32
    "tpu.region"() ({
      %run_scoped3A = tpu.sem_alloc : memref<!tpu.dma_semaphore, #tpu.memory_space<semaphore_mem>>
      %dma_start3A = arith.constant 0 : i32
      %dma_start3A_41 = arith.constant 0 : i32
      %dma_start3A_42 = tpu.memref_slice %arg2[%select_n3A, %dma_start3A, %dma_start3A_41] : memref<4x8x2048xf32, #tpu.memory_space<hbm>> -> memref<1x8x2048xf32, #tpu.memory_space<hbm>>
      %dma_start3A_43 = tpu.memref_squeeze %dma_start3A_42 : memref<1x8x2048xf32, #tpu.memory_space<hbm>> -> memref<8x2048xf32, #tpu.memory_space<hbm>>
      %dma_start3A_44 = arith.constant 0 : i32
      %dma_start3A_45 = arith.constant 0 : i32
      %dma_start3A_46 = tpu.memref_slice %arg2[%select_n3A, %dma_start3A_44, %dma_start3A_45] : memref<4x8x2048xf32, #tpu.memory_space<hbm>> -> memref<1x8x2048xf32, #tpu.memory_space<hbm>>
      %dma_start3A_47 = tpu.memref_squeeze %dma_start3A_46 : memref<1x8x2048xf32, #tpu.memory_space<hbm>> -> memref<8x2048xf32, #tpu.memory_space<hbm>>
      tpu.enqueue_dma source(%dma_start3A_47 : memref<8x2048xf32, #tpu.memory_space<hbm>>) target(%arg4 : memref<8x2048xf32, #tpu.memory_space<vmem>>) target_semaphore(%run_scoped3A : memref<!tpu.dma_semaphore, #tpu.memory_space<semaphore_mem>>)
      %dma_wait3A = arith.constant 0 : i32
      %dma_wait3A_48 = arith.constant 0 : i32
      %dma_wait3A_49 = tpu.memref_slice %arg2[%select_n3A, %dma_wait3A, %dma_wait3A_48] : memref<4x8x2048xf32, #tpu.memory_space<hbm>> -> memref<1x8x2048xf32, #tpu.memory_space<hbm>>
      %dma_wait3A_50 = tpu.memref_squeeze %dma_wait3A_49 : memref<1x8x2048xf32, #tpu.memory_space<hbm>> -> memref<8x2048xf32, #tpu.memory_space<hbm>>
      %dma_wait3A_51 = arith.constant 0 : i32
      %dma_wait3A_52 = arith.constant 0 : i32
      %dma_wait3A_53 = tpu.memref_slice %arg2[%select_n3A, %dma_wait3A_51, %dma_wait3A_52] : memref<4x8x2048xf32, #tpu.memory_space<hbm>> -> memref<1x8x2048xf32, #tpu.memory_space<hbm>>
      %dma_wait3A_54 = tpu.memref_squeeze %dma_wait3A_53 : memref<1x8x2048xf32, #tpu.memory_space<hbm>> -> memref<8x2048xf32, #tpu.memory_space<hbm>>
      tpu.wait_dma2 semaphore(%run_scoped3A : memref<!tpu.dma_semaphore, #tpu.memory_space<semaphore_mem>>) src(%dma_wait3A_54 : memref<8x2048xf32, #tpu.memory_space<hbm>>) dst(%arg4 : memref<8x2048xf32, #tpu.memory_space<vmem>>)
      tpu.yield
    }) : () -> ()
    %broadcast_in_dim3A = arith.constant 0x7F800000 : f32
    %broadcast_in_dim3A_33 = vector.broadcast %broadcast_in_dim3A : f32 to vector<16xf32>
    %iota3A = tpu.iota {dimensions = array<i32: 0>} : vector<16xi32>
    %broadcast_in_dim3A_34 = arith.constant 0.000000e+00 : f32
    %broadcast_in_dim3A_35 = vector.broadcast %broadcast_in_dim3A_34 : f32 to vector<16xf32>
    %scan3A = arith.constant 0 : i32
    %scan3A_36 = arith.constant 256 : i32
    %scan3A_37 = arith.addi %scan3A, %scan3A_36 : i32
    %scan3A_38 = arith.constant 1 : i32
    %scan3A_39 = scf.for %scan3A_41 = %scan3A to %scan3A_37 step %scan3A_38 iter_args(%scan3A_42 = %broadcast_in_dim3A_35) -> (vector<16xf32>)  : i32 {
      %add3A_43 = arith.addi %mul3A_32, %scan3A_41 : i32
      %jit3A_44 = arith.constant 16 : i32
      %div3A_45 = arith.divsi %add3A_43, %jit3A_44 : i32
      %sign3A_46 = arith.constant 0 : i32
      %sign3A_47 = arith.cmpi sgt, %add3A_43, %sign3A_46 : i32
      %sign3A_48 = arith.extui %sign3A_47 : i1 to i32
      %sign3A_49 = arith.constant 0 : i32
      %sign3A_50 = arith.cmpi slt, %add3A_43, %sign3A_49 : i32
      %sign3A_51 = arith.extui %sign3A_50 : i1 to i32
      %sign3A_52 = arith.subi %sign3A_48, %sign3A_51 : i32
      %sign3A_53 = arith.constant 0 : i32
      %sign3A_54 = arith.cmpi sgt, %jit3A_44, %sign3A_53 : i32
      %sign3A_55 = arith.extui %sign3A_54 : i1 to i32
      %sign3A_56 = arith.constant 0 : i32
      %sign3A_57 = arith.cmpi slt, %jit3A_44, %sign3A_56 : i32
      %sign3A_58 = arith.extui %sign3A_57 : i1 to i32
      %sign3A_59 = arith.subi %sign3A_55, %sign3A_58 : i32
      %ne3A_60 = arith.cmpi ne, %sign3A_52, %sign3A_59 : i32
      %rem3A_61 = arith.remsi %add3A_43, %jit3A_44 : i32
      %ne3A_62 = arith.constant 0 : i32
      %ne3A_63 = arith.cmpi ne, %rem3A_61, %ne3A_62 : i32
      %and3A_64 = arith.andi %ne3A_60, %ne3A_63 : i1
      %sub3A_65 = arith.constant 1 : i32
      %sub3A_66 = arith.subi %div3A_45, %sub3A_65 : i32
      %select_n3A_67 = arith.select %and3A_64, %sub3A_66, %div3A_45 : i32
      %mul3A_68 = arith.constant 16 : i32
      %mul3A_69 = arith.muli %select_n3A_67, %mul3A_68 : i32
      %jit3A_70 = arith.constant 16 : i32
      %eq3A_71 = arith.constant 0 : i32
      %eq3A_72 = arith.cmpi eq, %jit3A_70, %eq3A_71 : i32
      %jit3A_73 = arith.constant 1 : i32
      %select_n3A_74 = arith.select %eq3A_72, %jit3A_73, %jit3A_70 : i32
      %rem3A_75 = arith.remsi %add3A_43, %select_n3A_74 : i32
      %ne3A_76 = arith.constant 0 : i32
      %ne3A_77 = arith.cmpi ne, %rem3A_75, %ne3A_76 : i32
      %lt3A_78 = arith.constant 0 : i32
      %lt3A_79 = arith.cmpi slt, %rem3A_75, %lt3A_78 : i32
      %lt3A_80 = arith.constant 0 : i32
      %lt3A_81 = arith.cmpi slt, %select_n3A_74, %lt3A_80 : i32
      %ne3A_82 = arith.xori %lt3A_79, %lt3A_81 : i1
      %and3A_83 = arith.andi %ne3A_82, %ne3A_77 : i1
      %add3A_84 = arith.addi %rem3A_75, %select_n3A_74 : i32
      %select_n3A_85 = arith.select %and3A_83, %add3A_84, %rem3A_75 : i32
      %get3A = arith.constant 0 : i32
      %get3A_86 = arith.index_cast %get3A : i32 to index
      %get3A_87 = arith.index_cast %mul3A_69 : i32 to index
      %get3A_88 = tpu.vector_load %arg4[%get3A_86, %get3A_87] {strides = array<i32>} : memref<8x2048xf32, #tpu.memory_space<vmem>>, vector<1x16xf32>,
      %get3A_89 = vector.shape_cast %get3A_88 : vector<1x16xf32> to vector<16xf32>
      %broadcast_in_dim3A_90 = vector.broadcast %select_n3A_85 : i32 to vector<16xi32>
      %lt3A_91 = arith.constant 0 : i32
      %lt3A_92 = vector.broadcast %lt3A_91 : i32 to vector<16xi32>
      %lt3A_93 = arith.cmpi slt, %broadcast_in_dim3A_90, %lt3A_92 : vector<16xi32>
      %add3A_94 = arith.constant 16 : i32
      %add3A_95 = vector.broadcast %add3A_94 : i32 to vector<16xi32>
      %add3A_96 = arith.addi %broadcast_in_dim3A_90, %add3A_95 : vector<16xi32>
      %select_n3A_97 = arith.select %lt3A_93, %add3A_96, %broadcast_in_dim3A_90 : vector<16xi1>, vector<16xi32>
      %broadcast_in_dim3A_98 = vector.shape_cast %select_n3A_97 : vector<16xi32> to vector<16x1xi32>
      %gather3A = vector.shape_cast %broadcast_in_dim3A_98 : vector<16x1xi32> to vector<16xi32>
      %gather3A_99 = tpu.dynamic_gather %get3A_89[%gather3A] in [0] : vector<16xf32>, vector<16xi32> -> vector<16xf32>
      %get3A_100 = arith.constant 1 : i32
      %get3A_101 = arith.index_cast %get3A_100 : i32 to index
      %get3A_102 = arith.index_cast %mul3A_69 : i32 to index
      %get3A_103 = tpu.vector_load %arg4[%get3A_101, %get3A_102] {strides = array<i32>} : memref<8x2048xf32, #tpu.memory_space<vmem>>, vector<1x16xf32>,
      %get3A_104 = vector.shape_cast %get3A_103 : vector<1x16xf32> to vector<16xf32>
      %broadcast_in_dim3A_105 = vector.broadcast %select_n3A_85 : i32 to vector<16xi32>
      %lt3A_106 = arith.constant 0 : i32
      %lt3A_107 = vector.broadcast %lt3A_106 : i32 to vector<16xi32>
      %lt3A_108 = arith.cmpi slt, %broadcast_in_dim3A_105, %lt3A_107 : vector<16xi32>
      %add3A_109 = arith.constant 16 : i32
      %add3A_110 = vector.broadcast %add3A_109 : i32 to vector<16xi32>
      %add3A_111 = arith.addi %broadcast_in_dim3A_105, %add3A_110 : vector<16xi32>
      %select_n3A_112 = arith.select %lt3A_108, %add3A_111, %broadcast_in_dim3A_105 : vector<16xi1>, vector<16xi32>
      %broadcast_in_dim3A_113 = vector.shape_cast %select_n3A_112 : vector<16xi32> to vector<16x1xi32>
      %gather3A_114 = vector.shape_cast %broadcast_in_dim3A_113 : vector<16x1xi32> to vector<16xi32>
      %gather3A_115 = tpu.dynamic_gather %get3A_104[%gather3A_114] in [0] : vector<16xf32>, vector<16xi32> -> vector<16xf32>
      %get3A_116 = arith.constant 2 : i32
      %get3A_117 = arith.index_cast %get3A_116 : i32 to index
      %get3A_118 = arith.index_cast %mul3A_69 : i32 to index
      %get3A_119 = tpu.vector_load %arg4[%get3A_117, %get3A_118] {strides = array<i32>} : memref<8x2048xf32, #tpu.memory_space<vmem>>, vector<1x16xf32>,
      %get3A_120 = vector.shape_cast %get3A_119 : vector<1x16xf32> to vector<16xf32>
      %broadcast_in_dim3A_121 = vector.broadcast %select_n3A_85 : i32 to vector<16xi32>
      %lt3A_122 = arith.constant 0 : i32
      %lt3A_123 = vector.broadcast %lt3A_122 : i32 to vector<16xi32>
      %lt3A_124 = arith.cmpi slt, %broadcast_in_dim3A_121, %lt3A_123 : vector<16xi32>
      %add3A_125 = arith.constant 16 : i32
      %add3A_126 = vector.broadcast %add3A_125 : i32 to vector<16xi32>
      %add3A_127 = arith.addi %broadcast_in_dim3A_121, %add3A_126 : vector<16xi32>
      %select_n3A_128 = arith.select %lt3A_124, %add3A_127, %broadcast_in_dim3A_121 : vector<16xi1>, vector<16xi32>
      %broadcast_in_dim3A_129 = vector.shape_cast %select_n3A_128 : vector<16xi32> to vector<16x1xi32>
      %gather3A_130 = vector.shape_cast %broadcast_in_dim3A_129 : vector<16x1xi32> to vector<16xi32>
      %gather3A_131 = tpu.dynamic_gather %get3A_120[%gather3A_130] in [0] : vector<16xf32>, vector<16xi32> -> vector<16xf32>
      %get3A_132 = arith.constant 3 : i32
      %get3A_133 = arith.index_cast %get3A_132 : i32 to index
      %get3A_134 = arith.index_cast %mul3A_69 : i32 to index
      %get3A_135 = tpu.vector_load %arg4[%get3A_133, %get3A_134] {strides = array<i32>} : memref<8x2048xf32, #tpu.memory_space<vmem>>, vector<1x16xf32>,
      %get3A_136 = vector.shape_cast %get3A_135 : vector<1x16xf32> to vector<16xf32>
      %broadcast_in_dim3A_137 = vector.broadcast %select_n3A_85 : i32 to vector<16xi32>
      %lt3A_138 = arith.constant 0 : i32
      %lt3A_139 = vector.broadcast %lt3A_138 : i32 to vector<16xi32>
      %lt3A_140 = arith.cmpi slt, %broadcast_in_dim3A_137, %lt3A_139 : vector<16xi32>
      %add3A_141 = arith.constant 16 : i32
      %add3A_142 = vector.broadcast %add3A_141 : i32 to vector<16xi32>
      %add3A_143 = arith.addi %broadcast_in_dim3A_137, %add3A_142 : vector<16xi32>
      %select_n3A_144 = arith.select %lt3A_140, %add3A_143, %broadcast_in_dim3A_137 : vector<16xi1>, vector<16xi32>
      %broadcast_in_dim3A_145 = vector.shape_cast %select_n3A_144 : vector<16xi32> to vector<16x1xi32>
      %gather3A_146 = vector.shape_cast %broadcast_in_dim3A_145 : vector<16x1xi32> to vector<16xi32>
      %gather3A_147 = tpu.dynamic_gather %get3A_136[%gather3A_146] in [0] : vector<16xf32>, vector<16xi32> -> vector<16xf32>
      %scan3A_148 = arith.constant 0 : i32
      %scan3A_149 = arith.constant 128 : i32
      %scan3A_150 = arith.addi %scan3A_148, %scan3A_149 : i32
      %scan3A_151 = arith.constant 4 : i32
      %scan3A_152:8 = scf.for %scan3A_4453 = %scan3A_148 to %scan3A_150 step %scan3A_151 iter_args(%scan3A_4454 = %broadcast_in_dim3A_33, %scan3A_4455 = %broadcast_in_dim3A_33, %scan3A_4456 = %broadcast_in_dim3A_33, %scan3A_4457 = %broadcast_in_dim3A_33, %scan3A_4458 = %broadcast_in_dim3A_33, %scan3A_4459 = %broadcast_in_dim3A_33, %scan3A_4460 = %broadcast_in_dim3A_33, %scan3A_4461 = %broadcast_in_dim3A_33) -> (vector<16xf32>, vector<16xf32>, vector<16xf32>, vector<16xf32>, vector<16xf32>, vector<16xf32>, vector<16xf32>, vector<16xf32>)  : i32 {
        %mul3A_4462 = arith.constant 16 : i32
        %mul3A_4463 = arith.muli %scan3A_4453, %mul3A_4462 : i32
        %get3A_4464 = arith.constant 0 : i32
        %get3A_4465 = arith.index_cast %get3A_4464 : i32 to index
        %get3A_4466 = arith.index_cast %mul3A_4463 : i32 to index
        %get3A_4467 = tpu.vector_load %arg4[%get3A_4465, %get3A_4466] {strides = array<i32>} : memref<8x2048xf32, #tpu.memory_space<vmem>>, vector<1x16xf32>,
        %get3A_4468 = vector.shape_cast %get3A_4467 : vector<1x16xf32> to vector<16xf32>
        %get3A_4469 = arith.constant 1 : i32
        %get3A_4470 = arith.index_cast %get3A_4469 : i32 to index
        %get3A_4471 = arith.index_cast %mul3A_4463 : i32 to index
        %get3A_4472 = tpu.vector_load %arg4[%get3A_4470, %get3A_4471] {strides = array<i32>} : memref<8x2048xf32, #tpu.memory_space<vmem>>, vector<1x16xf32>,
        %get3A_4473 = vector.shape_cast %get3A_4472 : vector<1x16xf32> to vector<16xf32>
        %get3A_4474 = arith.constant 2 : i32
        %get3A_4475 = arith.index_cast %get3A_4474 : i32 to index
        %get3A_4476 = arith.index_cast %mul3A_4463 : i32 to index
        %get3A_4477 = tpu.vector_load %arg4[%get3A_4475, %get3A_4476] {strides = array<i32>} : memref<8x2048xf32, #tpu.memory_space<vmem>>, vector<1x16xf32>,
        %get3A_4478 = vector.shape_cast %get3A_4477 : vector<1x16xf32> to vector<16xf32>
        %get3A_4479 = arith.constant 3 : i32
        %get3A_4480 = arith.index_cast %get3A_4479 : i32 to index
        %get3A_4481 = arith.index_cast %mul3A_4463 : i32 to index
        %get3A_4482 = tpu.vector_load %arg4[%get3A_4480, %get3A_4481] {strides = array<i32>} : memref<8x2048xf32, #tpu.memory_space<vmem>>, vector<1x16xf32>,
        %get3A_4483 = vector.shape_cast %get3A_4482 : vector<1x16xf32> to vector<16xf32>
        %mul3A_4484 = arith.mulf %get3A_4468, %gather3A_99 : vector<16xf32>
        %mul3A_4485 = arith.mulf %get3A_4473, %gather3A_115 : vector<16xf32>
        %add3A_4486 = arith.addf %mul3A_4484, %mul3A_4485 : vector<16xf32>
        %mul3A_4487 = arith.mulf %get3A_4478, %gather3A_131 : vector<16xf32>
        %add3A_4488 = arith.addf %add3A_4486, %mul3A_4487 : vector<16xf32>
        %add3A_4489 = arith.addf %add3A_4488, %add3A_4488 : vector<16xf32>
        %sub3A_4490 = arith.subf %gather3A_147, %add3A_4489 : vector<16xf32>
        %add3A_4491 = arith.addf %sub3A_4490, %get3A_4483 : vector<16xf32>
        %max3A_4492 = arith.constant 0.000000e+00 : f32
        %max3A_4493 = vector.broadcast %max3A_4492 : f32 to vector<16xf32>
        %max3A_4494 = arith.maximumf %add3A_4491, %max3A_4493 : vector<16xf32>
        %min3A_4495 = arith.minimumf %scan3A_4454, %max3A_4494 : vector<16xf32>
        %max3A_4496 = arith.maximumf %scan3A_4454, %max3A_4494 : vector<16xf32>
        %min3A_4497 = arith.minimumf %scan3A_4455, %max3A_4496 : vector<16xf32>
        %max3A_4498 = arith.maximumf %scan3A_4455, %max3A_4496 : vector<16xf32>
        %min3A_4499 = arith.minimumf %scan3A_4456, %max3A_4498 : vector<16xf32>
        %max3A_4500 = arith.maximumf %scan3A_4456, %max3A_4498 : vector<16xf32>
        %min3A_4501 = arith.minimumf %scan3A_4457, %max3A_4500 : vector<16xf32>
        %max3A_4502 = arith.maximumf %scan3A_4457, %max3A_4500 : vector<16xf32>
        %min3A_4503 = arith.minimumf %scan3A_4458, %max3A_4502 : vector<16xf32>
        %max3A_4504 = arith.maximumf %scan3A_4458, %max3A_4502 : vector<16xf32>
        %min3A_4505 = arith.minimumf %scan3A_4459, %max3A_4504 : vector<16xf32>
        %max3A_4506 = arith.maximumf %scan3A_4459, %max3A_4504 : vector<16xf32>
        %min3A_4507 = arith.minimumf %scan3A_4460, %max3A_4506 : vector<16xf32>
        %max3A_4508 = arith.maximumf %scan3A_4460, %max3A_4506 : vector<16xf32>
        %min3A_4509 = arith.minimumf %scan3A_4461, %max3A_4508 : vector<16xf32>
        %max3A_4510 = arith.maximumf %scan3A_4461, %max3A_4508 : vector<16xf32>
        %scan3A_4511 = arith.constant 1 : i32
        %scan3A_4512 = arith.addi %scan3A_4453, %scan3A_4511 : i32
        %mul3A_4513 = arith.constant 16 : i32
        %mul3A_4514 = arith.muli %scan3A_4512, %mul3A_4513 : i32
        %get3A_4515 = arith.constant 0 : i32
        %get3A_4516 = arith.index_cast %get3A_4515 : i32 to index
        %get3A_4517 = arith.index_cast %mul3A_4514 : i32 to index
        %get3A_4518 = tpu.vector_load %arg4[%get3A_4516, %get3A_4517] {strides = array<i32>} : memref<8x2048xf32, #tpu.memory_space<vmem>>, vector<1x16xf32>,
        %get3A_4519 = vector.shape_cast %get3A_4518 : vector<1x16xf32> to vector<16xf32>
        %get3A_4520 = arith.constant 1 : i32
        %get3A_4521 = arith.index_cast %get3A_4520 : i32 to index
        %get3A_4522 = arith.index_cast %mul3A_4514 : i32 to index
        %get3A_4523 = tpu.vector_load %arg4[%get3A_4521, %get3A_4522] {strides = array<i32>} : memref<8x2048xf32, #tpu.memory_space<vmem>>, vector<1x16xf32>,
        %get3A_4524 = vector.shape_cast %get3A_4523 : vector<1x16xf32> to vector<16xf32>
        %get3A_4525 = arith.constant 2 : i32
        %get3A_4526 = arith.index_cast %get3A_4525 : i32 to index
        %get3A_4527 = arith.index_cast %mul3A_4514 : i32 to index
        %get3A_4528 = tpu.vector_load %arg4[%get3A_4526, %get3A_4527] {strides = array<i32>} : memref<8x2048xf32, #tpu.memory_space<vmem>>, vector<1x16xf32>,
        %get3A_4529 = vector.shape_cast %get3A_4528 : vector<1x16xf32> to vector<16xf32>
        %get3A_4530 = arith.constant 3 : i32
        %get3A_4531 = arith.index_cast %get3A_4530 : i32 to index
        %get3A_4532 = arith.index_cast %mul3A_4514 : i32 to index
        %get3A_4533 = tpu.vector_load %arg4[%get3A_4531, %get3A_4532] {strides = array<i32>} : memref<8x2048xf32, #tpu.memory_space<vmem>>, vector<1x16xf32>,
        %get3A_4534 = vector.shape_cast %get3A_4533 : vector<1x16xf32> to vector<16xf32>
        %mul3A_4535 = arith.mulf %get3A_4519, %gather3A_99 : vector<16xf32>
        %mul3A_4536 = arith.mulf %get3A_4524, %gather3A_115 : vector<16xf32>
        %add3A_4537 = arith.addf %mul3A_4535, %mul3A_4536 : vector<16xf32>
        %mul3A_4538 = arith.mulf %get3A_4529, %gather3A_131 : vector<16xf32>
        %add3A_4539 = arith.addf %add3A_4537, %mul3A_4538 : vector<16xf32>
        %add3A_4540 = arith.addf %add3A_4539, %add3A_4539 : vector<16xf32>
        %sub3A_4541 = arith.subf %gather3A_147, %add3A_4540 : vector<16xf32>
        %add3A_4542 = arith.addf %sub3A_4541, %get3A_4534 : vector<16xf32>
        %max3A_4543 = arith.constant 0.000000e+00 : f32
        %max3A_4544 = vector.broadcast %max3A_4543 : f32 to vector<16xf32>
        %max3A_4545 = arith.maximumf %add3A_4542, %max3A_4544 : vector<16xf32>
        %min3A_4546 = arith.minimumf %min3A_4495, %max3A_4545 : vector<16xf32>
        %max3A_4547 = arith.maximumf %min3A_4495, %max3A_4545 : vector<16xf32>
        %min3A_4548 = arith.minimumf %min3A_4497, %max3A_4547 : vector<16xf32>
        %max3A_4549 = arith.maximumf %min3A_4497, %max3A_4547 : vector<16xf32>
        %min3A_4550 = arith.minimumf %min3A_4499, %max3A_4549 : vector<16xf32>
        %max3A_4551 = arith.maximumf %min3A_4499, %max3A_4549 : vector<16xf32>
        %min3A_4552 = arith.minimumf %min3A_4501, %max3A_4551 : vector<16xf32>
        %max3A_4553 = arith.maximumf %min3A_4501, %max3A_4551 : vector<16xf32>
        %min3A_4554 = arith.minimumf %min3A_4503, %max3A_4553 : vector<16xf32>
        %max3A_4555 = arith.maximumf %min3A_4503, %max3A_4553 : vector<16xf32>
        %min3A_4556 = arith.minimumf %min3A_4505, %max3A_4555 : vector<16xf32>
        %max3A_4557 = arith.maximumf %min3A_4505, %max3A_4555 : vector<16xf32>
        %min3A_4558 = arith.minimumf %min3A_4507, %max3A_4557 : vector<16xf32>
        %max3A_4559 = arith.maximumf %min3A_4507, %max3A_4557 : vector<16xf32>
        %min3A_4560 = arith.minimumf %min3A_4509, %max3A_4559 : vector<16xf32>
        %max3A_4561 = arith.maximumf %min3A_4509, %max3A_4559 : vector<16xf32>
        %scan3A_4562 = arith.constant 2 : i32
        %scan3A_4563 = arith.addi %scan3A_4453, %scan3A_4562 : i32
        %mul3A_4564 = arith.constant 16 : i32
        %mul3A_4565 = arith.muli %scan3A_4563, %mul3A_4564 : i32
        %get3A_4566 = arith.constant 0 : i32
        %get3A_4567 = arith.index_cast %get3A_4566 : i32 to index
        %get3A_4568 = arith.index_cast %mul3A_4565 : i32 to index
        %get3A_4569 = tpu.vector_load %arg4[%get3A_4567, %get3A_4568] {strides = array<i32>} : memref<8x2048xf32, #tpu.memory_space<vmem>>, vector<1x16xf32>,
        %get3A_4570 = vector.shape_cast %get3A_4569 : vector<1x16xf32> to vector<16xf32>
        %get3A_4571 = arith.constant 1 : i32
        %get3A_4572 = arith.index_cast %get3A_4571 : i32 to index
        %get3A_4573 = arith.index_cast %mul3A_4565 : i32 to index
        %get3A_4574 = tpu.vector_load %arg4[%get3A_4572, %get3A_4573] {strides = array<i32>} : memref<8x2048xf32, #tpu.memory_space<vmem>>, vector<1x16xf32>,
        %get3A_4575 = vector.shape_cast %get3A_4574 : vector<1x16xf32> to vector<16xf32>
        %get3A_4576 = arith.constant 2 : i32
        %get3A_4577 = arith.index_cast %get3A_4576 : i32 to index
        %get3A_4578 = arith.index_cast %mul3A_4565 : i32 to index
        %get3A_4579 = tpu.vector_load %arg4[%get3A_4577, %get3A_4578] {strides = array<i32>} : memref<8x2048xf32, #tpu.memory_space<vmem>>, vector<1x16xf32>,
        %get3A_4580 = vector.shape_cast %get3A_4579 : vector<1x16xf32> to vector<16xf32>
        %get3A_4581 = arith.constant 3 : i32
        %get3A_4582 = arith.index_cast %get3A_4581 : i32 to index
        %get3A_4583 = arith.index_cast %mul3A_4565 : i32 to index
        %get3A_4584 = tpu.vector_load %arg4[%get3A_4582, %get3A_4583] {strides = array<i32>} : memref<8x2048xf32, #tpu.memory_space<vmem>>, vector<1x16xf32>,
        %get3A_4585 = vector.shape_cast %get3A_4584 : vector<1x16xf32> to vector<16xf32>
        %mul3A_4586 = arith.mulf %get3A_4570, %gather3A_99 : vector<16xf32>
        %mul3A_4587 = arith.mulf %get3A_4575, %gather3A_115 : vector<16xf32>
        %add3A_4588 = arith.addf %mul3A_4586, %mul3A_4587 : vector<16xf32>
        %mul3A_4589 = arith.mulf %get3A_4580, %gather3A_131 : vector<16xf32>
        %add3A_4590 = arith.addf %add3A_4588, %mul3A_4589 : vector<16xf32>
        %add3A_4591 = arith.addf %add3A_4590, %add3A_4590 : vector<16xf32>
        %sub3A_4592 = arith.subf %gather3A_147, %add3A_4591 : vector<16xf32>
        %add3A_4593 = arith.addf %sub3A_4592, %get3A_4585 : vector<16xf32>
        %max3A_4594 = arith.constant 0.000000e+00 : f32
        %max3A_4595 = vector.broadcast %max3A_4594 : f32 to vector<16xf32>
        %max3A_4596 = arith.maximumf %add3A_4593, %max3A_4595 : vector<16xf32>
        %min3A_4597 = arith.minimumf %min3A_4546, %max3A_4596 : vector<16xf32>
        %max3A_4598 = arith.maximumf %min3A_4546, %max3A_4596 : vector<16xf32>
        %min3A_4599 = arith.minimumf %min3A_4548, %max3A_4598 : vector<16xf32>
        %max3A_4600 = arith.maximumf %min3A_4548, %max3A_4598 : vector<16xf32>
        %min3A_4601 = arith.minimumf %min3A_4550, %max3A_4600 : vector<16xf32>
        %max3A_4602 = arith.maximumf %min3A_4550, %max3A_4600 : vector<16xf32>
        %min3A_4603 = arith.minimumf %min3A_4552, %max3A_4602 : vector<16xf32>
        %max3A_4604 = arith.maximumf %min3A_4552, %max3A_4602 : vector<16xf32>
        %min3A_4605 = arith.minimumf %min3A_4554, %max3A_4604 : vector<16xf32>
        %max3A_4606 = arith.maximumf %min3A_4554, %max3A_4604 : vector<16xf32>
        %min3A_4607 = arith.minimumf %min3A_4556, %max3A_4606 : vector<16xf32>
        %max3A_4608 = arith.maximumf %min3A_4556, %max3A_4606 : vector<16xf32>
        %min3A_4609 = arith.minimumf %min3A_4558, %max3A_4608 : vector<16xf32>
        %max3A_4610 = arith.maximumf %min3A_4558, %max3A_4608 : vector<16xf32>
        %min3A_4611 = arith.minimumf %min3A_4560, %max3A_4610 : vector<16xf32>
        %max3A_4612 = arith.maximumf %min3A_4560, %max3A_4610 : vector<16xf32>
        %scan3A_4613 = arith.constant 3 : i32
        %scan3A_4614 = arith.addi %scan3A_4453, %scan3A_4613 : i32
        %mul3A_4615 = arith.constant 16 : i32
        %mul3A_4616 = arith.muli %scan3A_4614, %mul3A_4615 : i32
        %get3A_4617 = arith.constant 0 : i32
        %get3A_4618 = arith.index_cast %get3A_4617 : i32 to index
        %get3A_4619 = arith.index_cast %mul3A_4616 : i32 to index
        %get3A_4620 = tpu.vector_load %arg4[%get3A_4618, %get3A_4619] {strides = array<i32>} : memref<8x2048xf32, #tpu.memory_space<vmem>>, vector<1x16xf32>,
        %get3A_4621 = vector.shape_cast %get3A_4620 : vector<1x16xf32> to vector<16xf32>
        %get3A_4622 = arith.constant 1 : i32
        %get3A_4623 = arith.index_cast %get3A_4622 : i32 to index
        %get3A_4624 = arith.index_cast %mul3A_4616 : i32 to index
        %get3A_4625 = tpu.vector_load %arg4[%get3A_4623, %get3A_4624] {strides = array<i32>} : memref<8x2048xf32, #tpu.memory_space<vmem>>, vector<1x16xf32>,
        %get3A_4626 = vector.shape_cast %get3A_4625 : vector<1x16xf32> to vector<16xf32>
        %get3A_4627 = arith.constant 2 : i32
        %get3A_4628 = arith.index_cast %get3A_4627 : i32 to index
        %get3A_4629 = arith.index_cast %mul3A_4616 : i32 to index
        %get3A_4630 = tpu.vector_load %arg4[%get3A_4628, %get3A_4629] {strides = array<i32>} : memref<8x2048xf32, #tpu.memory_space<vmem>>, vector<1x16xf32>,
        %get3A_4631 = vector.shape_cast %get3A_4630 : vector<1x16xf32> to vector<16xf32>
        %get3A_4632 = arith.constant 3 : i32
        %get3A_4633 = arith.index_cast %get3A_4632 : i32 to index
        %get3A_4634 = arith.index_cast %mul3A_4616 : i32 to index
        %get3A_4635 = tpu.vector_load %arg4[%get3A_4633, %get3A_4634] {strides = array<i32>} : memref<8x2048xf32, #tpu.memory_space<vmem>>, vector<1x16xf32>,
        %get3A_4636 = vector.shape_cast %get3A_4635 : vector<1x16xf32> to vector<16xf32>
        %mul3A_4637 = arith.mulf %get3A_4621, %gather3A_99 : vector<16xf32>
        %mul3A_4638 = arith.mulf %get3A_4626, %gather3A_115 : vector<16xf32>
        %add3A_4639 = arith.addf %mul3A_4637, %mul3A_4638 : vector<16xf32>
        %mul3A_4640 = arith.mulf %get3A_4631, %gather3A_131 : vector<16xf32>
        %add3A_4641 = arith.addf %add3A_4639, %mul3A_4640 : vector<16xf32>
        %add3A_4642 = arith.addf %add3A_4641, %add3A_4641 : vector<16xf32>
        %sub3A_4643 = arith.subf %gather3A_147, %add3A_4642 : vector<16xf32>
        %add3A_4644 = arith.addf %sub3A_4643, %get3A_4636 : vector<16xf32>
        %max3A_4645 = arith.constant 0.000000e+00 : f32
        %max3A_4646 = vector.broadcast %max3A_4645 : f32 to vector<16xf32>
        %max3A_4647 = arith.maximumf %add3A_4644, %max3A_4646 : vector<16xf32>
        %min3A_4648 = arith.minimumf %min3A_4597, %max3A_4647 : vector<16xf32>
        %max3A_4649 = arith.maximumf %min3A_4597, %max3A_4647 : vector<16xf32>
        %min3A_4650 = arith.minimumf %min3A_4599, %max3A_4649 : vector<16xf32>
        %max3A_4651 = arith.maximumf %min3A_4599, %max3A_4649 : vector<16xf32>
        %min3A_4652 = arith.minimumf %min3A_4601, %max3A_4651 : vector<16xf32>
        %max3A_4653 = arith.maximumf %min3A_4601, %max3A_4651 : vector<16xf32>
        %min3A_4654 = arith.minimumf %min3A_4603, %max3A_4653 : vector<16xf32>
        %max3A_4655 = arith.maximumf %min3A_4603, %max3A_4653 : vector<16xf32>
        %min3A_4656 = arith.minimumf %min3A_4605, %max3A_4655 : vector<16xf32>
        %max3A_4657 = arith.maximumf %min3A_4605, %max3A_4655 : vector<16xf32>
        %min3A_4658 = arith.minimumf %min3A_4607, %max3A_4657 : vector<16xf32>
        %max3A_4659 = arith.maximumf %min3A_4607, %max3A_4657 : vector<16xf32>
        %min3A_4660 = arith.minimumf %min3A_4609, %max3A_4659 : vector<16xf32>
        %max3A_4661 = arith.maximumf %min3A_4609, %max3A_4659 : vector<16xf32>
        %min3A_4662 = arith.minimumf %min3A_4611, %max3A_4661 : vector<16xf32>
        %max3A_4663 = arith.maximumf %min3A_4611, %max3A_4661 : vector<16xf32>
        scf.yield %min3A_4648, %min3A_4650, %min3A_4652, %min3A_4654, %min3A_4656, %min3A_4658, %min3A_4660, %min3A_4662 : vector<16xf32>, vector<16xf32>, vector<16xf32>, vector<16xf32>, vector<16xf32>, vector<16xf32>, vector<16xf32>, vector<16xf32>
      }
      %scan3A_153 = arith.constant 128 : i32
      %iota3A_154 = tpu.iota {dimensions = array<i32: 0>} : vector<16xi32>
      %xor3A = arith.constant 1 : i32
      %xor3A_155 = vector.broadcast %xor3A : i32 to vector<16xi32>
      %xor3A_156 = arith.xori %iota3A_154, %xor3A_155 : vector<16xi32>
      %lt3A_157 = arith.constant 0 : i32
      %lt3A_158 = vector.broadcast %lt3A_157 : i32 to vector<16xi32>
      %lt3A_159 = arith.cmpi slt, %xor3A_156, %lt3A_158 : vector<16xi32>
      %add3A_160 = arith.constant 16 : i32
      %add3A_161 = vector.broadcast %add3A_160 : i32 to vector<16xi32>
      %add3A_162 = arith.addi %xor3A_156, %add3A_161 : vector<16xi32>
      %select_n3A_163 = arith.select %lt3A_159, %add3A_162, %xor3A_156 : vector<16xi1>, vector<16xi32>
      %broadcast_in_dim3A_164 = vector.shape_cast %select_n3A_163 : vector<16xi32> to vector<16x1xi32>
      %gather3A_165 = vector.shape_cast %broadcast_in_dim3A_164 : vector<16x1xi32> to vector<16xi32>
      %gather3A_166 = tpu.dynamic_gather %scan3A_152#0[%gather3A_165] in [0] : vector<16xf32>, vector<16xi32> -> vector<16xf32>
      %shift_right_arithmetic3A = arith.constant 0 : i32
      %shift_right_arithmetic3A_167 = vector.broadcast %shift_right_arithmetic3A : i32 to vector<16xi32>
      %shift_right_arithmetic3A_168 = arith.shrsi %iota3A_154, %shift_right_arithmetic3A_167 : vector<16xi32>
      %shift_right_arithmetic3A_169 = arith.constant 1 : i32
      %shift_right_arithmetic3A_170 = vector.broadcast %shift_right_arithmetic3A_169 : i32 to vector<16xi32>
      %shift_right_arithmetic3A_171 = arith.shrsi %iota3A_154, %shift_right_arithmetic3A_170 : vector<16xi32>
      %xor3A_172 = arith.xori %shift_right_arithmetic3A_168, %shift_right_arithmetic3A_171 : vector<16xi32>
      %and3A_173 = arith.constant 1 : i32
      %and3A_174 = vector.broadcast %and3A_173 : i32 to vector<16xi32>
      %and3A_175 = arith.andi %xor3A_172, %and3A_174 : vector<16xi32>
      %eq3A_176 = arith.constant 0 : i32
      %eq3A_177 = vector.broadcast %eq3A_176 : i32 to vector<16xi32>
      %eq3A_178 = arith.cmpi eq, %and3A_175, %eq3A_177 : vector<16xi32>
      %min3A = arith.minimumf %scan3A_152#0, %gather3A_166 : vector<16xf32>
      %max3A = arith.maximumf %scan3A_152#0, %gather3A_166 : vector<16xf32>
      %select_n3A_179 = arith.select %eq3A_178, %min3A, %max3A : vector<16xi1>, vector<16xf32>
      %xor3A_180 = arith.constant 1 : i32
      %xor3A_181 = vector.broadcast %xor3A_180 : i32 to vector<16xi32>
      %xor3A_182 = arith.xori %iota3A_154, %xor3A_181 : vector<16xi32>
      %lt3A_183 = arith.constant 0 : i32
      %lt3A_184 = vector.broadcast %lt3A_183 : i32 to vector<16xi32>
      %lt3A_185 = arith.cmpi slt, %xor3A_182, %lt3A_184 : vector<16xi32>
      %add3A_186 = arith.constant 16 : i32
      %add3A_187 = vector.broadcast %add3A_186 : i32 to vector<16xi32>
      %add3A_188 = arith.addi %xor3A_182, %add3A_187 : vector<16xi32>
      %select_n3A_189 = arith.select %lt3A_185, %add3A_188, %xor3A_182 : vector<16xi1>, vector<16xi32>
      %broadcast_in_dim3A_190 = vector.shape_cast %select_n3A_189 : vector<16xi32> to vector<16x1xi32>
      %gather3A_191 = vector.shape_cast %broadcast_in_dim3A_190 : vector<16x1xi32> to vector<16xi32>
      %gather3A_192 = tpu.dynamic_gather %scan3A_152#1[%gather3A_191] in [0] : vector<16xf32>, vector<16xi32> -> vector<16xf32>
      %shift_right_arithmetic3A_193 = arith.constant 0 : i32
      %shift_right_arithmetic3A_194 = vector.broadcast %shift_right_arithmetic3A_193 : i32 to vector<16xi32>
      %shift_right_arithmetic3A_195 = arith.shrsi %iota3A_154, %shift_right_arithmetic3A_194 : vector<16xi32>
      %shift_right_arithmetic3A_196 = arith.constant 1 : i32
      %shift_right_arithmetic3A_197 = vector.broadcast %shift_right_arithmetic3A_196 : i32 to vector<16xi32>
      %shift_right_arithmetic3A_198 = arith.shrsi %iota3A_154, %shift_right_arithmetic3A_197 : vector<16xi32>
      %xor3A_199 = arith.xori %shift_right_arithmetic3A_195, %shift_right_arithmetic3A_198 : vector<16xi32>
      %and3A_200 = arith.constant 1 : i32
      %and3A_201 = vector.broadcast %and3A_200 : i32 to vector<16xi32>
      %and3A_202 = arith.andi %xor3A_199, %and3A_201 : vector<16xi32>
      %eq3A_203 = arith.constant 0 : i32
      %eq3A_204 = vector.broadcast %eq3A_203 : i32 to vector<16xi32>
      %eq3A_205 = arith.cmpi eq, %and3A_202, %eq3A_204 : vector<16xi32>
      %min3A_206 = arith.minimumf %scan3A_152#1, %gather3A_192 : vector<16xf32>
      %max3A_207 = arith.maximumf %scan3A_152#1, %gather3A_192 : vector<16xf32>
      %select_n3A_208 = arith.select %eq3A_205, %min3A_206, %max3A_207 : vector<16xi1>, vector<16xf32>
      %xor3A_209 = arith.constant 1 : i32
      %xor3A_210 = vector.broadcast %xor3A_209 : i32 to vector<16xi32>
      %xor3A_211 = arith.xori %iota3A_154, %xor3A_210 : vector<16xi32>
      %lt3A_212 = arith.constant 0 : i32
      %lt3A_213 = vector.broadcast %lt3A_212 : i32 to vector<16xi32>
      %lt3A_214 = arith.cmpi slt, %xor3A_211, %lt3A_213 : vector<16xi32>
      %add3A_215 = arith.constant 16 : i32
      %add3A_216 = vector.broadcast %add3A_215 : i32 to vector<16xi32>
      %add3A_217 = arith.addi %xor3A_211, %add3A_216 : vector<16xi32>
      %select_n3A_218 = arith.select %lt3A_214, %add3A_217, %xor3A_211 : vector<16xi1>, vector<16xi32>
      %broadcast_in_dim3A_219 = vector.shape_cast %select_n3A_218 : vector<16xi32> to vector<16x1xi32>
      %gather3A_220 = vector.shape_cast %broadcast_in_dim3A_219 : vector<16x1xi32> to vector<16xi32>
      %gather3A_221 = tpu.dynamic_gather %scan3A_152#2[%gather3A_220] in [0] : vector<16xf32>, vector<16xi32> -> vector<16xf32>
      %shift_right_arithmetic3A_222 = arith.constant 0 : i32
      %shift_right_arithmetic3A_223 = vector.broadcast %shift_right_arithmetic3A_222 : i32 to vector<16xi32>
      %shift_right_arithmetic3A_224 = arith.shrsi %iota3A_154, %shift_right_arithmetic3A_223 : vector<16xi32>
      %shift_right_arithmetic3A_225 = arith.constant 1 : i32
      %shift_right_arithmetic3A_226 = vector.broadcast %shift_right_arithmetic3A_225 : i32 to vector<16xi32>
      %shift_right_arithmetic3A_227 = arith.shrsi %iota3A_154, %shift_right_arithmetic3A_226 : vector<16xi32>
      %xor3A_228 = arith.xori %shift_right_arithmetic3A_224, %shift_right_arithmetic3A_227 : vector<16xi32>
      %and3A_229 = arith.constant 1 : i32
      %and3A_230 = vector.broadcast %and3A_229 : i32 to vector<16xi32>
      %and3A_231 = arith.andi %xor3A_228, %and3A_230 : vector<16xi32>
      %eq3A_232 = arith.constant 0 : i32
      %eq3A_233 = vector.broadcast %eq3A_232 : i32 to vector<16xi32>
      %eq3A_234 = arith.cmpi eq, %and3A_231, %eq3A_233 : vector<16xi32>
      %min3A_235 = arith.minimumf %scan3A_152#2, %gather3A_221 : vector<16xf32>
      %max3A_236 = arith.maximumf %scan3A_152#2, %gather3A_221 : vector<16xf32>
      %select_n3A_237 = arith.select %eq3A_234, %min3A_235, %max3A_236 : vector<16xi1>, vector<16xf32>
      %xor3A_238 = arith.constant 1 : i32
      %xor3A_239 = vector.broadcast %xor3A_238 : i32 to vector<16xi32>
      %xor3A_240 = arith.xori %iota3A_154, %xor3A_239 : vector<16xi32>
      %lt3A_241 = arith.constant 0 : i32
      %lt3A_242 = vector.broadcast %lt3A_241 : i32 to vector<16xi32>
      %lt3A_243 = arith.cmpi slt, %xor3A_240, %lt3A_242 : vector<16xi32>
      %add3A_244 = arith.constant 16 : i32
      %add3A_245 = vector.broadcast %add3A_244 : i32 to vector<16xi32>
      %add3A_246 = arith.addi %xor3A_240, %add3A_245 : vector<16xi32>
      %select_n3A_247 = arith.select %lt3A_243, %add3A_246, %xor3A_240 : vector<16xi1>, vector<16xi32>
      %broadcast_in_dim3A_248 = vector.shape_cast %select_n3A_247 : vector<16xi32> to vector<16x1xi32>
      %gather3A_249 = vector.shape_cast %broadcast_in_dim3A_248 : vector<16x1xi32> to vector<16xi32>
      %gather3A_250 = tpu.dynamic_gather %scan3A_152#3[%gather3A_249] in [0] : vector<16xf32>, vector<16xi32> -> vector<16xf32>
      %shift_right_arithmetic3A_251 = arith.constant 0 : i32
      %shift_right_arithmetic3A_252 = vector.broadcast %shift_right_arithmetic3A_251 : i32 to vector<16xi32>
      %shift_right_arithmetic3A_253 = arith.shrsi %iota3A_154, %shift_right_arithmetic3A_252 : vector<16xi32>
      %shift_right_arithmetic3A_254 = arith.constant 1 : i32
      %shift_right_arithmetic3A_255 = vector.broadcast %shift_right_arithmetic3A_254 : i32 to vector<16xi32>
      %shift_right_arithmetic3A_256 = arith.shrsi %iota3A_154, %shift_right_arithmetic3A_255 : vector<16xi32>
      %xor3A_257 = arith.xori %shift_right_arithmetic3A_253, %shift_right_arithmetic3A_256 : vector<16xi32>
      %and3A_258 = arith.constant 1 : i32
      %and3A_259 = vector.broadcast %and3A_258 : i32 to vector<16xi32>
      %and3A_260 = arith.andi %xor3A_257, %and3A_259 : vector<16xi32>
      %eq3A_261 = arith.constant 0 : i32
      %eq3A_262 = vector.broadcast %eq3A_261 : i32 to vector<16xi32>
      %eq3A_263 = arith.cmpi eq, %and3A_260, %eq3A_262 : vector<16xi32>
      %min3A_264 = arith.minimumf %scan3A_152#3, %gather3A_250 : vector<16xf32>
      %max3A_265 = arith.maximumf %scan3A_152#3, %gather3A_250 : vector<16xf32>
      %select_n3A_266 = arith.select %eq3A_263, %min3A_264, %max3A_265 : vector<16xi1>, vector<16xf32>
      %xor3A_267 = arith.constant 1 : i32
      %xor3A_268 = vector.broadcast %xor3A_267 : i32 to vector<16xi32>
      %xor3A_269 = arith.xori %iota3A_154, %xor3A_268 : vector<16xi32>
      %lt3A_270 = arith.constant 0 : i32
      %lt3A_271 = vector.broadcast %lt3A_270 : i32 to vector<16xi32>
      %lt3A_272 = arith.cmpi slt, %xor3A_269, %lt3A_271 : vector<16xi32>
      %add3A_273 = arith.constant 16 : i32
      %add3A_274 = vector.broadcast %add3A_273 : i32 to vector<16xi32>
      %add3A_275 = arith.addi %xor3A_269, %add3A_274 : vector<16xi32>
      %select_n3A_276 = arith.select %lt3A_272, %add3A_275, %xor3A_269 : vector<16xi1>, vector<16xi32>
      %broadcast_in_dim3A_277 = vector.shape_cast %select_n3A_276 : vector<16xi32> to vector<16x1xi32>
      %gather3A_278 = vector.shape_cast %broadcast_in_dim3A_277 : vector<16x1xi32> to vector<16xi32>
      %gather3A_279 = tpu.dynamic_gather %scan3A_152#4[%gather3A_278] in [0] : vector<16xf32>, vector<16xi32> -> vector<16xf32>
      %shift_right_arithmetic3A_280 = arith.constant 0 : i32
      %shift_right_arithmetic3A_281 = vector.broadcast %shift_right_arithmetic3A_280 : i32 to vector<16xi32>
      %shift_right_arithmetic3A_282 = arith.shrsi %iota3A_154, %shift_right_arithmetic3A_281 : vector<16xi32>
      %shift_right_arithmetic3A_283 = arith.constant 1 : i32
      %shift_right_arithmetic3A_284 = vector.broadcast %shift_right_arithmetic3A_283 : i32 to vector<16xi32>
      %shift_right_arithmetic3A_285 = arith.shrsi %iota3A_154, %shift_right_arithmetic3A_284 : vector<16xi32>
      %xor3A_286 = arith.xori %shift_right_arithmetic3A_282, %shift_right_arithmetic3A_285 : vector<16xi32>
      %and3A_287 = arith.constant 1 : i32
      %and3A_288 = vector.broadcast %and3A_287 : i32 to vector<16xi32>
      %and3A_289 = arith.andi %xor3A_286, %and3A_288 : vector<16xi32>
      %eq3A_290 = arith.constant 0 : i32
      %eq3A_291 = vector.broadcast %eq3A_290 : i32 to vector<16xi32>
      %eq3A_292 = arith.cmpi eq, %and3A_289, %eq3A_291 : vector<16xi32>
      %min3A_293 = arith.minimumf %scan3A_152#4, %gather3A_279 : vector<16xf32>
      %max3A_294 = arith.maximumf %scan3A_152#4, %gather3A_279 : vector<16xf32>
      %select_n3A_295 = arith.select %eq3A_292, %min3A_293, %max3A_294 : vector<16xi1>, vector<16xf32>
      %xor3A_296 = arith.constant 1 : i32
      %xor3A_297 = vector.broadcast %xor3A_296 : i32 to vector<16xi32>
      %xor3A_298 = arith.xori %iota3A_154, %xor3A_297 : vector<16xi32>
      %lt3A_299 = arith.constant 0 : i32
      %lt3A_300 = vector.broadcast %lt3A_299 : i32 to vector<16xi32>
      %lt3A_301 = arith.cmpi slt, %xor3A_298, %lt3A_300 : vector<16xi32>
      %add3A_302 = arith.constant 16 : i32
      %add3A_303 = vector.broadcast %add3A_302 : i32 to vector<16xi32>
      %add3A_304 = arith.addi %xor3A_298, %add3A_303 : vector<16xi32>
      %select_n3A_305 = arith.select %lt3A_301, %add3A_304, %xor3A_298 : vector<16xi1>, vector<16xi32>
      %broadcast_in_dim3A_306 = vector.shape_cast %select_n3A_305 : vector<16xi32> to vector<16x1xi32>
      %gather3A_307 = vector.shape_cast %broadcast_in_dim3A_306 : vector<16x1xi32> to vector<16xi32>
      %gather3A_308 = tpu.dynamic_gather %scan3A_152#5[%gather3A_307] in [0] : vector<16xf32>, vector<16xi32> -> vector<16xf32>
      %shift_right_arithmetic3A_309 = arith.constant 0 : i32
      %shift_right_arithmetic3A_310 = vector.broadcast %shift_right_arithmetic3A_309 : i32 to vector<16xi32>
      %shift_right_arithmetic3A_311 = arith.shrsi %iota3A_154, %shift_right_arithmetic3A_310 : vector<16xi32>
      %shift_right_arithmetic3A_312 = arith.constant 1 : i32
      %shift_right_arithmetic3A_313 = vector.broadcast %shift_right_arithmetic3A_312 : i32 to vector<16xi32>
      %shift_right_arithmetic3A_314 = arith.shrsi %iota3A_154, %shift_right_arithmetic3A_313 : vector<16xi32>
      %xor3A_315 = arith.xori %shift_right_arithmetic3A_311, %shift_right_arithmetic3A_314 : vector<16xi32>
      %and3A_316 = arith.constant 1 : i32
      %and3A_317 = vector.broadcast %and3A_316 : i32 to vector<16xi32>
      %and3A_318 = arith.andi %xor3A_315, %and3A_317 : vector<16xi32>
      %eq3A_319 = arith.constant 0 : i32
      %eq3A_320 = vector.broadcast %eq3A_319 : i32 to vector<16xi32>
      %eq3A_321 = arith.cmpi eq, %and3A_318, %eq3A_320 : vector<16xi32>
      %min3A_322 = arith.minimumf %scan3A_152#5, %gather3A_308 : vector<16xf32>
      %max3A_323 = arith.maximumf %scan3A_152#5, %gather3A_308 : vector<16xf32>
      %select_n3A_324 = arith.select %eq3A_321, %min3A_322, %max3A_323 : vector<16xi1>, vector<16xf32>
      %xor3A_325 = arith.constant 1 : i32
      %xor3A_326 = vector.broadcast %xor3A_325 : i32 to vector<16xi32>
      %xor3A_327 = arith.xori %iota3A_154, %xor3A_326 : vector<16xi32>
      %lt3A_328 = arith.constant 0 : i32
      %lt3A_329 = vector.broadcast %lt3A_328 : i32 to vector<16xi32>
      %lt3A_330 = arith.cmpi slt, %xor3A_327, %lt3A_329 : vector<16xi32>
      %add3A_331 = arith.constant 16 : i32
      %add3A_332 = vector.broadcast %add3A_331 : i32 to vector<16xi32>
      %add3A_333 = arith.addi %xor3A_327, %add3A_332 : vector<16xi32>
      %select_n3A_334 = arith.select %lt3A_330, %add3A_333, %xor3A_327 : vector<16xi1>, vector<16xi32>
      %broadcast_in_dim3A_335 = vector.shape_cast %select_n3A_334 : vector<16xi32> to vector<16x1xi32>
      %gather3A_336 = vector.shape_cast %broadcast_in_dim3A_335 : vector<16x1xi32> to vector<16xi32>
      %gather3A_337 = tpu.dynamic_gather %scan3A_152#6[%gather3A_336] in [0] : vector<16xf32>, vector<16xi32> -> vector<16xf32>
      %shift_right_arithmetic3A_338 = arith.constant 0 : i32
      %shift_right_arithmetic3A_339 = vector.broadcast %shift_right_arithmetic3A_338 : i32 to vector<16xi32>
      %shift_right_arithmetic3A_340 = arith.shrsi %iota3A_154, %shift_right_arithmetic3A_339 : vector<16xi32>
      %shift_right_arithmetic3A_341 = arith.constant 1 : i32
      %shift_right_arithmetic3A_342 = vector.broadcast %shift_right_arithmetic3A_341 : i32 to vector<16xi32>
      %shift_right_arithmetic3A_343 = arith.shrsi %iota3A_154, %shift_right_arithmetic3A_342 : vector<16xi32>
      %xor3A_344 = arith.xori %shift_right_arithmetic3A_340, %shift_right_arithmetic3A_343 : vector<16xi32>
      %and3A_345 = arith.constant 1 : i32
      %and3A_346 = vector.broadcast %and3A_345 : i32 to vector<16xi32>
      %and3A_347 = arith.andi %xor3A_344, %and3A_346 : vector<16xi32>
      %eq3A_348 = arith.constant 0 : i32
      %eq3A_349 = vector.broadcast %eq3A_348 : i32 to vector<16xi32>
      %eq3A_350 = arith.cmpi eq, %and3A_347, %eq3A_349 : vector<16xi32>
      %min3A_351 = arith.minimumf %scan3A_152#6, %gather3A_337 : vector<16xf32>
      %max3A_352 = arith.maximumf %scan3A_152#6, %gather3A_337 : vector<16xf32>
      %select_n3A_353 = arith.select %eq3A_350, %min3A_351, %max3A_352 : vector<16xi1>, vector<16xf32>
      %xor3A_354 = arith.constant 1 : i32
      %xor3A_355 = vector.broadcast %xor3A_354 : i32 to vector<16xi32>
      %xor3A_356 = arith.xori %iota3A_154, %xor3A_355 : vector<16xi32>
      %lt3A_357 = arith.constant 0 : i32
      %lt3A_358 = vector.broadcast %lt3A_357 : i32 to vector<16xi32>
      %lt3A_359 = arith.cmpi slt, %xor3A_356, %lt3A_358 : vector<16xi32>
      %add3A_360 = arith.constant 16 : i32
      %add3A_361 = vector.broadcast %add3A_360 : i32 to vector<16xi32>
      %add3A_362 = arith.addi %xor3A_356, %add3A_361 : vector<16xi32>
      %select_n3A_363 = arith.select %lt3A_359, %add3A_362, %xor3A_356 : vector<16xi1>, vector<16xi32>
      %broadcast_in_dim3A_364 = vector.shape_cast %select_n3A_363 : vector<16xi32> to vector<16x1xi32>
      %gather3A_365 = vector.shape_cast %broadcast_in_dim3A_364 : vector<16x1xi32> to vector<16xi32>
      %gather3A_366 = tpu.dynamic_gather %scan3A_152#7[%gather3A_365] in [0] : vector<16xf32>, vector<16xi32> -> vector<16xf32>
      %shift_right_arithmetic3A_367 = arith.constant 0 : i32
      %shift_right_arithmetic3A_368 = vector.broadcast %shift_right_arithmetic3A_367 : i32 to vector<16xi32>
      %shift_right_arithmetic3A_369 = arith.shrsi %iota3A_154, %shift_right_arithmetic3A_368 : vector<16xi32>
      %shift_right_arithmetic3A_370 = arith.constant 1 : i32
      %shift_right_arithmetic3A_371 = vector.broadcast %shift_right_arithmetic3A_370 : i32 to vector<16xi32>
      %shift_right_arithmetic3A_372 = arith.shrsi %iota3A_154, %shift_right_arithmetic3A_371 : vector<16xi32>
      %xor3A_373 = arith.xori %shift_right_arithmetic3A_369, %shift_right_arithmetic3A_372 : vector<16xi32>
      %and3A_374 = arith.constant 1 : i32
      %and3A_375 = vector.broadcast %and3A_374 : i32 to vector<16xi32>
      %and3A_376 = arith.andi %xor3A_373, %and3A_375 : vector<16xi32>
      %eq3A_377 = arith.constant 0 : i32
      %eq3A_378 = vector.broadcast %eq3A_377 : i32 to vector<16xi32>
      %eq3A_379 = arith.cmpi eq, %and3A_376, %eq3A_378 : vector<16xi32>
      %min3A_380 = arith.minimumf %scan3A_152#7, %gather3A_366 : vector<16xf32>
      %max3A_381 = arith.maximumf %scan3A_152#7, %gather3A_366 : vector<16xf32>
      %select_n3A_382 = arith.select %eq3A_379, %min3A_380, %max3A_381 : vector<16xi1>, vector<16xf32>
      %xor3A_383 = arith.constant 2 : i32
      %xor3A_384 = vector.broadcast %xor3A_383 : i32 to vector<16xi32>
      %xor3A_385 = arith.xori %iota3A_154, %xor3A_384 : vector<16xi32>
      %lt3A_386 = arith.constant 0 : i32
      %lt3A_387 = vector.broadcast %lt3A_386 : i32 to vector<16xi32>
      %lt3A_388 = arith.cmpi slt, %xor3A_385, %lt3A_387 : vector<16xi32>
      %add3A_389 = arith.constant 16 : i32
      %add3A_390 = vector.broadcast %add3A_389 : i32 to vector<16xi32>
      %add3A_391 = arith.addi %xor3A_385, %add3A_390 : vector<16xi32>
      %select_n3A_392 = arith.select %lt3A_388, %add3A_391, %xor3A_385 : vector<16xi1>, vector<16xi32>
      %broadcast_in_dim3A_393 = vector.shape_cast %select_n3A_392 : vector<16xi32> to vector<16x1xi32>
      %gather3A_394 = vector.shape_cast %broadcast_in_dim3A_393 : vector<16x1xi32> to vector<16xi32>
      %gather3A_395 = tpu.dynamic_gather %select_n3A_179[%gather3A_394] in [0] : vector<16xf32>, vector<16xi32> -> vector<16xf32>
      %shift_right_arithmetic3A_396 = arith.constant 1 : i32
      %shift_right_arithmetic3A_397 = vector.broadcast %shift_right_arithmetic3A_396 : i32 to vector<16xi32>
      %shift_right_arithmetic3A_398 = arith.shrsi %iota3A_154, %shift_right_arithmetic3A_397 : vector<16xi32>
      %shift_right_arithmetic3A_399 = arith.constant 2 : i32
      %shift_right_arithmetic3A_400 = vector.broadcast %shift_right_arithmetic3A_399 : i32 to vector<16xi32>
      %shift_right_arithmetic3A_401 = arith.shrsi %iota3A_154, %shift_right_arithmetic3A_400 : vector<16xi32>
      %xor3A_402 = arith.xori %shift_right_arithmetic3A_398, %shift_right_arithmetic3A_401 : vector<16xi32>
      %and3A_403 = arith.constant 1 : i32
      %and3A_404 = vector.broadcast %and3A_403 : i32 to vector<16xi32>
      %and3A_405 = arith.andi %xor3A_402, %and3A_404 : vector<16xi32>
      %eq3A_406 = arith.constant 0 : i32
      %eq3A_407 = vector.broadcast %eq3A_406 : i32 to vector<16xi32>
      %eq3A_408 = arith.cmpi eq, %and3A_405, %eq3A_407 : vector<16xi32>
      %min3A_409 = arith.minimumf %select_n3A_179, %gather3A_395 : vector<16xf32>
      %max3A_410 = arith.maximumf %select_n3A_179, %gather3A_395 : vector<16xf32>
      %select_n3A_411 = arith.select %eq3A_408, %min3A_409, %max3A_410 : vector<16xi1>, vector<16xf32>
      %xor3A_412 = arith.constant 2 : i32
      %xor3A_413 = vector.broadcast %xor3A_412 : i32 to vector<16xi32>
      %xor3A_414 = arith.xori %iota3A_154, %xor3A_413 : vector<16xi32>
      %lt3A_415 = arith.constant 0 : i32
      %lt3A_416 = vector.broadcast %lt3A_415 : i32 to vector<16xi32>
      %lt3A_417 = arith.cmpi slt, %xor3A_414, %lt3A_416 : vector<16xi32>
      %add3A_418 = arith.constant 16 : i32
      %add3A_419 = vector.broadcast %add3A_418 : i32 to vector<16xi32>
      %add3A_420 = arith.addi %xor3A_414, %add3A_419 : vector<16xi32>
      %select_n3A_421 = arith.select %lt3A_417, %add3A_420, %xor3A_414 : vector<16xi1>, vector<16xi32>
      %broadcast_in_dim3A_422 = vector.shape_cast %select_n3A_421 : vector<16xi32> to vector<16x1xi32>
      %gather3A_423 = vector.shape_cast %broadcast_in_dim3A_422 : vector<16x1xi32> to vector<16xi32>
      %gather3A_424 = tpu.dynamic_gather %select_n3A_208[%gather3A_423] in [0] : vector<16xf32>, vector<16xi32> -> vector<16xf32>
      %shift_right_arithmetic3A_425 = arith.constant 1 : i32
      %shift_right_arithmetic3A_426 = vector.broadcast %shift_right_arithmetic3A_425 : i32 to vector<16xi32>
      %shift_right_arithmetic3A_427 = arith.shrsi %iota3A_154, %shift_right_arithmetic3A_426 : vector<16xi32>
      %shift_right_arithmetic3A_428 = arith.constant 2 : i32
      %shift_right_arithmetic3A_429 = vector.broadcast %shift_right_arithmetic3A_428 : i32 to vector<16xi32>
      %shift_right_arithmetic3A_430 = arith.shrsi %iota3A_154, %shift_right_arithmetic3A_429 : vector<16xi32>
      %xor3A_431 = arith.xori %shift_right_arithmetic3A_427, %shift_right_arithmetic3A_430 : vector<16xi32>
      %and3A_432 = arith.constant 1 : i32
      %and3A_433 = vector.broadcast %and3A_432 : i32 to vector<16xi32>
      %and3A_434 = arith.andi %xor3A_431, %and3A_433 : vector<16xi32>
      %eq3A_435 = arith.constant 0 : i32
      %eq3A_436 = vector.broadcast %eq3A_435 : i32 to vector<16xi32>
      %eq3A_437 = arith.cmpi eq, %and3A_434, %eq3A_436 : vector<16xi32>
      %min3A_438 = arith.minimumf %select_n3A_208, %gather3A_424 : vector<16xf32>
      %max3A_439 = arith.maximumf %select_n3A_208, %gather3A_424 : vector<16xf32>
      %select_n3A_440 = arith.select %eq3A_437, %min3A_438, %max3A_439 : vector<16xi1>, vector<16xf32>
      %xor3A_441 = arith.constant 2 : i32
      %xor3A_442 = vector.broadcast %xor3A_441 : i32 to vector<16xi32>
      %xor3A_443 = arith.xori %iota3A_154, %xor3A_442 : vector<16xi32>
      %lt3A_444 = arith.constant 0 : i32
      %lt3A_445 = vector.broadcast %lt3A_444 : i32 to vector<16xi32>
      %lt3A_446 = arith.cmpi slt, %xor3A_443, %lt3A_445 : vector<16xi32>
      %add3A_447 = arith.constant 16 : i32
      %add3A_448 = vector.broadcast %add3A_447 : i32 to vector<16xi32>
      %add3A_449 = arith.addi %xor3A_443, %add3A_448 : vector<16xi32>
      %select_n3A_450 = arith.select %lt3A_446, %add3A_449, %xor3A_443 : vector<16xi1>, vector<16xi32>
      %broadcast_in_dim3A_451 = vector.shape_cast %select_n3A_450 : vector<16xi32> to vector<16x1xi32>
      %gather3A_452 = vector.shape_cast %broadcast_in_dim3A_451 : vector<16x1xi32> to vector<16xi32>
      %gather3A_453 = tpu.dynamic_gather %select_n3A_237[%gather3A_452] in [0] : vector<16xf32>, vector<16xi32> -> vector<16xf32>
      %shift_right_arithmetic3A_454 = arith.constant 1 : i32
      %shift_right_arithmetic3A_455 = vector.broadcast %shift_right_arithmetic3A_454 : i32 to vector<16xi32>
      %shift_right_arithmetic3A_456 = arith.shrsi %iota3A_154, %shift_right_arithmetic3A_455 : vector<16xi32>
      %shift_right_arithmetic3A_457 = arith.constant 2 : i32
      %shift_right_arithmetic3A_458 = vector.broadcast %shift_right_arithmetic3A_457 : i32 to vector<16xi32>
      %shift_right_arithmetic3A_459 = arith.shrsi %iota3A_154, %shift_right_arithmetic3A_458 : vector<16xi32>
      %xor3A_460 = arith.xori %shift_right_arithmetic3A_456, %shift_right_arithmetic3A_459 : vector<16xi32>
      %and3A_461 = arith.constant 1 : i32
      %and3A_462 = vector.broadcast %and3A_461 : i32 to vector<16xi32>
      %and3A_463 = arith.andi %xor3A_460, %and3A_462 : vector<16xi32>
      %eq3A_464 = arith.constant 0 : i32
      %eq3A_465 = vector.broadcast %eq3A_464 : i32 to vector<16xi32>
      %eq3A_466 = arith.cmpi eq, %and3A_463, %eq3A_465 : vector<16xi32>
      %min3A_467 = arith.minimumf %select_n3A_237, %gather3A_453 : vector<16xf32>
      %max3A_468 = arith.maximumf %select_n3A_237, %gather3A_453 : vector<16xf32>
      %select_n3A_469 = arith.select %eq3A_466, %min3A_467, %max3A_468 : vector<16xi1>, vector<16xf32>
      %xor3A_470 = arith.constant 2 : i32
      %xor3A_471 = vector.broadcast %xor3A_470 : i32 to vector<16xi32>
      %xor3A_472 = arith.xori %iota3A_154, %xor3A_471 : vector<16xi32>
      %lt3A_473 = arith.constant 0 : i32
      %lt3A_474 = vector.broadcast %lt3A_473 : i32 to vector<16xi32>
      %lt3A_475 = arith.cmpi slt, %xor3A_472, %lt3A_474 : vector<16xi32>
      %add3A_476 = arith.constant 16 : i32
      %add3A_477 = vector.broadcast %add3A_476 : i32 to vector<16xi32>
      %add3A_478 = arith.addi %xor3A_472, %add3A_477 : vector<16xi32>
      %select_n3A_479 = arith.select %lt3A_475, %add3A_478, %xor3A_472 : vector<16xi1>, vector<16xi32>
      %broadcast_in_dim3A_480 = vector.shape_cast %select_n3A_479 : vector<16xi32> to vector<16x1xi32>
      %gather3A_481 = vector.shape_cast %broadcast_in_dim3A_480 : vector<16x1xi32> to vector<16xi32>
      %gather3A_482 = tpu.dynamic_gather %select_n3A_266[%gather3A_481] in [0] : vector<16xf32>, vector<16xi32> -> vector<16xf32>
      %shift_right_arithmetic3A_483 = arith.constant 1 : i32
      %shift_right_arithmetic3A_484 = vector.broadcast %shift_right_arithmetic3A_483 : i32 to vector<16xi32>
      %shift_right_arithmetic3A_485 = arith.shrsi %iota3A_154, %shift_right_arithmetic3A_484 : vector<16xi32>
      %shift_right_arithmetic3A_486 = arith.constant 2 : i32
      %shift_right_arithmetic3A_487 = vector.broadcast %shift_right_arithmetic3A_486 : i32 to vector<16xi32>
      %shift_right_arithmetic3A_488 = arith.shrsi %iota3A_154, %shift_right_arithmetic3A_487 : vector<16xi32>
      %xor3A_489 = arith.xori %shift_right_arithmetic3A_485, %shift_right_arithmetic3A_488 : vector<16xi32>
      %and3A_490 = arith.constant 1 : i32
      %and3A_491 = vector.broadcast %and3A_490 : i32 to vector<16xi32>
      %and3A_492 = arith.andi %xor3A_489, %and3A_491 : vector<16xi32>
      %eq3A_493 = arith.constant 0 : i32
      %eq3A_494 = vector.broadcast %eq3A_493 : i32 to vector<16xi32>
      %eq3A_495 = arith.cmpi eq, %and3A_492, %eq3A_494 : vector<16xi32>
      %min3A_496 = arith.minimumf %select_n3A_266, %gather3A_482 : vector<16xf32>
      %max3A_497 = arith.maximumf %select_n3A_266, %gather3A_482 : vector<16xf32>
      %select_n3A_498 = arith.select %eq3A_495, %min3A_496, %max3A_497 : vector<16xi1>, vector<16xf32>
      %xor3A_499 = arith.constant 2 : i32
      %xor3A_500 = vector.broadcast %xor3A_499 : i32 to vector<16xi32>
      %xor3A_501 = arith.xori %iota3A_154, %xor3A_500 : vector<16xi32>
      %lt3A_502 = arith.constant 0 : i32
      %lt3A_503 = vector.broadcast %lt3A_502 : i32 to vector<16xi32>
      %lt3A_504 = arith.cmpi slt, %xor3A_501, %lt3A_503 : vector<16xi32>
      %add3A_505 = arith.constant 16 : i32
      %add3A_506 = vector.broadcast %add3A_505 : i32 to vector<16xi32>
      %add3A_507 = arith.addi %xor3A_501, %add3A_506 : vector<16xi32>
      %select_n3A_508 = arith.select %lt3A_504, %add3A_507, %xor3A_501 : vector<16xi1>, vector<16xi32>
      %broadcast_in_dim3A_509 = vector.shape_cast %select_n3A_508 : vector<16xi32> to vector<16x1xi32>
      %gather3A_510 = vector.shape_cast %broadcast_in_dim3A_509 : vector<16x1xi32> to vector<16xi32>
      %gather3A_511 = tpu.dynamic_gather %select_n3A_295[%gather3A_510] in [0] : vector<16xf32>, vector<16xi32> -> vector<16xf32>
      %shift_right_arithmetic3A_512 = arith.constant 1 : i32
      %shift_right_arithmetic3A_513 = vector.broadcast %shift_right_arithmetic3A_512 : i32 to vector<16xi32>
      %shift_right_arithmetic3A_514 = arith.shrsi %iota3A_154, %shift_right_arithmetic3A_513 : vector<16xi32>
      %shift_right_arithmetic3A_515 = arith.constant 2 : i32
      %shift_right_arithmetic3A_516 = vector.broadcast %shift_right_arithmetic3A_515 : i32 to vector<16xi32>
      %shift_right_arithmetic3A_517 = arith.shrsi %iota3A_154, %shift_right_arithmetic3A_516 : vector<16xi32>
      %xor3A_518 = arith.xori %shift_right_arithmetic3A_514, %shift_right_arithmetic3A_517 : vector<16xi32>
      %and3A_519 = arith.constant 1 : i32
      %and3A_520 = vector.broadcast %and3A_519 : i32 to vector<16xi32>
      %and3A_521 = arith.andi %xor3A_518, %and3A_520 : vector<16xi32>
      %eq3A_522 = arith.constant 0 : i32
      %eq3A_523 = vector.broadcast %eq3A_522 : i32 to vector<16xi32>
      %eq3A_524 = arith.cmpi eq, %and3A_521, %eq3A_523 : vector<16xi32>
      %min3A_525 = arith.minimumf %select_n3A_295, %gather3A_511 : vector<16xf32>
      %max3A_526 = arith.maximumf %select_n3A_295, %gather3A_511 : vector<16xf32>
      %select_n3A_527 = arith.select %eq3A_524, %min3A_525, %max3A_526 : vector<16xi1>, vector<16xf32>
      %xor3A_528 = arith.constant 2 : i32
      %xor3A_529 = vector.broadcast %xor3A_528 : i32 to vector<16xi32>
      %xor3A_530 = arith.xori %iota3A_154, %xor3A_529 : vector<16xi32>
      %lt3A_531 = arith.constant 0 : i32
      %lt3A_532 = vector.broadcast %lt3A_531 : i32 to vector<16xi32>
      %lt3A_533 = arith.cmpi slt, %xor3A_530, %lt3A_532 : vector<16xi32>
      %add3A_534 = arith.constant 16 : i32
      %add3A_535 = vector.broadcast %add3A_534 : i32 to vector<16xi32>
      %add3A_536 = arith.addi %xor3A_530, %add3A_535 : vector<16xi32>
      %select_n3A_537 = arith.select %lt3A_533, %add3A_536, %xor3A_530 : vector<16xi1>, vector<16xi32>
      %broadcast_in_dim3A_538 = vector.shape_cast %select_n3A_537 : vector<16xi32> to vector<16x1xi32>
      %gather3A_539 = vector.shape_cast %broadcast_in_dim3A_538 : vector<16x1xi32> to vector<16xi32>
      %gather3A_540 = tpu.dynamic_gather %select_n3A_324[%gather3A_539] in [0] : vector<16xf32>, vector<16xi32> -> vector<16xf32>
      %shift_right_arithmetic3A_541 = arith.constant 1 : i32
      %shift_right_arithmetic3A_542 = vector.broadcast %shift_right_arithmetic3A_541 : i32 to vector<16xi32>
      %shift_right_arithmetic3A_543 = arith.shrsi %iota3A_154, %shift_right_arithmetic3A_542 : vector<16xi32>
      %shift_right_arithmetic3A_544 = arith.constant 2 : i32
      %shift_right_arithmetic3A_545 = vector.broadcast %shift_right_arithmetic3A_544 : i32 to vector<16xi32>
      %shift_right_arithmetic3A_546 = arith.shrsi %iota3A_154, %shift_right_arithmetic3A_545 : vector<16xi32>
      %xor3A_547 = arith.xori %shift_right_arithmetic3A_543, %shift_right_arithmetic3A_546 : vector<16xi32>
      %and3A_548 = arith.constant 1 : i32
      %and3A_549 = vector.broadcast %and3A_548 : i32 to vector<16xi32>
      %and3A_550 = arith.andi %xor3A_547, %and3A_549 : vector<16xi32>
      %eq3A_551 = arith.constant 0 : i32
      %eq3A_552 = vector.broadcast %eq3A_551 : i32 to vector<16xi32>
      %eq3A_553 = arith.cmpi eq, %and3A_550, %eq3A_552 : vector<16xi32>
      %min3A_554 = arith.minimumf %select_n3A_324, %gather3A_540 : vector<16xf32>
      %max3A_555 = arith.maximumf %select_n3A_324, %gather3A_540 : vector<16xf32>
      %select_n3A_556 = arith.select %eq3A_553, %min3A_554, %max3A_555 : vector<16xi1>, vector<16xf32>
      %xor3A_557 = arith.constant 2 : i32
      %xor3A_558 = vector.broadcast %xor3A_557 : i32 to vector<16xi32>
      %xor3A_559 = arith.xori %iota3A_154, %xor3A_558 : vector<16xi32>
      %lt3A_560 = arith.constant 0 : i32
      %lt3A_561 = vector.broadcast %lt3A_560 : i32 to vector<16xi32>
      %lt3A_562 = arith.cmpi slt, %xor3A_559, %lt3A_561 : vector<16xi32>
      %add3A_563 = arith.constant 16 : i32
      %add3A_564 = vector.broadcast %add3A_563 : i32 to vector<16xi32>
      %add3A_565 = arith.addi %xor3A_559, %add3A_564 : vector<16xi32>
      %select_n3A_566 = arith.select %lt3A_562, %add3A_565, %xor3A_559 : vector<16xi1>, vector<16xi32>
      %broadcast_in_dim3A_567 = vector.shape_cast %select_n3A_566 : vector<16xi32> to vector<16x1xi32>
      %gather3A_568 = vector.shape_cast %broadcast_in_dim3A_567 : vector<16x1xi32> to vector<16xi32>
      %gather3A_569 = tpu.dynamic_gather %select_n3A_353[%gather3A_568] in [0] : vector<16xf32>, vector<16xi32> -> vector<16xf32>
      %shift_right_arithmetic3A_570 = arith.constant 1 : i32
      %shift_right_arithmetic3A_571 = vector.broadcast %shift_right_arithmetic3A_570 : i32 to vector<16xi32>
      %shift_right_arithmetic3A_572 = arith.shrsi %iota3A_154, %shift_right_arithmetic3A_571 : vector<16xi32>
      %shift_right_arithmetic3A_573 = arith.constant 2 : i32
      %shift_right_arithmetic3A_574 = vector.broadcast %shift_right_arithmetic3A_573 : i32 to vector<16xi32>
      %shift_right_arithmetic3A_575 = arith.shrsi %iota3A_154, %shift_right_arithmetic3A_574 : vector<16xi32>
      %xor3A_576 = arith.xori %shift_right_arithmetic3A_572, %shift_right_arithmetic3A_575 : vector<16xi32>
      %and3A_577 = arith.constant 1 : i32
      %and3A_578 = vector.broadcast %and3A_577 : i32 to vector<16xi32>
      %and3A_579 = arith.andi %xor3A_576, %and3A_578 : vector<16xi32>
      %eq3A_580 = arith.constant 0 : i32
      %eq3A_581 = vector.broadcast %eq3A_580 : i32 to vector<16xi32>
      %eq3A_582 = arith.cmpi eq, %and3A_579, %eq3A_581 : vector<16xi32>
      %min3A_583 = arith.minimumf %select_n3A_353, %gather3A_569 : vector<16xf32>
      %max3A_584 = arith.maximumf %select_n3A_353, %gather3A_569 : vector<16xf32>
      %select_n3A_585 = arith.select %eq3A_582, %min3A_583, %max3A_584 : vector<16xi1>, vector<16xf32>
      %xor3A_586 = arith.constant 2 : i32
      %xor3A_587 = vector.broadcast %xor3A_586 : i32 to vector<16xi32>
      %xor3A_588 = arith.xori %iota3A_154, %xor3A_587 : vector<16xi32>
      %lt3A_589 = arith.constant 0 : i32
      %lt3A_590 = vector.broadcast %lt3A_589 : i32 to vector<16xi32>
      %lt3A_591 = arith.cmpi slt, %xor3A_588, %lt3A_590 : vector<16xi32>
      %add3A_592 = arith.constant 16 : i32
      %add3A_593 = vector.broadcast %add3A_592 : i32 to vector<16xi32>
      %add3A_594 = arith.addi %xor3A_588, %add3A_593 : vector<16xi32>
      %select_n3A_595 = arith.select %lt3A_591, %add3A_594, %xor3A_588 : vector<16xi1>, vector<16xi32>
      %broadcast_in_dim3A_596 = vector.shape_cast %select_n3A_595 : vector<16xi32> to vector<16x1xi32>
      %gather3A_597 = vector.shape_cast %broadcast_in_dim3A_596 : vector<16x1xi32> to vector<16xi32>
      %gather3A_598 = tpu.dynamic_gather %select_n3A_382[%gather3A_597] in [0] : vector<16xf32>, vector<16xi32> -> vector<16xf32>
      %shift_right_arithmetic3A_599 = arith.constant 1 : i32
      %shift_right_arithmetic3A_600 = vector.broadcast %shift_right_arithmetic3A_599 : i32 to vector<16xi32>
      %shift_right_arithmetic3A_601 = arith.shrsi %iota3A_154, %shift_right_arithmetic3A_600 : vector<16xi32>
      %shift_right_arithmetic3A_602 = arith.constant 2 : i32
      %shift_right_arithmetic3A_603 = vector.broadcast %shift_right_arithmetic3A_602 : i32 to vector<16xi32>
      %shift_right_arithmetic3A_604 = arith.shrsi %iota3A_154, %shift_right_arithmetic3A_603 : vector<16xi32>
      %xor3A_605 = arith.xori %shift_right_arithmetic3A_601, %shift_right_arithmetic3A_604 : vector<16xi32>
      %and3A_606 = arith.constant 1 : i32
      %and3A_607 = vector.broadcast %and3A_606 : i32 to vector<16xi32>
      %and3A_608 = arith.andi %xor3A_605, %and3A_607 : vector<16xi32>
      %eq3A_609 = arith.constant 0 : i32
      %eq3A_610 = vector.broadcast %eq3A_609 : i32 to vector<16xi32>
      %eq3A_611 = arith.cmpi eq, %and3A_608, %eq3A_610 : vector<16xi32>
      %min3A_612 = arith.minimumf %select_n3A_382, %gather3A_598 : vector<16xf32>
      %max3A_613 = arith.maximumf %select_n3A_382, %gather3A_598 : vector<16xf32>
      %select_n3A_614 = arith.select %eq3A_611, %min3A_612, %max3A_613 : vector<16xi1>, vector<16xf32>
      %xor3A_615 = arith.constant 1 : i32
      %xor3A_616 = vector.broadcast %xor3A_615 : i32 to vector<16xi32>
      %xor3A_617 = arith.xori %iota3A_154, %xor3A_616 : vector<16xi32>
      %lt3A_618 = arith.constant 0 : i32
      %lt3A_619 = vector.broadcast %lt3A_618 : i32 to vector<16xi32>
      %lt3A_620 = arith.cmpi slt, %xor3A_617, %lt3A_619 : vector<16xi32>
      %add3A_621 = arith.constant 16 : i32
      %add3A_622 = vector.broadcast %add3A_621 : i32 to vector<16xi32>
      %add3A_623 = arith.addi %xor3A_617, %add3A_622 : vector<16xi32>
      %select_n3A_624 = arith.select %lt3A_620, %add3A_623, %xor3A_617 : vector<16xi1>, vector<16xi32>
      %broadcast_in_dim3A_625 = vector.shape_cast %select_n3A_624 : vector<16xi32> to vector<16x1xi32>
      %gather3A_626 = vector.shape_cast %broadcast_in_dim3A_625 : vector<16x1xi32> to vector<16xi32>
      %gather3A_627 = tpu.dynamic_gather %select_n3A_411[%gather3A_626] in [0] : vector<16xf32>, vector<16xi32> -> vector<16xf32>
      %shift_right_arithmetic3A_628 = arith.constant 0 : i32
      %shift_right_arithmetic3A_629 = vector.broadcast %shift_right_arithmetic3A_628 : i32 to vector<16xi32>
      %shift_right_arithmetic3A_630 = arith.shrsi %iota3A_154, %shift_right_arithmetic3A_629 : vector<16xi32>
      %shift_right_arithmetic3A_631 = arith.constant 2 : i32
      %shift_right_arithmetic3A_632 = vector.broadcast %shift_right_arithmetic3A_631 : i32 to vector<16xi32>
      %shift_right_arithmetic3A_633 = arith.shrsi %iota3A_154, %shift_right_arithmetic3A_632 : vector<16xi32>
      %xor3A_634 = arith.xori %shift_right_arithmetic3A_630, %shift_right_arithmetic3A_633 : vector<16xi32>
      %and3A_635 = arith.constant 1 : i32
      %and3A_636 = vector.broadcast %and3A_635 : i32 to vector<16xi32>
      %and3A_637 = arith.andi %xor3A_634, %and3A_636 : vector<16xi32>
      %eq3A_638 = arith.constant 0 : i32
      %eq3A_639 = vector.broadcast %eq3A_638 : i32 to vector<16xi32>
      %eq3A_640 = arith.cmpi eq, %and3A_637, %eq3A_639 : vector<16xi32>
      %min3A_641 = arith.minimumf %select_n3A_411, %gather3A_627 : vector<16xf32>
      %max3A_642 = arith.maximumf %select_n3A_411, %gather3A_627 : vector<16xf32>
      %select_n3A_643 = arith.select %eq3A_640, %min3A_641, %max3A_642 : vector<16xi1>, vector<16xf32>
      %xor3A_644 = arith.constant 1 : i32
      %xor3A_645 = vector.broadcast %xor3A_644 : i32 to vector<16xi32>
      %xor3A_646 = arith.xori %iota3A_154, %xor3A_645 : vector<16xi32>
      %lt3A_647 = arith.constant 0 : i32
      %lt3A_648 = vector.broadcast %lt3A_647 : i32 to vector<16xi32>
      %lt3A_649 = arith.cmpi slt, %xor3A_646, %lt3A_648 : vector<16xi32>
      %add3A_650 = arith.constant 16 : i32
      %add3A_651 = vector.broadcast %add3A_650 : i32 to vector<16xi32>
      %add3A_652 = arith.addi %xor3A_646, %add3A_651 : vector<16xi32>
      %select_n3A_653 = arith.select %lt3A_649, %add3A_652, %xor3A_646 : vector<16xi1>, vector<16xi32>
      %broadcast_in_dim3A_654 = vector.shape_cast %select_n3A_653 : vector<16xi32> to vector<16x1xi32>
      %gather3A_655 = vector.shape_cast %broadcast_in_dim3A_654 : vector<16x1xi32> to vector<16xi32>
      %gather3A_656 = tpu.dynamic_gather %select_n3A_440[%gather3A_655] in [0] : vector<16xf32>, vector<16xi32> -> vector<16xf32>
      %shift_right_arithmetic3A_657 = arith.constant 0 : i32
      %shift_right_arithmetic3A_658 = vector.broadcast %shift_right_arithmetic3A_657 : i32 to vector<16xi32>
      %shift_right_arithmetic3A_659 = arith.shrsi %iota3A_154, %shift_right_arithmetic3A_658 : vector<16xi32>
      %shift_right_arithmetic3A_660 = arith.constant 2 : i32
      %shift_right_arithmetic3A_661 = vector.broadcast %shift_right_arithmetic3A_660 : i32 to vector<16xi32>
      %shift_right_arithmetic3A_662 = arith.shrsi %iota3A_154, %shift_right_arithmetic3A_661 : vector<16xi32>
      %xor3A_663 = arith.xori %shift_right_arithmetic3A_659, %shift_right_arithmetic3A_662 : vector<16xi32>
      %and3A_664 = arith.constant 1 : i32
      %and3A_665 = vector.broadcast %and3A_664 : i32 to vector<16xi32>
      %and3A_666 = arith.andi %xor3A_663, %and3A_665 : vector<16xi32>
      %eq3A_667 = arith.constant 0 : i32
      %eq3A_668 = vector.broadcast %eq3A_667 : i32 to vector<16xi32>
      %eq3A_669 = arith.cmpi eq, %and3A_666, %eq3A_668 : vector<16xi32>
      %min3A_670 = arith.minimumf %select_n3A_440, %gather3A_656 : vector<16xf32>
      %max3A_671 = arith.maximumf %select_n3A_440, %gather3A_656 : vector<16xf32>
      %select_n3A_672 = arith.select %eq3A_669, %min3A_670, %max3A_671 : vector<16xi1>, vector<16xf32>
      %xor3A_673 = arith.constant 1 : i32
      %xor3A_674 = vector.broadcast %xor3A_673 : i32 to vector<16xi32>
      %xor3A_675 = arith.xori %iota3A_154, %xor3A_674 : vector<16xi32>
      %lt3A_676 = arith.constant 0 : i32
      %lt3A_677 = vector.broadcast %lt3A_676 : i32 to vector<16xi32>
      %lt3A_678 = arith.cmpi slt, %xor3A_675, %lt3A_677 : vector<16xi32>
      %add3A_679 = arith.constant 16 : i32
      %add3A_680 = vector.broadcast %add3A_679 : i32 to vector<16xi32>
      %add3A_681 = arith.addi %xor3A_675, %add3A_680 : vector<16xi32>
      %select_n3A_682 = arith.select %lt3A_678, %add3A_681, %xor3A_675 : vector<16xi1>, vector<16xi32>
      %broadcast_in_dim3A_683 = vector.shape_cast %select_n3A_682 : vector<16xi32> to vector<16x1xi32>
      %gather3A_684 = vector.shape_cast %broadcast_in_dim3A_683 : vector<16x1xi32> to vector<16xi32>
      %gather3A_685 = tpu.dynamic_gather %select_n3A_469[%gather3A_684] in [0] : vector<16xf32>, vector<16xi32> -> vector<16xf32>
      %shift_right_arithmetic3A_686 = arith.constant 0 : i32
      %shift_right_arithmetic3A_687 = vector.broadcast %shift_right_arithmetic3A_686 : i32 to vector<16xi32>
      %shift_right_arithmetic3A_688 = arith.shrsi %iota3A_154, %shift_right_arithmetic3A_687 : vector<16xi32>
      %shift_right_arithmetic3A_689 = arith.constant 2 : i32
      %shift_right_arithmetic3A_690 = vector.broadcast %shift_right_arithmetic3A_689 : i32 to vector<16xi32>
      %shift_right_arithmetic3A_691 = arith.shrsi %iota3A_154, %shift_right_arithmetic3A_690 : vector<16xi32>
      %xor3A_692 = arith.xori %shift_right_arithmetic3A_688, %shift_right_arithmetic3A_691 : vector<16xi32>
      %and3A_693 = arith.constant 1 : i32
      %and3A_694 = vector.broadcast %and3A_693 : i32 to vector<16xi32>
      %and3A_695 = arith.andi %xor3A_692, %and3A_694 : vector<16xi32>
      %eq3A_696 = arith.constant 0 : i32
      %eq3A_697 = vector.broadcast %eq3A_696 : i32 to vector<16xi32>
      %eq3A_698 = arith.cmpi eq, %and3A_695, %eq3A_697 : vector<16xi32>
      %min3A_699 = arith.minimumf %select_n3A_469, %gather3A_685 : vector<16xf32>
      %max3A_700 = arith.maximumf %select_n3A_469, %gather3A_685 : vector<16xf32>
      %select_n3A_701 = arith.select %eq3A_698, %min3A_699, %max3A_700 : vector<16xi1>, vector<16xf32>
      %xor3A_702 = arith.constant 1 : i32
      %xor3A_703 = vector.broadcast %xor3A_702 : i32 to vector<16xi32>
      %xor3A_704 = arith.xori %iota3A_154, %xor3A_703 : vector<16xi32>
      %lt3A_705 = arith.constant 0 : i32
      %lt3A_706 = vector.broadcast %lt3A_705 : i32 to vector<16xi32>
      %lt3A_707 = arith.cmpi slt, %xor3A_704, %lt3A_706 : vector<16xi32>
      %add3A_708 = arith.constant 16 : i32
      %add3A_709 = vector.broadcast %add3A_708 : i32 to vector<16xi32>
      %add3A_710 = arith.addi %xor3A_704, %add3A_709 : vector<16xi32>
      %select_n3A_711 = arith.select %lt3A_707, %add3A_710, %xor3A_704 : vector<16xi1>, vector<16xi32>
      %broadcast_in_dim3A_712 = vector.shape_cast %select_n3A_711 : vector<16xi32> to vector<16x1xi32>
      %gather3A_713 = vector.shape_cast %broadcast_in_dim3A_712 : vector<16x1xi32> to vector<16xi32>
      %gather3A_714 = tpu.dynamic_gather %select_n3A_498[%gather3A_713] in [0] : vector<16xf32>, vector<16xi32> -> vector<16xf32>
      %shift_right_arithmetic3A_715 = arith.constant 0 : i32
      %shift_right_arithmetic3A_716 = vector.broadcast %shift_right_arithmetic3A_715 : i32 to vector<16xi32>
      %shift_right_arithmetic3A_717 = arith.shrsi %iota3A_154, %shift_right_arithmetic3A_716 : vector<16xi32>
      %shift_right_arithmetic3A_718 = arith.constant 2 : i32
      %shift_right_arithmetic3A_719 = vector.broadcast %shift_right_arithmetic3A_718 : i32 to vector<16xi32>
      %shift_right_arithmetic3A_720 = arith.shrsi %iota3A_154, %shift_right_arithmetic3A_719 : vector<16xi32>
      %xor3A_721 = arith.xori %shift_right_arithmetic3A_717, %shift_right_arithmetic3A_720 : vector<16xi32>
      %and3A_722 = arith.constant 1 : i32
      %and3A_723 = vector.broadcast %and3A_722 : i32 to vector<16xi32>
      %and3A_724 = arith.andi %xor3A_721, %and3A_723 : vector<16xi32>
      %eq3A_725 = arith.constant 0 : i32
      %eq3A_726 = vector.broadcast %eq3A_725 : i32 to vector<16xi32>
      %eq3A_727 = arith.cmpi eq, %and3A_724, %eq3A_726 : vector<16xi32>
      %min3A_728 = arith.minimumf %select_n3A_498, %gather3A_714 : vector<16xf32>
      %max3A_729 = arith.maximumf %select_n3A_498, %gather3A_714 : vector<16xf32>
      %select_n3A_730 = arith.select %eq3A_727, %min3A_728, %max3A_729 : vector<16xi1>, vector<16xf32>
      %xor3A_731 = arith.constant 1 : i32
      %xor3A_732 = vector.broadcast %xor3A_731 : i32 to vector<16xi32>
      %xor3A_733 = arith.xori %iota3A_154, %xor3A_732 : vector<16xi32>
      %lt3A_734 = arith.constant 0 : i32
      %lt3A_735 = vector.broadcast %lt3A_734 : i32 to vector<16xi32>
      %lt3A_736 = arith.cmpi slt, %xor3A_733, %lt3A_735 : vector<16xi32>
      %add3A_737 = arith.constant 16 : i32
      %add3A_738 = vector.broadcast %add3A_737 : i32 to vector<16xi32>
      %add3A_739 = arith.addi %xor3A_733, %add3A_738 : vector<16xi32>
      %select_n3A_740 = arith.select %lt3A_736, %add3A_739, %xor3A_733 : vector<16xi1>, vector<16xi32>
      %broadcast_in_dim3A_741 = vector.shape_cast %select_n3A_740 : vector<16xi32> to vector<16x1xi32>
      %gather3A_742 = vector.shape_cast %broadcast_in_dim3A_741 : vector<16x1xi32> to vector<16xi32>
      %gather3A_743 = tpu.dynamic_gather %select_n3A_527[%gather3A_742] in [0] : vector<16xf32>, vector<16xi32> -> vector<16xf32>
      %shift_right_arithmetic3A_744 = arith.constant 0 : i32
      %shift_right_arithmetic3A_745 = vector.broadcast %shift_right_arithmetic3A_744 : i32 to vector<16xi32>
      %shift_right_arithmetic3A_746 = arith.shrsi %iota3A_154, %shift_right_arithmetic3A_745 : vector<16xi32>
      %shift_right_arithmetic3A_747 = arith.constant 2 : i32
      %shift_right_arithmetic3A_748 = vector.broadcast %shift_right_arithmetic3A_747 : i32 to vector<16xi32>
      %shift_right_arithmetic3A_749 = arith.shrsi %iota3A_154, %shift_right_arithmetic3A_748 : vector<16xi32>
      %xor3A_750 = arith.xori %shift_right_arithmetic3A_746, %shift_right_arithmetic3A_749 : vector<16xi32>
      %and3A_751 = arith.constant 1 : i32
      %and3A_752 = vector.broadcast %and3A_751 : i32 to vector<16xi32>
      %and3A_753 = arith.andi %xor3A_750, %and3A_752 : vector<16xi32>
      %eq3A_754 = arith.constant 0 : i32
      %eq3A_755 = vector.broadcast %eq3A_754 : i32 to vector<16xi32>
      %eq3A_756 = arith.cmpi eq, %and3A_753, %eq3A_755 : vector<16xi32>
      %min3A_757 = arith.minimumf %select_n3A_527, %gather3A_743 : vector<16xf32>
      %max3A_758 = arith.maximumf %select_n3A_527, %gather3A_743 : vector<16xf32>
      %select_n3A_759 = arith.select %eq3A_756, %min3A_757, %max3A_758 : vector<16xi1>, vector<16xf32>
      %xor3A_760 = arith.constant 1 : i32
      %xor3A_761 = vector.broadcast %xor3A_760 : i32 to vector<16xi32>
      %xor3A_762 = arith.xori %iota3A_154, %xor3A_761 : vector<16xi32>
      %lt3A_763 = arith.constant 0 : i32
      %lt3A_764 = vector.broadcast %lt3A_763 : i32 to vector<16xi32>
      %lt3A_765 = arith.cmpi slt, %xor3A_762, %lt3A_764 : vector<16xi32>
      %add3A_766 = arith.constant 16 : i32
      %add3A_767 = vector.broadcast %add3A_766 : i32 to vector<16xi32>
      %add3A_768 = arith.addi %xor3A_762, %add3A_767 : vector<16xi32>
      %select_n3A_769 = arith.select %lt3A_765, %add3A_768, %xor3A_762 : vector<16xi1>, vector<16xi32>
      %broadcast_in_dim3A_770 = vector.shape_cast %select_n3A_769 : vector<16xi32> to vector<16x1xi32>
      %gather3A_771 = vector.shape_cast %broadcast_in_dim3A_770 : vector<16x1xi32> to vector<16xi32>
      %gather3A_772 = tpu.dynamic_gather %select_n3A_556[%gather3A_771] in [0] : vector<16xf32>, vector<16xi32> -> vector<16xf32>
      %shift_right_arithmetic3A_773 = arith.constant 0 : i32
      %shift_right_arithmetic3A_774 = vector.broadcast %shift_right_arithmetic3A_773 : i32 to vector<16xi32>
      %shift_right_arithmetic3A_775 = arith.shrsi %iota3A_154, %shift_right_arithmetic3A_774 : vector<16xi32>
      %shift_right_arithmetic3A_776 = arith.constant 2 : i32
      %shift_right_arithmetic3A_777 = vector.broadcast %shift_right_arithmetic3A_776 : i32 to vector<16xi32>
      %shift_right_arithmetic3A_778 = arith.shrsi %iota3A_154, %shift_right_arithmetic3A_777 : vector<16xi32>
      %xor3A_779 = arith.xori %shift_right_arithmetic3A_775, %shift_right_arithmetic3A_778 : vector<16xi32>
      %and3A_780 = arith.constant 1 : i32
      %and3A_781 = vector.broadcast %and3A_780 : i32 to vector<16xi32>
      %and3A_782 = arith.andi %xor3A_779, %and3A_781 : vector<16xi32>
      %eq3A_783 = arith.constant 0 : i32
      %eq3A_784 = vector.broadcast %eq3A_783 : i32 to vector<16xi32>
      %eq3A_785 = arith.cmpi eq, %and3A_782, %eq3A_784 : vector<16xi32>
      %min3A_786 = arith.minimumf %select_n3A_556, %gather3A_772 : vector<16xf32>
      %max3A_787 = arith.maximumf %select_n3A_556, %gather3A_772 : vector<16xf32>
      %select_n3A_788 = arith.select %eq3A_785, %min3A_786, %max3A_787 : vector<16xi1>, vector<16xf32>
      %xor3A_789 = arith.constant 1 : i32
      %xor3A_790 = vector.broadcast %xor3A_789 : i32 to vector<16xi32>
      %xor3A_791 = arith.xori %iota3A_154, %xor3A_790 : vector<16xi32>
      %lt3A_792 = arith.constant 0 : i32
      %lt3A_793 = vector.broadcast %lt3A_792 : i32 to vector<16xi32>
      %lt3A_794 = arith.cmpi slt, %xor3A_791, %lt3A_793 : vector<16xi32>
      %add3A_795 = arith.constant 16 : i32
      %add3A_796 = vector.broadcast %add3A_795 : i32 to vector<16xi32>
      %add3A_797 = arith.addi %xor3A_791, %add3A_796 : vector<16xi32>
      %select_n3A_798 = arith.select %lt3A_794, %add3A_797, %xor3A_791 : vector<16xi1>, vector<16xi32>
      %broadcast_in_dim3A_799 = vector.shape_cast %select_n3A_798 : vector<16xi32> to vector<16x1xi32>
      %gather3A_800 = vector.shape_cast %broadcast_in_dim3A_799 : vector<16x1xi32> to vector<16xi32>
      %gather3A_801 = tpu.dynamic_gather %select_n3A_585[%gather3A_800] in [0] : vector<16xf32>, vector<16xi32> -> vector<16xf32>
      %shift_right_arithmetic3A_802 = arith.constant 0 : i32
      %shift_right_arithmetic3A_803 = vector.broadcast %shift_right_arithmetic3A_802 : i32 to vector<16xi32>
      %shift_right_arithmetic3A_804 = arith.shrsi %iota3A_154, %shift_right_arithmetic3A_803 : vector<16xi32>
      %shift_right_arithmetic3A_805 = arith.constant 2 : i32
      %shift_right_arithmetic3A_806 = vector.broadcast %shift_right_arithmetic3A_805 : i32 to vector<16xi32>
      %shift_right_arithmetic3A_807 = arith.shrsi %iota3A_154, %shift_right_arithmetic3A_806 : vector<16xi32>
      %xor3A_808 = arith.xori %shift_right_arithmetic3A_804, %shift_right_arithmetic3A_807 : vector<16xi32>
      %and3A_809 = arith.constant 1 : i32
      %and3A_810 = vector.broadcast %and3A_809 : i32 to vector<16xi32>
      %and3A_811 = arith.andi %xor3A_808, %and3A_810 : vector<16xi32>
      %eq3A_812 = arith.constant 0 : i32
      %eq3A_813 = vector.broadcast %eq3A_812 : i32 to vector<16xi32>
      %eq3A_814 = arith.cmpi eq, %and3A_811, %eq3A_813 : vector<16xi32>
      %min3A_815 = arith.minimumf %select_n3A_585, %gather3A_801 : vector<16xf32>
      %max3A_816 = arith.maximumf %select_n3A_585, %gather3A_801 : vector<16xf32>
      %select_n3A_817 = arith.select %eq3A_814, %min3A_815, %max3A_816 : vector<16xi1>, vector<16xf32>
      %xor3A_818 = arith.constant 1 : i32
      %xor3A_819 = vector.broadcast %xor3A_818 : i32 to vector<16xi32>
      %xor3A_820 = arith.xori %iota3A_154, %xor3A_819 : vector<16xi32>
      %lt3A_821 = arith.constant 0 : i32
      %lt3A_822 = vector.broadcast %lt3A_821 : i32 to vector<16xi32>
      %lt3A_823 = arith.cmpi slt, %xor3A_820, %lt3A_822 : vector<16xi32>
      %add3A_824 = arith.constant 16 : i32
      %add3A_825 = vector.broadcast %add3A_824 : i32 to vector<16xi32>
      %add3A_826 = arith.addi %xor3A_820, %add3A_825 : vector<16xi32>
      %select_n3A_827 = arith.select %lt3A_823, %add3A_826, %xor3A_820 : vector<16xi1>, vector<16xi32>
      %broadcast_in_dim3A_828 = vector.shape_cast %select_n3A_827 : vector<16xi32> to vector<16x1xi32>
      %gather3A_829 = vector.shape_cast %broadcast_in_dim3A_828 : vector<16x1xi32> to vector<16xi32>
      %gather3A_830 = tpu.dynamic_gather %select_n3A_614[%gather3A_829] in [0] : vector<16xf32>, vector<16xi32> -> vector<16xf32>
      %shift_right_arithmetic3A_831 = arith.constant 0 : i32
      %shift_right_arithmetic3A_832 = vector.broadcast %shift_right_arithmetic3A_831 : i32 to vector<16xi32>
      %shift_right_arithmetic3A_833 = arith.shrsi %iota3A_154, %shift_right_arithmetic3A_832 : vector<16xi32>
      %shift_right_arithmetic3A_834 = arith.constant 2 : i32
      %shift_right_arithmetic3A_835 = vector.broadcast %shift_right_arithmetic3A_834 : i32 to vector<16xi32>
      %shift_right_arithmetic3A_836 = arith.shrsi %iota3A_154, %shift_right_arithmetic3A_835 : vector<16xi32>
      %xor3A_837 = arith.xori %shift_right_arithmetic3A_833, %shift_right_arithmetic3A_836 : vector<16xi32>
      %and3A_838 = arith.constant 1 : i32
      %and3A_839 = vector.broadcast %and3A_838 : i32 to vector<16xi32>
      %and3A_840 = arith.andi %xor3A_837, %and3A_839 : vector<16xi32>
      %eq3A_841 = arith.constant 0 : i32
      %eq3A_842 = vector.broadcast %eq3A_841 : i32 to vector<16xi32>
      %eq3A_843 = arith.cmpi eq, %and3A_840, %eq3A_842 : vector<16xi32>
      %min3A_844 = arith.minimumf %select_n3A_614, %gather3A_830 : vector<16xf32>
      %max3A_845 = arith.maximumf %select_n3A_614, %gather3A_830 : vector<16xf32>
      %select_n3A_846 = arith.select %eq3A_843, %min3A_844, %max3A_845 : vector<16xi1>, vector<16xf32>
      %xor3A_847 = arith.constant 4 : i32
      %xor3A_848 = vector.broadcast %xor3A_847 : i32 to vector<16xi32>
      %xor3A_849 = arith.xori %iota3A_154, %xor3A_848 : vector<16xi32>
      %lt3A_850 = arith.constant 0 : i32
      %lt3A_851 = vector.broadcast %lt3A_850 : i32 to vector<16xi32>
      %lt3A_852 = arith.cmpi slt, %xor3A_849, %lt3A_851 : vector<16xi32>
      %add3A_853 = arith.constant 16 : i32
      %add3A_854 = vector.broadcast %add3A_853 : i32 to vector<16xi32>
      %add3A_855 = arith.addi %xor3A_849, %add3A_854 : vector<16xi32>
      %select_n3A_856 = arith.select %lt3A_852, %add3A_855, %xor3A_849 : vector<16xi1>, vector<16xi32>
      %broadcast_in_dim3A_857 = vector.shape_cast %select_n3A_856 : vector<16xi32> to vector<16x1xi32>
      %gather3A_858 = vector.shape_cast %broadcast_in_dim3A_857 : vector<16x1xi32> to vector<16xi32>
      %gather3A_859 = tpu.dynamic_gather %select_n3A_643[%gather3A_858] in [0] : vector<16xf32>, vector<16xi32> -> vector<16xf32>
      %shift_right_arithmetic3A_860 = arith.constant 2 : i32
      %shift_right_arithmetic3A_861 = vector.broadcast %shift_right_arithmetic3A_860 : i32 to vector<16xi32>
      %shift_right_arithmetic3A_862 = arith.shrsi %iota3A_154, %shift_right_arithmetic3A_861 : vector<16xi32>
      %shift_right_arithmetic3A_863 = arith.constant 3 : i32
      %shift_right_arithmetic3A_864 = vector.broadcast %shift_right_arithmetic3A_863 : i32 to vector<16xi32>
      %shift_right_arithmetic3A_865 = arith.shrsi %iota3A_154, %shift_right_arithmetic3A_864 : vector<16xi32>
      %xor3A_866 = arith.xori %shift_right_arithmetic3A_862, %shift_right_arithmetic3A_865 : vector<16xi32>
      %and3A_867 = arith.constant 1 : i32
      %and3A_868 = vector.broadcast %and3A_867 : i32 to vector<16xi32>
      %and3A_869 = arith.andi %xor3A_866, %and3A_868 : vector<16xi32>
      %eq3A_870 = arith.constant 0 : i32
      %eq3A_871 = vector.broadcast %eq3A_870 : i32 to vector<16xi32>
      %eq3A_872 = arith.cmpi eq, %and3A_869, %eq3A_871 : vector<16xi32>
      %min3A_873 = arith.minimumf %select_n3A_643, %gather3A_859 : vector<16xf32>
      %max3A_874 = arith.maximumf %select_n3A_643, %gather3A_859 : vector<16xf32>
      %select_n3A_875 = arith.select %eq3A_872, %min3A_873, %max3A_874 : vector<16xi1>, vector<16xf32>
      %xor3A_876 = arith.constant 4 : i32
      %xor3A_877 = vector.broadcast %xor3A_876 : i32 to vector<16xi32>
      %xor3A_878 = arith.xori %iota3A_154, %xor3A_877 : vector<16xi32>
      %lt3A_879 = arith.constant 0 : i32
      %lt3A_880 = vector.broadcast %lt3A_879 : i32 to vector<16xi32>
      %lt3A_881 = arith.cmpi slt, %xor3A_878, %lt3A_880 : vector<16xi32>
      %add3A_882 = arith.constant 16 : i32
      %add3A_883 = vector.broadcast %add3A_882 : i32 to vector<16xi32>
      %add3A_884 = arith.addi %xor3A_878, %add3A_883 : vector<16xi32>
      %select_n3A_885 = arith.select %lt3A_881, %add3A_884, %xor3A_878 : vector<16xi1>, vector<16xi32>
      %broadcast_in_dim3A_886 = vector.shape_cast %select_n3A_885 : vector<16xi32> to vector<16x1xi32>
      %gather3A_887 = vector.shape_cast %broadcast_in_dim3A_886 : vector<16x1xi32> to vector<16xi32>
      %gather3A_888 = tpu.dynamic_gather %select_n3A_672[%gather3A_887] in [0] : vector<16xf32>, vector<16xi32> -> vector<16xf32>
      %shift_right_arithmetic3A_889 = arith.constant 2 : i32
      %shift_right_arithmetic3A_890 = vector.broadcast %shift_right_arithmetic3A_889 : i32 to vector<16xi32>
      %shift_right_arithmetic3A_891 = arith.shrsi %iota3A_154, %shift_right_arithmetic3A_890 : vector<16xi32>
      %shift_right_arithmetic3A_892 = arith.constant 3 : i32
      %shift_right_arithmetic3A_893 = vector.broadcast %shift_right_arithmetic3A_892 : i32 to vector<16xi32>
      %shift_right_arithmetic3A_894 = arith.shrsi %iota3A_154, %shift_right_arithmetic3A_893 : vector<16xi32>
      %xor3A_895 = arith.xori %shift_right_arithmetic3A_891, %shift_right_arithmetic3A_894 : vector<16xi32>
      %and3A_896 = arith.constant 1 : i32
      %and3A_897 = vector.broadcast %and3A_896 : i32 to vector<16xi32>
      %and3A_898 = arith.andi %xor3A_895, %and3A_897 : vector<16xi32>
      %eq3A_899 = arith.constant 0 : i32
      %eq3A_900 = vector.broadcast %eq3A_899 : i32 to vector<16xi32>
      %eq3A_901 = arith.cmpi eq, %and3A_898, %eq3A_900 : vector<16xi32>
      %min3A_902 = arith.minimumf %select_n3A_672, %gather3A_888 : vector<16xf32>
      %max3A_903 = arith.maximumf %select_n3A_672, %gather3A_888 : vector<16xf32>
      %select_n3A_904 = arith.select %eq3A_901, %min3A_902, %max3A_903 : vector<16xi1>, vector<16xf32>
      %xor3A_905 = arith.constant 4 : i32
      %xor3A_906 = vector.broadcast %xor3A_905 : i32 to vector<16xi32>
      %xor3A_907 = arith.xori %iota3A_154, %xor3A_906 : vector<16xi32>
      %lt3A_908 = arith.constant 0 : i32
      %lt3A_909 = vector.broadcast %lt3A_908 : i32 to vector<16xi32>
      %lt3A_910 = arith.cmpi slt, %xor3A_907, %lt3A_909 : vector<16xi32>
      %add3A_911 = arith.constant 16 : i32
      %add3A_912 = vector.broadcast %add3A_911 : i32 to vector<16xi32>
      %add3A_913 = arith.addi %xor3A_907, %add3A_912 : vector<16xi32>
      %select_n3A_914 = arith.select %lt3A_910, %add3A_913, %xor3A_907 : vector<16xi1>, vector<16xi32>
      %broadcast_in_dim3A_915 = vector.shape_cast %select_n3A_914 : vector<16xi32> to vector<16x1xi32>
      %gather3A_916 = vector.shape_cast %broadcast_in_dim3A_915 : vector<16x1xi32> to vector<16xi32>
      %gather3A_917 = tpu.dynamic_gather %select_n3A_701[%gather3A_916] in [0] : vector<16xf32>, vector<16xi32> -> vector<16xf32>
      %shift_right_arithmetic3A_918 = arith.constant 2 : i32
      %shift_right_arithmetic3A_919 = vector.broadcast %shift_right_arithmetic3A_918 : i32 to vector<16xi32>
      %shift_right_arithmetic3A_920 = arith.shrsi %iota3A_154, %shift_right_arithmetic3A_919 : vector<16xi32>
      %shift_right_arithmetic3A_921 = arith.constant 3 : i32
      %shift_right_arithmetic3A_922 = vector.broadcast %shift_right_arithmetic3A_921 : i32 to vector<16xi32>
      %shift_right_arithmetic3A_923 = arith.shrsi %iota3A_154, %shift_right_arithmetic3A_922 : vector<16xi32>
      %xor3A_924 = arith.xori %shift_right_arithmetic3A_920, %shift_right_arithmetic3A_923 : vector<16xi32>
      %and3A_925 = arith.constant 1 : i32
      %and3A_926 = vector.broadcast %and3A_925 : i32 to vector<16xi32>
      %and3A_927 = arith.andi %xor3A_924, %and3A_926 : vector<16xi32>
      %eq3A_928 = arith.constant 0 : i32
      %eq3A_929 = vector.broadcast %eq3A_928 : i32 to vector<16xi32>
      %eq3A_930 = arith.cmpi eq, %and3A_927, %eq3A_929 : vector<16xi32>
      %min3A_931 = arith.minimumf %select_n3A_701, %gather3A_917 : vector<16xf32>
      %max3A_932 = arith.maximumf %select_n3A_701, %gather3A_917 : vector<16xf32>
      %select_n3A_933 = arith.select %eq3A_930, %min3A_931, %max3A_932 : vector<16xi1>, vector<16xf32>
      %xor3A_934 = arith.constant 4 : i32
      %xor3A_935 = vector.broadcast %xor3A_934 : i32 to vector<16xi32>
      %xor3A_936 = arith.xori %iota3A_154, %xor3A_935 : vector<16xi32>
      %lt3A_937 = arith.constant 0 : i32
      %lt3A_938 = vector.broadcast %lt3A_937 : i32 to vector<16xi32>
      %lt3A_939 = arith.cmpi slt, %xor3A_936, %lt3A_938 : vector<16xi32>
      %add3A_940 = arith.constant 16 : i32
      %add3A_941 = vector.broadcast %add3A_940 : i32 to vector<16xi32>
      %add3A_942 = arith.addi %xor3A_936, %add3A_941 : vector<16xi32>
      %select_n3A_943 = arith.select %lt3A_939, %add3A_942, %xor3A_936 : vector<16xi1>, vector<16xi32>
      %broadcast_in_dim3A_944 = vector.shape_cast %select_n3A_943 : vector<16xi32> to vector<16x1xi32>
      %gather3A_945 = vector.shape_cast %broadcast_in_dim3A_944 : vector<16x1xi32> to vector<16xi32>
      %gather3A_946 = tpu.dynamic_gather %select_n3A_730[%gather3A_945] in [0] : vector<16xf32>, vector<16xi32> -> vector<16xf32>
      %shift_right_arithmetic3A_947 = arith.constant 2 : i32
      %shift_right_arithmetic3A_948 = vector.broadcast %shift_right_arithmetic3A_947 : i32 to vector<16xi32>
      %shift_right_arithmetic3A_949 = arith.shrsi %iota3A_154, %shift_right_arithmetic3A_948 : vector<16xi32>
      %shift_right_arithmetic3A_950 = arith.constant 3 : i32
      %shift_right_arithmetic3A_951 = vector.broadcast %shift_right_arithmetic3A_950 : i32 to vector<16xi32>
      %shift_right_arithmetic3A_952 = arith.shrsi %iota3A_154, %shift_right_arithmetic3A_951 : vector<16xi32>
      %xor3A_953 = arith.xori %shift_right_arithmetic3A_949, %shift_right_arithmetic3A_952 : vector<16xi32>
      %and3A_954 = arith.constant 1 : i32
      %and3A_955 = vector.broadcast %and3A_954 : i32 to vector<16xi32>
      %and3A_956 = arith.andi %xor3A_953, %and3A_955 : vector<16xi32>
      %eq3A_957 = arith.constant 0 : i32
      %eq3A_958 = vector.broadcast %eq3A_957 : i32 to vector<16xi32>
      %eq3A_959 = arith.cmpi eq, %and3A_956, %eq3A_958 : vector<16xi32>
      %min3A_960 = arith.minimumf %select_n3A_730, %gather3A_946 : vector<16xf32>
      %max3A_961 = arith.maximumf %select_n3A_730, %gather3A_946 : vector<16xf32>
      %select_n3A_962 = arith.select %eq3A_959, %min3A_960, %max3A_961 : vector<16xi1>, vector<16xf32>
      %xor3A_963 = arith.constant 4 : i32
      %xor3A_964 = vector.broadcast %xor3A_963 : i32 to vector<16xi32>
      %xor3A_965 = arith.xori %iota3A_154, %xor3A_964 : vector<16xi32>
      %lt3A_966 = arith.constant 0 : i32
      %lt3A_967 = vector.broadcast %lt3A_966 : i32 to vector<16xi32>
      %lt3A_968 = arith.cmpi slt, %xor3A_965, %lt3A_967 : vector<16xi32>
      %add3A_969 = arith.constant 16 : i32
      %add3A_970 = vector.broadcast %add3A_969 : i32 to vector<16xi32>
      %add3A_971 = arith.addi %xor3A_965, %add3A_970 : vector<16xi32>
      %select_n3A_972 = arith.select %lt3A_968, %add3A_971, %xor3A_965 : vector<16xi1>, vector<16xi32>
      %broadcast_in_dim3A_973 = vector.shape_cast %select_n3A_972 : vector<16xi32> to vector<16x1xi32>
      %gather3A_974 = vector.shape_cast %broadcast_in_dim3A_973 : vector<16x1xi32> to vector<16xi32>
      %gather3A_975 = tpu.dynamic_gather %select_n3A_759[%gather3A_974] in [0] : vector<16xf32>, vector<16xi32> -> vector<16xf32>
      %shift_right_arithmetic3A_976 = arith.constant 2 : i32
      %shift_right_arithmetic3A_977 = vector.broadcast %shift_right_arithmetic3A_976 : i32 to vector<16xi32>
      %shift_right_arithmetic3A_978 = arith.shrsi %iota3A_154, %shift_right_arithmetic3A_977 : vector<16xi32>
      %shift_right_arithmetic3A_979 = arith.constant 3 : i32
      %shift_right_arithmetic3A_980 = vector.broadcast %shift_right_arithmetic3A_979 : i32 to vector<16xi32>
      %shift_right_arithmetic3A_981 = arith.shrsi %iota3A_154, %shift_right_arithmetic3A_980 : vector<16xi32>
      %xor3A_982 = arith.xori %shift_right_arithmetic3A_978, %shift_right_arithmetic3A_981 : vector<16xi32>
      %and3A_983 = arith.constant 1 : i32
      %and3A_984 = vector.broadcast %and3A_983 : i32 to vector<16xi32>
      %and3A_985 = arith.andi %xor3A_982, %and3A_984 : vector<16xi32>
      %eq3A_986 = arith.constant 0 : i32
      %eq3A_987 = vector.broadcast %eq3A_986 : i32 to vector<16xi32>
      %eq3A_988 = arith.cmpi eq, %and3A_985, %eq3A_987 : vector<16xi32>
      %min3A_989 = arith.minimumf %select_n3A_759, %gather3A_975 : vector<16xf32>
      %max3A_990 = arith.maximumf %select_n3A_759, %gather3A_975 : vector<16xf32>
      %select_n3A_991 = arith.select %eq3A_988, %min3A_989, %max3A_990 : vector<16xi1>, vector<16xf32>
      %xor3A_992 = arith.constant 4 : i32
      %xor3A_993 = vector.broadcast %xor3A_992 : i32 to vector<16xi32>
      %xor3A_994 = arith.xori %iota3A_154, %xor3A_993 : vector<16xi32>
      %lt3A_995 = arith.constant 0 : i32
      %lt3A_996 = vector.broadcast %lt3A_995 : i32 to vector<16xi32>
      %lt3A_997 = arith.cmpi slt, %xor3A_994, %lt3A_996 : vector<16xi32>
      %add3A_998 = arith.constant 16 : i32
      %add3A_999 = vector.broadcast %add3A_998 : i32 to vector<16xi32>
      %add3A_1000 = arith.addi %xor3A_994, %add3A_999 : vector<16xi32>
      %select_n3A_1001 = arith.select %lt3A_997, %add3A_1000, %xor3A_994 : vector<16xi1>, vector<16xi32>
      %broadcast_in_dim3A_1002 = vector.shape_cast %select_n3A_1001 : vector<16xi32> to vector<16x1xi32>
      %gather3A_1003 = vector.shape_cast %broadcast_in_dim3A_1002 : vector<16x1xi32> to vector<16xi32>
      %gather3A_1004 = tpu.dynamic_gather %select_n3A_788[%gather3A_1003] in [0] : vector<16xf32>, vector<16xi32> -> vector<16xf32>
      %shift_right_arithmetic3A_1005 = arith.constant 2 : i32
      %shift_right_arithmetic3A_1006 = vector.broadcast %shift_right_arithmetic3A_1005 : i32 to vector<16xi32>
      %shift_right_arithmetic3A_1007 = arith.shrsi %iota3A_154, %shift_right_arithmetic3A_1006 : vector<16xi32>
      %shift_right_arithmetic3A_1008 = arith.constant 3 : i32
      %shift_right_arithmetic3A_1009 = vector.broadcast %shift_right_arithmetic3A_1008 : i32 to vector<16xi32>
      %shift_right_arithmetic3A_1010 = arith.shrsi %iota3A_154, %shift_right_arithmetic3A_1009 : vector<16xi32>
      %xor3A_1011 = arith.xori %shift_right_arithmetic3A_1007, %shift_right_arithmetic3A_1010 : vector<16xi32>
      %and3A_1012 = arith.constant 1 : i32
      %and3A_1013 = vector.broadcast %and3A_1012 : i32 to vector<16xi32>
      %and3A_1014 = arith.andi %xor3A_1011, %and3A_1013 : vector<16xi32>
      %eq3A_1015 = arith.constant 0 : i32
      %eq3A_1016 = vector.broadcast %eq3A_1015 : i32 to vector<16xi32>
      %eq3A_1017 = arith.cmpi eq, %and3A_1014, %eq3A_1016 : vector<16xi32>
      %min3A_1018 = arith.minimumf %select_n3A_788, %gather3A_1004 : vector<16xf32>
      %max3A_1019 = arith.maximumf %select_n3A_788, %gather3A_1004 : vector<16xf32>
      %select_n3A_1020 = arith.select %eq3A_1017, %min3A_1018, %max3A_1019 : vector<16xi1>, vector<16xf32>
      %xor3A_1021 = arith.constant 4 : i32
      %xor3A_1022 = vector.broadcast %xor3A_1021 : i32 to vector<16xi32>
      %xor3A_1023 = arith.xori %iota3A_154, %xor3A_1022 : vector<16xi32>
      %lt3A_1024 = arith.constant 0 : i32
      %lt3A_1025 = vector.broadcast %lt3A_1024 : i32 to vector<16xi32>
      %lt3A_1026 = arith.cmpi slt, %xor3A_1023, %lt3A_1025 : vector<16xi32>
      %add3A_1027 = arith.constant 16 : i32
      %add3A_1028 = vector.broadcast %add3A_1027 : i32 to vector<16xi32>
      %add3A_1029 = arith.addi %xor3A_1023, %add3A_1028 : vector<16xi32>
      %select_n3A_1030 = arith.select %lt3A_1026, %add3A_1029, %xor3A_1023 : vector<16xi1>, vector<16xi32>
      %broadcast_in_dim3A_1031 = vector.shape_cast %select_n3A_1030 : vector<16xi32> to vector<16x1xi32>
      %gather3A_1032 = vector.shape_cast %broadcast_in_dim3A_1031 : vector<16x1xi32> to vector<16xi32>
      %gather3A_1033 = tpu.dynamic_gather %select_n3A_817[%gather3A_1032] in [0] : vector<16xf32>, vector<16xi32> -> vector<16xf32>
      %shift_right_arithmetic3A_1034 = arith.constant 2 : i32
      %shift_right_arithmetic3A_1035 = vector.broadcast %shift_right_arithmetic3A_1034 : i32 to vector<16xi32>
      %shift_right_arithmetic3A_1036 = arith.shrsi %iota3A_154, %shift_right_arithmetic3A_1035 : vector<16xi32>
      %shift_right_arithmetic3A_1037 = arith.constant 3 : i32
      %shift_right_arithmetic3A_1038 = vector.broadcast %shift_right_arithmetic3A_1037 : i32 to vector<16xi32>
      %shift_right_arithmetic3A_1039 = arith.shrsi %iota3A_154, %shift_right_arithmetic3A_1038 : vector<16xi32>
      %xor3A_1040 = arith.xori %shift_right_arithmetic3A_1036, %shift_right_arithmetic3A_1039 : vector<16xi32>
      %and3A_1041 = arith.constant 1 : i32
      %and3A_1042 = vector.broadcast %and3A_1041 : i32 to vector<16xi32>
      %and3A_1043 = arith.andi %xor3A_1040, %and3A_1042 : vector<16xi32>
      %eq3A_1044 = arith.constant 0 : i32
      %eq3A_1045 = vector.broadcast %eq3A_1044 : i32 to vector<16xi32>
      %eq3A_1046 = arith.cmpi eq, %and3A_1043, %eq3A_1045 : vector<16xi32>
      %min3A_1047 = arith.minimumf %select_n3A_817, %gather3A_1033 : vector<16xf32>
      %max3A_1048 = arith.maximumf %select_n3A_817, %gather3A_1033 : vector<16xf32>
      %select_n3A_1049 = arith.select %eq3A_1046, %min3A_1047, %max3A_1048 : vector<16xi1>, vector<16xf32>
      %xor3A_1050 = arith.constant 4 : i32
      %xor3A_1051 = vector.broadcast %xor3A_1050 : i32 to vector<16xi32>
      %xor3A_1052 = arith.xori %iota3A_154, %xor3A_1051 : vector<16xi32>
      %lt3A_1053 = arith.constant 0 : i32
      %lt3A_1054 = vector.broadcast %lt3A_1053 : i32 to vector<16xi32>
      %lt3A_1055 = arith.cmpi slt, %xor3A_1052, %lt3A_1054 : vector<16xi32>
      %add3A_1056 = arith.constant 16 : i32
      %add3A_1057 = vector.broadcast %add3A_1056 : i32 to vector<16xi32>
      %add3A_1058 = arith.addi %xor3A_1052, %add3A_1057 : vector<16xi32>
      %select_n3A_1059 = arith.select %lt3A_1055, %add3A_1058, %xor3A_1052 : vector<16xi1>, vector<16xi32>
      %broadcast_in_dim3A_1060 = vector.shape_cast %select_n3A_1059 : vector<16xi32> to vector<16x1xi32>
      %gather3A_1061 = vector.shape_cast %broadcast_in_dim3A_1060 : vector<16x1xi32> to vector<16xi32>
      %gather3A_1062 = tpu.dynamic_gather %select_n3A_846[%gather3A_1061] in [0] : vector<16xf32>, vector<16xi32> -> vector<16xf32>
      %shift_right_arithmetic3A_1063 = arith.constant 2 : i32
      %shift_right_arithmetic3A_1064 = vector.broadcast %shift_right_arithmetic3A_1063 : i32 to vector<16xi32>
      %shift_right_arithmetic3A_1065 = arith.shrsi %iota3A_154, %shift_right_arithmetic3A_1064 : vector<16xi32>
      %shift_right_arithmetic3A_1066 = arith.constant 3 : i32
      %shift_right_arithmetic3A_1067 = vector.broadcast %shift_right_arithmetic3A_1066 : i32 to vector<16xi32>
      %shift_right_arithmetic3A_1068 = arith.shrsi %iota3A_154, %shift_right_arithmetic3A_1067 : vector<16xi32>
      %xor3A_1069 = arith.xori %shift_right_arithmetic3A_1065, %shift_right_arithmetic3A_1068 : vector<16xi32>
      %and3A_1070 = arith.constant 1 : i32
      %and3A_1071 = vector.broadcast %and3A_1070 : i32 to vector<16xi32>
      %and3A_1072 = arith.andi %xor3A_1069, %and3A_1071 : vector<16xi32>
      %eq3A_1073 = arith.constant 0 : i32
      %eq3A_1074 = vector.broadcast %eq3A_1073 : i32 to vector<16xi32>
      %eq3A_1075 = arith.cmpi eq, %and3A_1072, %eq3A_1074 : vector<16xi32>
      %min3A_1076 = arith.minimumf %select_n3A_846, %gather3A_1062 : vector<16xf32>
      %max3A_1077 = arith.maximumf %select_n3A_846, %gather3A_1062 : vector<16xf32>
      %select_n3A_1078 = arith.select %eq3A_1075, %min3A_1076, %max3A_1077 : vector<16xi1>, vector<16xf32>
      %xor3A_1079 = arith.constant 2 : i32
      %xor3A_1080 = vector.broadcast %xor3A_1079 : i32 to vector<16xi32>
      %xor3A_1081 = arith.xori %iota3A_154, %xor3A_1080 : vector<16xi32>
      %lt3A_1082 = arith.constant 0 : i32
      %lt3A_1083 = vector.broadcast %lt3A_1082 : i32 to vector<16xi32>
      %lt3A_1084 = arith.cmpi slt, %xor3A_1081, %lt3A_1083 : vector<16xi32>
      %add3A_1085 = arith.constant 16 : i32
      %add3A_1086 = vector.broadcast %add3A_1085 : i32 to vector<16xi32>
      %add3A_1087 = arith.addi %xor3A_1081, %add3A_1086 : vector<16xi32>
      %select_n3A_1088 = arith.select %lt3A_1084, %add3A_1087, %xor3A_1081 : vector<16xi1>, vector<16xi32>
      %broadcast_in_dim3A_1089 = vector.shape_cast %select_n3A_1088 : vector<16xi32> to vector<16x1xi32>
      %gather3A_1090 = vector.shape_cast %broadcast_in_dim3A_1089 : vector<16x1xi32> to vector<16xi32>
      %gather3A_1091 = tpu.dynamic_gather %select_n3A_875[%gather3A_1090] in [0] : vector<16xf32>, vector<16xi32> -> vector<16xf32>
      %shift_right_arithmetic3A_1092 = arith.constant 1 : i32
      %shift_right_arithmetic3A_1093 = vector.broadcast %shift_right_arithmetic3A_1092 : i32 to vector<16xi32>
      %shift_right_arithmetic3A_1094 = arith.shrsi %iota3A_154, %shift_right_arithmetic3A_1093 : vector<16xi32>
      %shift_right_arithmetic3A_1095 = arith.constant 3 : i32
      %shift_right_arithmetic3A_1096 = vector.broadcast %shift_right_arithmetic3A_1095 : i32 to vector<16xi32>
      %shift_right_arithmetic3A_1097 = arith.shrsi %iota3A_154, %shift_right_arithmetic3A_1096 : vector<16xi32>
      %xor3A_1098 = arith.xori %shift_right_arithmetic3A_1094, %shift_right_arithmetic3A_1097 : vector<16xi32>
      %and3A_1099 = arith.constant 1 : i32
      %and3A_1100 = vector.broadcast %and3A_1099 : i32 to vector<16xi32>
      %and3A_1101 = arith.andi %xor3A_1098, %and3A_1100 : vector<16xi32>
      %eq3A_1102 = arith.constant 0 : i32
      %eq3A_1103 = vector.broadcast %eq3A_1102 : i32 to vector<16xi32>
      %eq3A_1104 = arith.cmpi eq, %and3A_1101, %eq3A_1103 : vector<16xi32>
      %min3A_1105 = arith.minimumf %select_n3A_875, %gather3A_1091 : vector<16xf32>
      %max3A_1106 = arith.maximumf %select_n3A_875, %gather3A_1091 : vector<16xf32>
      %select_n3A_1107 = arith.select %eq3A_1104, %min3A_1105, %max3A_1106 : vector<16xi1>, vector<16xf32>
      %xor3A_1108 = arith.constant 2 : i32
      %xor3A_1109 = vector.broadcast %xor3A_1108 : i32 to vector<16xi32>
      %xor3A_1110 = arith.xori %iota3A_154, %xor3A_1109 : vector<16xi32>
      %lt3A_1111 = arith.constant 0 : i32
      %lt3A_1112 = vector.broadcast %lt3A_1111 : i32 to vector<16xi32>
      %lt3A_1113 = arith.cmpi slt, %xor3A_1110, %lt3A_1112 : vector<16xi32>
      %add3A_1114 = arith.constant 16 : i32
      %add3A_1115 = vector.broadcast %add3A_1114 : i32 to vector<16xi32>
      %add3A_1116 = arith.addi %xor3A_1110, %add3A_1115 : vector<16xi32>
      %select_n3A_1117 = arith.select %lt3A_1113, %add3A_1116, %xor3A_1110 : vector<16xi1>, vector<16xi32>
      %broadcast_in_dim3A_1118 = vector.shape_cast %select_n3A_1117 : vector<16xi32> to vector<16x1xi32>
      %gather3A_1119 = vector.shape_cast %broadcast_in_dim3A_1118 : vector<16x1xi32> to vector<16xi32>
      %gather3A_1120 = tpu.dynamic_gather %select_n3A_904[%gather3A_1119] in [0] : vector<16xf32>, vector<16xi32> -> vector<16xf32>
      %shift_right_arithmetic3A_1121 = arith.constant 1 : i32
      %shift_right_arithmetic3A_1122 = vector.broadcast %shift_right_arithmetic3A_1121 : i32 to vector<16xi32>
      %shift_right_arithmetic3A_1123 = arith.shrsi %iota3A_154, %shift_right_arithmetic3A_1122 : vector<16xi32>
      %shift_right_arithmetic3A_1124 = arith.constant 3 : i32
      %shift_right_arithmetic3A_1125 = vector.broadcast %shift_right_arithmetic3A_1124 : i32 to vector<16xi32>
      %shift_right_arithmetic3A_1126 = arith.shrsi %iota3A_154, %shift_right_arithmetic3A_1125 : vector<16xi32>
      %xor3A_1127 = arith.xori %shift_right_arithmetic3A_1123, %shift_right_arithmetic3A_1126 : vector<16xi32>
      %and3A_1128 = arith.constant 1 : i32
      %and3A_1129 = vector.broadcast %and3A_1128 : i32 to vector<16xi32>
      %and3A_1130 = arith.andi %xor3A_1127, %and3A_1129 : vector<16xi32>
      %eq3A_1131 = arith.constant 0 : i32
      %eq3A_1132 = vector.broadcast %eq3A_1131 : i32 to vector<16xi32>
      %eq3A_1133 = arith.cmpi eq, %and3A_1130, %eq3A_1132 : vector<16xi32>
      %min3A_1134 = arith.minimumf %select_n3A_904, %gather3A_1120 : vector<16xf32>
      %max3A_1135 = arith.maximumf %select_n3A_904, %gather3A_1120 : vector<16xf32>
      %select_n3A_1136 = arith.select %eq3A_1133, %min3A_1134, %max3A_1135 : vector<16xi1>, vector<16xf32>
      %xor3A_1137 = arith.constant 2 : i32
      %xor3A_1138 = vector.broadcast %xor3A_1137 : i32 to vector<16xi32>
      %xor3A_1139 = arith.xori %iota3A_154, %xor3A_1138 : vector<16xi32>
      %lt3A_1140 = arith.constant 0 : i32
      %lt3A_1141 = vector.broadcast %lt3A_1140 : i32 to vector<16xi32>
      %lt3A_1142 = arith.cmpi slt, %xor3A_1139, %lt3A_1141 : vector<16xi32>
      %add3A_1143 = arith.constant 16 : i32
      %add3A_1144 = vector.broadcast %add3A_1143 : i32 to vector<16xi32>
      %add3A_1145 = arith.addi %xor3A_1139, %add3A_1144 : vector<16xi32>
      %select_n3A_1146 = arith.select %lt3A_1142, %add3A_1145, %xor3A_1139 : vector<16xi1>, vector<16xi32>
      %broadcast_in_dim3A_1147 = vector.shape_cast %select_n3A_1146 : vector<16xi32> to vector<16x1xi32>
      %gather3A_1148 = vector.shape_cast %broadcast_in_dim3A_1147 : vector<16x1xi32> to vector<16xi32>
      %gather3A_1149 = tpu.dynamic_gather %select_n3A_933[%gather3A_1148] in [0] : vector<16xf32>, vector<16xi32> -> vector<16xf32>
      %shift_right_arithmetic3A_1150 = arith.constant 1 : i32
      %shift_right_arithmetic3A_1151 = vector.broadcast %shift_right_arithmetic3A_1150 : i32 to vector<16xi32>
      %shift_right_arithmetic3A_1152 = arith.shrsi %iota3A_154, %shift_right_arithmetic3A_1151 : vector<16xi32>
      %shift_right_arithmetic3A_1153 = arith.constant 3 : i32
      %shift_right_arithmetic3A_1154 = vector.broadcast %shift_right_arithmetic3A_1153 : i32 to vector<16xi32>
      %shift_right_arithmetic3A_1155 = arith.shrsi %iota3A_154, %shift_right_arithmetic3A_1154 : vector<16xi32>
      %xor3A_1156 = arith.xori %shift_right_arithmetic3A_1152, %shift_right_arithmetic3A_1155 : vector<16xi32>
      %and3A_1157 = arith.constant 1 : i32
      %and3A_1158 = vector.broadcast %and3A_1157 : i32 to vector<16xi32>
      %and3A_1159 = arith.andi %xor3A_1156, %and3A_1158 : vector<16xi32>
      %eq3A_1160 = arith.constant 0 : i32
      %eq3A_1161 = vector.broadcast %eq3A_1160 : i32 to vector<16xi32>
      %eq3A_1162 = arith.cmpi eq, %and3A_1159, %eq3A_1161 : vector<16xi32>
      %min3A_1163 = arith.minimumf %select_n3A_933, %gather3A_1149 : vector<16xf32>
      %max3A_1164 = arith.maximumf %select_n3A_933, %gather3A_1149 : vector<16xf32>
      %select_n3A_1165 = arith.select %eq3A_1162, %min3A_1163, %max3A_1164 : vector<16xi1>, vector<16xf32>
      %xor3A_1166 = arith.constant 2 : i32
      %xor3A_1167 = vector.broadcast %xor3A_1166 : i32 to vector<16xi32>
      %xor3A_1168 = arith.xori %iota3A_154, %xor3A_1167 : vector<16xi32>
      %lt3A_1169 = arith.constant 0 : i32
      %lt3A_1170 = vector.broadcast %lt3A_1169 : i32 to vector<16xi32>
      %lt3A_1171 = arith.cmpi slt, %xor3A_1168, %lt3A_1170 : vector<16xi32>
      %add3A_1172 = arith.constant 16 : i32
      %add3A_1173 = vector.broadcast %add3A_1172 : i32 to vector<16xi32>
      %add3A_1174 = arith.addi %xor3A_1168, %add3A_1173 : vector<16xi32>
      %select_n3A_1175 = arith.select %lt3A_1171, %add3A_1174, %xor3A_1168 : vector<16xi1>, vector<16xi32>
      %broadcast_in_dim3A_1176 = vector.shape_cast %select_n3A_1175 : vector<16xi32> to vector<16x1xi32>
      %gather3A_1177 = vector.shape_cast %broadcast_in_dim3A_1176 : vector<16x1xi32> to vector<16xi32>
      %gather3A_1178 = tpu.dynamic_gather %select_n3A_962[%gather3A_1177] in [0] : vector<16xf32>, vector<16xi32> -> vector<16xf32>
      %shift_right_arithmetic3A_1179 = arith.constant 1 : i32
      %shift_right_arithmetic3A_1180 = vector.broadcast %shift_right_arithmetic3A_1179 : i32 to vector<16xi32>
      %shift_right_arithmetic3A_1181 = arith.shrsi %iota3A_154, %shift_right_arithmetic3A_1180 : vector<16xi32>
      %shift_right_arithmetic3A_1182 = arith.constant 3 : i32
      %shift_right_arithmetic3A_1183 = vector.broadcast %shift_right_arithmetic3A_1182 : i32 to vector<16xi32>
      %shift_right_arithmetic3A_1184 = arith.shrsi %iota3A_154, %shift_right_arithmetic3A_1183 : vector<16xi32>
      %xor3A_1185 = arith.xori %shift_right_arithmetic3A_1181, %shift_right_arithmetic3A_1184 : vector<16xi32>
      %and3A_1186 = arith.constant 1 : i32
      %and3A_1187 = vector.broadcast %and3A_1186 : i32 to vector<16xi32>
      %and3A_1188 = arith.andi %xor3A_1185, %and3A_1187 : vector<16xi32>
      %eq3A_1189 = arith.constant 0 : i32
      %eq3A_1190 = vector.broadcast %eq3A_1189 : i32 to vector<16xi32>
      %eq3A_1191 = arith.cmpi eq, %and3A_1188, %eq3A_1190 : vector<16xi32>
      %min3A_1192 = arith.minimumf %select_n3A_962, %gather3A_1178 : vector<16xf32>
      %max3A_1193 = arith.maximumf %select_n3A_962, %gather3A_1178 : vector<16xf32>
      %select_n3A_1194 = arith.select %eq3A_1191, %min3A_1192, %max3A_1193 : vector<16xi1>, vector<16xf32>
      %xor3A_1195 = arith.constant 2 : i32
      %xor3A_1196 = vector.broadcast %xor3A_1195 : i32 to vector<16xi32>
      %xor3A_1197 = arith.xori %iota3A_154, %xor3A_1196 : vector<16xi32>
      %lt3A_1198 = arith.constant 0 : i32
      %lt3A_1199 = vector.broadcast %lt3A_1198 : i32 to vector<16xi32>
      %lt3A_1200 = arith.cmpi slt, %xor3A_1197, %lt3A_1199 : vector<16xi32>
      %add3A_1201 = arith.constant 16 : i32
      %add3A_1202 = vector.broadcast %add3A_1201 : i32 to vector<16xi32>
      %add3A_1203 = arith.addi %xor3A_1197, %add3A_1202 : vector<16xi32>
      %select_n3A_1204 = arith.select %lt3A_1200, %add3A_1203, %xor3A_1197 : vector<16xi1>, vector<16xi32>
      %broadcast_in_dim3A_1205 = vector.shape_cast %select_n3A_1204 : vector<16xi32> to vector<16x1xi32>
      %gather3A_1206 = vector.shape_cast %broadcast_in_dim3A_1205 : vector<16x1xi32> to vector<16xi32>
      %gather3A_1207 = tpu.dynamic_gather %select_n3A_991[%gather3A_1206] in [0] : vector<16xf32>, vector<16xi32> -> vector<16xf32>
      %shift_right_arithmetic3A_1208 = arith.constant 1 : i32
      %shift_right_arithmetic3A_1209 = vector.broadcast %shift_right_arithmetic3A_1208 : i32 to vector<16xi32>
      %shift_right_arithmetic3A_1210 = arith.shrsi %iota3A_154, %shift_right_arithmetic3A_1209 : vector<16xi32>
      %shift_right_arithmetic3A_1211 = arith.constant 3 : i32
      %shift_right_arithmetic3A_1212 = vector.broadcast %shift_right_arithmetic3A_1211 : i32 to vector<16xi32>
      %shift_right_arithmetic3A_1213 = arith.shrsi %iota3A_154, %shift_right_arithmetic3A_1212 : vector<16xi32>
      %xor3A_1214 = arith.xori %shift_right_arithmetic3A_1210, %shift_right_arithmetic3A_1213 : vector<16xi32>
      %and3A_1215 = arith.constant 1 : i32
      %and3A_1216 = vector.broadcast %and3A_1215 : i32 to vector<16xi32>
      %and3A_1217 = arith.andi %xor3A_1214, %and3A_1216 : vector<16xi32>
      %eq3A_1218 = arith.constant 0 : i32
      %eq3A_1219 = vector.broadcast %eq3A_1218 : i32 to vector<16xi32>
      %eq3A_1220 = arith.cmpi eq, %and3A_1217, %eq3A_1219 : vector<16xi32>
      %min3A_1221 = arith.minimumf %select_n3A_991, %gather3A_1207 : vector<16xf32>
      %max3A_1222 = arith.maximumf %select_n3A_991, %gather3A_1207 : vector<16xf32>
      %select_n3A_1223 = arith.select %eq3A_1220, %min3A_1221, %max3A_1222 : vector<16xi1>, vector<16xf32>
      %xor3A_1224 = arith.constant 2 : i32
      %xor3A_1225 = vector.broadcast %xor3A_1224 : i32 to vector<16xi32>
      %xor3A_1226 = arith.xori %iota3A_154, %xor3A_1225 : vector<16xi32>
      %lt3A_1227 = arith.constant 0 : i32
      %lt3A_1228 = vector.broadcast %lt3A_1227 : i32 to vector<16xi32>
      %lt3A_1229 = arith.cmpi slt, %xor3A_1226, %lt3A_1228 : vector<16xi32>
      %add3A_1230 = arith.constant 16 : i32
      %add3A_1231 = vector.broadcast %add3A_1230 : i32 to vector<16xi32>
      %add3A_1232 = arith.addi %xor3A_1226, %add3A_1231 : vector<16xi32>
      %select_n3A_1233 = arith.select %lt3A_1229, %add3A_1232, %xor3A_1226 : vector<16xi1>, vector<16xi32>
      %broadcast_in_dim3A_1234 = vector.shape_cast %select_n3A_1233 : vector<16xi32> to vector<16x1xi32>
      %gather3A_1235 = vector.shape_cast %broadcast_in_dim3A_1234 : vector<16x1xi32> to vector<16xi32>
      %gather3A_1236 = tpu.dynamic_gather %select_n3A_1020[%gather3A_1235] in [0] : vector<16xf32>, vector<16xi32> -> vector<16xf32>
      %shift_right_arithmetic3A_1237 = arith.constant 1 : i32
      %shift_right_arithmetic3A_1238 = vector.broadcast %shift_right_arithmetic3A_1237 : i32 to vector<16xi32>
      %shift_right_arithmetic3A_1239 = arith.shrsi %iota3A_154, %shift_right_arithmetic3A_1238 : vector<16xi32>
      %shift_right_arithmetic3A_1240 = arith.constant 3 : i32
      %shift_right_arithmetic3A_1241 = vector.broadcast %shift_right_arithmetic3A_1240 : i32 to vector<16xi32>
      %shift_right_arithmetic3A_1242 = arith.shrsi %iota3A_154, %shift_right_arithmetic3A_1241 : vector<16xi32>
      %xor3A_1243 = arith.xori %shift_right_arithmetic3A_1239, %shift_right_arithmetic3A_1242 : vector<16xi32>
      %and3A_1244 = arith.constant 1 : i32
      %and3A_1245 = vector.broadcast %and3A_1244 : i32 to vector<16xi32>
      %and3A_1246 = arith.andi %xor3A_1243, %and3A_1245 : vector<16xi32>
      %eq3A_1247 = arith.constant 0 : i32
      %eq3A_1248 = vector.broadcast %eq3A_1247 : i32 to vector<16xi32>
      %eq3A_1249 = arith.cmpi eq, %and3A_1246, %eq3A_1248 : vector<16xi32>
      %min3A_1250 = arith.minimumf %select_n3A_1020, %gather3A_1236 : vector<16xf32>
      %max3A_1251 = arith.maximumf %select_n3A_1020, %gather3A_1236 : vector<16xf32>
      %select_n3A_1252 = arith.select %eq3A_1249, %min3A_1250, %max3A_1251 : vector<16xi1>, vector<16xf32>
      %xor3A_1253 = arith.constant 2 : i32
      %xor3A_1254 = vector.broadcast %xor3A_1253 : i32 to vector<16xi32>
      %xor3A_1255 = arith.xori %iota3A_154, %xor3A_1254 : vector<16xi32>
      %lt3A_1256 = arith.constant 0 : i32
      %lt3A_1257 = vector.broadcast %lt3A_1256 : i32 to vector<16xi32>
      %lt3A_1258 = arith.cmpi slt, %xor3A_1255, %lt3A_1257 : vector<16xi32>
      %add3A_1259 = arith.constant 16 : i32
      %add3A_1260 = vector.broadcast %add3A_1259 : i32 to vector<16xi32>
      %add3A_1261 = arith.addi %xor3A_1255, %add3A_1260 : vector<16xi32>
      %select_n3A_1262 = arith.select %lt3A_1258, %add3A_1261, %xor3A_1255 : vector<16xi1>, vector<16xi32>
      %broadcast_in_dim3A_1263 = vector.shape_cast %select_n3A_1262 : vector<16xi32> to vector<16x1xi32>
      %gather3A_1264 = vector.shape_cast %broadcast_in_dim3A_1263 : vector<16x1xi32> to vector<16xi32>
      %gather3A_1265 = tpu.dynamic_gather %select_n3A_1049[%gather3A_1264] in [0] : vector<16xf32>, vector<16xi32> -> vector<16xf32>
      %shift_right_arithmetic3A_1266 = arith.constant 1 : i32
      %shift_right_arithmetic3A_1267 = vector.broadcast %shift_right_arithmetic3A_1266 : i32 to vector<16xi32>
      %shift_right_arithmetic3A_1268 = arith.shrsi %iota3A_154, %shift_right_arithmetic3A_1267 : vector<16xi32>
      %shift_right_arithmetic3A_1269 = arith.constant 3 : i32
      %shift_right_arithmetic3A_1270 = vector.broadcast %shift_right_arithmetic3A_1269 : i32 to vector<16xi32>
      %shift_right_arithmetic3A_1271 = arith.shrsi %iota3A_154, %shift_right_arithmetic3A_1270 : vector<16xi32>
      %xor3A_1272 = arith.xori %shift_right_arithmetic3A_1268, %shift_right_arithmetic3A_1271 : vector<16xi32>
      %and3A_1273 = arith.constant 1 : i32
      %and3A_1274 = vector.broadcast %and3A_1273 : i32 to vector<16xi32>
      %and3A_1275 = arith.andi %xor3A_1272, %and3A_1274 : vector<16xi32>
      %eq3A_1276 = arith.constant 0 : i32
      %eq3A_1277 = vector.broadcast %eq3A_1276 : i32 to vector<16xi32>
      %eq3A_1278 = arith.cmpi eq, %and3A_1275, %eq3A_1277 : vector<16xi32>
      %min3A_1279 = arith.minimumf %select_n3A_1049, %gather3A_1265 : vector<16xf32>
      %max3A_1280 = arith.maximumf %select_n3A_1049, %gather3A_1265 : vector<16xf32>
      %select_n3A_1281 = arith.select %eq3A_1278, %min3A_1279, %max3A_1280 : vector<16xi1>, vector<16xf32>
      %xor3A_1282 = arith.constant 2 : i32
      %xor3A_1283 = vector.broadcast %xor3A_1282 : i32 to vector<16xi32>
      %xor3A_1284 = arith.xori %iota3A_154, %xor3A_1283 : vector<16xi32>
      %lt3A_1285 = arith.constant 0 : i32
      %lt3A_1286 = vector.broadcast %lt3A_1285 : i32 to vector<16xi32>
      %lt3A_1287 = arith.cmpi slt, %xor3A_1284, %lt3A_1286 : vector<16xi32>
      %add3A_1288 = arith.constant 16 : i32
      %add3A_1289 = vector.broadcast %add3A_1288 : i32 to vector<16xi32>
      %add3A_1290 = arith.addi %xor3A_1284, %add3A_1289 : vector<16xi32>
      %select_n3A_1291 = arith.select %lt3A_1287, %add3A_1290, %xor3A_1284 : vector<16xi1>, vector<16xi32>
      %broadcast_in_dim3A_1292 = vector.shape_cast %select_n3A_1291 : vector<16xi32> to vector<16x1xi32>
      %gather3A_1293 = vector.shape_cast %broadcast_in_dim3A_1292 : vector<16x1xi32> to vector<16xi32>
      %gather3A_1294 = tpu.dynamic_gather %select_n3A_1078[%gather3A_1293] in [0] : vector<16xf32>, vector<16xi32> -> vector<16xf32>
      %shift_right_arithmetic3A_1295 = arith.constant 1 : i32
      %shift_right_arithmetic3A_1296 = vector.broadcast %shift_right_arithmetic3A_1295 : i32 to vector<16xi32>
      %shift_right_arithmetic3A_1297 = arith.shrsi %iota3A_154, %shift_right_arithmetic3A_1296 : vector<16xi32>
      %shift_right_arithmetic3A_1298 = arith.constant 3 : i32
      %shift_right_arithmetic3A_1299 = vector.broadcast %shift_right_arithmetic3A_1298 : i32 to vector<16xi32>
      %shift_right_arithmetic3A_1300 = arith.shrsi %iota3A_154, %shift_right_arithmetic3A_1299 : vector<16xi32>
      %xor3A_1301 = arith.xori %shift_right_arithmetic3A_1297, %shift_right_arithmetic3A_1300 : vector<16xi32>
      %and3A_1302 = arith.constant 1 : i32
      %and3A_1303 = vector.broadcast %and3A_1302 : i32 to vector<16xi32>
      %and3A_1304 = arith.andi %xor3A_1301, %and3A_1303 : vector<16xi32>
      %eq3A_1305 = arith.constant 0 : i32
      %eq3A_1306 = vector.broadcast %eq3A_1305 : i32 to vector<16xi32>
      %eq3A_1307 = arith.cmpi eq, %and3A_1304, %eq3A_1306 : vector<16xi32>
      %min3A_1308 = arith.minimumf %select_n3A_1078, %gather3A_1294 : vector<16xf32>
      %max3A_1309 = arith.maximumf %select_n3A_1078, %gather3A_1294 : vector<16xf32>
      %select_n3A_1310 = arith.select %eq3A_1307, %min3A_1308, %max3A_1309 : vector<16xi1>, vector<16xf32>
      %xor3A_1311 = arith.constant 1 : i32
      %xor3A_1312 = vector.broadcast %xor3A_1311 : i32 to vector<16xi32>
      %xor3A_1313 = arith.xori %iota3A_154, %xor3A_1312 : vector<16xi32>
      %lt3A_1314 = arith.constant 0 : i32
      %lt3A_1315 = vector.broadcast %lt3A_1314 : i32 to vector<16xi32>
      %lt3A_1316 = arith.cmpi slt, %xor3A_1313, %lt3A_1315 : vector<16xi32>
      %add3A_1317 = arith.constant 16 : i32
      %add3A_1318 = vector.broadcast %add3A_1317 : i32 to vector<16xi32>
      %add3A_1319 = arith.addi %xor3A_1313, %add3A_1318 : vector<16xi32>
      %select_n3A_1320 = arith.select %lt3A_1316, %add3A_1319, %xor3A_1313 : vector<16xi1>, vector<16xi32>
      %broadcast_in_dim3A_1321 = vector.shape_cast %select_n3A_1320 : vector<16xi32> to vector<16x1xi32>
      %gather3A_1322 = vector.shape_cast %broadcast_in_dim3A_1321 : vector<16x1xi32> to vector<16xi32>
      %gather3A_1323 = tpu.dynamic_gather %select_n3A_1107[%gather3A_1322] in [0] : vector<16xf32>, vector<16xi32> -> vector<16xf32>
      %shift_right_arithmetic3A_1324 = arith.constant 0 : i32
      %shift_right_arithmetic3A_1325 = vector.broadcast %shift_right_arithmetic3A_1324 : i32 to vector<16xi32>
      %shift_right_arithmetic3A_1326 = arith.shrsi %iota3A_154, %shift_right_arithmetic3A_1325 : vector<16xi32>
      %shift_right_arithmetic3A_1327 = arith.constant 3 : i32
      %shift_right_arithmetic3A_1328 = vector.broadcast %shift_right_arithmetic3A_1327 : i32 to vector<16xi32>
      %shift_right_arithmetic3A_1329 = arith.shrsi %iota3A_154, %shift_right_arithmetic3A_1328 : vector<16xi32>
      %xor3A_1330 = arith.xori %shift_right_arithmetic3A_1326, %shift_right_arithmetic3A_1329 : vector<16xi32>
      %and3A_1331 = arith.constant 1 : i32
      %and3A_1332 = vector.broadcast %and3A_1331 : i32 to vector<16xi32>
      %and3A_1333 = arith.andi %xor3A_1330, %and3A_1332 : vector<16xi32>
      %eq3A_1334 = arith.constant 0 : i32
      %eq3A_1335 = vector.broadcast %eq3A_1334 : i32 to vector<16xi32>
      %eq3A_1336 = arith.cmpi eq, %and3A_1333, %eq3A_1335 : vector<16xi32>
      %min3A_1337 = arith.minimumf %select_n3A_1107, %gather3A_1323 : vector<16xf32>
      %max3A_1338 = arith.maximumf %select_n3A_1107, %gather3A_1323 : vector<16xf32>
      %select_n3A_1339 = arith.select %eq3A_1336, %min3A_1337, %max3A_1338 : vector<16xi1>, vector<16xf32>
      %xor3A_1340 = arith.constant 1 : i32
      %xor3A_1341 = vector.broadcast %xor3A_1340 : i32 to vector<16xi32>
      %xor3A_1342 = arith.xori %iota3A_154, %xor3A_1341 : vector<16xi32>
      %lt3A_1343 = arith.constant 0 : i32
      %lt3A_1344 = vector.broadcast %lt3A_1343 : i32 to vector<16xi32>
      %lt3A_1345 = arith.cmpi slt, %xor3A_1342, %lt3A_1344 : vector<16xi32>
      %add3A_1346 = arith.constant 16 : i32
      %add3A_1347 = vector.broadcast %add3A_1346 : i32 to vector<16xi32>
      %add3A_1348 = arith.addi %xor3A_1342, %add3A_1347 : vector<16xi32>
      %select_n3A_1349 = arith.select %lt3A_1345, %add3A_1348, %xor3A_1342 : vector<16xi1>, vector<16xi32>
      %broadcast_in_dim3A_1350 = vector.shape_cast %select_n3A_1349 : vector<16xi32> to vector<16x1xi32>
      %gather3A_1351 = vector.shape_cast %broadcast_in_dim3A_1350 : vector<16x1xi32> to vector<16xi32>
      %gather3A_1352 = tpu.dynamic_gather %select_n3A_1136[%gather3A_1351] in [0] : vector<16xf32>, vector<16xi32> -> vector<16xf32>
      %shift_right_arithmetic3A_1353 = arith.constant 0 : i32
      %shift_right_arithmetic3A_1354 = vector.broadcast %shift_right_arithmetic3A_1353 : i32 to vector<16xi32>
      %shift_right_arithmetic3A_1355 = arith.shrsi %iota3A_154, %shift_right_arithmetic3A_1354 : vector<16xi32>
      %shift_right_arithmetic3A_1356 = arith.constant 3 : i32
      %shift_right_arithmetic3A_1357 = vector.broadcast %shift_right_arithmetic3A_1356 : i32 to vector<16xi32>
      %shift_right_arithmetic3A_1358 = arith.shrsi %iota3A_154, %shift_right_arithmetic3A_1357 : vector<16xi32>
      %xor3A_1359 = arith.xori %shift_right_arithmetic3A_1355, %shift_right_arithmetic3A_1358 : vector<16xi32>
      %and3A_1360 = arith.constant 1 : i32
      %and3A_1361 = vector.broadcast %and3A_1360 : i32 to vector<16xi32>
      %and3A_1362 = arith.andi %xor3A_1359, %and3A_1361 : vector<16xi32>
      %eq3A_1363 = arith.constant 0 : i32
      %eq3A_1364 = vector.broadcast %eq3A_1363 : i32 to vector<16xi32>
      %eq3A_1365 = arith.cmpi eq, %and3A_1362, %eq3A_1364 : vector<16xi32>
      %min3A_1366 = arith.minimumf %select_n3A_1136, %gather3A_1352 : vector<16xf32>
      %max3A_1367 = arith.maximumf %select_n3A_1136, %gather3A_1352 : vector<16xf32>
      %select_n3A_1368 = arith.select %eq3A_1365, %min3A_1366, %max3A_1367 : vector<16xi1>, vector<16xf32>
      %xor3A_1369 = arith.constant 1 : i32
      %xor3A_1370 = vector.broadcast %xor3A_1369 : i32 to vector<16xi32>
      %xor3A_1371 = arith.xori %iota3A_154, %xor3A_1370 : vector<16xi32>
      %lt3A_1372 = arith.constant 0 : i32
      %lt3A_1373 = vector.broadcast %lt3A_1372 : i32 to vector<16xi32>
      %lt3A_1374 = arith.cmpi slt, %xor3A_1371, %lt3A_1373 : vector<16xi32>
      %add3A_1375 = arith.constant 16 : i32
      %add3A_1376 = vector.broadcast %add3A_1375 : i32 to vector<16xi32>
      %add3A_1377 = arith.addi %xor3A_1371, %add3A_1376 : vector<16xi32>
      %select_n3A_1378 = arith.select %lt3A_1374, %add3A_1377, %xor3A_1371 : vector<16xi1>, vector<16xi32>
      %broadcast_in_dim3A_1379 = vector.shape_cast %select_n3A_1378 : vector<16xi32> to vector<16x1xi32>
      %gather3A_1380 = vector.shape_cast %broadcast_in_dim3A_1379 : vector<16x1xi32> to vector<16xi32>
      %gather3A_1381 = tpu.dynamic_gather %select_n3A_1165[%gather3A_1380] in [0] : vector<16xf32>, vector<16xi32> -> vector<16xf32>
      %shift_right_arithmetic3A_1382 = arith.constant 0 : i32
      %shift_right_arithmetic3A_1383 = vector.broadcast %shift_right_arithmetic3A_1382 : i32 to vector<16xi32>
      %shift_right_arithmetic3A_1384 = arith.shrsi %iota3A_154, %shift_right_arithmetic3A_1383 : vector<16xi32>
      %shift_right_arithmetic3A_1385 = arith.constant 3 : i32
      %shift_right_arithmetic3A_1386 = vector.broadcast %shift_right_arithmetic3A_1385 : i32 to vector<16xi32>
      %shift_right_arithmetic3A_1387 = arith.shrsi %iota3A_154, %shift_right_arithmetic3A_1386 : vector<16xi32>
      %xor3A_1388 = arith.xori %shift_right_arithmetic3A_1384, %shift_right_arithmetic3A_1387 : vector<16xi32>
      %and3A_1389 = arith.constant 1 : i32
      %and3A_1390 = vector.broadcast %and3A_1389 : i32 to vector<16xi32>
      %and3A_1391 = arith.andi %xor3A_1388, %and3A_1390 : vector<16xi32>
      %eq3A_1392 = arith.constant 0 : i32
      %eq3A_1393 = vector.broadcast %eq3A_1392 : i32 to vector<16xi32>
      %eq3A_1394 = arith.cmpi eq, %and3A_1391, %eq3A_1393 : vector<16xi32>
      %min3A_1395 = arith.minimumf %select_n3A_1165, %gather3A_1381 : vector<16xf32>
      %max3A_1396 = arith.maximumf %select_n3A_1165, %gather3A_1381 : vector<16xf32>
      %select_n3A_1397 = arith.select %eq3A_1394, %min3A_1395, %max3A_1396 : vector<16xi1>, vector<16xf32>
      %xor3A_1398 = arith.constant 1 : i32
      %xor3A_1399 = vector.broadcast %xor3A_1398 : i32 to vector<16xi32>
      %xor3A_1400 = arith.xori %iota3A_154, %xor3A_1399 : vector<16xi32>
      %lt3A_1401 = arith.constant 0 : i32
      %lt3A_1402 = vector.broadcast %lt3A_1401 : i32 to vector<16xi32>
      %lt3A_1403 = arith.cmpi slt, %xor3A_1400, %lt3A_1402 : vector<16xi32>
      %add3A_1404 = arith.constant 16 : i32
      %add3A_1405 = vector.broadcast %add3A_1404 : i32 to vector<16xi32>
      %add3A_1406 = arith.addi %xor3A_1400, %add3A_1405 : vector<16xi32>
      %select_n3A_1407 = arith.select %lt3A_1403, %add3A_1406, %xor3A_1400 : vector<16xi1>, vector<16xi32>
      %broadcast_in_dim3A_1408 = vector.shape_cast %select_n3A_1407 : vector<16xi32> to vector<16x1xi32>
      %gather3A_1409 = vector.shape_cast %broadcast_in_dim3A_1408 : vector<16x1xi32> to vector<16xi32>
      %gather3A_1410 = tpu.dynamic_gather %select_n3A_1194[%gather3A_1409] in [0] : vector<16xf32>, vector<16xi32> -> vector<16xf32>
      %shift_right_arithmetic3A_1411 = arith.constant 0 : i32
      %shift_right_arithmetic3A_1412 = vector.broadcast %shift_right_arithmetic3A_1411 : i32 to vector<16xi32>
      %shift_right_arithmetic3A_1413 = arith.shrsi %iota3A_154, %shift_right_arithmetic3A_1412 : vector<16xi32>
      %shift_right_arithmetic3A_1414 = arith.constant 3 : i32
      %shift_right_arithmetic3A_1415 = vector.broadcast %shift_right_arithmetic3A_1414 : i32 to vector<16xi32>
      %shift_right_arithmetic3A_1416 = arith.shrsi %iota3A_154, %shift_right_arithmetic3A_1415 : vector<16xi32>
      %xor3A_1417 = arith.xori %shift_right_arithmetic3A_1413, %shift_right_arithmetic3A_1416 : vector<16xi32>
      %and3A_1418 = arith.constant 1 : i32
      %and3A_1419 = vector.broadcast %and3A_1418 : i32 to vector<16xi32>
      %and3A_1420 = arith.andi %xor3A_1417, %and3A_1419 : vector<16xi32>
      %eq3A_1421 = arith.constant 0 : i32
      %eq3A_1422 = vector.broadcast %eq3A_1421 : i32 to vector<16xi32>
      %eq3A_1423 = arith.cmpi eq, %and3A_1420, %eq3A_1422 : vector<16xi32>
      %min3A_1424 = arith.minimumf %select_n3A_1194, %gather3A_1410 : vector<16xf32>
      %max3A_1425 = arith.maximumf %select_n3A_1194, %gather3A_1410 : vector<16xf32>
      %select_n3A_1426 = arith.select %eq3A_1423, %min3A_1424, %max3A_1425 : vector<16xi1>, vector<16xf32>
      %xor3A_1427 = arith.constant 1 : i32
      %xor3A_1428 = vector.broadcast %xor3A_1427 : i32 to vector<16xi32>
      %xor3A_1429 = arith.xori %iota3A_154, %xor3A_1428 : vector<16xi32>
      %lt3A_1430 = arith.constant 0 : i32
      %lt3A_1431 = vector.broadcast %lt3A_1430 : i32 to vector<16xi32>
      %lt3A_1432 = arith.cmpi slt, %xor3A_1429, %lt3A_1431 : vector<16xi32>
      %add3A_1433 = arith.constant 16 : i32
      %add3A_1434 = vector.broadcast %add3A_1433 : i32 to vector<16xi32>
      %add3A_1435 = arith.addi %xor3A_1429, %add3A_1434 : vector<16xi32>
      %select_n3A_1436 = arith.select %lt3A_1432, %add3A_1435, %xor3A_1429 : vector<16xi1>, vector<16xi32>
      %broadcast_in_dim3A_1437 = vector.shape_cast %select_n3A_1436 : vector<16xi32> to vector<16x1xi32>
      %gather3A_1438 = vector.shape_cast %broadcast_in_dim3A_1437 : vector<16x1xi32> to vector<16xi32>
      %gather3A_1439 = tpu.dynamic_gather %select_n3A_1223[%gather3A_1438] in [0] : vector<16xf32>, vector<16xi32> -> vector<16xf32>
      %shift_right_arithmetic3A_1440 = arith.constant 0 : i32
      %shift_right_arithmetic3A_1441 = vector.broadcast %shift_right_arithmetic3A_1440 : i32 to vector<16xi32>
      %shift_right_arithmetic3A_1442 = arith.shrsi %iota3A_154, %shift_right_arithmetic3A_1441 : vector<16xi32>
      %shift_right_arithmetic3A_1443 = arith.constant 3 : i32
      %shift_right_arithmetic3A_1444 = vector.broadcast %shift_right_arithmetic3A_1443 : i32 to vector<16xi32>
      %shift_right_arithmetic3A_1445 = arith.shrsi %iota3A_154, %shift_right_arithmetic3A_1444 : vector<16xi32>
      %xor3A_1446 = arith.xori %shift_right_arithmetic3A_1442, %shift_right_arithmetic3A_1445 : vector<16xi32>
      %and3A_1447 = arith.constant 1 : i32
      %and3A_1448 = vector.broadcast %and3A_1447 : i32 to vector<16xi32>
      %and3A_1449 = arith.andi %xor3A_1446, %and3A_1448 : vector<16xi32>
      %eq3A_1450 = arith.constant 0 : i32
      %eq3A_1451 = vector.broadcast %eq3A_1450 : i32 to vector<16xi32>
      %eq3A_1452 = arith.cmpi eq, %and3A_1449, %eq3A_1451 : vector<16xi32>
      %min3A_1453 = arith.minimumf %select_n3A_1223, %gather3A_1439 : vector<16xf32>
      %max3A_1454 = arith.maximumf %select_n3A_1223, %gather3A_1439 : vector<16xf32>
      %select_n3A_1455 = arith.select %eq3A_1452, %min3A_1453, %max3A_1454 : vector<16xi1>, vector<16xf32>
      %xor3A_1456 = arith.constant 1 : i32
      %xor3A_1457 = vector.broadcast %xor3A_1456 : i32 to vector<16xi32>
      %xor3A_1458 = arith.xori %iota3A_154, %xor3A_1457 : vector<16xi32>
      %lt3A_1459 = arith.constant 0 : i32
      %lt3A_1460 = vector.broadcast %lt3A_1459 : i32 to vector<16xi32>
      %lt3A_1461 = arith.cmpi slt, %xor3A_1458, %lt3A_1460 : vector<16xi32>
      %add3A_1462 = arith.constant 16 : i32
      %add3A_1463 = vector.broadcast %add3A_1462 : i32 to vector<16xi32>
      %add3A_1464 = arith.addi %xor3A_1458, %add3A_1463 : vector<16xi32>
      %select_n3A_1465 = arith.select %lt3A_1461, %add3A_1464, %xor3A_1458 : vector<16xi1>, vector<16xi32>
      %broadcast_in_dim3A_1466 = vector.shape_cast %select_n3A_1465 : vector<16xi32> to vector<16x1xi32>
      %gather3A_1467 = vector.shape_cast %broadcast_in_dim3A_1466 : vector<16x1xi32> to vector<16xi32>
      %gather3A_1468 = tpu.dynamic_gather %select_n3A_1252[%gather3A_1467] in [0] : vector<16xf32>, vector<16xi32> -> vector<16xf32>
      %shift_right_arithmetic3A_1469 = arith.constant 0 : i32
      %shift_right_arithmetic3A_1470 = vector.broadcast %shift_right_arithmetic3A_1469 : i32 to vector<16xi32>
      %shift_right_arithmetic3A_1471 = arith.shrsi %iota3A_154, %shift_right_arithmetic3A_1470 : vector<16xi32>
      %shift_right_arithmetic3A_1472 = arith.constant 3 : i32
      %shift_right_arithmetic3A_1473 = vector.broadcast %shift_right_arithmetic3A_1472 : i32 to vector<16xi32>
      %shift_right_arithmetic3A_1474 = arith.shrsi %iota3A_154, %shift_right_arithmetic3A_1473 : vector<16xi32>
      %xor3A_1475 = arith.xori %shift_right_arithmetic3A_1471, %shift_right_arithmetic3A_1474 : vector<16xi32>
      %and3A_1476 = arith.constant 1 : i32
      %and3A_1477 = vector.broadcast %and3A_1476 : i32 to vector<16xi32>
      %and3A_1478 = arith.andi %xor3A_1475, %and3A_1477 : vector<16xi32>
      %eq3A_1479 = arith.constant 0 : i32
      %eq3A_1480 = vector.broadcast %eq3A_1479 : i32 to vector<16xi32>
      %eq3A_1481 = arith.cmpi eq, %and3A_1478, %eq3A_1480 : vector<16xi32>
      %min3A_1482 = arith.minimumf %select_n3A_1252, %gather3A_1468 : vector<16xf32>
      %max3A_1483 = arith.maximumf %select_n3A_1252, %gather3A_1468 : vector<16xf32>
      %select_n3A_1484 = arith.select %eq3A_1481, %min3A_1482, %max3A_1483 : vector<16xi1>, vector<16xf32>
      %xor3A_1485 = arith.constant 1 : i32
      %xor3A_1486 = vector.broadcast %xor3A_1485 : i32 to vector<16xi32>
      %xor3A_1487 = arith.xori %iota3A_154, %xor3A_1486 : vector<16xi32>
      %lt3A_1488 = arith.constant 0 : i32
      %lt3A_1489 = vector.broadcast %lt3A_1488 : i32 to vector<16xi32>
      %lt3A_1490 = arith.cmpi slt, %xor3A_1487, %lt3A_1489 : vector<16xi32>
      %add3A_1491 = arith.constant 16 : i32
      %add3A_1492 = vector.broadcast %add3A_1491 : i32 to vector<16xi32>
      %add3A_1493 = arith.addi %xor3A_1487, %add3A_1492 : vector<16xi32>
      %select_n3A_1494 = arith.select %lt3A_1490, %add3A_1493, %xor3A_1487 : vector<16xi1>, vector<16xi32>
      %broadcast_in_dim3A_1495 = vector.shape_cast %select_n3A_1494 : vector<16xi32> to vector<16x1xi32>
      %gather3A_1496 = vector.shape_cast %broadcast_in_dim3A_1495 : vector<16x1xi32> to vector<16xi32>
      %gather3A_1497 = tpu.dynamic_gather %select_n3A_1281[%gather3A_1496] in [0] : vector<16xf32>, vector<16xi32> -> vector<16xf32>
      %shift_right_arithmetic3A_1498 = arith.constant 0 : i32
      %shift_right_arithmetic3A_1499 = vector.broadcast %shift_right_arithmetic3A_1498 : i32 to vector<16xi32>
      %shift_right_arithmetic3A_1500 = arith.shrsi %iota3A_154, %shift_right_arithmetic3A_1499 : vector<16xi32>
      %shift_right_arithmetic3A_1501 = arith.constant 3 : i32
      %shift_right_arithmetic3A_1502 = vector.broadcast %shift_right_arithmetic3A_1501 : i32 to vector<16xi32>
      %shift_right_arithmetic3A_1503 = arith.shrsi %iota3A_154, %shift_right_arithmetic3A_1502 : vector<16xi32>
      %xor3A_1504 = arith.xori %shift_right_arithmetic3A_1500, %shift_right_arithmetic3A_1503 : vector<16xi32>
      %and3A_1505 = arith.constant 1 : i32
      %and3A_1506 = vector.broadcast %and3A_1505 : i32 to vector<16xi32>
      %and3A_1507 = arith.andi %xor3A_1504, %and3A_1506 : vector<16xi32>
      %eq3A_1508 = arith.constant 0 : i32
      %eq3A_1509 = vector.broadcast %eq3A_1508 : i32 to vector<16xi32>
      %eq3A_1510 = arith.cmpi eq, %and3A_1507, %eq3A_1509 : vector<16xi32>
      %min3A_1511 = arith.minimumf %select_n3A_1281, %gather3A_1497 : vector<16xf32>
      %max3A_1512 = arith.maximumf %select_n3A_1281, %gather3A_1497 : vector<16xf32>
      %select_n3A_1513 = arith.select %eq3A_1510, %min3A_1511, %max3A_1512 : vector<16xi1>, vector<16xf32>
      %xor3A_1514 = arith.constant 1 : i32
      %xor3A_1515 = vector.broadcast %xor3A_1514 : i32 to vector<16xi32>
      %xor3A_1516 = arith.xori %iota3A_154, %xor3A_1515 : vector<16xi32>
      %lt3A_1517 = arith.constant 0 : i32
      %lt3A_1518 = vector.broadcast %lt3A_1517 : i32 to vector<16xi32>
      %lt3A_1519 = arith.cmpi slt, %xor3A_1516, %lt3A_1518 : vector<16xi32>
      %add3A_1520 = arith.constant 16 : i32
      %add3A_1521 = vector.broadcast %add3A_1520 : i32 to vector<16xi32>
      %add3A_1522 = arith.addi %xor3A_1516, %add3A_1521 : vector<16xi32>
      %select_n3A_1523 = arith.select %lt3A_1519, %add3A_1522, %xor3A_1516 : vector<16xi1>, vector<16xi32>
      %broadcast_in_dim3A_1524 = vector.shape_cast %select_n3A_1523 : vector<16xi32> to vector<16x1xi32>
      %gather3A_1525 = vector.shape_cast %broadcast_in_dim3A_1524 : vector<16x1xi32> to vector<16xi32>
      %gather3A_1526 = tpu.dynamic_gather %select_n3A_1310[%gather3A_1525] in [0] : vector<16xf32>, vector<16xi32> -> vector<16xf32>
      %shift_right_arithmetic3A_1527 = arith.constant 0 : i32
      %shift_right_arithmetic3A_1528 = vector.broadcast %shift_right_arithmetic3A_1527 : i32 to vector<16xi32>
      %shift_right_arithmetic3A_1529 = arith.shrsi %iota3A_154, %shift_right_arithmetic3A_1528 : vector<16xi32>
      %shift_right_arithmetic3A_1530 = arith.constant 3 : i32
      %shift_right_arithmetic3A_1531 = vector.broadcast %shift_right_arithmetic3A_1530 : i32 to vector<16xi32>
      %shift_right_arithmetic3A_1532 = arith.shrsi %iota3A_154, %shift_right_arithmetic3A_1531 : vector<16xi32>
      %xor3A_1533 = arith.xori %shift_right_arithmetic3A_1529, %shift_right_arithmetic3A_1532 : vector<16xi32>
      %and3A_1534 = arith.constant 1 : i32
      %and3A_1535 = vector.broadcast %and3A_1534 : i32 to vector<16xi32>
      %and3A_1536 = arith.andi %xor3A_1533, %and3A_1535 : vector<16xi32>
      %eq3A_1537 = arith.constant 0 : i32
      %eq3A_1538 = vector.broadcast %eq3A_1537 : i32 to vector<16xi32>
      %eq3A_1539 = arith.cmpi eq, %and3A_1536, %eq3A_1538 : vector<16xi32>
      %min3A_1540 = arith.minimumf %select_n3A_1310, %gather3A_1526 : vector<16xf32>
      %max3A_1541 = arith.maximumf %select_n3A_1310, %gather3A_1526 : vector<16xf32>
      %select_n3A_1542 = arith.select %eq3A_1539, %min3A_1540, %max3A_1541 : vector<16xi1>, vector<16xf32>
      %xor3A_1543 = arith.constant 8 : i32
      %xor3A_1544 = vector.broadcast %xor3A_1543 : i32 to vector<16xi32>
      %xor3A_1545 = arith.xori %iota3A_154, %xor3A_1544 : vector<16xi32>
      %lt3A_1546 = arith.constant 0 : i32
      %lt3A_1547 = vector.broadcast %lt3A_1546 : i32 to vector<16xi32>
      %lt3A_1548 = arith.cmpi slt, %xor3A_1545, %lt3A_1547 : vector<16xi32>
      %add3A_1549 = arith.constant 16 : i32
      %add3A_1550 = vector.broadcast %add3A_1549 : i32 to vector<16xi32>
      %add3A_1551 = arith.addi %xor3A_1545, %add3A_1550 : vector<16xi32>
      %select_n3A_1552 = arith.select %lt3A_1548, %add3A_1551, %xor3A_1545 : vector<16xi1>, vector<16xi32>
      %broadcast_in_dim3A_1553 = vector.shape_cast %select_n3A_1552 : vector<16xi32> to vector<16x1xi32>
      %gather3A_1554 = vector.shape_cast %broadcast_in_dim3A_1553 : vector<16x1xi32> to vector<16xi32>
      %gather3A_1555 = tpu.dynamic_gather %select_n3A_1339[%gather3A_1554] in [0] : vector<16xf32>, vector<16xi32> -> vector<16xf32>
      %and3A_1556 = arith.constant 8 : i32
      %and3A_1557 = vector.broadcast %and3A_1556 : i32 to vector<16xi32>
      %and3A_1558 = arith.andi %iota3A_154, %and3A_1557 : vector<16xi32>
      %eq3A_1559 = arith.constant 0 : i32
      %eq3A_1560 = vector.broadcast %eq3A_1559 : i32 to vector<16xi32>
      %eq3A_1561 = arith.cmpi eq, %and3A_1558, %eq3A_1560 : vector<16xi32>
      %min3A_1562 = arith.minimumf %select_n3A_1339, %gather3A_1555 : vector<16xf32>
      %max3A_1563 = arith.maximumf %select_n3A_1339, %gather3A_1555 : vector<16xf32>
      %select_n3A_1564 = arith.select %eq3A_1561, %min3A_1562, %max3A_1563 : vector<16xi1>, vector<16xf32>
      %xor3A_1565 = arith.constant 8 : i32
      %xor3A_1566 = vector.broadcast %xor3A_1565 : i32 to vector<16xi32>
      %xor3A_1567 = arith.xori %iota3A_154, %xor3A_1566 : vector<16xi32>
      %lt3A_1568 = arith.constant 0 : i32
      %lt3A_1569 = vector.broadcast %lt3A_1568 : i32 to vector<16xi32>
      %lt3A_1570 = arith.cmpi slt, %xor3A_1567, %lt3A_1569 : vector<16xi32>
      %add3A_1571 = arith.constant 16 : i32
      %add3A_1572 = vector.broadcast %add3A_1571 : i32 to vector<16xi32>
      %add3A_1573 = arith.addi %xor3A_1567, %add3A_1572 : vector<16xi32>
      %select_n3A_1574 = arith.select %lt3A_1570, %add3A_1573, %xor3A_1567 : vector<16xi1>, vector<16xi32>
      %broadcast_in_dim3A_1575 = vector.shape_cast %select_n3A_1574 : vector<16xi32> to vector<16x1xi32>
      %gather3A_1576 = vector.shape_cast %broadcast_in_dim3A_1575 : vector<16x1xi32> to vector<16xi32>
      %gather3A_1577 = tpu.dynamic_gather %select_n3A_1368[%gather3A_1576] in [0] : vector<16xf32>, vector<16xi32> -> vector<16xf32>
      %and3A_1578 = arith.constant 8 : i32
      %and3A_1579 = vector.broadcast %and3A_1578 : i32 to vector<16xi32>
      %and3A_1580 = arith.andi %iota3A_154, %and3A_1579 : vector<16xi32>
      %ne3A_1581 = arith.constant 0 : i32
      %ne3A_1582 = vector.broadcast %ne3A_1581 : i32 to vector<16xi32>
      %ne3A_1583 = arith.cmpi ne, %and3A_1580, %ne3A_1582 : vector<16xi32>
      %min3A_1584 = arith.minimumf %select_n3A_1368, %gather3A_1577 : vector<16xf32>
      %max3A_1585 = arith.maximumf %select_n3A_1368, %gather3A_1577 : vector<16xf32>
      %select_n3A_1586 = arith.select %ne3A_1583, %min3A_1584, %max3A_1585 : vector<16xi1>, vector<16xf32>
      %xor3A_1587 = arith.constant 8 : i32
      %xor3A_1588 = vector.broadcast %xor3A_1587 : i32 to vector<16xi32>
      %xor3A_1589 = arith.xori %iota3A_154, %xor3A_1588 : vector<16xi32>
      %lt3A_1590 = arith.constant 0 : i32
      %lt3A_1591 = vector.broadcast %lt3A_1590 : i32 to vector<16xi32>
      %lt3A_1592 = arith.cmpi slt, %xor3A_1589, %lt3A_1591 : vector<16xi32>
      %add3A_1593 = arith.constant 16 : i32
      %add3A_1594 = vector.broadcast %add3A_1593 : i32 to vector<16xi32>
      %add3A_1595 = arith.addi %xor3A_1589, %add3A_1594 : vector<16xi32>
      %select_n3A_1596 = arith.select %lt3A_1592, %add3A_1595, %xor3A_1589 : vector<16xi1>, vector<16xi32>
      %broadcast_in_dim3A_1597 = vector.shape_cast %select_n3A_1596 : vector<16xi32> to vector<16x1xi32>
      %gather3A_1598 = vector.shape_cast %broadcast_in_dim3A_1597 : vector<16x1xi32> to vector<16xi32>
      %gather3A_1599 = tpu.dynamic_gather %select_n3A_1397[%gather3A_1598] in [0] : vector<16xf32>, vector<16xi32> -> vector<16xf32>
      %and3A_1600 = arith.constant 8 : i32
      %and3A_1601 = vector.broadcast %and3A_1600 : i32 to vector<16xi32>
      %and3A_1602 = arith.andi %iota3A_154, %and3A_1601 : vector<16xi32>
      %eq3A_1603 = arith.constant 0 : i32
      %eq3A_1604 = vector.broadcast %eq3A_1603 : i32 to vector<16xi32>
      %eq3A_1605 = arith.cmpi eq, %and3A_1602, %eq3A_1604 : vector<16xi32>
      %min3A_1606 = arith.minimumf %select_n3A_1397, %gather3A_1599 : vector<16xf32>
      %max3A_1607 = arith.maximumf %select_n3A_1397, %gather3A_1599 : vector<16xf32>
      %select_n3A_1608 = arith.select %eq3A_1605, %min3A_1606, %max3A_1607 : vector<16xi1>, vector<16xf32>
      %xor3A_1609 = arith.constant 8 : i32
      %xor3A_1610 = vector.broadcast %xor3A_1609 : i32 to vector<16xi32>
      %xor3A_1611 = arith.xori %iota3A_154, %xor3A_1610 : vector<16xi32>
      %lt3A_1612 = arith.constant 0 : i32
      %lt3A_1613 = vector.broadcast %lt3A_1612 : i32 to vector<16xi32>
      %lt3A_1614 = arith.cmpi slt, %xor3A_1611, %lt3A_1613 : vector<16xi32>
      %add3A_1615 = arith.constant 16 : i32
      %add3A_1616 = vector.broadcast %add3A_1615 : i32 to vector<16xi32>
      %add3A_1617 = arith.addi %xor3A_1611, %add3A_1616 : vector<16xi32>
      %select_n3A_1618 = arith.select %lt3A_1614, %add3A_1617, %xor3A_1611 : vector<16xi1>, vector<16xi32>
      %broadcast_in_dim3A_1619 = vector.shape_cast %select_n3A_1618 : vector<16xi32> to vector<16x1xi32>
      %gather3A_1620 = vector.shape_cast %broadcast_in_dim3A_1619 : vector<16x1xi32> to vector<16xi32>
      %gather3A_1621 = tpu.dynamic_gather %select_n3A_1426[%gather3A_1620] in [0] : vector<16xf32>, vector<16xi32> -> vector<16xf32>
      %and3A_1622 = arith.constant 8 : i32
      %and3A_1623 = vector.broadcast %and3A_1622 : i32 to vector<16xi32>
      %and3A_1624 = arith.andi %iota3A_154, %and3A_1623 : vector<16xi32>
      %ne3A_1625 = arith.constant 0 : i32
      %ne3A_1626 = vector.broadcast %ne3A_1625 : i32 to vector<16xi32>
      %ne3A_1627 = arith.cmpi ne, %and3A_1624, %ne3A_1626 : vector<16xi32>
      %min3A_1628 = arith.minimumf %select_n3A_1426, %gather3A_1621 : vector<16xf32>
      %max3A_1629 = arith.maximumf %select_n3A_1426, %gather3A_1621 : vector<16xf32>
      %select_n3A_1630 = arith.select %ne3A_1627, %min3A_1628, %max3A_1629 : vector<16xi1>, vector<16xf32>
      %xor3A_1631 = arith.constant 8 : i32
      %xor3A_1632 = vector.broadcast %xor3A_1631 : i32 to vector<16xi32>
      %xor3A_1633 = arith.xori %iota3A_154, %xor3A_1632 : vector<16xi32>
      %lt3A_1634 = arith.constant 0 : i32
      %lt3A_1635 = vector.broadcast %lt3A_1634 : i32 to vector<16xi32>
      %lt3A_1636 = arith.cmpi slt, %xor3A_1633, %lt3A_1635 : vector<16xi32>
      %add3A_1637 = arith.constant 16 : i32
      %add3A_1638 = vector.broadcast %add3A_1637 : i32 to vector<16xi32>
      %add3A_1639 = arith.addi %xor3A_1633, %add3A_1638 : vector<16xi32>
      %select_n3A_1640 = arith.select %lt3A_1636, %add3A_1639, %xor3A_1633 : vector<16xi1>, vector<16xi32>
      %broadcast_in_dim3A_1641 = vector.shape_cast %select_n3A_1640 : vector<16xi32> to vector<16x1xi32>
      %gather3A_1642 = vector.shape_cast %broadcast_in_dim3A_1641 : vector<16x1xi32> to vector<16xi32>
      %gather3A_1643 = tpu.dynamic_gather %select_n3A_1455[%gather3A_1642] in [0] : vector<16xf32>, vector<16xi32> -> vector<16xf32>
      %and3A_1644 = arith.constant 8 : i32
      %and3A_1645 = vector.broadcast %and3A_1644 : i32 to vector<16xi32>
      %and3A_1646 = arith.andi %iota3A_154, %and3A_1645 : vector<16xi32>
      %eq3A_1647 = arith.constant 0 : i32
      %eq3A_1648 = vector.broadcast %eq3A_1647 : i32 to vector<16xi32>
      %eq3A_1649 = arith.cmpi eq, %and3A_1646, %eq3A_1648 : vector<16xi32>
      %min3A_1650 = arith.minimumf %select_n3A_1455, %gather3A_1643 : vector<16xf32>
      %max3A_1651 = arith.maximumf %select_n3A_1455, %gather3A_1643 : vector<16xf32>
      %select_n3A_1652 = arith.select %eq3A_1649, %min3A_1650, %max3A_1651 : vector<16xi1>, vector<16xf32>
      %xor3A_1653 = arith.constant 8 : i32
      %xor3A_1654 = vector.broadcast %xor3A_1653 : i32 to vector<16xi32>
      %xor3A_1655 = arith.xori %iota3A_154, %xor3A_1654 : vector<16xi32>
      %lt3A_1656 = arith.constant 0 : i32
      %lt3A_1657 = vector.broadcast %lt3A_1656 : i32 to vector<16xi32>
      %lt3A_1658 = arith.cmpi slt, %xor3A_1655, %lt3A_1657 : vector<16xi32>
      %add3A_1659 = arith.constant 16 : i32
      %add3A_1660 = vector.broadcast %add3A_1659 : i32 to vector<16xi32>
      %add3A_1661 = arith.addi %xor3A_1655, %add3A_1660 : vector<16xi32>
      %select_n3A_1662 = arith.select %lt3A_1658, %add3A_1661, %xor3A_1655 : vector<16xi1>, vector<16xi32>
      %broadcast_in_dim3A_1663 = vector.shape_cast %select_n3A_1662 : vector<16xi32> to vector<16x1xi32>
      %gather3A_1664 = vector.shape_cast %broadcast_in_dim3A_1663 : vector<16x1xi32> to vector<16xi32>
      %gather3A_1665 = tpu.dynamic_gather %select_n3A_1484[%gather3A_1664] in [0] : vector<16xf32>, vector<16xi32> -> vector<16xf32>
      %and3A_1666 = arith.constant 8 : i32
      %and3A_1667 = vector.broadcast %and3A_1666 : i32 to vector<16xi32>
      %and3A_1668 = arith.andi %iota3A_154, %and3A_1667 : vector<16xi32>
      %ne3A_1669 = arith.constant 0 : i32
      %ne3A_1670 = vector.broadcast %ne3A_1669 : i32 to vector<16xi32>
      %ne3A_1671 = arith.cmpi ne, %and3A_1668, %ne3A_1670 : vector<16xi32>
      %min3A_1672 = arith.minimumf %select_n3A_1484, %gather3A_1665 : vector<16xf32>
      %max3A_1673 = arith.maximumf %select_n3A_1484, %gather3A_1665 : vector<16xf32>
      %select_n3A_1674 = arith.select %ne3A_1671, %min3A_1672, %max3A_1673 : vector<16xi1>, vector<16xf32>
      %xor3A_1675 = arith.constant 8 : i32
      %xor3A_1676 = vector.broadcast %xor3A_1675 : i32 to vector<16xi32>
      %xor3A_1677 = arith.xori %iota3A_154, %xor3A_1676 : vector<16xi32>
      %lt3A_1678 = arith.constant 0 : i32
      %lt3A_1679 = vector.broadcast %lt3A_1678 : i32 to vector<16xi32>
      %lt3A_1680 = arith.cmpi slt, %xor3A_1677, %lt3A_1679 : vector<16xi32>
      %add3A_1681 = arith.constant 16 : i32
      %add3A_1682 = vector.broadcast %add3A_1681 : i32 to vector<16xi32>
      %add3A_1683 = arith.addi %xor3A_1677, %add3A_1682 : vector<16xi32>
      %select_n3A_1684 = arith.select %lt3A_1680, %add3A_1683, %xor3A_1677 : vector<16xi1>, vector<16xi32>
      %broadcast_in_dim3A_1685 = vector.shape_cast %select_n3A_1684 : vector<16xi32> to vector<16x1xi32>
      %gather3A_1686 = vector.shape_cast %broadcast_in_dim3A_1685 : vector<16x1xi32> to vector<16xi32>
      %gather3A_1687 = tpu.dynamic_gather %select_n3A_1513[%gather3A_1686] in [0] : vector<16xf32>, vector<16xi32> -> vector<16xf32>
      %and3A_1688 = arith.constant 8 : i32
      %and3A_1689 = vector.broadcast %and3A_1688 : i32 to vector<16xi32>
      %and3A_1690 = arith.andi %iota3A_154, %and3A_1689 : vector<16xi32>
      %eq3A_1691 = arith.constant 0 : i32
      %eq3A_1692 = vector.broadcast %eq3A_1691 : i32 to vector<16xi32>
      %eq3A_1693 = arith.cmpi eq, %and3A_1690, %eq3A_1692 : vector<16xi32>
      %min3A_1694 = arith.minimumf %select_n3A_1513, %gather3A_1687 : vector<16xf32>
      %max3A_1695 = arith.maximumf %select_n3A_1513, %gather3A_1687 : vector<16xf32>
      %select_n3A_1696 = arith.select %eq3A_1693, %min3A_1694, %max3A_1695 : vector<16xi1>, vector<16xf32>
      %xor3A_1697 = arith.constant 8 : i32
      %xor3A_1698 = vector.broadcast %xor3A_1697 : i32 to vector<16xi32>
      %xor3A_1699 = arith.xori %iota3A_154, %xor3A_1698 : vector<16xi32>
      %lt3A_1700 = arith.constant 0 : i32
      %lt3A_1701 = vector.broadcast %lt3A_1700 : i32 to vector<16xi32>
      %lt3A_1702 = arith.cmpi slt, %xor3A_1699, %lt3A_1701 : vector<16xi32>
      %add3A_1703 = arith.constant 16 : i32
      %add3A_1704 = vector.broadcast %add3A_1703 : i32 to vector<16xi32>
      %add3A_1705 = arith.addi %xor3A_1699, %add3A_1704 : vector<16xi32>
      %select_n3A_1706 = arith.select %lt3A_1702, %add3A_1705, %xor3A_1699 : vector<16xi1>, vector<16xi32>
      %broadcast_in_dim3A_1707 = vector.shape_cast %select_n3A_1706 : vector<16xi32> to vector<16x1xi32>
      %gather3A_1708 = vector.shape_cast %broadcast_in_dim3A_1707 : vector<16x1xi32> to vector<16xi32>
      %gather3A_1709 = tpu.dynamic_gather %select_n3A_1542[%gather3A_1708] in [0] : vector<16xf32>, vector<16xi32> -> vector<16xf32>
      %and3A_1710 = arith.constant 8 : i32
      %and3A_1711 = vector.broadcast %and3A_1710 : i32 to vector<16xi32>
      %and3A_1712 = arith.andi %iota3A_154, %and3A_1711 : vector<16xi32>
      %ne3A_1713 = arith.constant 0 : i32
      %ne3A_1714 = vector.broadcast %ne3A_1713 : i32 to vector<16xi32>
      %ne3A_1715 = arith.cmpi ne, %and3A_1712, %ne3A_1714 : vector<16xi32>
      %min3A_1716 = arith.minimumf %select_n3A_1542, %gather3A_1709 : vector<16xf32>
      %max3A_1717 = arith.maximumf %select_n3A_1542, %gather3A_1709 : vector<16xf32>
      %select_n3A_1718 = arith.select %ne3A_1715, %min3A_1716, %max3A_1717 : vector<16xi1>, vector<16xf32>
      %xor3A_1719 = arith.constant 4 : i32
      %xor3A_1720 = vector.broadcast %xor3A_1719 : i32 to vector<16xi32>
      %xor3A_1721 = arith.xori %iota3A_154, %xor3A_1720 : vector<16xi32>
      %lt3A_1722 = arith.constant 0 : i32
      %lt3A_1723 = vector.broadcast %lt3A_1722 : i32 to vector<16xi32>
      %lt3A_1724 = arith.cmpi slt, %xor3A_1721, %lt3A_1723 : vector<16xi32>
      %add3A_1725 = arith.constant 16 : i32
      %add3A_1726 = vector.broadcast %add3A_1725 : i32 to vector<16xi32>
      %add3A_1727 = arith.addi %xor3A_1721, %add3A_1726 : vector<16xi32>
      %select_n3A_1728 = arith.select %lt3A_1724, %add3A_1727, %xor3A_1721 : vector<16xi1>, vector<16xi32>
      %broadcast_in_dim3A_1729 = vector.shape_cast %select_n3A_1728 : vector<16xi32> to vector<16x1xi32>
      %gather3A_1730 = vector.shape_cast %broadcast_in_dim3A_1729 : vector<16x1xi32> to vector<16xi32>
      %gather3A_1731 = tpu.dynamic_gather %select_n3A_1564[%gather3A_1730] in [0] : vector<16xf32>, vector<16xi32> -> vector<16xf32>
      %and3A_1732 = arith.constant 4 : i32
      %and3A_1733 = vector.broadcast %and3A_1732 : i32 to vector<16xi32>
      %and3A_1734 = arith.andi %iota3A_154, %and3A_1733 : vector<16xi32>
      %eq3A_1735 = arith.constant 0 : i32
      %eq3A_1736 = vector.broadcast %eq3A_1735 : i32 to vector<16xi32>
      %eq3A_1737 = arith.cmpi eq, %and3A_1734, %eq3A_1736 : vector<16xi32>
      %min3A_1738 = arith.minimumf %select_n3A_1564, %gather3A_1731 : vector<16xf32>
      %max3A_1739 = arith.maximumf %select_n3A_1564, %gather3A_1731 : vector<16xf32>
      %select_n3A_1740 = arith.select %eq3A_1737, %min3A_1738, %max3A_1739 : vector<16xi1>, vector<16xf32>
      %xor3A_1741 = arith.constant 4 : i32
      %xor3A_1742 = vector.broadcast %xor3A_1741 : i32 to vector<16xi32>
      %xor3A_1743 = arith.xori %iota3A_154, %xor3A_1742 : vector<16xi32>
      %lt3A_1744 = arith.constant 0 : i32
      %lt3A_1745 = vector.broadcast %lt3A_1744 : i32 to vector<16xi32>
      %lt3A_1746 = arith.cmpi slt, %xor3A_1743, %lt3A_1745 : vector<16xi32>
      %add3A_1747 = arith.constant 16 : i32
      %add3A_1748 = vector.broadcast %add3A_1747 : i32 to vector<16xi32>
      %add3A_1749 = arith.addi %xor3A_1743, %add3A_1748 : vector<16xi32>
      %select_n3A_1750 = arith.select %lt3A_1746, %add3A_1749, %xor3A_1743 : vector<16xi1>, vector<16xi32>
      %broadcast_in_dim3A_1751 = vector.shape_cast %select_n3A_1750 : vector<16xi32> to vector<16x1xi32>
      %gather3A_1752 = vector.shape_cast %broadcast_in_dim3A_1751 : vector<16x1xi32> to vector<16xi32>
      %gather3A_1753 = tpu.dynamic_gather %select_n3A_1586[%gather3A_1752] in [0] : vector<16xf32>, vector<16xi32> -> vector<16xf32>
      %and3A_1754 = arith.constant 4 : i32
      %and3A_1755 = vector.broadcast %and3A_1754 : i32 to vector<16xi32>
      %and3A_1756 = arith.andi %iota3A_154, %and3A_1755 : vector<16xi32>
      %ne3A_1757 = arith.constant 0 : i32
      %ne3A_1758 = vector.broadcast %ne3A_1757 : i32 to vector<16xi32>
      %ne3A_1759 = arith.cmpi ne, %and3A_1756, %ne3A_1758 : vector<16xi32>
      %min3A_1760 = arith.minimumf %select_n3A_1586, %gather3A_1753 : vector<16xf32>
      %max3A_1761 = arith.maximumf %select_n3A_1586, %gather3A_1753 : vector<16xf32>
      %select_n3A_1762 = arith.select %ne3A_1759, %min3A_1760, %max3A_1761 : vector<16xi1>, vector<16xf32>
      %xor3A_1763 = arith.constant 4 : i32
      %xor3A_1764 = vector.broadcast %xor3A_1763 : i32 to vector<16xi32>
      %xor3A_1765 = arith.xori %iota3A_154, %xor3A_1764 : vector<16xi32>
      %lt3A_1766 = arith.constant 0 : i32
      %lt3A_1767 = vector.broadcast %lt3A_1766 : i32 to vector<16xi32>
      %lt3A_1768 = arith.cmpi slt, %xor3A_1765, %lt3A_1767 : vector<16xi32>
      %add3A_1769 = arith.constant 16 : i32
      %add3A_1770 = vector.broadcast %add3A_1769 : i32 to vector<16xi32>
      %add3A_1771 = arith.addi %xor3A_1765, %add3A_1770 : vector<16xi32>
      %select_n3A_1772 = arith.select %lt3A_1768, %add3A_1771, %xor3A_1765 : vector<16xi1>, vector<16xi32>
      %broadcast_in_dim3A_1773 = vector.shape_cast %select_n3A_1772 : vector<16xi32> to vector<16x1xi32>
      %gather3A_1774 = vector.shape_cast %broadcast_in_dim3A_1773 : vector<16x1xi32> to vector<16xi32>
      %gather3A_1775 = tpu.dynamic_gather %select_n3A_1608[%gather3A_1774] in [0] : vector<16xf32>, vector<16xi32> -> vector<16xf32>
      %and3A_1776 = arith.constant 4 : i32
      %and3A_1777 = vector.broadcast %and3A_1776 : i32 to vector<16xi32>
      %and3A_1778 = arith.andi %iota3A_154, %and3A_1777 : vector<16xi32>
      %eq3A_1779 = arith.constant 0 : i32
      %eq3A_1780 = vector.broadcast %eq3A_1779 : i32 to vector<16xi32>
      %eq3A_1781 = arith.cmpi eq, %and3A_1778, %eq3A_1780 : vector<16xi32>
      %min3A_1782 = arith.minimumf %select_n3A_1608, %gather3A_1775 : vector<16xf32>
      %max3A_1783 = arith.maximumf %select_n3A_1608, %gather3A_1775 : vector<16xf32>
      %select_n3A_1784 = arith.select %eq3A_1781, %min3A_1782, %max3A_1783 : vector<16xi1>, vector<16xf32>
      %xor3A_1785 = arith.constant 4 : i32
      %xor3A_1786 = vector.broadcast %xor3A_1785 : i32 to vector<16xi32>
      %xor3A_1787 = arith.xori %iota3A_154, %xor3A_1786 : vector<16xi32>
      %lt3A_1788 = arith.constant 0 : i32
      %lt3A_1789 = vector.broadcast %lt3A_1788 : i32 to vector<16xi32>
      %lt3A_1790 = arith.cmpi slt, %xor3A_1787, %lt3A_1789 : vector<16xi32>
      %add3A_1791 = arith.constant 16 : i32
      %add3A_1792 = vector.broadcast %add3A_1791 : i32 to vector<16xi32>
      %add3A_1793 = arith.addi %xor3A_1787, %add3A_1792 : vector<16xi32>
      %select_n3A_1794 = arith.select %lt3A_1790, %add3A_1793, %xor3A_1787 : vector<16xi1>, vector<16xi32>
      %broadcast_in_dim3A_1795 = vector.shape_cast %select_n3A_1794 : vector<16xi32> to vector<16x1xi32>
      %gather3A_1796 = vector.shape_cast %broadcast_in_dim3A_1795 : vector<16x1xi32> to vector<16xi32>
      %gather3A_1797 = tpu.dynamic_gather %select_n3A_1630[%gather3A_1796] in [0] : vector<16xf32>, vector<16xi32> -> vector<16xf32>
      %and3A_1798 = arith.constant 4 : i32
      %and3A_1799 = vector.broadcast %and3A_1798 : i32 to vector<16xi32>
      %and3A_1800 = arith.andi %iota3A_154, %and3A_1799 : vector<16xi32>
      %ne3A_1801 = arith.constant 0 : i32
      %ne3A_1802 = vector.broadcast %ne3A_1801 : i32 to vector<16xi32>
      %ne3A_1803 = arith.cmpi ne, %and3A_1800, %ne3A_1802 : vector<16xi32>
      %min3A_1804 = arith.minimumf %select_n3A_1630, %gather3A_1797 : vector<16xf32>
      %max3A_1805 = arith.maximumf %select_n3A_1630, %gather3A_1797 : vector<16xf32>
      %select_n3A_1806 = arith.select %ne3A_1803, %min3A_1804, %max3A_1805 : vector<16xi1>, vector<16xf32>
      %xor3A_1807 = arith.constant 4 : i32
      %xor3A_1808 = vector.broadcast %xor3A_1807 : i32 to vector<16xi32>
      %xor3A_1809 = arith.xori %iota3A_154, %xor3A_1808 : vector<16xi32>
      %lt3A_1810 = arith.constant 0 : i32
      %lt3A_1811 = vector.broadcast %lt3A_1810 : i32 to vector<16xi32>
      %lt3A_1812 = arith.cmpi slt, %xor3A_1809, %lt3A_1811 : vector<16xi32>
      %add3A_1813 = arith.constant 16 : i32
      %add3A_1814 = vector.broadcast %add3A_1813 : i32 to vector<16xi32>
      %add3A_1815 = arith.addi %xor3A_1809, %add3A_1814 : vector<16xi32>
      %select_n3A_1816 = arith.select %lt3A_1812, %add3A_1815, %xor3A_1809 : vector<16xi1>, vector<16xi32>
      %broadcast_in_dim3A_1817 = vector.shape_cast %select_n3A_1816 : vector<16xi32> to vector<16x1xi32>
      %gather3A_1818 = vector.shape_cast %broadcast_in_dim3A_1817 : vector<16x1xi32> to vector<16xi32>
      %gather3A_1819 = tpu.dynamic_gather %select_n3A_1652[%gather3A_1818] in [0] : vector<16xf32>, vector<16xi32> -> vector<16xf32>
      %and3A_1820 = arith.constant 4 : i32
      %and3A_1821 = vector.broadcast %and3A_1820 : i32 to vector<16xi32>
      %and3A_1822 = arith.andi %iota3A_154, %and3A_1821 : vector<16xi32>
      %eq3A_1823 = arith.constant 0 : i32
      %eq3A_1824 = vector.broadcast %eq3A_1823 : i32 to vector<16xi32>
      %eq3A_1825 = arith.cmpi eq, %and3A_1822, %eq3A_1824 : vector<16xi32>
      %min3A_1826 = arith.minimumf %select_n3A_1652, %gather3A_1819 : vector<16xf32>
      %max3A_1827 = arith.maximumf %select_n3A_1652, %gather3A_1819 : vector<16xf32>
      %select_n3A_1828 = arith.select %eq3A_1825, %min3A_1826, %max3A_1827 : vector<16xi1>, vector<16xf32>
      %xor3A_1829 = arith.constant 4 : i32
      %xor3A_1830 = vector.broadcast %xor3A_1829 : i32 to vector<16xi32>
      %xor3A_1831 = arith.xori %iota3A_154, %xor3A_1830 : vector<16xi32>
      %lt3A_1832 = arith.constant 0 : i32
      %lt3A_1833 = vector.broadcast %lt3A_1832 : i32 to vector<16xi32>
      %lt3A_1834 = arith.cmpi slt, %xor3A_1831, %lt3A_1833 : vector<16xi32>
      %add3A_1835 = arith.constant 16 : i32
      %add3A_1836 = vector.broadcast %add3A_1835 : i32 to vector<16xi32>
      %add3A_1837 = arith.addi %xor3A_1831, %add3A_1836 : vector<16xi32>
      %select_n3A_1838 = arith.select %lt3A_1834, %add3A_1837, %xor3A_1831 : vector<16xi1>, vector<16xi32>
      %broadcast_in_dim3A_1839 = vector.shape_cast %select_n3A_1838 : vector<16xi32> to vector<16x1xi32>
      %gather3A_1840 = vector.shape_cast %broadcast_in_dim3A_1839 : vector<16x1xi32> to vector<16xi32>
      %gather3A_1841 = tpu.dynamic_gather %select_n3A_1674[%gather3A_1840] in [0] : vector<16xf32>, vector<16xi32> -> vector<16xf32>
      %and3A_1842 = arith.constant 4 : i32
      %and3A_1843 = vector.broadcast %and3A_1842 : i32 to vector<16xi32>
      %and3A_1844 = arith.andi %iota3A_154, %and3A_1843 : vector<16xi32>
      %ne3A_1845 = arith.constant 0 : i32
      %ne3A_1846 = vector.broadcast %ne3A_1845 : i32 to vector<16xi32>
      %ne3A_1847 = arith.cmpi ne, %and3A_1844, %ne3A_1846 : vector<16xi32>
      %min3A_1848 = arith.minimumf %select_n3A_1674, %gather3A_1841 : vector<16xf32>
      %max3A_1849 = arith.maximumf %select_n3A_1674, %gather3A_1841 : vector<16xf32>
      %select_n3A_1850 = arith.select %ne3A_1847, %min3A_1848, %max3A_1849 : vector<16xi1>, vector<16xf32>
      %xor3A_1851 = arith.constant 4 : i32
      %xor3A_1852 = vector.broadcast %xor3A_1851 : i32 to vector<16xi32>
      %xor3A_1853 = arith.xori %iota3A_154, %xor3A_1852 : vector<16xi32>
      %lt3A_1854 = arith.constant 0 : i32
      %lt3A_1855 = vector.broadcast %lt3A_1854 : i32 to vector<16xi32>
      %lt3A_1856 = arith.cmpi slt, %xor3A_1853, %lt3A_1855 : vector<16xi32>
      %add3A_1857 = arith.constant 16 : i32
      %add3A_1858 = vector.broadcast %add3A_1857 : i32 to vector<16xi32>
      %add3A_1859 = arith.addi %xor3A_1853, %add3A_1858 : vector<16xi32>
      %select_n3A_1860 = arith.select %lt3A_1856, %add3A_1859, %xor3A_1853 : vector<16xi1>, vector<16xi32>
      %broadcast_in_dim3A_1861 = vector.shape_cast %select_n3A_1860 : vector<16xi32> to vector<16x1xi32>
      %gather3A_1862 = vector.shape_cast %broadcast_in_dim3A_1861 : vector<16x1xi32> to vector<16xi32>
      %gather3A_1863 = tpu.dynamic_gather %select_n3A_1696[%gather3A_1862] in [0] : vector<16xf32>, vector<16xi32> -> vector<16xf32>
      %and3A_1864 = arith.constant 4 : i32
      %and3A_1865 = vector.broadcast %and3A_1864 : i32 to vector<16xi32>
      %and3A_1866 = arith.andi %iota3A_154, %and3A_1865 : vector<16xi32>
      %eq3A_1867 = arith.constant 0 : i32
      %eq3A_1868 = vector.broadcast %eq3A_1867 : i32 to vector<16xi32>
      %eq3A_1869 = arith.cmpi eq, %and3A_1866, %eq3A_1868 : vector<16xi32>
      %min3A_1870 = arith.minimumf %select_n3A_1696, %gather3A_1863 : vector<16xf32>
      %max3A_1871 = arith.maximumf %select_n3A_1696, %gather3A_1863 : vector<16xf32>
      %select_n3A_1872 = arith.select %eq3A_1869, %min3A_1870, %max3A_1871 : vector<16xi1>, vector<16xf32>
      %xor3A_1873 = arith.constant 4 : i32
      %xor3A_1874 = vector.broadcast %xor3A_1873 : i32 to vector<16xi32>
      %xor3A_1875 = arith.xori %iota3A_154, %xor3A_1874 : vector<16xi32>
      %lt3A_1876 = arith.constant 0 : i32
      %lt3A_1877 = vector.broadcast %lt3A_1876 : i32 to vector<16xi32>
      %lt3A_1878 = arith.cmpi slt, %xor3A_1875, %lt3A_1877 : vector<16xi32>
      %add3A_1879 = arith.constant 16 : i32
      %add3A_1880 = vector.broadcast %add3A_1879 : i32 to vector<16xi32>
      %add3A_1881 = arith.addi %xor3A_1875, %add3A_1880 : vector<16xi32>
      %select_n3A_1882 = arith.select %lt3A_1878, %add3A_1881, %xor3A_1875 : vector<16xi1>, vector<16xi32>
      %broadcast_in_dim3A_1883 = vector.shape_cast %select_n3A_1882 : vector<16xi32> to vector<16x1xi32>
      %gather3A_1884 = vector.shape_cast %broadcast_in_dim3A_1883 : vector<16x1xi32> to vector<16xi32>
      %gather3A_1885 = tpu.dynamic_gather %select_n3A_1718[%gather3A_1884] in [0] : vector<16xf32>, vector<16xi32> -> vector<16xf32>
      %and3A_1886 = arith.constant 4 : i32
      %and3A_1887 = vector.broadcast %and3A_1886 : i32 to vector<16xi32>
      %and3A_1888 = arith.andi %iota3A_154, %and3A_1887 : vector<16xi32>
      %ne3A_1889 = arith.constant 0 : i32
      %ne3A_1890 = vector.broadcast %ne3A_1889 : i32 to vector<16xi32>
      %ne3A_1891 = arith.cmpi ne, %and3A_1888, %ne3A_1890 : vector<16xi32>
      %min3A_1892 = arith.minimumf %select_n3A_1718, %gather3A_1885 : vector<16xf32>
      %max3A_1893 = arith.maximumf %select_n3A_1718, %gather3A_1885 : vector<16xf32>
      %select_n3A_1894 = arith.select %ne3A_1891, %min3A_1892, %max3A_1893 : vector<16xi1>, vector<16xf32>
      %xor3A_1895 = arith.constant 2 : i32
      %xor3A_1896 = vector.broadcast %xor3A_1895 : i32 to vector<16xi32>
      %xor3A_1897 = arith.xori %iota3A_154, %xor3A_1896 : vector<16xi32>
      %lt3A_1898 = arith.constant 0 : i32
      %lt3A_1899 = vector.broadcast %lt3A_1898 : i32 to vector<16xi32>
      %lt3A_1900 = arith.cmpi slt, %xor3A_1897, %lt3A_1899 : vector<16xi32>
      %add3A_1901 = arith.constant 16 : i32
      %add3A_1902 = vector.broadcast %add3A_1901 : i32 to vector<16xi32>
      %add3A_1903 = arith.addi %xor3A_1897, %add3A_1902 : vector<16xi32>
      %select_n3A_1904 = arith.select %lt3A_1900, %add3A_1903, %xor3A_1897 : vector<16xi1>, vector<16xi32>
      %broadcast_in_dim3A_1905 = vector.shape_cast %select_n3A_1904 : vector<16xi32> to vector<16x1xi32>
      %gather3A_1906 = vector.shape_cast %broadcast_in_dim3A_1905 : vector<16x1xi32> to vector<16xi32>
      %gather3A_1907 = tpu.dynamic_gather %select_n3A_1740[%gather3A_1906] in [0] : vector<16xf32>, vector<16xi32> -> vector<16xf32>
      %and3A_1908 = arith.constant 2 : i32
      %and3A_1909 = vector.broadcast %and3A_1908 : i32 to vector<16xi32>
      %and3A_1910 = arith.andi %iota3A_154, %and3A_1909 : vector<16xi32>
      %eq3A_1911 = arith.constant 0 : i32
      %eq3A_1912 = vector.broadcast %eq3A_1911 : i32 to vector<16xi32>
      %eq3A_1913 = arith.cmpi eq, %and3A_1910, %eq3A_1912 : vector<16xi32>
      %min3A_1914 = arith.minimumf %select_n3A_1740, %gather3A_1907 : vector<16xf32>
      %max3A_1915 = arith.maximumf %select_n3A_1740, %gather3A_1907 : vector<16xf32>
      %select_n3A_1916 = arith.select %eq3A_1913, %min3A_1914, %max3A_1915 : vector<16xi1>, vector<16xf32>
      %xor3A_1917 = arith.constant 2 : i32
      %xor3A_1918 = vector.broadcast %xor3A_1917 : i32 to vector<16xi32>
      %xor3A_1919 = arith.xori %iota3A_154, %xor3A_1918 : vector<16xi32>
      %lt3A_1920 = arith.constant 0 : i32
      %lt3A_1921 = vector.broadcast %lt3A_1920 : i32 to vector<16xi32>
      %lt3A_1922 = arith.cmpi slt, %xor3A_1919, %lt3A_1921 : vector<16xi32>
      %add3A_1923 = arith.constant 16 : i32
      %add3A_1924 = vector.broadcast %add3A_1923 : i32 to vector<16xi32>
      %add3A_1925 = arith.addi %xor3A_1919, %add3A_1924 : vector<16xi32>
      %select_n3A_1926 = arith.select %lt3A_1922, %add3A_1925, %xor3A_1919 : vector<16xi1>, vector<16xi32>
      %broadcast_in_dim3A_1927 = vector.shape_cast %select_n3A_1926 : vector<16xi32> to vector<16x1xi32>
      %gather3A_1928 = vector.shape_cast %broadcast_in_dim3A_1927 : vector<16x1xi32> to vector<16xi32>
      %gather3A_1929 = tpu.dynamic_gather %select_n3A_1762[%gather3A_1928] in [0] : vector<16xf32>, vector<16xi32> -> vector<16xf32>
      %and3A_1930 = arith.constant 2 : i32
      %and3A_1931 = vector.broadcast %and3A_1930 : i32 to vector<16xi32>
      %and3A_1932 = arith.andi %iota3A_154, %and3A_1931 : vector<16xi32>
      %ne3A_1933 = arith.constant 0 : i32
      %ne3A_1934 = vector.broadcast %ne3A_1933 : i32 to vector<16xi32>
      %ne3A_1935 = arith.cmpi ne, %and3A_1932, %ne3A_1934 : vector<16xi32>
      %min3A_1936 = arith.minimumf %select_n3A_1762, %gather3A_1929 : vector<16xf32>
      %max3A_1937 = arith.maximumf %select_n3A_1762, %gather3A_1929 : vector<16xf32>
      %select_n3A_1938 = arith.select %ne3A_1935, %min3A_1936, %max3A_1937 : vector<16xi1>, vector<16xf32>
      %xor3A_1939 = arith.constant 2 : i32
      %xor3A_1940 = vector.broadcast %xor3A_1939 : i32 to vector<16xi32>
      %xor3A_1941 = arith.xori %iota3A_154, %xor3A_1940 : vector<16xi32>
      %lt3A_1942 = arith.constant 0 : i32
      %lt3A_1943 = vector.broadcast %lt3A_1942 : i32 to vector<16xi32>
      %lt3A_1944 = arith.cmpi slt, %xor3A_1941, %lt3A_1943 : vector<16xi32>
      %add3A_1945 = arith.constant 16 : i32
      %add3A_1946 = vector.broadcast %add3A_1945 : i32 to vector<16xi32>
      %add3A_1947 = arith.addi %xor3A_1941, %add3A_1946 : vector<16xi32>
      %select_n3A_1948 = arith.select %lt3A_1944, %add3A_1947, %xor3A_1941 : vector<16xi1>, vector<16xi32>
      %broadcast_in_dim3A_1949 = vector.shape_cast %select_n3A_1948 : vector<16xi32> to vector<16x1xi32>
      %gather3A_1950 = vector.shape_cast %broadcast_in_dim3A_1949 : vector<16x1xi32> to vector<16xi32>
      %gather3A_1951 = tpu.dynamic_gather %select_n3A_1784[%gather3A_1950] in [0] : vector<16xf32>, vector<16xi32> -> vector<16xf32>
      %and3A_1952 = arith.constant 2 : i32
      %and3A_1953 = vector.broadcast %and3A_1952 : i32 to vector<16xi32>
      %and3A_1954 = arith.andi %iota3A_154, %and3A_1953 : vector<16xi32>
      %eq3A_1955 = arith.constant 0 : i32
      %eq3A_1956 = vector.broadcast %eq3A_1955 : i32 to vector<16xi32>
      %eq3A_1957 = arith.cmpi eq, %and3A_1954, %eq3A_1956 : vector<16xi32>
      %min3A_1958 = arith.minimumf %select_n3A_1784, %gather3A_1951 : vector<16xf32>
      %max3A_1959 = arith.maximumf %select_n3A_1784, %gather3A_1951 : vector<16xf32>
      %select_n3A_1960 = arith.select %eq3A_1957, %min3A_1958, %max3A_1959 : vector<16xi1>, vector<16xf32>
      %xor3A_1961 = arith.constant 2 : i32
      %xor3A_1962 = vector.broadcast %xor3A_1961 : i32 to vector<16xi32>
      %xor3A_1963 = arith.xori %iota3A_154, %xor3A_1962 : vector<16xi32>
      %lt3A_1964 = arith.constant 0 : i32
      %lt3A_1965 = vector.broadcast %lt3A_1964 : i32 to vector<16xi32>
      %lt3A_1966 = arith.cmpi slt, %xor3A_1963, %lt3A_1965 : vector<16xi32>
      %add3A_1967 = arith.constant 16 : i32
      %add3A_1968 = vector.broadcast %add3A_1967 : i32 to vector<16xi32>
      %add3A_1969 = arith.addi %xor3A_1963, %add3A_1968 : vector<16xi32>
      %select_n3A_1970 = arith.select %lt3A_1966, %add3A_1969, %xor3A_1963 : vector<16xi1>, vector<16xi32>
      %broadcast_in_dim3A_1971 = vector.shape_cast %select_n3A_1970 : vector<16xi32> to vector<16x1xi32>
      %gather3A_1972 = vector.shape_cast %broadcast_in_dim3A_1971 : vector<16x1xi32> to vector<16xi32>
      %gather3A_1973 = tpu.dynamic_gather %select_n3A_1806[%gather3A_1972] in [0] : vector<16xf32>, vector<16xi32> -> vector<16xf32>
      %and3A_1974 = arith.constant 2 : i32
      %and3A_1975 = vector.broadcast %and3A_1974 : i32 to vector<16xi32>
      %and3A_1976 = arith.andi %iota3A_154, %and3A_1975 : vector<16xi32>
      %ne3A_1977 = arith.constant 0 : i32
      %ne3A_1978 = vector.broadcast %ne3A_1977 : i32 to vector<16xi32>
      %ne3A_1979 = arith.cmpi ne, %and3A_1976, %ne3A_1978 : vector<16xi32>
      %min3A_1980 = arith.minimumf %select_n3A_1806, %gather3A_1973 : vector<16xf32>
      %max3A_1981 = arith.maximumf %select_n3A_1806, %gather3A_1973 : vector<16xf32>
      %select_n3A_1982 = arith.select %ne3A_1979, %min3A_1980, %max3A_1981 : vector<16xi1>, vector<16xf32>
      %xor3A_1983 = arith.constant 2 : i32
      %xor3A_1984 = vector.broadcast %xor3A_1983 : i32 to vector<16xi32>
      %xor3A_1985 = arith.xori %iota3A_154, %xor3A_1984 : vector<16xi32>
      %lt3A_1986 = arith.constant 0 : i32
      %lt3A_1987 = vector.broadcast %lt3A_1986 : i32 to vector<16xi32>
      %lt3A_1988 = arith.cmpi slt, %xor3A_1985, %lt3A_1987 : vector<16xi32>
      %add3A_1989 = arith.constant 16 : i32
      %add3A_1990 = vector.broadcast %add3A_1989 : i32 to vector<16xi32>
      %add3A_1991 = arith.addi %xor3A_1985, %add3A_1990 : vector<16xi32>
      %select_n3A_1992 = arith.select %lt3A_1988, %add3A_1991, %xor3A_1985 : vector<16xi1>, vector<16xi32>
      %broadcast_in_dim3A_1993 = vector.shape_cast %select_n3A_1992 : vector<16xi32> to vector<16x1xi32>
      %gather3A_1994 = vector.shape_cast %broadcast_in_dim3A_1993 : vector<16x1xi32> to vector<16xi32>
      %gather3A_1995 = tpu.dynamic_gather %select_n3A_1828[%gather3A_1994] in [0] : vector<16xf32>, vector<16xi32> -> vector<16xf32>
      %and3A_1996 = arith.constant 2 : i32
      %and3A_1997 = vector.broadcast %and3A_1996 : i32 to vector<16xi32>
      %and3A_1998 = arith.andi %iota3A_154, %and3A_1997 : vector<16xi32>
      %eq3A_1999 = arith.constant 0 : i32
      %eq3A_2000 = vector.broadcast %eq3A_1999 : i32 to vector<16xi32>
      %eq3A_2001 = arith.cmpi eq, %and3A_1998, %eq3A_2000 : vector<16xi32>
      %min3A_2002 = arith.minimumf %select_n3A_1828, %gather3A_1995 : vector<16xf32>
      %max3A_2003 = arith.maximumf %select_n3A_1828, %gather3A_1995 : vector<16xf32>
      %select_n3A_2004 = arith.select %eq3A_2001, %min3A_2002, %max3A_2003 : vector<16xi1>, vector<16xf32>
      %xor3A_2005 = arith.constant 2 : i32
      %xor3A_2006 = vector.broadcast %xor3A_2005 : i32 to vector<16xi32>
      %xor3A_2007 = arith.xori %iota3A_154, %xor3A_2006 : vector<16xi32>
      %lt3A_2008 = arith.constant 0 : i32
      %lt3A_2009 = vector.broadcast %lt3A_2008 : i32 to vector<16xi32>
      %lt3A_2010 = arith.cmpi slt, %xor3A_2007, %lt3A_2009 : vector<16xi32>
      %add3A_2011 = arith.constant 16 : i32
      %add3A_2012 = vector.broadcast %add3A_2011 : i32 to vector<16xi32>
      %add3A_2013 = arith.addi %xor3A_2007, %add3A_2012 : vector<16xi32>
      %select_n3A_2014 = arith.select %lt3A_2010, %add3A_2013, %xor3A_2007 : vector<16xi1>, vector<16xi32>
      %broadcast_in_dim3A_2015 = vector.shape_cast %select_n3A_2014 : vector<16xi32> to vector<16x1xi32>
      %gather3A_2016 = vector.shape_cast %broadcast_in_dim3A_2015 : vector<16x1xi32> to vector<16xi32>
      %gather3A_2017 = tpu.dynamic_gather %select_n3A_1850[%gather3A_2016] in [0] : vector<16xf32>, vector<16xi32> -> vector<16xf32>
      %and3A_2018 = arith.constant 2 : i32
      %and3A_2019 = vector.broadcast %and3A_2018 : i32 to vector<16xi32>
      %and3A_2020 = arith.andi %iota3A_154, %and3A_2019 : vector<16xi32>
      %ne3A_2021 = arith.constant 0 : i32
      %ne3A_2022 = vector.broadcast %ne3A_2021 : i32 to vector<16xi32>
      %ne3A_2023 = arith.cmpi ne, %and3A_2020, %ne3A_2022 : vector<16xi32>
      %min3A_2024 = arith.minimumf %select_n3A_1850, %gather3A_2017 : vector<16xf32>
      %max3A_2025 = arith.maximumf %select_n3A_1850, %gather3A_2017 : vector<16xf32>
      %select_n3A_2026 = arith.select %ne3A_2023, %min3A_2024, %max3A_2025 : vector<16xi1>, vector<16xf32>
      %xor3A_2027 = arith.constant 2 : i32
      %xor3A_2028 = vector.broadcast %xor3A_2027 : i32 to vector<16xi32>
      %xor3A_2029 = arith.xori %iota3A_154, %xor3A_2028 : vector<16xi32>
      %lt3A_2030 = arith.constant 0 : i32
      %lt3A_2031 = vector.broadcast %lt3A_2030 : i32 to vector<16xi32>
      %lt3A_2032 = arith.cmpi slt, %xor3A_2029, %lt3A_2031 : vector<16xi32>
      %add3A_2033 = arith.constant 16 : i32
      %add3A_2034 = vector.broadcast %add3A_2033 : i32 to vector<16xi32>
      %add3A_2035 = arith.addi %xor3A_2029, %add3A_2034 : vector<16xi32>
      %select_n3A_2036 = arith.select %lt3A_2032, %add3A_2035, %xor3A_2029 : vector<16xi1>, vector<16xi32>
      %broadcast_in_dim3A_2037 = vector.shape_cast %select_n3A_2036 : vector<16xi32> to vector<16x1xi32>
      %gather3A_2038 = vector.shape_cast %broadcast_in_dim3A_2037 : vector<16x1xi32> to vector<16xi32>
      %gather3A_2039 = tpu.dynamic_gather %select_n3A_1872[%gather3A_2038] in [0] : vector<16xf32>, vector<16xi32> -> vector<16xf32>
      %and3A_2040 = arith.constant 2 : i32
      %and3A_2041 = vector.broadcast %and3A_2040 : i32 to vector<16xi32>
      %and3A_2042 = arith.andi %iota3A_154, %and3A_2041 : vector<16xi32>
      %eq3A_2043 = arith.constant 0 : i32
      %eq3A_2044 = vector.broadcast %eq3A_2043 : i32 to vector<16xi32>
      %eq3A_2045 = arith.cmpi eq, %and3A_2042, %eq3A_2044 : vector<16xi32>
      %min3A_2046 = arith.minimumf %select_n3A_1872, %gather3A_2039 : vector<16xf32>
      %max3A_2047 = arith.maximumf %select_n3A_1872, %gather3A_2039 : vector<16xf32>
      %select_n3A_2048 = arith.select %eq3A_2045, %min3A_2046, %max3A_2047 : vector<16xi1>, vector<16xf32>
      %xor3A_2049 = arith.constant 2 : i32
      %xor3A_2050 = vector.broadcast %xor3A_2049 : i32 to vector<16xi32>
      %xor3A_2051 = arith.xori %iota3A_154, %xor3A_2050 : vector<16xi32>
      %lt3A_2052 = arith.constant 0 : i32
      %lt3A_2053 = vector.broadcast %lt3A_2052 : i32 to vector<16xi32>
      %lt3A_2054 = arith.cmpi slt, %xor3A_2051, %lt3A_2053 : vector<16xi32>
      %add3A_2055 = arith.constant 16 : i32
      %add3A_2056 = vector.broadcast %add3A_2055 : i32 to vector<16xi32>
      %add3A_2057 = arith.addi %xor3A_2051, %add3A_2056 : vector<16xi32>
      %select_n3A_2058 = arith.select %lt3A_2054, %add3A_2057, %xor3A_2051 : vector<16xi1>, vector<16xi32>
      %broadcast_in_dim3A_2059 = vector.shape_cast %select_n3A_2058 : vector<16xi32> to vector<16x1xi32>
      %gather3A_2060 = vector.shape_cast %broadcast_in_dim3A_2059 : vector<16x1xi32> to vector<16xi32>
      %gather3A_2061 = tpu.dynamic_gather %select_n3A_1894[%gather3A_2060] in [0] : vector<16xf32>, vector<16xi32> -> vector<16xf32>
      %and3A_2062 = arith.constant 2 : i32
      %and3A_2063 = vector.broadcast %and3A_2062 : i32 to vector<16xi32>
      %and3A_2064 = arith.andi %iota3A_154, %and3A_2063 : vector<16xi32>
      %ne3A_2065 = arith.constant 0 : i32
      %ne3A_2066 = vector.broadcast %ne3A_2065 : i32 to vector<16xi32>
      %ne3A_2067 = arith.cmpi ne, %and3A_2064, %ne3A_2066 : vector<16xi32>
      %min3A_2068 = arith.minimumf %select_n3A_1894, %gather3A_2061 : vector<16xf32>
      %max3A_2069 = arith.maximumf %select_n3A_1894, %gather3A_2061 : vector<16xf32>
      %select_n3A_2070 = arith.select %ne3A_2067, %min3A_2068, %max3A_2069 : vector<16xi1>, vector<16xf32>
      %xor3A_2071 = arith.constant 1 : i32
      %xor3A_2072 = vector.broadcast %xor3A_2071 : i32 to vector<16xi32>
      %xor3A_2073 = arith.xori %iota3A_154, %xor3A_2072 : vector<16xi32>
      %lt3A_2074 = arith.constant 0 : i32
      %lt3A_2075 = vector.broadcast %lt3A_2074 : i32 to vector<16xi32>
      %lt3A_2076 = arith.cmpi slt, %xor3A_2073, %lt3A_2075 : vector<16xi32>
      %add3A_2077 = arith.constant 16 : i32
      %add3A_2078 = vector.broadcast %add3A_2077 : i32 to vector<16xi32>
      %add3A_2079 = arith.addi %xor3A_2073, %add3A_2078 : vector<16xi32>
      %select_n3A_2080 = arith.select %lt3A_2076, %add3A_2079, %xor3A_2073 : vector<16xi1>, vector<16xi32>
      %broadcast_in_dim3A_2081 = vector.shape_cast %select_n3A_2080 : vector<16xi32> to vector<16x1xi32>
      %gather3A_2082 = vector.shape_cast %broadcast_in_dim3A_2081 : vector<16x1xi32> to vector<16xi32>
      %gather3A_2083 = tpu.dynamic_gather %select_n3A_1916[%gather3A_2082] in [0] : vector<16xf32>, vector<16xi32> -> vector<16xf32>
      %and3A_2084 = arith.constant 1 : i32
      %and3A_2085 = vector.broadcast %and3A_2084 : i32 to vector<16xi32>
      %and3A_2086 = arith.andi %iota3A_154, %and3A_2085 : vector<16xi32>
      %eq3A_2087 = arith.constant 0 : i32
      %eq3A_2088 = vector.broadcast %eq3A_2087 : i32 to vector<16xi32>
      %eq3A_2089 = arith.cmpi eq, %and3A_2086, %eq3A_2088 : vector<16xi32>
      %min3A_2090 = arith.minimumf %select_n3A_1916, %gather3A_2083 : vector<16xf32>
      %max3A_2091 = arith.maximumf %select_n3A_1916, %gather3A_2083 : vector<16xf32>
      %select_n3A_2092 = arith.select %eq3A_2089, %min3A_2090, %max3A_2091 : vector<16xi1>, vector<16xf32>
      %xor3A_2093 = arith.constant 1 : i32
      %xor3A_2094 = vector.broadcast %xor3A_2093 : i32 to vector<16xi32>
      %xor3A_2095 = arith.xori %iota3A_154, %xor3A_2094 : vector<16xi32>
      %lt3A_2096 = arith.constant 0 : i32
      %lt3A_2097 = vector.broadcast %lt3A_2096 : i32 to vector<16xi32>
      %lt3A_2098 = arith.cmpi slt, %xor3A_2095, %lt3A_2097 : vector<16xi32>
      %add3A_2099 = arith.constant 16 : i32
      %add3A_2100 = vector.broadcast %add3A_2099 : i32 to vector<16xi32>
      %add3A_2101 = arith.addi %xor3A_2095, %add3A_2100 : vector<16xi32>
      %select_n3A_2102 = arith.select %lt3A_2098, %add3A_2101, %xor3A_2095 : vector<16xi1>, vector<16xi32>
      %broadcast_in_dim3A_2103 = vector.shape_cast %select_n3A_2102 : vector<16xi32> to vector<16x1xi32>
      %gather3A_2104 = vector.shape_cast %broadcast_in_dim3A_2103 : vector<16x1xi32> to vector<16xi32>
      %gather3A_2105 = tpu.dynamic_gather %select_n3A_1938[%gather3A_2104] in [0] : vector<16xf32>, vector<16xi32> -> vector<16xf32>
      %and3A_2106 = arith.constant 1 : i32
      %and3A_2107 = vector.broadcast %and3A_2106 : i32 to vector<16xi32>
      %and3A_2108 = arith.andi %iota3A_154, %and3A_2107 : vector<16xi32>
      %ne3A_2109 = arith.constant 0 : i32
      %ne3A_2110 = vector.broadcast %ne3A_2109 : i32 to vector<16xi32>
      %ne3A_2111 = arith.cmpi ne, %and3A_2108, %ne3A_2110 : vector<16xi32>
      %min3A_2112 = arith.minimumf %select_n3A_1938, %gather3A_2105 : vector<16xf32>
      %max3A_2113 = arith.maximumf %select_n3A_1938, %gather3A_2105 : vector<16xf32>
      %select_n3A_2114 = arith.select %ne3A_2111, %min3A_2112, %max3A_2113 : vector<16xi1>, vector<16xf32>
      %xor3A_2115 = arith.constant 1 : i32
      %xor3A_2116 = vector.broadcast %xor3A_2115 : i32 to vector<16xi32>
      %xor3A_2117 = arith.xori %iota3A_154, %xor3A_2116 : vector<16xi32>
      %lt3A_2118 = arith.constant 0 : i32
      %lt3A_2119 = vector.broadcast %lt3A_2118 : i32 to vector<16xi32>
      %lt3A_2120 = arith.cmpi slt, %xor3A_2117, %lt3A_2119 : vector<16xi32>
      %add3A_2121 = arith.constant 16 : i32
      %add3A_2122 = vector.broadcast %add3A_2121 : i32 to vector<16xi32>
      %add3A_2123 = arith.addi %xor3A_2117, %add3A_2122 : vector<16xi32>
      %select_n3A_2124 = arith.select %lt3A_2120, %add3A_2123, %xor3A_2117 : vector<16xi1>, vector<16xi32>
      %broadcast_in_dim3A_2125 = vector.shape_cast %select_n3A_2124 : vector<16xi32> to vector<16x1xi32>
      %gather3A_2126 = vector.shape_cast %broadcast_in_dim3A_2125 : vector<16x1xi32> to vector<16xi32>
      %gather3A_2127 = tpu.dynamic_gather %select_n3A_1960[%gather3A_2126] in [0] : vector<16xf32>, vector<16xi32> -> vector<16xf32>
      %and3A_2128 = arith.constant 1 : i32
      %and3A_2129 = vector.broadcast %and3A_2128 : i32 to vector<16xi32>
      %and3A_2130 = arith.andi %iota3A_154, %and3A_2129 : vector<16xi32>
      %eq3A_2131 = arith.constant 0 : i32
      %eq3A_2132 = vector.broadcast %eq3A_2131 : i32 to vector<16xi32>
      %eq3A_2133 = arith.cmpi eq, %and3A_2130, %eq3A_2132 : vector<16xi32>
      %min3A_2134 = arith.minimumf %select_n3A_1960, %gather3A_2127 : vector<16xf32>
      %max3A_2135 = arith.maximumf %select_n3A_1960, %gather3A_2127 : vector<16xf32>
      %select_n3A_2136 = arith.select %eq3A_2133, %min3A_2134, %max3A_2135 : vector<16xi1>, vector<16xf32>
      %xor3A_2137 = arith.constant 1 : i32
      %xor3A_2138 = vector.broadcast %xor3A_2137 : i32 to vector<16xi32>
      %xor3A_2139 = arith.xori %iota3A_154, %xor3A_2138 : vector<16xi32>
      %lt3A_2140 = arith.constant 0 : i32
      %lt3A_2141 = vector.broadcast %lt3A_2140 : i32 to vector<16xi32>
      %lt3A_2142 = arith.cmpi slt, %xor3A_2139, %lt3A_2141 : vector<16xi32>
      %add3A_2143 = arith.constant 16 : i32
      %add3A_2144 = vector.broadcast %add3A_2143 : i32 to vector<16xi32>
      %add3A_2145 = arith.addi %xor3A_2139, %add3A_2144 : vector<16xi32>
      %select_n3A_2146 = arith.select %lt3A_2142, %add3A_2145, %xor3A_2139 : vector<16xi1>, vector<16xi32>
      %broadcast_in_dim3A_2147 = vector.shape_cast %select_n3A_2146 : vector<16xi32> to vector<16x1xi32>
      %gather3A_2148 = vector.shape_cast %broadcast_in_dim3A_2147 : vector<16x1xi32> to vector<16xi32>
      %gather3A_2149 = tpu.dynamic_gather %select_n3A_1982[%gather3A_2148] in [0] : vector<16xf32>, vector<16xi32> -> vector<16xf32>
      %and3A_2150 = arith.constant 1 : i32
      %and3A_2151 = vector.broadcast %and3A_2150 : i32 to vector<16xi32>
      %and3A_2152 = arith.andi %iota3A_154, %and3A_2151 : vector<16xi32>
      %ne3A_2153 = arith.constant 0 : i32
      %ne3A_2154 = vector.broadcast %ne3A_2153 : i32 to vector<16xi32>
      %ne3A_2155 = arith.cmpi ne, %and3A_2152, %ne3A_2154 : vector<16xi32>
      %min3A_2156 = arith.minimumf %select_n3A_1982, %gather3A_2149 : vector<16xf32>
      %max3A_2157 = arith.maximumf %select_n3A_1982, %gather3A_2149 : vector<16xf32>
      %select_n3A_2158 = arith.select %ne3A_2155, %min3A_2156, %max3A_2157 : vector<16xi1>, vector<16xf32>
      %xor3A_2159 = arith.constant 1 : i32
      %xor3A_2160 = vector.broadcast %xor3A_2159 : i32 to vector<16xi32>
      %xor3A_2161 = arith.xori %iota3A_154, %xor3A_2160 : vector<16xi32>
      %lt3A_2162 = arith.constant 0 : i32
      %lt3A_2163 = vector.broadcast %lt3A_2162 : i32 to vector<16xi32>
      %lt3A_2164 = arith.cmpi slt, %xor3A_2161, %lt3A_2163 : vector<16xi32>
      %add3A_2165 = arith.constant 16 : i32
      %add3A_2166 = vector.broadcast %add3A_2165 : i32 to vector<16xi32>
      %add3A_2167 = arith.addi %xor3A_2161, %add3A_2166 : vector<16xi32>
      %select_n3A_2168 = arith.select %lt3A_2164, %add3A_2167, %xor3A_2161 : vector<16xi1>, vector<16xi32>
      %broadcast_in_dim3A_2169 = vector.shape_cast %select_n3A_2168 : vector<16xi32> to vector<16x1xi32>
      %gather3A_2170 = vector.shape_cast %broadcast_in_dim3A_2169 : vector<16x1xi32> to vector<16xi32>
      %gather3A_2171 = tpu.dynamic_gather %select_n3A_2004[%gather3A_2170] in [0] : vector<16xf32>, vector<16xi32> -> vector<16xf32>
      %and3A_2172 = arith.constant 1 : i32
      %and3A_2173 = vector.broadcast %and3A_2172 : i32 to vector<16xi32>
      %and3A_2174 = arith.andi %iota3A_154, %and3A_2173 : vector<16xi32>
      %eq3A_2175 = arith.constant 0 : i32
      %eq3A_2176 = vector.broadcast %eq3A_2175 : i32 to vector<16xi32>
      %eq3A_2177 = arith.cmpi eq, %and3A_2174, %eq3A_2176 : vector<16xi32>
      %min3A_2178 = arith.minimumf %select_n3A_2004, %gather3A_2171 : vector<16xf32>
      %max3A_2179 = arith.maximumf %select_n3A_2004, %gather3A_2171 : vector<16xf32>
      %select_n3A_2180 = arith.select %eq3A_2177, %min3A_2178, %max3A_2179 : vector<16xi1>, vector<16xf32>
      %xor3A_2181 = arith.constant 1 : i32
      %xor3A_2182 = vector.broadcast %xor3A_2181 : i32 to vector<16xi32>
      %xor3A_2183 = arith.xori %iota3A_154, %xor3A_2182 : vector<16xi32>
      %lt3A_2184 = arith.constant 0 : i32
      %lt3A_2185 = vector.broadcast %lt3A_2184 : i32 to vector<16xi32>
      %lt3A_2186 = arith.cmpi slt, %xor3A_2183, %lt3A_2185 : vector<16xi32>
      %add3A_2187 = arith.constant 16 : i32
      %add3A_2188 = vector.broadcast %add3A_2187 : i32 to vector<16xi32>
      %add3A_2189 = arith.addi %xor3A_2183, %add3A_2188 : vector<16xi32>
      %select_n3A_2190 = arith.select %lt3A_2186, %add3A_2189, %xor3A_2183 : vector<16xi1>, vector<16xi32>
      %broadcast_in_dim3A_2191 = vector.shape_cast %select_n3A_2190 : vector<16xi32> to vector<16x1xi32>
      %gather3A_2192 = vector.shape_cast %broadcast_in_dim3A_2191 : vector<16x1xi32> to vector<16xi32>
      %gather3A_2193 = tpu.dynamic_gather %select_n3A_2026[%gather3A_2192] in [0] : vector<16xf32>, vector<16xi32> -> vector<16xf32>
      %and3A_2194 = arith.constant 1 : i32
      %and3A_2195 = vector.broadcast %and3A_2194 : i32 to vector<16xi32>
      %and3A_2196 = arith.andi %iota3A_154, %and3A_2195 : vector<16xi32>
      %ne3A_2197 = arith.constant 0 : i32
      %ne3A_2198 = vector.broadcast %ne3A_2197 : i32 to vector<16xi32>
      %ne3A_2199 = arith.cmpi ne, %and3A_2196, %ne3A_2198 : vector<16xi32>
      %min3A_2200 = arith.minimumf %select_n3A_2026, %gather3A_2193 : vector<16xf32>
      %max3A_2201 = arith.maximumf %select_n3A_2026, %gather3A_2193 : vector<16xf32>
      %select_n3A_2202 = arith.select %ne3A_2199, %min3A_2200, %max3A_2201 : vector<16xi1>, vector<16xf32>
      %xor3A_2203 = arith.constant 1 : i32
      %xor3A_2204 = vector.broadcast %xor3A_2203 : i32 to vector<16xi32>
      %xor3A_2205 = arith.xori %iota3A_154, %xor3A_2204 : vector<16xi32>
      %lt3A_2206 = arith.constant 0 : i32
      %lt3A_2207 = vector.broadcast %lt3A_2206 : i32 to vector<16xi32>
      %lt3A_2208 = arith.cmpi slt, %xor3A_2205, %lt3A_2207 : vector<16xi32>
      %add3A_2209 = arith.constant 16 : i32
      %add3A_2210 = vector.broadcast %add3A_2209 : i32 to vector<16xi32>
      %add3A_2211 = arith.addi %xor3A_2205, %add3A_2210 : vector<16xi32>
      %select_n3A_2212 = arith.select %lt3A_2208, %add3A_2211, %xor3A_2205 : vector<16xi1>, vector<16xi32>
      %broadcast_in_dim3A_2213 = vector.shape_cast %select_n3A_2212 : vector<16xi32> to vector<16x1xi32>
      %gather3A_2214 = vector.shape_cast %broadcast_in_dim3A_2213 : vector<16x1xi32> to vector<16xi32>
      %gather3A_2215 = tpu.dynamic_gather %select_n3A_2048[%gather3A_2214] in [0] : vector<16xf32>, vector<16xi32> -> vector<16xf32>
      %and3A_2216 = arith.constant 1 : i32
      %and3A_2217 = vector.broadcast %and3A_2216 : i32 to vector<16xi32>
      %and3A_2218 = arith.andi %iota3A_154, %and3A_2217 : vector<16xi32>
      %eq3A_2219 = arith.constant 0 : i32
      %eq3A_2220 = vector.broadcast %eq3A_2219 : i32 to vector<16xi32>
      %eq3A_2221 = arith.cmpi eq, %and3A_2218, %eq3A_2220 : vector<16xi32>
      %min3A_2222 = arith.minimumf %select_n3A_2048, %gather3A_2215 : vector<16xf32>
      %max3A_2223 = arith.maximumf %select_n3A_2048, %gather3A_2215 : vector<16xf32>
      %select_n3A_2224 = arith.select %eq3A_2221, %min3A_2222, %max3A_2223 : vector<16xi1>, vector<16xf32>
      %xor3A_2225 = arith.constant 1 : i32
      %xor3A_2226 = vector.broadcast %xor3A_2225 : i32 to vector<16xi32>
      %xor3A_2227 = arith.xori %iota3A_154, %xor3A_2226 : vector<16xi32>
      %lt3A_2228 = arith.constant 0 : i32
      %lt3A_2229 = vector.broadcast %lt3A_2228 : i32 to vector<16xi32>
      %lt3A_2230 = arith.cmpi slt, %xor3A_2227, %lt3A_2229 : vector<16xi32>
      %add3A_2231 = arith.constant 16 : i32
      %add3A_2232 = vector.broadcast %add3A_2231 : i32 to vector<16xi32>
      %add3A_2233 = arith.addi %xor3A_2227, %add3A_2232 : vector<16xi32>
      %select_n3A_2234 = arith.select %lt3A_2230, %add3A_2233, %xor3A_2227 : vector<16xi1>, vector<16xi32>
      %broadcast_in_dim3A_2235 = vector.shape_cast %select_n3A_2234 : vector<16xi32> to vector<16x1xi32>
      %gather3A_2236 = vector.shape_cast %broadcast_in_dim3A_2235 : vector<16x1xi32> to vector<16xi32>
      %gather3A_2237 = tpu.dynamic_gather %select_n3A_2070[%gather3A_2236] in [0] : vector<16xf32>, vector<16xi32> -> vector<16xf32>
      %and3A_2238 = arith.constant 1 : i32
      %and3A_2239 = vector.broadcast %and3A_2238 : i32 to vector<16xi32>
      %and3A_2240 = arith.andi %iota3A_154, %and3A_2239 : vector<16xi32>
      %ne3A_2241 = arith.constant 0 : i32
      %ne3A_2242 = vector.broadcast %ne3A_2241 : i32 to vector<16xi32>
      %ne3A_2243 = arith.cmpi ne, %and3A_2240, %ne3A_2242 : vector<16xi32>
      %min3A_2244 = arith.minimumf %select_n3A_2070, %gather3A_2237 : vector<16xf32>
      %max3A_2245 = arith.maximumf %select_n3A_2070, %gather3A_2237 : vector<16xf32>
      %select_n3A_2246 = arith.select %ne3A_2243, %min3A_2244, %max3A_2245 : vector<16xi1>, vector<16xf32>
      %min3A_2247 = arith.minimumf %select_n3A_2092, %select_n3A_2114 : vector<16xf32>
      %max3A_2248 = arith.maximumf %select_n3A_2092, %select_n3A_2114 : vector<16xf32>
      %min3A_2249 = arith.minimumf %select_n3A_2136, %select_n3A_2158 : vector<16xf32>
      %max3A_2250 = arith.maximumf %select_n3A_2136, %select_n3A_2158 : vector<16xf32>
      %min3A_2251 = arith.minimumf %select_n3A_2180, %select_n3A_2202 : vector<16xf32>
      %max3A_2252 = arith.maximumf %select_n3A_2180, %select_n3A_2202 : vector<16xf32>
      %min3A_2253 = arith.minimumf %select_n3A_2224, %select_n3A_2246 : vector<16xf32>
      %max3A_2254 = arith.maximumf %select_n3A_2224, %select_n3A_2246 : vector<16xf32>
      %xor3A_2255 = arith.constant 8 : i32
      %xor3A_2256 = vector.broadcast %xor3A_2255 : i32 to vector<16xi32>
      %xor3A_2257 = arith.xori %iota3A_154, %xor3A_2256 : vector<16xi32>
      %lt3A_2258 = arith.constant 0 : i32
      %lt3A_2259 = vector.broadcast %lt3A_2258 : i32 to vector<16xi32>
      %lt3A_2260 = arith.cmpi slt, %xor3A_2257, %lt3A_2259 : vector<16xi32>
      %add3A_2261 = arith.constant 16 : i32
      %add3A_2262 = vector.broadcast %add3A_2261 : i32 to vector<16xi32>
      %add3A_2263 = arith.addi %xor3A_2257, %add3A_2262 : vector<16xi32>
      %select_n3A_2264 = arith.select %lt3A_2260, %add3A_2263, %xor3A_2257 : vector<16xi1>, vector<16xi32>
      %broadcast_in_dim3A_2265 = vector.shape_cast %select_n3A_2264 : vector<16xi32> to vector<16x1xi32>
      %gather3A_2266 = vector.shape_cast %broadcast_in_dim3A_2265 : vector<16x1xi32> to vector<16xi32>
      %gather3A_2267 = tpu.dynamic_gather %min3A_2247[%gather3A_2266] in [0] : vector<16xf32>, vector<16xi32> -> vector<16xf32>
      %and3A_2268 = arith.constant 8 : i32
      %and3A_2269 = vector.broadcast %and3A_2268 : i32 to vector<16xi32>
      %and3A_2270 = arith.andi %iota3A_154, %and3A_2269 : vector<16xi32>
      %eq3A_2271 = arith.constant 0 : i32
      %eq3A_2272 = vector.broadcast %eq3A_2271 : i32 to vector<16xi32>
      %eq3A_2273 = arith.cmpi eq, %and3A_2270, %eq3A_2272 : vector<16xi32>
      %min3A_2274 = arith.minimumf %min3A_2247, %gather3A_2267 : vector<16xf32>
      %max3A_2275 = arith.maximumf %min3A_2247, %gather3A_2267 : vector<16xf32>
      %select_n3A_2276 = arith.select %eq3A_2273, %min3A_2274, %max3A_2275 : vector<16xi1>, vector<16xf32>
      %xor3A_2277 = arith.constant 8 : i32
      %xor3A_2278 = vector.broadcast %xor3A_2277 : i32 to vector<16xi32>
      %xor3A_2279 = arith.xori %iota3A_154, %xor3A_2278 : vector<16xi32>
      %lt3A_2280 = arith.constant 0 : i32
      %lt3A_2281 = vector.broadcast %lt3A_2280 : i32 to vector<16xi32>
      %lt3A_2282 = arith.cmpi slt, %xor3A_2279, %lt3A_2281 : vector<16xi32>
      %add3A_2283 = arith.constant 16 : i32
      %add3A_2284 = vector.broadcast %add3A_2283 : i32 to vector<16xi32>
      %add3A_2285 = arith.addi %xor3A_2279, %add3A_2284 : vector<16xi32>
      %select_n3A_2286 = arith.select %lt3A_2282, %add3A_2285, %xor3A_2279 : vector<16xi1>, vector<16xi32>
      %broadcast_in_dim3A_2287 = vector.shape_cast %select_n3A_2286 : vector<16xi32> to vector<16x1xi32>
      %gather3A_2288 = vector.shape_cast %broadcast_in_dim3A_2287 : vector<16x1xi32> to vector<16xi32>
      %gather3A_2289 = tpu.dynamic_gather %max3A_2248[%gather3A_2288] in [0] : vector<16xf32>, vector<16xi32> -> vector<16xf32>
      %and3A_2290 = arith.constant 8 : i32
      %and3A_2291 = vector.broadcast %and3A_2290 : i32 to vector<16xi32>
      %and3A_2292 = arith.andi %iota3A_154, %and3A_2291 : vector<16xi32>
      %eq3A_2293 = arith.constant 0 : i32
      %eq3A_2294 = vector.broadcast %eq3A_2293 : i32 to vector<16xi32>
      %eq3A_2295 = arith.cmpi eq, %and3A_2292, %eq3A_2294 : vector<16xi32>
      %min3A_2296 = arith.minimumf %max3A_2248, %gather3A_2289 : vector<16xf32>
      %max3A_2297 = arith.maximumf %max3A_2248, %gather3A_2289 : vector<16xf32>
      %select_n3A_2298 = arith.select %eq3A_2295, %min3A_2296, %max3A_2297 : vector<16xi1>, vector<16xf32>
      %xor3A_2299 = arith.constant 8 : i32
      %xor3A_2300 = vector.broadcast %xor3A_2299 : i32 to vector<16xi32>
      %xor3A_2301 = arith.xori %iota3A_154, %xor3A_2300 : vector<16xi32>
      %lt3A_2302 = arith.constant 0 : i32
      %lt3A_2303 = vector.broadcast %lt3A_2302 : i32 to vector<16xi32>
      %lt3A_2304 = arith.cmpi slt, %xor3A_2301, %lt3A_2303 : vector<16xi32>
      %add3A_2305 = arith.constant 16 : i32
      %add3A_2306 = vector.broadcast %add3A_2305 : i32 to vector<16xi32>
      %add3A_2307 = arith.addi %xor3A_2301, %add3A_2306 : vector<16xi32>
      %select_n3A_2308 = arith.select %lt3A_2304, %add3A_2307, %xor3A_2301 : vector<16xi1>, vector<16xi32>
      %broadcast_in_dim3A_2309 = vector.shape_cast %select_n3A_2308 : vector<16xi32> to vector<16x1xi32>
      %gather3A_2310 = vector.shape_cast %broadcast_in_dim3A_2309 : vector<16x1xi32> to vector<16xi32>
      %gather3A_2311 = tpu.dynamic_gather %max3A_2250[%gather3A_2310] in [0] : vector<16xf32>, vector<16xi32> -> vector<16xf32>
      %and3A_2312 = arith.constant 8 : i32
      %and3A_2313 = vector.broadcast %and3A_2312 : i32 to vector<16xi32>
      %and3A_2314 = arith.andi %iota3A_154, %and3A_2313 : vector<16xi32>
      %ne3A_2315 = arith.constant 0 : i32
      %ne3A_2316 = vector.broadcast %ne3A_2315 : i32 to vector<16xi32>
      %ne3A_2317 = arith.cmpi ne, %and3A_2314, %ne3A_2316 : vector<16xi32>
      %min3A_2318 = arith.minimumf %max3A_2250, %gather3A_2311 : vector<16xf32>
      %max3A_2319 = arith.maximumf %max3A_2250, %gather3A_2311 : vector<16xf32>
      %select_n3A_2320 = arith.select %ne3A_2317, %min3A_2318, %max3A_2319 : vector<16xi1>, vector<16xf32>
      %xor3A_2321 = arith.constant 8 : i32
      %xor3A_2322 = vector.broadcast %xor3A_2321 : i32 to vector<16xi32>
      %xor3A_2323 = arith.xori %iota3A_154, %xor3A_2322 : vector<16xi32>
      %lt3A_2324 = arith.constant 0 : i32
      %lt3A_2325 = vector.broadcast %lt3A_2324 : i32 to vector<16xi32>
      %lt3A_2326 = arith.cmpi slt, %xor3A_2323, %lt3A_2325 : vector<16xi32>
      %add3A_2327 = arith.constant 16 : i32
      %add3A_2328 = vector.broadcast %add3A_2327 : i32 to vector<16xi32>
      %add3A_2329 = arith.addi %xor3A_2323, %add3A_2328 : vector<16xi32>
      %select_n3A_2330 = arith.select %lt3A_2326, %add3A_2329, %xor3A_2323 : vector<16xi1>, vector<16xi32>
      %broadcast_in_dim3A_2331 = vector.shape_cast %select_n3A_2330 : vector<16xi32> to vector<16x1xi32>
      %gather3A_2332 = vector.shape_cast %broadcast_in_dim3A_2331 : vector<16x1xi32> to vector<16xi32>
      %gather3A_2333 = tpu.dynamic_gather %min3A_2249[%gather3A_2332] in [0] : vector<16xf32>, vector<16xi32> -> vector<16xf32>
      %and3A_2334 = arith.constant 8 : i32
      %and3A_2335 = vector.broadcast %and3A_2334 : i32 to vector<16xi32>
      %and3A_2336 = arith.andi %iota3A_154, %and3A_2335 : vector<16xi32>
      %ne3A_2337 = arith.constant 0 : i32
      %ne3A_2338 = vector.broadcast %ne3A_2337 : i32 to vector<16xi32>
      %ne3A_2339 = arith.cmpi ne, %and3A_2336, %ne3A_2338 : vector<16xi32>
      %min3A_2340 = arith.minimumf %min3A_2249, %gather3A_2333 : vector<16xf32>
      %max3A_2341 = arith.maximumf %min3A_2249, %gather3A_2333 : vector<16xf32>
      %select_n3A_2342 = arith.select %ne3A_2339, %min3A_2340, %max3A_2341 : vector<16xi1>, vector<16xf32>
      %xor3A_2343 = arith.constant 8 : i32
      %xor3A_2344 = vector.broadcast %xor3A_2343 : i32 to vector<16xi32>
      %xor3A_2345 = arith.xori %iota3A_154, %xor3A_2344 : vector<16xi32>
      %lt3A_2346 = arith.constant 0 : i32
      %lt3A_2347 = vector.broadcast %lt3A_2346 : i32 to vector<16xi32>
      %lt3A_2348 = arith.cmpi slt, %xor3A_2345, %lt3A_2347 : vector<16xi32>
      %add3A_2349 = arith.constant 16 : i32
      %add3A_2350 = vector.broadcast %add3A_2349 : i32 to vector<16xi32>
      %add3A_2351 = arith.addi %xor3A_2345, %add3A_2350 : vector<16xi32>
      %select_n3A_2352 = arith.select %lt3A_2348, %add3A_2351, %xor3A_2345 : vector<16xi1>, vector<16xi32>
      %broadcast_in_dim3A_2353 = vector.shape_cast %select_n3A_2352 : vector<16xi32> to vector<16x1xi32>
      %gather3A_2354 = vector.shape_cast %broadcast_in_dim3A_2353 : vector<16x1xi32> to vector<16xi32>
      %gather3A_2355 = tpu.dynamic_gather %min3A_2251[%gather3A_2354] in [0] : vector<16xf32>, vector<16xi32> -> vector<16xf32>
      %and3A_2356 = arith.constant 8 : i32
      %and3A_2357 = vector.broadcast %and3A_2356 : i32 to vector<16xi32>
      %and3A_2358 = arith.andi %iota3A_154, %and3A_2357 : vector<16xi32>
      %eq3A_2359 = arith.constant 0 : i32
      %eq3A_2360 = vector.broadcast %eq3A_2359 : i32 to vector<16xi32>
      %eq3A_2361 = arith.cmpi eq, %and3A_2358, %eq3A_2360 : vector<16xi32>
      %min3A_2362 = arith.minimumf %min3A_2251, %gather3A_2355 : vector<16xf32>
      %max3A_2363 = arith.maximumf %min3A_2251, %gather3A_2355 : vector<16xf32>
      %select_n3A_2364 = arith.select %eq3A_2361, %min3A_2362, %max3A_2363 : vector<16xi1>, vector<16xf32>
      %xor3A_2365 = arith.constant 8 : i32
      %xor3A_2366 = vector.broadcast %xor3A_2365 : i32 to vector<16xi32>
      %xor3A_2367 = arith.xori %iota3A_154, %xor3A_2366 : vector<16xi32>
      %lt3A_2368 = arith.constant 0 : i32
      %lt3A_2369 = vector.broadcast %lt3A_2368 : i32 to vector<16xi32>
      %lt3A_2370 = arith.cmpi slt, %xor3A_2367, %lt3A_2369 : vector<16xi32>
      %add3A_2371 = arith.constant 16 : i32
      %add3A_2372 = vector.broadcast %add3A_2371 : i32 to vector<16xi32>
      %add3A_2373 = arith.addi %xor3A_2367, %add3A_2372 : vector<16xi32>
      %select_n3A_2374 = arith.select %lt3A_2370, %add3A_2373, %xor3A_2367 : vector<16xi1>, vector<16xi32>
      %broadcast_in_dim3A_2375 = vector.shape_cast %select_n3A_2374 : vector<16xi32> to vector<16x1xi32>
      %gather3A_2376 = vector.shape_cast %broadcast_in_dim3A_2375 : vector<16x1xi32> to vector<16xi32>
      %gather3A_2377 = tpu.dynamic_gather %max3A_2252[%gather3A_2376] in [0] : vector<16xf32>, vector<16xi32> -> vector<16xf32>
      %and3A_2378 = arith.constant 8 : i32
      %and3A_2379 = vector.broadcast %and3A_2378 : i32 to vector<16xi32>
      %and3A_2380 = arith.andi %iota3A_154, %and3A_2379 : vector<16xi32>
      %eq3A_2381 = arith.constant 0 : i32
      %eq3A_2382 = vector.broadcast %eq3A_2381 : i32 to vector<16xi32>
      %eq3A_2383 = arith.cmpi eq, %and3A_2380, %eq3A_2382 : vector<16xi32>
      %min3A_2384 = arith.minimumf %max3A_2252, %gather3A_2377 : vector<16xf32>
      %max3A_2385 = arith.maximumf %max3A_2252, %gather3A_2377 : vector<16xf32>
      %select_n3A_2386 = arith.select %eq3A_2383, %min3A_2384, %max3A_2385 : vector<16xi1>, vector<16xf32>
      %xor3A_2387 = arith.constant 8 : i32
      %xor3A_2388 = vector.broadcast %xor3A_2387 : i32 to vector<16xi32>
      %xor3A_2389 = arith.xori %iota3A_154, %xor3A_2388 : vector<16xi32>
      %lt3A_2390 = arith.constant 0 : i32
      %lt3A_2391 = vector.broadcast %lt3A_2390 : i32 to vector<16xi32>
      %lt3A_2392 = arith.cmpi slt, %xor3A_2389, %lt3A_2391 : vector<16xi32>
      %add3A_2393 = arith.constant 16 : i32
      %add3A_2394 = vector.broadcast %add3A_2393 : i32 to vector<16xi32>
      %add3A_2395 = arith.addi %xor3A_2389, %add3A_2394 : vector<16xi32>
      %select_n3A_2396 = arith.select %lt3A_2392, %add3A_2395, %xor3A_2389 : vector<16xi1>, vector<16xi32>
      %broadcast_in_dim3A_2397 = vector.shape_cast %select_n3A_2396 : vector<16xi32> to vector<16x1xi32>
      %gather3A_2398 = vector.shape_cast %broadcast_in_dim3A_2397 : vector<16x1xi32> to vector<16xi32>
      %gather3A_2399 = tpu.dynamic_gather %max3A_2254[%gather3A_2398] in [0] : vector<16xf32>, vector<16xi32> -> vector<16xf32>
      %and3A_2400 = arith.constant 8 : i32
      %and3A_2401 = vector.broadcast %and3A_2400 : i32 to vector<16xi32>
      %and3A_2402 = arith.andi %iota3A_154, %and3A_2401 : vector<16xi32>
      %ne3A_2403 = arith.constant 0 : i32
      %ne3A_2404 = vector.broadcast %ne3A_2403 : i32 to vector<16xi32>
      %ne3A_2405 = arith.cmpi ne, %and3A_2402, %ne3A_2404 : vector<16xi32>
      %min3A_2406 = arith.minimumf %max3A_2254, %gather3A_2399 : vector<16xf32>
      %max3A_2407 = arith.maximumf %max3A_2254, %gather3A_2399 : vector<16xf32>
      %select_n3A_2408 = arith.select %ne3A_2405, %min3A_2406, %max3A_2407 : vector<16xi1>, vector<16xf32>
      %xor3A_2409 = arith.constant 8 : i32
      %xor3A_2410 = vector.broadcast %xor3A_2409 : i32 to vector<16xi32>
      %xor3A_2411 = arith.xori %iota3A_154, %xor3A_2410 : vector<16xi32>
      %lt3A_2412 = arith.constant 0 : i32
      %lt3A_2413 = vector.broadcast %lt3A_2412 : i32 to vector<16xi32>
      %lt3A_2414 = arith.cmpi slt, %xor3A_2411, %lt3A_2413 : vector<16xi32>
      %add3A_2415 = arith.constant 16 : i32
      %add3A_2416 = vector.broadcast %add3A_2415 : i32 to vector<16xi32>
      %add3A_2417 = arith.addi %xor3A_2411, %add3A_2416 : vector<16xi32>
      %select_n3A_2418 = arith.select %lt3A_2414, %add3A_2417, %xor3A_2411 : vector<16xi1>, vector<16xi32>
      %broadcast_in_dim3A_2419 = vector.shape_cast %select_n3A_2418 : vector<16xi32> to vector<16x1xi32>
      %gather3A_2420 = vector.shape_cast %broadcast_in_dim3A_2419 : vector<16x1xi32> to vector<16xi32>
      %gather3A_2421 = tpu.dynamic_gather %min3A_2253[%gather3A_2420] in [0] : vector<16xf32>, vector<16xi32> -> vector<16xf32>
      %and3A_2422 = arith.constant 8 : i32
      %and3A_2423 = vector.broadcast %and3A_2422 : i32 to vector<16xi32>
      %and3A_2424 = arith.andi %iota3A_154, %and3A_2423 : vector<16xi32>
      %ne3A_2425 = arith.constant 0 : i32
      %ne3A_2426 = vector.broadcast %ne3A_2425 : i32 to vector<16xi32>
      %ne3A_2427 = arith.cmpi ne, %and3A_2424, %ne3A_2426 : vector<16xi32>
      %min3A_2428 = arith.minimumf %min3A_2253, %gather3A_2421 : vector<16xf32>
      %max3A_2429 = arith.maximumf %min3A_2253, %gather3A_2421 : vector<16xf32>
      %select_n3A_2430 = arith.select %ne3A_2427, %min3A_2428, %max3A_2429 : vector<16xi1>, vector<16xf32>
      %xor3A_2431 = arith.constant 4 : i32
      %xor3A_2432 = vector.broadcast %xor3A_2431 : i32 to vector<16xi32>
      %xor3A_2433 = arith.xori %iota3A_154, %xor3A_2432 : vector<16xi32>
      %lt3A_2434 = arith.constant 0 : i32
      %lt3A_2435 = vector.broadcast %lt3A_2434 : i32 to vector<16xi32>
      %lt3A_2436 = arith.cmpi slt, %xor3A_2433, %lt3A_2435 : vector<16xi32>
      %add3A_2437 = arith.constant 16 : i32
      %add3A_2438 = vector.broadcast %add3A_2437 : i32 to vector<16xi32>
      %add3A_2439 = arith.addi %xor3A_2433, %add3A_2438 : vector<16xi32>
      %select_n3A_2440 = arith.select %lt3A_2436, %add3A_2439, %xor3A_2433 : vector<16xi1>, vector<16xi32>
      %broadcast_in_dim3A_2441 = vector.shape_cast %select_n3A_2440 : vector<16xi32> to vector<16x1xi32>
      %gather3A_2442 = vector.shape_cast %broadcast_in_dim3A_2441 : vector<16x1xi32> to vector<16xi32>
      %gather3A_2443 = tpu.dynamic_gather %select_n3A_2276[%gather3A_2442] in [0] : vector<16xf32>, vector<16xi32> -> vector<16xf32>
      %and3A_2444 = arith.constant 4 : i32
      %and3A_2445 = vector.broadcast %and3A_2444 : i32 to vector<16xi32>
      %and3A_2446 = arith.andi %iota3A_154, %and3A_2445 : vector<16xi32>
      %eq3A_2447 = arith.constant 0 : i32
      %eq3A_2448 = vector.broadcast %eq3A_2447 : i32 to vector<16xi32>
      %eq3A_2449 = arith.cmpi eq, %and3A_2446, %eq3A_2448 : vector<16xi32>
      %min3A_2450 = arith.minimumf %select_n3A_2276, %gather3A_2443 : vector<16xf32>
      %max3A_2451 = arith.maximumf %select_n3A_2276, %gather3A_2443 : vector<16xf32>
      %select_n3A_2452 = arith.select %eq3A_2449, %min3A_2450, %max3A_2451 : vector<16xi1>, vector<16xf32>
      %xor3A_2453 = arith.constant 4 : i32
      %xor3A_2454 = vector.broadcast %xor3A_2453 : i32 to vector<16xi32>
      %xor3A_2455 = arith.xori %iota3A_154, %xor3A_2454 : vector<16xi32>
      %lt3A_2456 = arith.constant 0 : i32
      %lt3A_2457 = vector.broadcast %lt3A_2456 : i32 to vector<16xi32>
      %lt3A_2458 = arith.cmpi slt, %xor3A_2455, %lt3A_2457 : vector<16xi32>
      %add3A_2459 = arith.constant 16 : i32
      %add3A_2460 = vector.broadcast %add3A_2459 : i32 to vector<16xi32>
      %add3A_2461 = arith.addi %xor3A_2455, %add3A_2460 : vector<16xi32>
      %select_n3A_2462 = arith.select %lt3A_2458, %add3A_2461, %xor3A_2455 : vector<16xi1>, vector<16xi32>
      %broadcast_in_dim3A_2463 = vector.shape_cast %select_n3A_2462 : vector<16xi32> to vector<16x1xi32>
      %gather3A_2464 = vector.shape_cast %broadcast_in_dim3A_2463 : vector<16x1xi32> to vector<16xi32>
      %gather3A_2465 = tpu.dynamic_gather %select_n3A_2298[%gather3A_2464] in [0] : vector<16xf32>, vector<16xi32> -> vector<16xf32>
      %and3A_2466 = arith.constant 4 : i32
      %and3A_2467 = vector.broadcast %and3A_2466 : i32 to vector<16xi32>
      %and3A_2468 = arith.andi %iota3A_154, %and3A_2467 : vector<16xi32>
      %eq3A_2469 = arith.constant 0 : i32
      %eq3A_2470 = vector.broadcast %eq3A_2469 : i32 to vector<16xi32>
      %eq3A_2471 = arith.cmpi eq, %and3A_2468, %eq3A_2470 : vector<16xi32>
      %min3A_2472 = arith.minimumf %select_n3A_2298, %gather3A_2465 : vector<16xf32>
      %max3A_2473 = arith.maximumf %select_n3A_2298, %gather3A_2465 : vector<16xf32>
      %select_n3A_2474 = arith.select %eq3A_2471, %min3A_2472, %max3A_2473 : vector<16xi1>, vector<16xf32>
      %xor3A_2475 = arith.constant 4 : i32
      %xor3A_2476 = vector.broadcast %xor3A_2475 : i32 to vector<16xi32>
      %xor3A_2477 = arith.xori %iota3A_154, %xor3A_2476 : vector<16xi32>
      %lt3A_2478 = arith.constant 0 : i32
      %lt3A_2479 = vector.broadcast %lt3A_2478 : i32 to vector<16xi32>
      %lt3A_2480 = arith.cmpi slt, %xor3A_2477, %lt3A_2479 : vector<16xi32>
      %add3A_2481 = arith.constant 16 : i32
      %add3A_2482 = vector.broadcast %add3A_2481 : i32 to vector<16xi32>
      %add3A_2483 = arith.addi %xor3A_2477, %add3A_2482 : vector<16xi32>
      %select_n3A_2484 = arith.select %lt3A_2480, %add3A_2483, %xor3A_2477 : vector<16xi1>, vector<16xi32>
      %broadcast_in_dim3A_2485 = vector.shape_cast %select_n3A_2484 : vector<16xi32> to vector<16x1xi32>
      %gather3A_2486 = vector.shape_cast %broadcast_in_dim3A_2485 : vector<16x1xi32> to vector<16xi32>
      %gather3A_2487 = tpu.dynamic_gather %select_n3A_2320[%gather3A_2486] in [0] : vector<16xf32>, vector<16xi32> -> vector<16xf32>
      %and3A_2488 = arith.constant 4 : i32
      %and3A_2489 = vector.broadcast %and3A_2488 : i32 to vector<16xi32>
      %and3A_2490 = arith.andi %iota3A_154, %and3A_2489 : vector<16xi32>
      %ne3A_2491 = arith.constant 0 : i32
      %ne3A_2492 = vector.broadcast %ne3A_2491 : i32 to vector<16xi32>
      %ne3A_2493 = arith.cmpi ne, %and3A_2490, %ne3A_2492 : vector<16xi32>
      %min3A_2494 = arith.minimumf %select_n3A_2320, %gather3A_2487 : vector<16xf32>
      %max3A_2495 = arith.maximumf %select_n3A_2320, %gather3A_2487 : vector<16xf32>
      %select_n3A_2496 = arith.select %ne3A_2493, %min3A_2494, %max3A_2495 : vector<16xi1>, vector<16xf32>
      %xor3A_2497 = arith.constant 4 : i32
      %xor3A_2498 = vector.broadcast %xor3A_2497 : i32 to vector<16xi32>
      %xor3A_2499 = arith.xori %iota3A_154, %xor3A_2498 : vector<16xi32>
      %lt3A_2500 = arith.constant 0 : i32
      %lt3A_2501 = vector.broadcast %lt3A_2500 : i32 to vector<16xi32>
      %lt3A_2502 = arith.cmpi slt, %xor3A_2499, %lt3A_2501 : vector<16xi32>
      %add3A_2503 = arith.constant 16 : i32
      %add3A_2504 = vector.broadcast %add3A_2503 : i32 to vector<16xi32>
      %add3A_2505 = arith.addi %xor3A_2499, %add3A_2504 : vector<16xi32>
      %select_n3A_2506 = arith.select %lt3A_2502, %add3A_2505, %xor3A_2499 : vector<16xi1>, vector<16xi32>
      %broadcast_in_dim3A_2507 = vector.shape_cast %select_n3A_2506 : vector<16xi32> to vector<16x1xi32>
      %gather3A_2508 = vector.shape_cast %broadcast_in_dim3A_2507 : vector<16x1xi32> to vector<16xi32>
      %gather3A_2509 = tpu.dynamic_gather %select_n3A_2342[%gather3A_2508] in [0] : vector<16xf32>, vector<16xi32> -> vector<16xf32>
      %and3A_2510 = arith.constant 4 : i32
      %and3A_2511 = vector.broadcast %and3A_2510 : i32 to vector<16xi32>
      %and3A_2512 = arith.andi %iota3A_154, %and3A_2511 : vector<16xi32>
      %ne3A_2513 = arith.constant 0 : i32
      %ne3A_2514 = vector.broadcast %ne3A_2513 : i32 to vector<16xi32>
      %ne3A_2515 = arith.cmpi ne, %and3A_2512, %ne3A_2514 : vector<16xi32>
      %min3A_2516 = arith.minimumf %select_n3A_2342, %gather3A_2509 : vector<16xf32>
      %max3A_2517 = arith.maximumf %select_n3A_2342, %gather3A_2509 : vector<16xf32>
      %select_n3A_2518 = arith.select %ne3A_2515, %min3A_2516, %max3A_2517 : vector<16xi1>, vector<16xf32>
      %xor3A_2519 = arith.constant 4 : i32
      %xor3A_2520 = vector.broadcast %xor3A_2519 : i32 to vector<16xi32>
      %xor3A_2521 = arith.xori %iota3A_154, %xor3A_2520 : vector<16xi32>
      %lt3A_2522 = arith.constant 0 : i32
      %lt3A_2523 = vector.broadcast %lt3A_2522 : i32 to vector<16xi32>
      %lt3A_2524 = arith.cmpi slt, %xor3A_2521, %lt3A_2523 : vector<16xi32>
      %add3A_2525 = arith.constant 16 : i32
      %add3A_2526 = vector.broadcast %add3A_2525 : i32 to vector<16xi32>
      %add3A_2527 = arith.addi %xor3A_2521, %add3A_2526 : vector<16xi32>
      %select_n3A_2528 = arith.select %lt3A_2524, %add3A_2527, %xor3A_2521 : vector<16xi1>, vector<16xi32>
      %broadcast_in_dim3A_2529 = vector.shape_cast %select_n3A_2528 : vector<16xi32> to vector<16x1xi32>
      %gather3A_2530 = vector.shape_cast %broadcast_in_dim3A_2529 : vector<16x1xi32> to vector<16xi32>
      %gather3A_2531 = tpu.dynamic_gather %select_n3A_2364[%gather3A_2530] in [0] : vector<16xf32>, vector<16xi32> -> vector<16xf32>
      %and3A_2532 = arith.constant 4 : i32
      %and3A_2533 = vector.broadcast %and3A_2532 : i32 to vector<16xi32>
      %and3A_2534 = arith.andi %iota3A_154, %and3A_2533 : vector<16xi32>
      %eq3A_2535 = arith.constant 0 : i32
      %eq3A_2536 = vector.broadcast %eq3A_2535 : i32 to vector<16xi32>
      %eq3A_2537 = arith.cmpi eq, %and3A_2534, %eq3A_2536 : vector<16xi32>
      %min3A_2538 = arith.minimumf %select_n3A_2364, %gather3A_2531 : vector<16xf32>
      %max3A_2539 = arith.maximumf %select_n3A_2364, %gather3A_2531 : vector<16xf32>
      %select_n3A_2540 = arith.select %eq3A_2537, %min3A_2538, %max3A_2539 : vector<16xi1>, vector<16xf32>
      %xor3A_2541 = arith.constant 4 : i32
      %xor3A_2542 = vector.broadcast %xor3A_2541 : i32 to vector<16xi32>
      %xor3A_2543 = arith.xori %iota3A_154, %xor3A_2542 : vector<16xi32>
      %lt3A_2544 = arith.constant 0 : i32
      %lt3A_2545 = vector.broadcast %lt3A_2544 : i32 to vector<16xi32>
      %lt3A_2546 = arith.cmpi slt, %xor3A_2543, %lt3A_2545 : vector<16xi32>
      %add3A_2547 = arith.constant 16 : i32
      %add3A_2548 = vector.broadcast %add3A_2547 : i32 to vector<16xi32>
      %add3A_2549 = arith.addi %xor3A_2543, %add3A_2548 : vector<16xi32>
      %select_n3A_2550 = arith.select %lt3A_2546, %add3A_2549, %xor3A_2543 : vector<16xi1>, vector<16xi32>
      %broadcast_in_dim3A_2551 = vector.shape_cast %select_n3A_2550 : vector<16xi32> to vector<16x1xi32>
      %gather3A_2552 = vector.shape_cast %broadcast_in_dim3A_2551 : vector<16x1xi32> to vector<16xi32>
      %gather3A_2553 = tpu.dynamic_gather %select_n3A_2386[%gather3A_2552] in [0] : vector<16xf32>, vector<16xi32> -> vector<16xf32>
      %and3A_2554 = arith.constant 4 : i32
      %and3A_2555 = vector.broadcast %and3A_2554 : i32 to vector<16xi32>
      %and3A_2556 = arith.andi %iota3A_154, %and3A_2555 : vector<16xi32>
      %eq3A_2557 = arith.constant 0 : i32
      %eq3A_2558 = vector.broadcast %eq3A_2557 : i32 to vector<16xi32>
      %eq3A_2559 = arith.cmpi eq, %and3A_2556, %eq3A_2558 : vector<16xi32>
      %min3A_2560 = arith.minimumf %select_n3A_2386, %gather3A_2553 : vector<16xf32>
      %max3A_2561 = arith.maximumf %select_n3A_2386, %gather3A_2553 : vector<16xf32>
      %select_n3A_2562 = arith.select %eq3A_2559, %min3A_2560, %max3A_2561 : vector<16xi1>, vector<16xf32>
      %xor3A_2563 = arith.constant 4 : i32
      %xor3A_2564 = vector.broadcast %xor3A_2563 : i32 to vector<16xi32>
      %xor3A_2565 = arith.xori %iota3A_154, %xor3A_2564 : vector<16xi32>
      %lt3A_2566 = arith.constant 0 : i32
      %lt3A_2567 = vector.broadcast %lt3A_2566 : i32 to vector<16xi32>
      %lt3A_2568 = arith.cmpi slt, %xor3A_2565, %lt3A_2567 : vector<16xi32>
      %add3A_2569 = arith.constant 16 : i32
      %add3A_2570 = vector.broadcast %add3A_2569 : i32 to vector<16xi32>
      %add3A_2571 = arith.addi %xor3A_2565, %add3A_2570 : vector<16xi32>
      %select_n3A_2572 = arith.select %lt3A_2568, %add3A_2571, %xor3A_2565 : vector<16xi1>, vector<16xi32>
      %broadcast_in_dim3A_2573 = vector.shape_cast %select_n3A_2572 : vector<16xi32> to vector<16x1xi32>
      %gather3A_2574 = vector.shape_cast %broadcast_in_dim3A_2573 : vector<16x1xi32> to vector<16xi32>
      %gather3A_2575 = tpu.dynamic_gather %select_n3A_2408[%gather3A_2574] in [0] : vector<16xf32>, vector<16xi32> -> vector<16xf32>
      %and3A_2576 = arith.constant 4 : i32
      %and3A_2577 = vector.broadcast %and3A_2576 : i32 to vector<16xi32>
      %and3A_2578 = arith.andi %iota3A_154, %and3A_2577 : vector<16xi32>
      %ne3A_2579 = arith.constant 0 : i32
      %ne3A_2580 = vector.broadcast %ne3A_2579 : i32 to vector<16xi32>
      %ne3A_2581 = arith.cmpi ne, %and3A_2578, %ne3A_2580 : vector<16xi32>
      %min3A_2582 = arith.minimumf %select_n3A_2408, %gather3A_2575 : vector<16xf32>
      %max3A_2583 = arith.maximumf %select_n3A_2408, %gather3A_2575 : vector<16xf32>
      %select_n3A_2584 = arith.select %ne3A_2581, %min3A_2582, %max3A_2583 : vector<16xi1>, vector<16xf32>
      %xor3A_2585 = arith.constant 4 : i32
      %xor3A_2586 = vector.broadcast %xor3A_2585 : i32 to vector<16xi32>
      %xor3A_2587 = arith.xori %iota3A_154, %xor3A_2586 : vector<16xi32>
      %lt3A_2588 = arith.constant 0 : i32
      %lt3A_2589 = vector.broadcast %lt3A_2588 : i32 to vector<16xi32>
      %lt3A_2590 = arith.cmpi slt, %xor3A_2587, %lt3A_2589 : vector<16xi32>
      %add3A_2591 = arith.constant 16 : i32
      %add3A_2592 = vector.broadcast %add3A_2591 : i32 to vector<16xi32>
      %add3A_2593 = arith.addi %xor3A_2587, %add3A_2592 : vector<16xi32>
      %select_n3A_2594 = arith.select %lt3A_2590, %add3A_2593, %xor3A_2587 : vector<16xi1>, vector<16xi32>
      %broadcast_in_dim3A_2595 = vector.shape_cast %select_n3A_2594 : vector<16xi32> to vector<16x1xi32>
      %gather3A_2596 = vector.shape_cast %broadcast_in_dim3A_2595 : vector<16x1xi32> to vector<16xi32>
      %gather3A_2597 = tpu.dynamic_gather %select_n3A_2430[%gather3A_2596] in [0] : vector<16xf32>, vector<16xi32> -> vector<16xf32>
      %and3A_2598 = arith.constant 4 : i32
      %and3A_2599 = vector.broadcast %and3A_2598 : i32 to vector<16xi32>
      %and3A_2600 = arith.andi %iota3A_154, %and3A_2599 : vector<16xi32>
      %ne3A_2601 = arith.constant 0 : i32
      %ne3A_2602 = vector.broadcast %ne3A_2601 : i32 to vector<16xi32>
      %ne3A_2603 = arith.cmpi ne, %and3A_2600, %ne3A_2602 : vector<16xi32>
      %min3A_2604 = arith.minimumf %select_n3A_2430, %gather3A_2597 : vector<16xf32>
      %max3A_2605 = arith.maximumf %select_n3A_2430, %gather3A_2597 : vector<16xf32>
      %select_n3A_2606 = arith.select %ne3A_2603, %min3A_2604, %max3A_2605 : vector<16xi1>, vector<16xf32>
      %xor3A_2607 = arith.constant 2 : i32
      %xor3A_2608 = vector.broadcast %xor3A_2607 : i32 to vector<16xi32>
      %xor3A_2609 = arith.xori %iota3A_154, %xor3A_2608 : vector<16xi32>
      %lt3A_2610 = arith.constant 0 : i32
      %lt3A_2611 = vector.broadcast %lt3A_2610 : i32 to vector<16xi32>
      %lt3A_2612 = arith.cmpi slt, %xor3A_2609, %lt3A_2611 : vector<16xi32>
      %add3A_2613 = arith.constant 16 : i32
      %add3A_2614 = vector.broadcast %add3A_2613 : i32 to vector<16xi32>
      %add3A_2615 = arith.addi %xor3A_2609, %add3A_2614 : vector<16xi32>
      %select_n3A_2616 = arith.select %lt3A_2612, %add3A_2615, %xor3A_2609 : vector<16xi1>, vector<16xi32>
      %broadcast_in_dim3A_2617 = vector.shape_cast %select_n3A_2616 : vector<16xi32> to vector<16x1xi32>
      %gather3A_2618 = vector.shape_cast %broadcast_in_dim3A_2617 : vector<16x1xi32> to vector<16xi32>
      %gather3A_2619 = tpu.dynamic_gather %select_n3A_2452[%gather3A_2618] in [0] : vector<16xf32>, vector<16xi32> -> vector<16xf32>
      %and3A_2620 = arith.constant 2 : i32
      %and3A_2621 = vector.broadcast %and3A_2620 : i32 to vector<16xi32>
      %and3A_2622 = arith.andi %iota3A_154, %and3A_2621 : vector<16xi32>
      %eq3A_2623 = arith.constant 0 : i32
      %eq3A_2624 = vector.broadcast %eq3A_2623 : i32 to vector<16xi32>
      %eq3A_2625 = arith.cmpi eq, %and3A_2622, %eq3A_2624 : vector<16xi32>
      %min3A_2626 = arith.minimumf %select_n3A_2452, %gather3A_2619 : vector<16xf32>
      %max3A_2627 = arith.maximumf %select_n3A_2452, %gather3A_2619 : vector<16xf32>
      %select_n3A_2628 = arith.select %eq3A_2625, %min3A_2626, %max3A_2627 : vector<16xi1>, vector<16xf32>
      %xor3A_2629 = arith.constant 2 : i32
      %xor3A_2630 = vector.broadcast %xor3A_2629 : i32 to vector<16xi32>
      %xor3A_2631 = arith.xori %iota3A_154, %xor3A_2630 : vector<16xi32>
      %lt3A_2632 = arith.constant 0 : i32
      %lt3A_2633 = vector.broadcast %lt3A_2632 : i32 to vector<16xi32>
      %lt3A_2634 = arith.cmpi slt, %xor3A_2631, %lt3A_2633 : vector<16xi32>
      %add3A_2635 = arith.constant 16 : i32
      %add3A_2636 = vector.broadcast %add3A_2635 : i32 to vector<16xi32>
      %add3A_2637 = arith.addi %xor3A_2631, %add3A_2636 : vector<16xi32>
      %select_n3A_2638 = arith.select %lt3A_2634, %add3A_2637, %xor3A_2631 : vector<16xi1>, vector<16xi32>
      %broadcast_in_dim3A_2639 = vector.shape_cast %select_n3A_2638 : vector<16xi32> to vector<16x1xi32>
      %gather3A_2640 = vector.shape_cast %broadcast_in_dim3A_2639 : vector<16x1xi32> to vector<16xi32>
      %gather3A_2641 = tpu.dynamic_gather %select_n3A_2474[%gather3A_2640] in [0] : vector<16xf32>, vector<16xi32> -> vector<16xf32>
      %and3A_2642 = arith.constant 2 : i32
      %and3A_2643 = vector.broadcast %and3A_2642 : i32 to vector<16xi32>
      %and3A_2644 = arith.andi %iota3A_154, %and3A_2643 : vector<16xi32>
      %eq3A_2645 = arith.constant 0 : i32
      %eq3A_2646 = vector.broadcast %eq3A_2645 : i32 to vector<16xi32>
      %eq3A_2647 = arith.cmpi eq, %and3A_2644, %eq3A_2646 : vector<16xi32>
      %min3A_2648 = arith.minimumf %select_n3A_2474, %gather3A_2641 : vector<16xf32>
      %max3A_2649 = arith.maximumf %select_n3A_2474, %gather3A_2641 : vector<16xf32>
      %select_n3A_2650 = arith.select %eq3A_2647, %min3A_2648, %max3A_2649 : vector<16xi1>, vector<16xf32>
      %xor3A_2651 = arith.constant 2 : i32
      %xor3A_2652 = vector.broadcast %xor3A_2651 : i32 to vector<16xi32>
      %xor3A_2653 = arith.xori %iota3A_154, %xor3A_2652 : vector<16xi32>
      %lt3A_2654 = arith.constant 0 : i32
      %lt3A_2655 = vector.broadcast %lt3A_2654 : i32 to vector<16xi32>
      %lt3A_2656 = arith.cmpi slt, %xor3A_2653, %lt3A_2655 : vector<16xi32>
      %add3A_2657 = arith.constant 16 : i32
      %add3A_2658 = vector.broadcast %add3A_2657 : i32 to vector<16xi32>
      %add3A_2659 = arith.addi %xor3A_2653, %add3A_2658 : vector<16xi32>
      %select_n3A_2660 = arith.select %lt3A_2656, %add3A_2659, %xor3A_2653 : vector<16xi1>, vector<16xi32>
      %broadcast_in_dim3A_2661 = vector.shape_cast %select_n3A_2660 : vector<16xi32> to vector<16x1xi32>
      %gather3A_2662 = vector.shape_cast %broadcast_in_dim3A_2661 : vector<16x1xi32> to vector<16xi32>
      %gather3A_2663 = tpu.dynamic_gather %select_n3A_2496[%gather3A_2662] in [0] : vector<16xf32>, vector<16xi32> -> vector<16xf32>
      %and3A_2664 = arith.constant 2 : i32
      %and3A_2665 = vector.broadcast %and3A_2664 : i32 to vector<16xi32>
      %and3A_2666 = arith.andi %iota3A_154, %and3A_2665 : vector<16xi32>
      %ne3A_2667 = arith.constant 0 : i32
      %ne3A_2668 = vector.broadcast %ne3A_2667 : i32 to vector<16xi32>
      %ne3A_2669 = arith.cmpi ne, %and3A_2666, %ne3A_2668 : vector<16xi32>
      %min3A_2670 = arith.minimumf %select_n3A_2496, %gather3A_2663 : vector<16xf32>
      %max3A_2671 = arith.maximumf %select_n3A_2496, %gather3A_2663 : vector<16xf32>
      %select_n3A_2672 = arith.select %ne3A_2669, %min3A_2670, %max3A_2671 : vector<16xi1>, vector<16xf32>
      %xor3A_2673 = arith.constant 2 : i32
      %xor3A_2674 = vector.broadcast %xor3A_2673 : i32 to vector<16xi32>
      %xor3A_2675 = arith.xori %iota3A_154, %xor3A_2674 : vector<16xi32>
      %lt3A_2676 = arith.constant 0 : i32
      %lt3A_2677 = vector.broadcast %lt3A_2676 : i32 to vector<16xi32>
      %lt3A_2678 = arith.cmpi slt, %xor3A_2675, %lt3A_2677 : vector<16xi32>
      %add3A_2679 = arith.constant 16 : i32
      %add3A_2680 = vector.broadcast %add3A_2679 : i32 to vector<16xi32>
      %add3A_2681 = arith.addi %xor3A_2675, %add3A_2680 : vector<16xi32>
      %select_n3A_2682 = arith.select %lt3A_2678, %add3A_2681, %xor3A_2675 : vector<16xi1>, vector<16xi32>
      %broadcast_in_dim3A_2683 = vector.shape_cast %select_n3A_2682 : vector<16xi32> to vector<16x1xi32>
      %gather3A_2684 = vector.shape_cast %broadcast_in_dim3A_2683 : vector<16x1xi32> to vector<16xi32>
      %gather3A_2685 = tpu.dynamic_gather %select_n3A_2518[%gather3A_2684] in [0] : vector<16xf32>, vector<16xi32> -> vector<16xf32>
      %and3A_2686 = arith.constant 2 : i32
      %and3A_2687 = vector.broadcast %and3A_2686 : i32 to vector<16xi32>
      %and3A_2688 = arith.andi %iota3A_154, %and3A_2687 : vector<16xi32>
      %ne3A_2689 = arith.constant 0 : i32
      %ne3A_2690 = vector.broadcast %ne3A_2689 : i32 to vector<16xi32>
      %ne3A_2691 = arith.cmpi ne, %and3A_2688, %ne3A_2690 : vector<16xi32>
      %min3A_2692 = arith.minimumf %select_n3A_2518, %gather3A_2685 : vector<16xf32>
      %max3A_2693 = arith.maximumf %select_n3A_2518, %gather3A_2685 : vector<16xf32>
      %select_n3A_2694 = arith.select %ne3A_2691, %min3A_2692, %max3A_2693 : vector<16xi1>, vector<16xf32>
      %xor3A_2695 = arith.constant 2 : i32
      %xor3A_2696 = vector.broadcast %xor3A_2695 : i32 to vector<16xi32>
      %xor3A_2697 = arith.xori %iota3A_154, %xor3A_2696 : vector<16xi32>
      %lt3A_2698 = arith.constant 0 : i32
      %lt3A_2699 = vector.broadcast %lt3A_2698 : i32 to vector<16xi32>
      %lt3A_2700 = arith.cmpi slt, %xor3A_2697, %lt3A_2699 : vector<16xi32>
      %add3A_2701 = arith.constant 16 : i32
      %add3A_2702 = vector.broadcast %add3A_2701 : i32 to vector<16xi32>
      %add3A_2703 = arith.addi %xor3A_2697, %add3A_2702 : vector<16xi32>
      %select_n3A_2704 = arith.select %lt3A_2700, %add3A_2703, %xor3A_2697 : vector<16xi1>, vector<16xi32>
      %broadcast_in_dim3A_2705 = vector.shape_cast %select_n3A_2704 : vector<16xi32> to vector<16x1xi32>
      %gather3A_2706 = vector.shape_cast %broadcast_in_dim3A_2705 : vector<16x1xi32> to vector<16xi32>
      %gather3A_2707 = tpu.dynamic_gather %select_n3A_2540[%gather3A_2706] in [0] : vector<16xf32>, vector<16xi32> -> vector<16xf32>
      %and3A_2708 = arith.constant 2 : i32
      %and3A_2709 = vector.broadcast %and3A_2708 : i32 to vector<16xi32>
      %and3A_2710 = arith.andi %iota3A_154, %and3A_2709 : vector<16xi32>
      %eq3A_2711 = arith.constant 0 : i32
      %eq3A_2712 = vector.broadcast %eq3A_2711 : i32 to vector<16xi32>
      %eq3A_2713 = arith.cmpi eq, %and3A_2710, %eq3A_2712 : vector<16xi32>
      %min3A_2714 = arith.minimumf %select_n3A_2540, %gather3A_2707 : vector<16xf32>
      %max3A_2715 = arith.maximumf %select_n3A_2540, %gather3A_2707 : vector<16xf32>
      %select_n3A_2716 = arith.select %eq3A_2713, %min3A_2714, %max3A_2715 : vector<16xi1>, vector<16xf32>
      %xor3A_2717 = arith.constant 2 : i32
      %xor3A_2718 = vector.broadcast %xor3A_2717 : i32 to vector<16xi32>
      %xor3A_2719 = arith.xori %iota3A_154, %xor3A_2718 : vector<16xi32>
      %lt3A_2720 = arith.constant 0 : i32
      %lt3A_2721 = vector.broadcast %lt3A_2720 : i32 to vector<16xi32>
      %lt3A_2722 = arith.cmpi slt, %xor3A_2719, %lt3A_2721 : vector<16xi32>
      %add3A_2723 = arith.constant 16 : i32
      %add3A_2724 = vector.broadcast %add3A_2723 : i32 to vector<16xi32>
      %add3A_2725 = arith.addi %xor3A_2719, %add3A_2724 : vector<16xi32>
      %select_n3A_2726 = arith.select %lt3A_2722, %add3A_2725, %xor3A_2719 : vector<16xi1>, vector<16xi32>
      %broadcast_in_dim3A_2727 = vector.shape_cast %select_n3A_2726 : vector<16xi32> to vector<16x1xi32>
      %gather3A_2728 = vector.shape_cast %broadcast_in_dim3A_2727 : vector<16x1xi32> to vector<16xi32>
      %gather3A_2729 = tpu.dynamic_gather %select_n3A_2562[%gather3A_2728] in [0] : vector<16xf32>, vector<16xi32> -> vector<16xf32>
      %and3A_2730 = arith.constant 2 : i32
      %and3A_2731 = vector.broadcast %and3A_2730 : i32 to vector<16xi32>
      %and3A_2732 = arith.andi %iota3A_154, %and3A_2731 : vector<16xi32>
      %eq3A_2733 = arith.constant 0 : i32
      %eq3A_2734 = vector.broadcast %eq3A_2733 : i32 to vector<16xi32>
      %eq3A_2735 = arith.cmpi eq, %and3A_2732, %eq3A_2734 : vector<16xi32>
      %min3A_2736 = arith.minimumf %select_n3A_2562, %gather3A_2729 : vector<16xf32>
      %max3A_2737 = arith.maximumf %select_n3A_2562, %gather3A_2729 : vector<16xf32>
      %select_n3A_2738 = arith.select %eq3A_2735, %min3A_2736, %max3A_2737 : vector<16xi1>, vector<16xf32>
      %xor3A_2739 = arith.constant 2 : i32
      %xor3A_2740 = vector.broadcast %xor3A_2739 : i32 to vector<16xi32>
      %xor3A_2741 = arith.xori %iota3A_154, %xor3A_2740 : vector<16xi32>
      %lt3A_2742 = arith.constant 0 : i32
      %lt3A_2743 = vector.broadcast %lt3A_2742 : i32 to vector<16xi32>
      %lt3A_2744 = arith.cmpi slt, %xor3A_2741, %lt3A_2743 : vector<16xi32>
      %add3A_2745 = arith.constant 16 : i32
      %add3A_2746 = vector.broadcast %add3A_2745 : i32 to vector<16xi32>
      %add3A_2747 = arith.addi %xor3A_2741, %add3A_2746 : vector<16xi32>
      %select_n3A_2748 = arith.select %lt3A_2744, %add3A_2747, %xor3A_2741 : vector<16xi1>, vector<16xi32>
      %broadcast_in_dim3A_2749 = vector.shape_cast %select_n3A_2748 : vector<16xi32> to vector<16x1xi32>
      %gather3A_2750 = vector.shape_cast %broadcast_in_dim3A_2749 : vector<16x1xi32> to vector<16xi32>
      %gather3A_2751 = tpu.dynamic_gather %select_n3A_2584[%gather3A_2750] in [0] : vector<16xf32>, vector<16xi32> -> vector<16xf32>
      %and3A_2752 = arith.constant 2 : i32
      %and3A_2753 = vector.broadcast %and3A_2752 : i32 to vector<16xi32>
      %and3A_2754 = arith.andi %iota3A_154, %and3A_2753 : vector<16xi32>
      %ne3A_2755 = arith.constant 0 : i32
      %ne3A_2756 = vector.broadcast %ne3A_2755 : i32 to vector<16xi32>
      %ne3A_2757 = arith.cmpi ne, %and3A_2754, %ne3A_2756 : vector<16xi32>
      %min3A_2758 = arith.minimumf %select_n3A_2584, %gather3A_2751 : vector<16xf32>
      %max3A_2759 = arith.maximumf %select_n3A_2584, %gather3A_2751 : vector<16xf32>
      %select_n3A_2760 = arith.select %ne3A_2757, %min3A_2758, %max3A_2759 : vector<16xi1>, vector<16xf32>
      %xor3A_2761 = arith.constant 2 : i32
      %xor3A_2762 = vector.broadcast %xor3A_2761 : i32 to vector<16xi32>
      %xor3A_2763 = arith.xori %iota3A_154, %xor3A_2762 : vector<16xi32>
      %lt3A_2764 = arith.constant 0 : i32
      %lt3A_2765 = vector.broadcast %lt3A_2764 : i32 to vector<16xi32>
      %lt3A_2766 = arith.cmpi slt, %xor3A_2763, %lt3A_2765 : vector<16xi32>
      %add3A_2767 = arith.constant 16 : i32
      %add3A_2768 = vector.broadcast %add3A_2767 : i32 to vector<16xi32>
      %add3A_2769 = arith.addi %xor3A_2763, %add3A_2768 : vector<16xi32>
      %select_n3A_2770 = arith.select %lt3A_2766, %add3A_2769, %xor3A_2763 : vector<16xi1>, vector<16xi32>
      %broadcast_in_dim3A_2771 = vector.shape_cast %select_n3A_2770 : vector<16xi32> to vector<16x1xi32>
      %gather3A_2772 = vector.shape_cast %broadcast_in_dim3A_2771 : vector<16x1xi32> to vector<16xi32>
      %gather3A_2773 = tpu.dynamic_gather %select_n3A_2606[%gather3A_2772] in [0] : vector<16xf32>, vector<16xi32> -> vector<16xf32>
      %and3A_2774 = arith.constant 2 : i32
      %and3A_2775 = vector.broadcast %and3A_2774 : i32 to vector<16xi32>
      %and3A_2776 = arith.andi %iota3A_154, %and3A_2775 : vector<16xi32>
      %ne3A_2777 = arith.constant 0 : i32
      %ne3A_2778 = vector.broadcast %ne3A_2777 : i32 to vector<16xi32>
      %ne3A_2779 = arith.cmpi ne, %and3A_2776, %ne3A_2778 : vector<16xi32>
      %min3A_2780 = arith.minimumf %select_n3A_2606, %gather3A_2773 : vector<16xf32>
      %max3A_2781 = arith.maximumf %select_n3A_2606, %gather3A_2773 : vector<16xf32>
      %select_n3A_2782 = arith.select %ne3A_2779, %min3A_2780, %max3A_2781 : vector<16xi1>, vector<16xf32>
      %xor3A_2783 = arith.constant 1 : i32
      %xor3A_2784 = vector.broadcast %xor3A_2783 : i32 to vector<16xi32>
      %xor3A_2785 = arith.xori %iota3A_154, %xor3A_2784 : vector<16xi32>
      %lt3A_2786 = arith.constant 0 : i32
      %lt3A_2787 = vector.broadcast %lt3A_2786 : i32 to vector<16xi32>
      %lt3A_2788 = arith.cmpi slt, %xor3A_2785, %lt3A_2787 : vector<16xi32>
      %add3A_2789 = arith.constant 16 : i32
      %add3A_2790 = vector.broadcast %add3A_2789 : i32 to vector<16xi32>
      %add3A_2791 = arith.addi %xor3A_2785, %add3A_2790 : vector<16xi32>
      %select_n3A_2792 = arith.select %lt3A_2788, %add3A_2791, %xor3A_2785 : vector<16xi1>, vector<16xi32>
      %broadcast_in_dim3A_2793 = vector.shape_cast %select_n3A_2792 : vector<16xi32> to vector<16x1xi32>
      %gather3A_2794 = vector.shape_cast %broadcast_in_dim3A_2793 : vector<16x1xi32> to vector<16xi32>
      %gather3A_2795 = tpu.dynamic_gather %select_n3A_2628[%gather3A_2794] in [0] : vector<16xf32>, vector<16xi32> -> vector<16xf32>
      %and3A_2796 = arith.constant 1 : i32
      %and3A_2797 = vector.broadcast %and3A_2796 : i32 to vector<16xi32>
      %and3A_2798 = arith.andi %iota3A_154, %and3A_2797 : vector<16xi32>
      %eq3A_2799 = arith.constant 0 : i32
      %eq3A_2800 = vector.broadcast %eq3A_2799 : i32 to vector<16xi32>
      %eq3A_2801 = arith.cmpi eq, %and3A_2798, %eq3A_2800 : vector<16xi32>
      %min3A_2802 = arith.minimumf %select_n3A_2628, %gather3A_2795 : vector<16xf32>
      %max3A_2803 = arith.maximumf %select_n3A_2628, %gather3A_2795 : vector<16xf32>
      %select_n3A_2804 = arith.select %eq3A_2801, %min3A_2802, %max3A_2803 : vector<16xi1>, vector<16xf32>
      %xor3A_2805 = arith.constant 1 : i32
      %xor3A_2806 = vector.broadcast %xor3A_2805 : i32 to vector<16xi32>
      %xor3A_2807 = arith.xori %iota3A_154, %xor3A_2806 : vector<16xi32>
      %lt3A_2808 = arith.constant 0 : i32
      %lt3A_2809 = vector.broadcast %lt3A_2808 : i32 to vector<16xi32>
      %lt3A_2810 = arith.cmpi slt, %xor3A_2807, %lt3A_2809 : vector<16xi32>
      %add3A_2811 = arith.constant 16 : i32
      %add3A_2812 = vector.broadcast %add3A_2811 : i32 to vector<16xi32>
      %add3A_2813 = arith.addi %xor3A_2807, %add3A_2812 : vector<16xi32>
      %select_n3A_2814 = arith.select %lt3A_2810, %add3A_2813, %xor3A_2807 : vector<16xi1>, vector<16xi32>
      %broadcast_in_dim3A_2815 = vector.shape_cast %select_n3A_2814 : vector<16xi32> to vector<16x1xi32>
      %gather3A_2816 = vector.shape_cast %broadcast_in_dim3A_2815 : vector<16x1xi32> to vector<16xi32>
      %gather3A_2817 = tpu.dynamic_gather %select_n3A_2650[%gather3A_2816] in [0] : vector<16xf32>, vector<16xi32> -> vector<16xf32>
      %and3A_2818 = arith.constant 1 : i32
      %and3A_2819 = vector.broadcast %and3A_2818 : i32 to vector<16xi32>
      %and3A_2820 = arith.andi %iota3A_154, %and3A_2819 : vector<16xi32>
      %eq3A_2821 = arith.constant 0 : i32
      %eq3A_2822 = vector.broadcast %eq3A_2821 : i32 to vector<16xi32>
      %eq3A_2823 = arith.cmpi eq, %and3A_2820, %eq3A_2822 : vector<16xi32>
      %min3A_2824 = arith.minimumf %select_n3A_2650, %gather3A_2817 : vector<16xf32>
      %max3A_2825 = arith.maximumf %select_n3A_2650, %gather3A_2817 : vector<16xf32>
      %select_n3A_2826 = arith.select %eq3A_2823, %min3A_2824, %max3A_2825 : vector<16xi1>, vector<16xf32>
      %xor3A_2827 = arith.constant 1 : i32
      %xor3A_2828 = vector.broadcast %xor3A_2827 : i32 to vector<16xi32>
      %xor3A_2829 = arith.xori %iota3A_154, %xor3A_2828 : vector<16xi32>
      %lt3A_2830 = arith.constant 0 : i32
      %lt3A_2831 = vector.broadcast %lt3A_2830 : i32 to vector<16xi32>
      %lt3A_2832 = arith.cmpi slt, %xor3A_2829, %lt3A_2831 : vector<16xi32>
      %add3A_2833 = arith.constant 16 : i32
      %add3A_2834 = vector.broadcast %add3A_2833 : i32 to vector<16xi32>
      %add3A_2835 = arith.addi %xor3A_2829, %add3A_2834 : vector<16xi32>
      %select_n3A_2836 = arith.select %lt3A_2832, %add3A_2835, %xor3A_2829 : vector<16xi1>, vector<16xi32>
      %broadcast_in_dim3A_2837 = vector.shape_cast %select_n3A_2836 : vector<16xi32> to vector<16x1xi32>
      %gather3A_2838 = vector.shape_cast %broadcast_in_dim3A_2837 : vector<16x1xi32> to vector<16xi32>
      %gather3A_2839 = tpu.dynamic_gather %select_n3A_2672[%gather3A_2838] in [0] : vector<16xf32>, vector<16xi32> -> vector<16xf32>
      %and3A_2840 = arith.constant 1 : i32
      %and3A_2841 = vector.broadcast %and3A_2840 : i32 to vector<16xi32>
      %and3A_2842 = arith.andi %iota3A_154, %and3A_2841 : vector<16xi32>
      %ne3A_2843 = arith.constant 0 : i32
      %ne3A_2844 = vector.broadcast %ne3A_2843 : i32 to vector<16xi32>
      %ne3A_2845 = arith.cmpi ne, %and3A_2842, %ne3A_2844 : vector<16xi32>
      %min3A_2846 = arith.minimumf %select_n3A_2672, %gather3A_2839 : vector<16xf32>
      %max3A_2847 = arith.maximumf %select_n3A_2672, %gather3A_2839 : vector<16xf32>
      %select_n3A_2848 = arith.select %ne3A_2845, %min3A_2846, %max3A_2847 : vector<16xi1>, vector<16xf32>
      %xor3A_2849 = arith.constant 1 : i32
      %xor3A_2850 = vector.broadcast %xor3A_2849 : i32 to vector<16xi32>
      %xor3A_2851 = arith.xori %iota3A_154, %xor3A_2850 : vector<16xi32>
      %lt3A_2852 = arith.constant 0 : i32
      %lt3A_2853 = vector.broadcast %lt3A_2852 : i32 to vector<16xi32>
      %lt3A_2854 = arith.cmpi slt, %xor3A_2851, %lt3A_2853 : vector<16xi32>
      %add3A_2855 = arith.constant 16 : i32
      %add3A_2856 = vector.broadcast %add3A_2855 : i32 to vector<16xi32>
      %add3A_2857 = arith.addi %xor3A_2851, %add3A_2856 : vector<16xi32>
      %select_n3A_2858 = arith.select %lt3A_2854, %add3A_2857, %xor3A_2851 : vector<16xi1>, vector<16xi32>
      %broadcast_in_dim3A_2859 = vector.shape_cast %select_n3A_2858 : vector<16xi32> to vector<16x1xi32>
      %gather3A_2860 = vector.shape_cast %broadcast_in_dim3A_2859 : vector<16x1xi32> to vector<16xi32>
      %gather3A_2861 = tpu.dynamic_gather %select_n3A_2694[%gather3A_2860] in [0] : vector<16xf32>, vector<16xi32> -> vector<16xf32>
      %and3A_2862 = arith.constant 1 : i32
      %and3A_2863 = vector.broadcast %and3A_2862 : i32 to vector<16xi32>
      %and3A_2864 = arith.andi %iota3A_154, %and3A_2863 : vector<16xi32>
      %ne3A_2865 = arith.constant 0 : i32
      %ne3A_2866 = vector.broadcast %ne3A_2865 : i32 to vector<16xi32>
      %ne3A_2867 = arith.cmpi ne, %and3A_2864, %ne3A_2866 : vector<16xi32>
      %min3A_2868 = arith.minimumf %select_n3A_2694, %gather3A_2861 : vector<16xf32>
      %max3A_2869 = arith.maximumf %select_n3A_2694, %gather3A_2861 : vector<16xf32>
      %select_n3A_2870 = arith.select %ne3A_2867, %min3A_2868, %max3A_2869 : vector<16xi1>, vector<16xf32>
      %xor3A_2871 = arith.constant 1 : i32
      %xor3A_2872 = vector.broadcast %xor3A_2871 : i32 to vector<16xi32>
      %xor3A_2873 = arith.xori %iota3A_154, %xor3A_2872 : vector<16xi32>
      %lt3A_2874 = arith.constant 0 : i32
      %lt3A_2875 = vector.broadcast %lt3A_2874 : i32 to vector<16xi32>
      %lt3A_2876 = arith.cmpi slt, %xor3A_2873, %lt3A_2875 : vector<16xi32>
      %add3A_2877 = arith.constant 16 : i32
      %add3A_2878 = vector.broadcast %add3A_2877 : i32 to vector<16xi32>
      %add3A_2879 = arith.addi %xor3A_2873, %add3A_2878 : vector<16xi32>
      %select_n3A_2880 = arith.select %lt3A_2876, %add3A_2879, %xor3A_2873 : vector<16xi1>, vector<16xi32>
      %broadcast_in_dim3A_2881 = vector.shape_cast %select_n3A_2880 : vector<16xi32> to vector<16x1xi32>
      %gather3A_2882 = vector.shape_cast %broadcast_in_dim3A_2881 : vector<16x1xi32> to vector<16xi32>
      %gather3A_2883 = tpu.dynamic_gather %select_n3A_2716[%gather3A_2882] in [0] : vector<16xf32>, vector<16xi32> -> vector<16xf32>
      %and3A_2884 = arith.constant 1 : i32
      %and3A_2885 = vector.broadcast %and3A_2884 : i32 to vector<16xi32>
      %and3A_2886 = arith.andi %iota3A_154, %and3A_2885 : vector<16xi32>
      %eq3A_2887 = arith.constant 0 : i32
      %eq3A_2888 = vector.broadcast %eq3A_2887 : i32 to vector<16xi32>
      %eq3A_2889 = arith.cmpi eq, %and3A_2886, %eq3A_2888 : vector<16xi32>
      %min3A_2890 = arith.minimumf %select_n3A_2716, %gather3A_2883 : vector<16xf32>
      %max3A_2891 = arith.maximumf %select_n3A_2716, %gather3A_2883 : vector<16xf32>
      %select_n3A_2892 = arith.select %eq3A_2889, %min3A_2890, %max3A_2891 : vector<16xi1>, vector<16xf32>
      %xor3A_2893 = arith.constant 1 : i32
      %xor3A_2894 = vector.broadcast %xor3A_2893 : i32 to vector<16xi32>
      %xor3A_2895 = arith.xori %iota3A_154, %xor3A_2894 : vector<16xi32>
      %lt3A_2896 = arith.constant 0 : i32
      %lt3A_2897 = vector.broadcast %lt3A_2896 : i32 to vector<16xi32>
      %lt3A_2898 = arith.cmpi slt, %xor3A_2895, %lt3A_2897 : vector<16xi32>
      %add3A_2899 = arith.constant 16 : i32
      %add3A_2900 = vector.broadcast %add3A_2899 : i32 to vector<16xi32>
      %add3A_2901 = arith.addi %xor3A_2895, %add3A_2900 : vector<16xi32>
      %select_n3A_2902 = arith.select %lt3A_2898, %add3A_2901, %xor3A_2895 : vector<16xi1>, vector<16xi32>
      %broadcast_in_dim3A_2903 = vector.shape_cast %select_n3A_2902 : vector<16xi32> to vector<16x1xi32>
      %gather3A_2904 = vector.shape_cast %broadcast_in_dim3A_2903 : vector<16x1xi32> to vector<16xi32>
      %gather3A_2905 = tpu.dynamic_gather %select_n3A_2738[%gather3A_2904] in [0] : vector<16xf32>, vector<16xi32> -> vector<16xf32>
      %and3A_2906 = arith.constant 1 : i32
      %and3A_2907 = vector.broadcast %and3A_2906 : i32 to vector<16xi32>
      %and3A_2908 = arith.andi %iota3A_154, %and3A_2907 : vector<16xi32>
      %eq3A_2909 = arith.constant 0 : i32
      %eq3A_2910 = vector.broadcast %eq3A_2909 : i32 to vector<16xi32>
      %eq3A_2911 = arith.cmpi eq, %and3A_2908, %eq3A_2910 : vector<16xi32>
      %min3A_2912 = arith.minimumf %select_n3A_2738, %gather3A_2905 : vector<16xf32>
      %max3A_2913 = arith.maximumf %select_n3A_2738, %gather3A_2905 : vector<16xf32>
      %select_n3A_2914 = arith.select %eq3A_2911, %min3A_2912, %max3A_2913 : vector<16xi1>, vector<16xf32>
      %xor3A_2915 = arith.constant 1 : i32
      %xor3A_2916 = vector.broadcast %xor3A_2915 : i32 to vector<16xi32>
      %xor3A_2917 = arith.xori %iota3A_154, %xor3A_2916 : vector<16xi32>
      %lt3A_2918 = arith.constant 0 : i32
      %lt3A_2919 = vector.broadcast %lt3A_2918 : i32 to vector<16xi32>
      %lt3A_2920 = arith.cmpi slt, %xor3A_2917, %lt3A_2919 : vector<16xi32>
      %add3A_2921 = arith.constant 16 : i32
      %add3A_2922 = vector.broadcast %add3A_2921 : i32 to vector<16xi32>
      %add3A_2923 = arith.addi %xor3A_2917, %add3A_2922 : vector<16xi32>
      %select_n3A_2924 = arith.select %lt3A_2920, %add3A_2923, %xor3A_2917 : vector<16xi1>, vector<16xi32>
      %broadcast_in_dim3A_2925 = vector.shape_cast %select_n3A_2924 : vector<16xi32> to vector<16x1xi32>
      %gather3A_2926 = vector.shape_cast %broadcast_in_dim3A_2925 : vector<16x1xi32> to vector<16xi32>
      %gather3A_2927 = tpu.dynamic_gather %select_n3A_2760[%gather3A_2926] in [0] : vector<16xf32>, vector<16xi32> -> vector<16xf32>
      %and3A_2928 = arith.constant 1 : i32
      %and3A_2929 = vector.broadcast %and3A_2928 : i32 to vector<16xi32>
      %and3A_2930 = arith.andi %iota3A_154, %and3A_2929 : vector<16xi32>
      %ne3A_2931 = arith.constant 0 : i32
      %ne3A_2932 = vector.broadcast %ne3A_2931 : i32 to vector<16xi32>
      %ne3A_2933 = arith.cmpi ne, %and3A_2930, %ne3A_2932 : vector<16xi32>
      %min3A_2934 = arith.minimumf %select_n3A_2760, %gather3A_2927 : vector<16xf32>
      %max3A_2935 = arith.maximumf %select_n3A_2760, %gather3A_2927 : vector<16xf32>
      %select_n3A_2936 = arith.select %ne3A_2933, %min3A_2934, %max3A_2935 : vector<16xi1>, vector<16xf32>
      %xor3A_2937 = arith.constant 1 : i32
      %xor3A_2938 = vector.broadcast %xor3A_2937 : i32 to vector<16xi32>
      %xor3A_2939 = arith.xori %iota3A_154, %xor3A_2938 : vector<16xi32>
      %lt3A_2940 = arith.constant 0 : i32
      %lt3A_2941 = vector.broadcast %lt3A_2940 : i32 to vector<16xi32>
      %lt3A_2942 = arith.cmpi slt, %xor3A_2939, %lt3A_2941 : vector<16xi32>
      %add3A_2943 = arith.constant 16 : i32
      %add3A_2944 = vector.broadcast %add3A_2943 : i32 to vector<16xi32>
      %add3A_2945 = arith.addi %xor3A_2939, %add3A_2944 : vector<16xi32>
      %select_n3A_2946 = arith.select %lt3A_2942, %add3A_2945, %xor3A_2939 : vector<16xi1>, vector<16xi32>
      %broadcast_in_dim3A_2947 = vector.shape_cast %select_n3A_2946 : vector<16xi32> to vector<16x1xi32>
      %gather3A_2948 = vector.shape_cast %broadcast_in_dim3A_2947 : vector<16x1xi32> to vector<16xi32>
      %gather3A_2949 = tpu.dynamic_gather %select_n3A_2782[%gather3A_2948] in [0] : vector<16xf32>, vector<16xi32> -> vector<16xf32>
      %and3A_2950 = arith.constant 1 : i32
      %and3A_2951 = vector.broadcast %and3A_2950 : i32 to vector<16xi32>
      %and3A_2952 = arith.andi %iota3A_154, %and3A_2951 : vector<16xi32>
      %ne3A_2953 = arith.constant 0 : i32
      %ne3A_2954 = vector.broadcast %ne3A_2953 : i32 to vector<16xi32>
      %ne3A_2955 = arith.cmpi ne, %and3A_2952, %ne3A_2954 : vector<16xi32>
      %min3A_2956 = arith.minimumf %select_n3A_2782, %gather3A_2949 : vector<16xf32>
      %max3A_2957 = arith.maximumf %select_n3A_2782, %gather3A_2949 : vector<16xf32>
      %select_n3A_2958 = arith.select %ne3A_2955, %min3A_2956, %max3A_2957 : vector<16xi1>, vector<16xf32>
      %min3A_2959 = arith.minimumf %select_n3A_2804, %select_n3A_2848 : vector<16xf32>
      %max3A_2960 = arith.maximumf %select_n3A_2804, %select_n3A_2848 : vector<16xf32>
      %min3A_2961 = arith.minimumf %select_n3A_2826, %select_n3A_2870 : vector<16xf32>
      %max3A_2962 = arith.maximumf %select_n3A_2826, %select_n3A_2870 : vector<16xf32>
      %min3A_2963 = arith.minimumf %select_n3A_2892, %select_n3A_2936 : vector<16xf32>
      %max3A_2964 = arith.maximumf %select_n3A_2892, %select_n3A_2936 : vector<16xf32>
      %min3A_2965 = arith.minimumf %select_n3A_2914, %select_n3A_2958 : vector<16xf32>
      %max3A_2966 = arith.maximumf %select_n3A_2914, %select_n3A_2958 : vector<16xf32>
      %min3A_2967 = arith.minimumf %min3A_2959, %min3A_2961 : vector<16xf32>
      %max3A_2968 = arith.maximumf %min3A_2959, %min3A_2961 : vector<16xf32>
      %min3A_2969 = arith.minimumf %max3A_2960, %max3A_2962 : vector<16xf32>
      %max3A_2970 = arith.maximumf %max3A_2960, %max3A_2962 : vector<16xf32>
      %min3A_2971 = arith.minimumf %max3A_2964, %max3A_2966 : vector<16xf32>
      %max3A_2972 = arith.maximumf %max3A_2964, %max3A_2966 : vector<16xf32>
      %min3A_2973 = arith.minimumf %min3A_2963, %min3A_2965 : vector<16xf32>
      %max3A_2974 = arith.maximumf %min3A_2963, %min3A_2965 : vector<16xf32>
      %xor3A_2975 = arith.constant 8 : i32
      %xor3A_2976 = vector.broadcast %xor3A_2975 : i32 to vector<16xi32>
      %xor3A_2977 = arith.xori %iota3A_154, %xor3A_2976 : vector<16xi32>
      %lt3A_2978 = arith.constant 0 : i32
      %lt3A_2979 = vector.broadcast %lt3A_2978 : i32 to vector<16xi32>
      %lt3A_2980 = arith.cmpi slt, %xor3A_2977, %lt3A_2979 : vector<16xi32>
      %add3A_2981 = arith.constant 16 : i32
      %add3A_2982 = vector.broadcast %add3A_2981 : i32 to vector<16xi32>
      %add3A_2983 = arith.addi %xor3A_2977, %add3A_2982 : vector<16xi32>
      %select_n3A_2984 = arith.select %lt3A_2980, %add3A_2983, %xor3A_2977 : vector<16xi1>, vector<16xi32>
      %broadcast_in_dim3A_2985 = vector.shape_cast %select_n3A_2984 : vector<16xi32> to vector<16x1xi32>
      %gather3A_2986 = vector.shape_cast %broadcast_in_dim3A_2985 : vector<16x1xi32> to vector<16xi32>
      %gather3A_2987 = tpu.dynamic_gather %min3A_2967[%gather3A_2986] in [0] : vector<16xf32>, vector<16xi32> -> vector<16xf32>
      %and3A_2988 = arith.constant 8 : i32
      %and3A_2989 = vector.broadcast %and3A_2988 : i32 to vector<16xi32>
      %and3A_2990 = arith.andi %iota3A_154, %and3A_2989 : vector<16xi32>
      %eq3A_2991 = arith.constant 0 : i32
      %eq3A_2992 = vector.broadcast %eq3A_2991 : i32 to vector<16xi32>
      %eq3A_2993 = arith.cmpi eq, %and3A_2990, %eq3A_2992 : vector<16xi32>
      %min3A_2994 = arith.minimumf %min3A_2967, %gather3A_2987 : vector<16xf32>
      %max3A_2995 = arith.maximumf %min3A_2967, %gather3A_2987 : vector<16xf32>
      %select_n3A_2996 = arith.select %eq3A_2993, %min3A_2994, %max3A_2995 : vector<16xi1>, vector<16xf32>
      %xor3A_2997 = arith.constant 8 : i32
      %xor3A_2998 = vector.broadcast %xor3A_2997 : i32 to vector<16xi32>
      %xor3A_2999 = arith.xori %iota3A_154, %xor3A_2998 : vector<16xi32>
      %lt3A_3000 = arith.constant 0 : i32
      %lt3A_3001 = vector.broadcast %lt3A_3000 : i32 to vector<16xi32>
      %lt3A_3002 = arith.cmpi slt, %xor3A_2999, %lt3A_3001 : vector<16xi32>
      %add3A_3003 = arith.constant 16 : i32
      %add3A_3004 = vector.broadcast %add3A_3003 : i32 to vector<16xi32>
      %add3A_3005 = arith.addi %xor3A_2999, %add3A_3004 : vector<16xi32>
      %select_n3A_3006 = arith.select %lt3A_3002, %add3A_3005, %xor3A_2999 : vector<16xi1>, vector<16xi32>
      %broadcast_in_dim3A_3007 = vector.shape_cast %select_n3A_3006 : vector<16xi32> to vector<16x1xi32>
      %gather3A_3008 = vector.shape_cast %broadcast_in_dim3A_3007 : vector<16x1xi32> to vector<16xi32>
      %gather3A_3009 = tpu.dynamic_gather %max3A_2968[%gather3A_3008] in [0] : vector<16xf32>, vector<16xi32> -> vector<16xf32>
      %and3A_3010 = arith.constant 8 : i32
      %and3A_3011 = vector.broadcast %and3A_3010 : i32 to vector<16xi32>
      %and3A_3012 = arith.andi %iota3A_154, %and3A_3011 : vector<16xi32>
      %eq3A_3013 = arith.constant 0 : i32
      %eq3A_3014 = vector.broadcast %eq3A_3013 : i32 to vector<16xi32>
      %eq3A_3015 = arith.cmpi eq, %and3A_3012, %eq3A_3014 : vector<16xi32>
      %min3A_3016 = arith.minimumf %max3A_2968, %gather3A_3009 : vector<16xf32>
      %max3A_3017 = arith.maximumf %max3A_2968, %gather3A_3009 : vector<16xf32>
      %select_n3A_3018 = arith.select %eq3A_3015, %min3A_3016, %max3A_3017 : vector<16xi1>, vector<16xf32>
      %xor3A_3019 = arith.constant 8 : i32
      %xor3A_3020 = vector.broadcast %xor3A_3019 : i32 to vector<16xi32>
      %xor3A_3021 = arith.xori %iota3A_154, %xor3A_3020 : vector<16xi32>
      %lt3A_3022 = arith.constant 0 : i32
      %lt3A_3023 = vector.broadcast %lt3A_3022 : i32 to vector<16xi32>
      %lt3A_3024 = arith.cmpi slt, %xor3A_3021, %lt3A_3023 : vector<16xi32>
      %add3A_3025 = arith.constant 16 : i32
      %add3A_3026 = vector.broadcast %add3A_3025 : i32 to vector<16xi32>
      %add3A_3027 = arith.addi %xor3A_3021, %add3A_3026 : vector<16xi32>
      %select_n3A_3028 = arith.select %lt3A_3024, %add3A_3027, %xor3A_3021 : vector<16xi1>, vector<16xi32>
      %broadcast_in_dim3A_3029 = vector.shape_cast %select_n3A_3028 : vector<16xi32> to vector<16x1xi32>
      %gather3A_3030 = vector.shape_cast %broadcast_in_dim3A_3029 : vector<16x1xi32> to vector<16xi32>
      %gather3A_3031 = tpu.dynamic_gather %min3A_2969[%gather3A_3030] in [0] : vector<16xf32>, vector<16xi32> -> vector<16xf32>
      %and3A_3032 = arith.constant 8 : i32
      %and3A_3033 = vector.broadcast %and3A_3032 : i32 to vector<16xi32>
      %and3A_3034 = arith.andi %iota3A_154, %and3A_3033 : vector<16xi32>
      %eq3A_3035 = arith.constant 0 : i32
      %eq3A_3036 = vector.broadcast %eq3A_3035 : i32 to vector<16xi32>
      %eq3A_3037 = arith.cmpi eq, %and3A_3034, %eq3A_3036 : vector<16xi32>
      %min3A_3038 = arith.minimumf %min3A_2969, %gather3A_3031 : vector<16xf32>
      %max3A_3039 = arith.maximumf %min3A_2969, %gather3A_3031 : vector<16xf32>
      %select_n3A_3040 = arith.select %eq3A_3037, %min3A_3038, %max3A_3039 : vector<16xi1>, vector<16xf32>
      %xor3A_3041 = arith.constant 8 : i32
      %xor3A_3042 = vector.broadcast %xor3A_3041 : i32 to vector<16xi32>
      %xor3A_3043 = arith.xori %iota3A_154, %xor3A_3042 : vector<16xi32>
      %lt3A_3044 = arith.constant 0 : i32
      %lt3A_3045 = vector.broadcast %lt3A_3044 : i32 to vector<16xi32>
      %lt3A_3046 = arith.cmpi slt, %xor3A_3043, %lt3A_3045 : vector<16xi32>
      %add3A_3047 = arith.constant 16 : i32
      %add3A_3048 = vector.broadcast %add3A_3047 : i32 to vector<16xi32>
      %add3A_3049 = arith.addi %xor3A_3043, %add3A_3048 : vector<16xi32>
      %select_n3A_3050 = arith.select %lt3A_3046, %add3A_3049, %xor3A_3043 : vector<16xi1>, vector<16xi32>
      %broadcast_in_dim3A_3051 = vector.shape_cast %select_n3A_3050 : vector<16xi32> to vector<16x1xi32>
      %gather3A_3052 = vector.shape_cast %broadcast_in_dim3A_3051 : vector<16x1xi32> to vector<16xi32>
      %gather3A_3053 = tpu.dynamic_gather %max3A_2970[%gather3A_3052] in [0] : vector<16xf32>, vector<16xi32> -> vector<16xf32>
      %and3A_3054 = arith.constant 8 : i32
      %and3A_3055 = vector.broadcast %and3A_3054 : i32 to vector<16xi32>
      %and3A_3056 = arith.andi %iota3A_154, %and3A_3055 : vector<16xi32>
      %eq3A_3057 = arith.constant 0 : i32
      %eq3A_3058 = vector.broadcast %eq3A_3057 : i32 to vector<16xi32>
      %eq3A_3059 = arith.cmpi eq, %and3A_3056, %eq3A_3058 : vector<16xi32>
      %min3A_3060 = arith.minimumf %max3A_2970, %gather3A_3053 : vector<16xf32>
      %max3A_3061 = arith.maximumf %max3A_2970, %gather3A_3053 : vector<16xf32>
      %select_n3A_3062 = arith.select %eq3A_3059, %min3A_3060, %max3A_3061 : vector<16xi1>, vector<16xf32>
      %xor3A_3063 = arith.constant 8 : i32
      %xor3A_3064 = vector.broadcast %xor3A_3063 : i32 to vector<16xi32>
      %xor3A_3065 = arith.xori %iota3A_154, %xor3A_3064 : vector<16xi32>
      %lt3A_3066 = arith.constant 0 : i32
      %lt3A_3067 = vector.broadcast %lt3A_3066 : i32 to vector<16xi32>
      %lt3A_3068 = arith.cmpi slt, %xor3A_3065, %lt3A_3067 : vector<16xi32>
      %add3A_3069 = arith.constant 16 : i32
      %add3A_3070 = vector.broadcast %add3A_3069 : i32 to vector<16xi32>
      %add3A_3071 = arith.addi %xor3A_3065, %add3A_3070 : vector<16xi32>
      %select_n3A_3072 = arith.select %lt3A_3068, %add3A_3071, %xor3A_3065 : vector<16xi1>, vector<16xi32>
      %broadcast_in_dim3A_3073 = vector.shape_cast %select_n3A_3072 : vector<16xi32> to vector<16x1xi32>
      %gather3A_3074 = vector.shape_cast %broadcast_in_dim3A_3073 : vector<16x1xi32> to vector<16xi32>
      %gather3A_3075 = tpu.dynamic_gather %max3A_2972[%gather3A_3074] in [0] : vector<16xf32>, vector<16xi32> -> vector<16xf32>
      %and3A_3076 = arith.constant 8 : i32
      %and3A_3077 = vector.broadcast %and3A_3076 : i32 to vector<16xi32>
      %and3A_3078 = arith.andi %iota3A_154, %and3A_3077 : vector<16xi32>
      %ne3A_3079 = arith.constant 0 : i32
      %ne3A_3080 = vector.broadcast %ne3A_3079 : i32 to vector<16xi32>
      %ne3A_3081 = arith.cmpi ne, %and3A_3078, %ne3A_3080 : vector<16xi32>
      %min3A_3082 = arith.minimumf %max3A_2972, %gather3A_3075 : vector<16xf32>
      %max3A_3083 = arith.maximumf %max3A_2972, %gather3A_3075 : vector<16xf32>
      %select_n3A_3084 = arith.select %ne3A_3081, %min3A_3082, %max3A_3083 : vector<16xi1>, vector<16xf32>
      %xor3A_3085 = arith.constant 8 : i32
      %xor3A_3086 = vector.broadcast %xor3A_3085 : i32 to vector<16xi32>
      %xor3A_3087 = arith.xori %iota3A_154, %xor3A_3086 : vector<16xi32>
      %lt3A_3088 = arith.constant 0 : i32
      %lt3A_3089 = vector.broadcast %lt3A_3088 : i32 to vector<16xi32>
      %lt3A_3090 = arith.cmpi slt, %xor3A_3087, %lt3A_3089 : vector<16xi32>
      %add3A_3091 = arith.constant 16 : i32
      %add3A_3092 = vector.broadcast %add3A_3091 : i32 to vector<16xi32>
      %add3A_3093 = arith.addi %xor3A_3087, %add3A_3092 : vector<16xi32>
      %select_n3A_3094 = arith.select %lt3A_3090, %add3A_3093, %xor3A_3087 : vector<16xi1>, vector<16xi32>
      %broadcast_in_dim3A_3095 = vector.shape_cast %select_n3A_3094 : vector<16xi32> to vector<16x1xi32>
      %gather3A_3096 = vector.shape_cast %broadcast_in_dim3A_3095 : vector<16x1xi32> to vector<16xi32>
      %gather3A_3097 = tpu.dynamic_gather %min3A_2971[%gather3A_3096] in [0] : vector<16xf32>, vector<16xi32> -> vector<16xf32>
      %and3A_3098 = arith.constant 8 : i32
      %and3A_3099 = vector.broadcast %and3A_3098 : i32 to vector<16xi32>
      %and3A_3100 = arith.andi %iota3A_154, %and3A_3099 : vector<16xi32>
      %ne3A_3101 = arith.constant 0 : i32
      %ne3A_3102 = vector.broadcast %ne3A_3101 : i32 to vector<16xi32>
      %ne3A_3103 = arith.cmpi ne, %and3A_3100, %ne3A_3102 : vector<16xi32>
      %min3A_3104 = arith.minimumf %min3A_2971, %gather3A_3097 : vector<16xf32>
      %max3A_3105 = arith.maximumf %min3A_2971, %gather3A_3097 : vector<16xf32>
      %select_n3A_3106 = arith.select %ne3A_3103, %min3A_3104, %max3A_3105 : vector<16xi1>, vector<16xf32>
      %xor3A_3107 = arith.constant 8 : i32
      %xor3A_3108 = vector.broadcast %xor3A_3107 : i32 to vector<16xi32>
      %xor3A_3109 = arith.xori %iota3A_154, %xor3A_3108 : vector<16xi32>
      %lt3A_3110 = arith.constant 0 : i32
      %lt3A_3111 = vector.broadcast %lt3A_3110 : i32 to vector<16xi32>
      %lt3A_3112 = arith.cmpi slt, %xor3A_3109, %lt3A_3111 : vector<16xi32>
      %add3A_3113 = arith.constant 16 : i32
      %add3A_3114 = vector.broadcast %add3A_3113 : i32 to vector<16xi32>
      %add3A_3115 = arith.addi %xor3A_3109, %add3A_3114 : vector<16xi32>
      %select_n3A_3116 = arith.select %lt3A_3112, %add3A_3115, %xor3A_3109 : vector<16xi1>, vector<16xi32>
      %broadcast_in_dim3A_3117 = vector.shape_cast %select_n3A_3116 : vector<16xi32> to vector<16x1xi32>
      %gather3A_3118 = vector.shape_cast %broadcast_in_dim3A_3117 : vector<16x1xi32> to vector<16xi32>
      %gather3A_3119 = tpu.dynamic_gather %max3A_2974[%gather3A_3118] in [0] : vector<16xf32>, vector<16xi32> -> vector<16xf32>
      %and3A_3120 = arith.constant 8 : i32
      %and3A_3121 = vector.broadcast %and3A_3120 : i32 to vector<16xi32>
      %and3A_3122 = arith.andi %iota3A_154, %and3A_3121 : vector<16xi32>
      %ne3A_3123 = arith.constant 0 : i32
      %ne3A_3124 = vector.broadcast %ne3A_3123 : i32 to vector<16xi32>
      %ne3A_3125 = arith.cmpi ne, %and3A_3122, %ne3A_3124 : vector<16xi32>
      %min3A_3126 = arith.minimumf %max3A_2974, %gather3A_3119 : vector<16xf32>
      %max3A_3127 = arith.maximumf %max3A_2974, %gather3A_3119 : vector<16xf32>
      %select_n3A_3128 = arith.select %ne3A_3125, %min3A_3126, %max3A_3127 : vector<16xi1>, vector<16xf32>
      %xor3A_3129 = arith.constant 8 : i32
      %xor3A_3130 = vector.broadcast %xor3A_3129 : i32 to vector<16xi32>
      %xor3A_3131 = arith.xori %iota3A_154, %xor3A_3130 : vector<16xi32>
      %lt3A_3132 = arith.constant 0 : i32
      %lt3A_3133 = vector.broadcast %lt3A_3132 : i32 to vector<16xi32>
      %lt3A_3134 = arith.cmpi slt, %xor3A_3131, %lt3A_3133 : vector<16xi32>
      %add3A_3135 = arith.constant 16 : i32
      %add3A_3136 = vector.broadcast %add3A_3135 : i32 to vector<16xi32>
      %add3A_3137 = arith.addi %xor3A_3131, %add3A_3136 : vector<16xi32>
      %select_n3A_3138 = arith.select %lt3A_3134, %add3A_3137, %xor3A_3131 : vector<16xi1>, vector<16xi32>
      %broadcast_in_dim3A_3139 = vector.shape_cast %select_n3A_3138 : vector<16xi32> to vector<16x1xi32>
      %gather3A_3140 = vector.shape_cast %broadcast_in_dim3A_3139 : vector<16x1xi32> to vector<16xi32>
      %gather3A_3141 = tpu.dynamic_gather %min3A_2973[%gather3A_3140] in [0] : vector<16xf32>, vector<16xi32> -> vector<16xf32>
      %and3A_3142 = arith.constant 8 : i32
      %and3A_3143 = vector.broadcast %and3A_3142 : i32 to vector<16xi32>
      %and3A_3144 = arith.andi %iota3A_154, %and3A_3143 : vector<16xi32>
      %ne3A_3145 = arith.constant 0 : i32
      %ne3A_3146 = vector.broadcast %ne3A_3145 : i32 to vector<16xi32>
      %ne3A_3147 = arith.cmpi ne, %and3A_3144, %ne3A_3146 : vector<16xi32>
      %min3A_3148 = arith.minimumf %min3A_2973, %gather3A_3141 : vector<16xf32>
      %max3A_3149 = arith.maximumf %min3A_2973, %gather3A_3141 : vector<16xf32>
      %select_n3A_3150 = arith.select %ne3A_3147, %min3A_3148, %max3A_3149 : vector<16xi1>, vector<16xf32>
      %xor3A_3151 = arith.constant 4 : i32
      %xor3A_3152 = vector.broadcast %xor3A_3151 : i32 to vector<16xi32>
      %xor3A_3153 = arith.xori %iota3A_154, %xor3A_3152 : vector<16xi32>
      %lt3A_3154 = arith.constant 0 : i32
      %lt3A_3155 = vector.broadcast %lt3A_3154 : i32 to vector<16xi32>
      %lt3A_3156 = arith.cmpi slt, %xor3A_3153, %lt3A_3155 : vector<16xi32>
      %add3A_3157 = arith.constant 16 : i32
      %add3A_3158 = vector.broadcast %add3A_3157 : i32 to vector<16xi32>
      %add3A_3159 = arith.addi %xor3A_3153, %add3A_3158 : vector<16xi32>
      %select_n3A_3160 = arith.select %lt3A_3156, %add3A_3159, %xor3A_3153 : vector<16xi1>, vector<16xi32>
      %broadcast_in_dim3A_3161 = vector.shape_cast %select_n3A_3160 : vector<16xi32> to vector<16x1xi32>
      %gather3A_3162 = vector.shape_cast %broadcast_in_dim3A_3161 : vector<16x1xi32> to vector<16xi32>
      %gather3A_3163 = tpu.dynamic_gather %select_n3A_2996[%gather3A_3162] in [0] : vector<16xf32>, vector<16xi32> -> vector<16xf32>
      %and3A_3164 = arith.constant 4 : i32
      %and3A_3165 = vector.broadcast %and3A_3164 : i32 to vector<16xi32>
      %and3A_3166 = arith.andi %iota3A_154, %and3A_3165 : vector<16xi32>
      %eq3A_3167 = arith.constant 0 : i32
      %eq3A_3168 = vector.broadcast %eq3A_3167 : i32 to vector<16xi32>
      %eq3A_3169 = arith.cmpi eq, %and3A_3166, %eq3A_3168 : vector<16xi32>
      %min3A_3170 = arith.minimumf %select_n3A_2996, %gather3A_3163 : vector<16xf32>
      %max3A_3171 = arith.maximumf %select_n3A_2996, %gather3A_3163 : vector<16xf32>
      %select_n3A_3172 = arith.select %eq3A_3169, %min3A_3170, %max3A_3171 : vector<16xi1>, vector<16xf32>
      %xor3A_3173 = arith.constant 4 : i32
      %xor3A_3174 = vector.broadcast %xor3A_3173 : i32 to vector<16xi32>
      %xor3A_3175 = arith.xori %iota3A_154, %xor3A_3174 : vector<16xi32>
      %lt3A_3176 = arith.constant 0 : i32
      %lt3A_3177 = vector.broadcast %lt3A_3176 : i32 to vector<16xi32>
      %lt3A_3178 = arith.cmpi slt, %xor3A_3175, %lt3A_3177 : vector<16xi32>
      %add3A_3179 = arith.constant 16 : i32
      %add3A_3180 = vector.broadcast %add3A_3179 : i32 to vector<16xi32>
      %add3A_3181 = arith.addi %xor3A_3175, %add3A_3180 : vector<16xi32>
      %select_n3A_3182 = arith.select %lt3A_3178, %add3A_3181, %xor3A_3175 : vector<16xi1>, vector<16xi32>
      %broadcast_in_dim3A_3183 = vector.shape_cast %select_n3A_3182 : vector<16xi32> to vector<16x1xi32>
      %gather3A_3184 = vector.shape_cast %broadcast_in_dim3A_3183 : vector<16x1xi32> to vector<16xi32>
      %gather3A_3185 = tpu.dynamic_gather %select_n3A_3018[%gather3A_3184] in [0] : vector<16xf32>, vector<16xi32> -> vector<16xf32>
      %and3A_3186 = arith.constant 4 : i32
      %and3A_3187 = vector.broadcast %and3A_3186 : i32 to vector<16xi32>
      %and3A_3188 = arith.andi %iota3A_154, %and3A_3187 : vector<16xi32>
      %eq3A_3189 = arith.constant 0 : i32
      %eq3A_3190 = vector.broadcast %eq3A_3189 : i32 to vector<16xi32>
      %eq3A_3191 = arith.cmpi eq, %and3A_3188, %eq3A_3190 : vector<16xi32>
      %min3A_3192 = arith.minimumf %select_n3A_3018, %gather3A_3185 : vector<16xf32>
      %max3A_3193 = arith.maximumf %select_n3A_3018, %gather3A_3185 : vector<16xf32>
      %select_n3A_3194 = arith.select %eq3A_3191, %min3A_3192, %max3A_3193 : vector<16xi1>, vector<16xf32>
      %xor3A_3195 = arith.constant 4 : i32
      %xor3A_3196 = vector.broadcast %xor3A_3195 : i32 to vector<16xi32>
      %xor3A_3197 = arith.xori %iota3A_154, %xor3A_3196 : vector<16xi32>
      %lt3A_3198 = arith.constant 0 : i32
      %lt3A_3199 = vector.broadcast %lt3A_3198 : i32 to vector<16xi32>
      %lt3A_3200 = arith.cmpi slt, %xor3A_3197, %lt3A_3199 : vector<16xi32>
      %add3A_3201 = arith.constant 16 : i32
      %add3A_3202 = vector.broadcast %add3A_3201 : i32 to vector<16xi32>
      %add3A_3203 = arith.addi %xor3A_3197, %add3A_3202 : vector<16xi32>
      %select_n3A_3204 = arith.select %lt3A_3200, %add3A_3203, %xor3A_3197 : vector<16xi1>, vector<16xi32>
      %broadcast_in_dim3A_3205 = vector.shape_cast %select_n3A_3204 : vector<16xi32> to vector<16x1xi32>
      %gather3A_3206 = vector.shape_cast %broadcast_in_dim3A_3205 : vector<16x1xi32> to vector<16xi32>
      %gather3A_3207 = tpu.dynamic_gather %select_n3A_3040[%gather3A_3206] in [0] : vector<16xf32>, vector<16xi32> -> vector<16xf32>
      %and3A_3208 = arith.constant 4 : i32
      %and3A_3209 = vector.broadcast %and3A_3208 : i32 to vector<16xi32>
      %and3A_3210 = arith.andi %iota3A_154, %and3A_3209 : vector<16xi32>
      %eq3A_3211 = arith.constant 0 : i32
      %eq3A_3212 = vector.broadcast %eq3A_3211 : i32 to vector<16xi32>
      %eq3A_3213 = arith.cmpi eq, %and3A_3210, %eq3A_3212 : vector<16xi32>
      %min3A_3214 = arith.minimumf %select_n3A_3040, %gather3A_3207 : vector<16xf32>
      %max3A_3215 = arith.maximumf %select_n3A_3040, %gather3A_3207 : vector<16xf32>
      %select_n3A_3216 = arith.select %eq3A_3213, %min3A_3214, %max3A_3215 : vector<16xi1>, vector<16xf32>
      %xor3A_3217 = arith.constant 4 : i32
      %xor3A_3218 = vector.broadcast %xor3A_3217 : i32 to vector<16xi32>
      %xor3A_3219 = arith.xori %iota3A_154, %xor3A_3218 : vector<16xi32>
      %lt3A_3220 = arith.constant 0 : i32
      %lt3A_3221 = vector.broadcast %lt3A_3220 : i32 to vector<16xi32>
      %lt3A_3222 = arith.cmpi slt, %xor3A_3219, %lt3A_3221 : vector<16xi32>
      %add3A_3223 = arith.constant 16 : i32
      %add3A_3224 = vector.broadcast %add3A_3223 : i32 to vector<16xi32>
      %add3A_3225 = arith.addi %xor3A_3219, %add3A_3224 : vector<16xi32>
      %select_n3A_3226 = arith.select %lt3A_3222, %add3A_3225, %xor3A_3219 : vector<16xi1>, vector<16xi32>
      %broadcast_in_dim3A_3227 = vector.shape_cast %select_n3A_3226 : vector<16xi32> to vector<16x1xi32>
      %gather3A_3228 = vector.shape_cast %broadcast_in_dim3A_3227 : vector<16x1xi32> to vector<16xi32>
      %gather3A_3229 = tpu.dynamic_gather %select_n3A_3062[%gather3A_3228] in [0] : vector<16xf32>, vector<16xi32> -> vector<16xf32>
      %and3A_3230 = arith.constant 4 : i32
      %and3A_3231 = vector.broadcast %and3A_3230 : i32 to vector<16xi32>
      %and3A_3232 = arith.andi %iota3A_154, %and3A_3231 : vector<16xi32>
      %eq3A_3233 = arith.constant 0 : i32
      %eq3A_3234 = vector.broadcast %eq3A_3233 : i32 to vector<16xi32>
      %eq3A_3235 = arith.cmpi eq, %and3A_3232, %eq3A_3234 : vector<16xi32>
      %min3A_3236 = arith.minimumf %select_n3A_3062, %gather3A_3229 : vector<16xf32>
      %max3A_3237 = arith.maximumf %select_n3A_3062, %gather3A_3229 : vector<16xf32>
      %select_n3A_3238 = arith.select %eq3A_3235, %min3A_3236, %max3A_3237 : vector<16xi1>, vector<16xf32>
      %xor3A_3239 = arith.constant 4 : i32
      %xor3A_3240 = vector.broadcast %xor3A_3239 : i32 to vector<16xi32>
      %xor3A_3241 = arith.xori %iota3A_154, %xor3A_3240 : vector<16xi32>
      %lt3A_3242 = arith.constant 0 : i32
      %lt3A_3243 = vector.broadcast %lt3A_3242 : i32 to vector<16xi32>
      %lt3A_3244 = arith.cmpi slt, %xor3A_3241, %lt3A_3243 : vector<16xi32>
      %add3A_3245 = arith.constant 16 : i32
      %add3A_3246 = vector.broadcast %add3A_3245 : i32 to vector<16xi32>
      %add3A_3247 = arith.addi %xor3A_3241, %add3A_3246 : vector<16xi32>
      %select_n3A_3248 = arith.select %lt3A_3244, %add3A_3247, %xor3A_3241 : vector<16xi1>, vector<16xi32>
      %broadcast_in_dim3A_3249 = vector.shape_cast %select_n3A_3248 : vector<16xi32> to vector<16x1xi32>
      %gather3A_3250 = vector.shape_cast %broadcast_in_dim3A_3249 : vector<16x1xi32> to vector<16xi32>
      %gather3A_3251 = tpu.dynamic_gather %select_n3A_3084[%gather3A_3250] in [0] : vector<16xf32>, vector<16xi32> -> vector<16xf32>
      %and3A_3252 = arith.constant 4 : i32
      %and3A_3253 = vector.broadcast %and3A_3252 : i32 to vector<16xi32>
      %and3A_3254 = arith.andi %iota3A_154, %and3A_3253 : vector<16xi32>
      %ne3A_3255 = arith.constant 0 : i32
      %ne3A_3256 = vector.broadcast %ne3A_3255 : i32 to vector<16xi32>
      %ne3A_3257 = arith.cmpi ne, %and3A_3254, %ne3A_3256 : vector<16xi32>
      %min3A_3258 = arith.minimumf %select_n3A_3084, %gather3A_3251 : vector<16xf32>
      %max3A_3259 = arith.maximumf %select_n3A_3084, %gather3A_3251 : vector<16xf32>
      %select_n3A_3260 = arith.select %ne3A_3257, %min3A_3258, %max3A_3259 : vector<16xi1>, vector<16xf32>
      %xor3A_3261 = arith.constant 4 : i32
      %xor3A_3262 = vector.broadcast %xor3A_3261 : i32 to vector<16xi32>
      %xor3A_3263 = arith.xori %iota3A_154, %xor3A_3262 : vector<16xi32>
      %lt3A_3264 = arith.constant 0 : i32
      %lt3A_3265 = vector.broadcast %lt3A_3264 : i32 to vector<16xi32>
      %lt3A_3266 = arith.cmpi slt, %xor3A_3263, %lt3A_3265 : vector<16xi32>
      %add3A_3267 = arith.constant 16 : i32
      %add3A_3268 = vector.broadcast %add3A_3267 : i32 to vector<16xi32>
      %add3A_3269 = arith.addi %xor3A_3263, %add3A_3268 : vector<16xi32>
      %select_n3A_3270 = arith.select %lt3A_3266, %add3A_3269, %xor3A_3263 : vector<16xi1>, vector<16xi32>
      %broadcast_in_dim3A_3271 = vector.shape_cast %select_n3A_3270 : vector<16xi32> to vector<16x1xi32>
      %gather3A_3272 = vector.shape_cast %broadcast_in_dim3A_3271 : vector<16x1xi32> to vector<16xi32>
      %gather3A_3273 = tpu.dynamic_gather %select_n3A_3106[%gather3A_3272] in [0] : vector<16xf32>, vector<16xi32> -> vector<16xf32>
      %and3A_3274 = arith.constant 4 : i32
      %and3A_3275 = vector.broadcast %and3A_3274 : i32 to vector<16xi32>
      %and3A_3276 = arith.andi %iota3A_154, %and3A_3275 : vector<16xi32>
      %ne3A_3277 = arith.constant 0 : i32
      %ne3A_3278 = vector.broadcast %ne3A_3277 : i32 to vector<16xi32>
      %ne3A_3279 = arith.cmpi ne, %and3A_3276, %ne3A_3278 : vector<16xi32>
      %min3A_3280 = arith.minimumf %select_n3A_3106, %gather3A_3273 : vector<16xf32>
      %max3A_3281 = arith.maximumf %select_n3A_3106, %gather3A_3273 : vector<16xf32>
      %select_n3A_3282 = arith.select %ne3A_3279, %min3A_3280, %max3A_3281 : vector<16xi1>, vector<16xf32>
      %xor3A_3283 = arith.constant 4 : i32
      %xor3A_3284 = vector.broadcast %xor3A_3283 : i32 to vector<16xi32>
      %xor3A_3285 = arith.xori %iota3A_154, %xor3A_3284 : vector<16xi32>
      %lt3A_3286 = arith.constant 0 : i32
      %lt3A_3287 = vector.broadcast %lt3A_3286 : i32 to vector<16xi32>
      %lt3A_3288 = arith.cmpi slt, %xor3A_3285, %lt3A_3287 : vector<16xi32>
      %add3A_3289 = arith.constant 16 : i32
      %add3A_3290 = vector.broadcast %add3A_3289 : i32 to vector<16xi32>
      %add3A_3291 = arith.addi %xor3A_3285, %add3A_3290 : vector<16xi32>
      %select_n3A_3292 = arith.select %lt3A_3288, %add3A_3291, %xor3A_3285 : vector<16xi1>, vector<16xi32>
      %broadcast_in_dim3A_3293 = vector.shape_cast %select_n3A_3292 : vector<16xi32> to vector<16x1xi32>
      %gather3A_3294 = vector.shape_cast %broadcast_in_dim3A_3293 : vector<16x1xi32> to vector<16xi32>
      %gather3A_3295 = tpu.dynamic_gather %select_n3A_3128[%gather3A_3294] in [0] : vector<16xf32>, vector<16xi32> -> vector<16xf32>
      %and3A_3296 = arith.constant 4 : i32
      %and3A_3297 = vector.broadcast %and3A_3296 : i32 to vector<16xi32>
      %and3A_3298 = arith.andi %iota3A_154, %and3A_3297 : vector<16xi32>
      %ne3A_3299 = arith.constant 0 : i32
      %ne3A_3300 = vector.broadcast %ne3A_3299 : i32 to vector<16xi32>
      %ne3A_3301 = arith.cmpi ne, %and3A_3298, %ne3A_3300 : vector<16xi32>
      %min3A_3302 = arith.minimumf %select_n3A_3128, %gather3A_3295 : vector<16xf32>
      %max3A_3303 = arith.maximumf %select_n3A_3128, %gather3A_3295 : vector<16xf32>
      %select_n3A_3304 = arith.select %ne3A_3301, %min3A_3302, %max3A_3303 : vector<16xi1>, vector<16xf32>
      %xor3A_3305 = arith.constant 4 : i32
      %xor3A_3306 = vector.broadcast %xor3A_3305 : i32 to vector<16xi32>
      %xor3A_3307 = arith.xori %iota3A_154, %xor3A_3306 : vector<16xi32>
      %lt3A_3308 = arith.constant 0 : i32
      %lt3A_3309 = vector.broadcast %lt3A_3308 : i32 to vector<16xi32>
      %lt3A_3310 = arith.cmpi slt, %xor3A_3307, %lt3A_3309 : vector<16xi32>
      %add3A_3311 = arith.constant 16 : i32
      %add3A_3312 = vector.broadcast %add3A_3311 : i32 to vector<16xi32>
      %add3A_3313 = arith.addi %xor3A_3307, %add3A_3312 : vector<16xi32>
      %select_n3A_3314 = arith.select %lt3A_3310, %add3A_3313, %xor3A_3307 : vector<16xi1>, vector<16xi32>
      %broadcast_in_dim3A_3315 = vector.shape_cast %select_n3A_3314 : vector<16xi32> to vector<16x1xi32>
      %gather3A_3316 = vector.shape_cast %broadcast_in_dim3A_3315 : vector<16x1xi32> to vector<16xi32>
      %gather3A_3317 = tpu.dynamic_gather %select_n3A_3150[%gather3A_3316] in [0] : vector<16xf32>, vector<16xi32> -> vector<16xf32>
      %and3A_3318 = arith.constant 4 : i32
      %and3A_3319 = vector.broadcast %and3A_3318 : i32 to vector<16xi32>
      %and3A_3320 = arith.andi %iota3A_154, %and3A_3319 : vector<16xi32>
      %ne3A_3321 = arith.constant 0 : i32
      %ne3A_3322 = vector.broadcast %ne3A_3321 : i32 to vector<16xi32>
      %ne3A_3323 = arith.cmpi ne, %and3A_3320, %ne3A_3322 : vector<16xi32>
      %min3A_3324 = arith.minimumf %select_n3A_3150, %gather3A_3317 : vector<16xf32>
      %max3A_3325 = arith.maximumf %select_n3A_3150, %gather3A_3317 : vector<16xf32>
      %select_n3A_3326 = arith.select %ne3A_3323, %min3A_3324, %max3A_3325 : vector<16xi1>, vector<16xf32>
      %xor3A_3327 = arith.constant 2 : i32
      %xor3A_3328 = vector.broadcast %xor3A_3327 : i32 to vector<16xi32>
      %xor3A_3329 = arith.xori %iota3A_154, %xor3A_3328 : vector<16xi32>
      %lt3A_3330 = arith.constant 0 : i32
      %lt3A_3331 = vector.broadcast %lt3A_3330 : i32 to vector<16xi32>
      %lt3A_3332 = arith.cmpi slt, %xor3A_3329, %lt3A_3331 : vector<16xi32>
      %add3A_3333 = arith.constant 16 : i32
      %add3A_3334 = vector.broadcast %add3A_3333 : i32 to vector<16xi32>
      %add3A_3335 = arith.addi %xor3A_3329, %add3A_3334 : vector<16xi32>
      %select_n3A_3336 = arith.select %lt3A_3332, %add3A_3335, %xor3A_3329 : vector<16xi1>, vector<16xi32>
      %broadcast_in_dim3A_3337 = vector.shape_cast %select_n3A_3336 : vector<16xi32> to vector<16x1xi32>
      %gather3A_3338 = vector.shape_cast %broadcast_in_dim3A_3337 : vector<16x1xi32> to vector<16xi32>
      %gather3A_3339 = tpu.dynamic_gather %select_n3A_3172[%gather3A_3338] in [0] : vector<16xf32>, vector<16xi32> -> vector<16xf32>
      %and3A_3340 = arith.constant 2 : i32
      %and3A_3341 = vector.broadcast %and3A_3340 : i32 to vector<16xi32>
      %and3A_3342 = arith.andi %iota3A_154, %and3A_3341 : vector<16xi32>
      %eq3A_3343 = arith.constant 0 : i32
      %eq3A_3344 = vector.broadcast %eq3A_3343 : i32 to vector<16xi32>
      %eq3A_3345 = arith.cmpi eq, %and3A_3342, %eq3A_3344 : vector<16xi32>
      %min3A_3346 = arith.minimumf %select_n3A_3172, %gather3A_3339 : vector<16xf32>
      %max3A_3347 = arith.maximumf %select_n3A_3172, %gather3A_3339 : vector<16xf32>
      %select_n3A_3348 = arith.select %eq3A_3345, %min3A_3346, %max3A_3347 : vector<16xi1>, vector<16xf32>
      %xor3A_3349 = arith.constant 2 : i32
      %xor3A_3350 = vector.broadcast %xor3A_3349 : i32 to vector<16xi32>
      %xor3A_3351 = arith.xori %iota3A_154, %xor3A_3350 : vector<16xi32>
      %lt3A_3352 = arith.constant 0 : i32
      %lt3A_3353 = vector.broadcast %lt3A_3352 : i32 to vector<16xi32>
      %lt3A_3354 = arith.cmpi slt, %xor3A_3351, %lt3A_3353 : vector<16xi32>
      %add3A_3355 = arith.constant 16 : i32
      %add3A_3356 = vector.broadcast %add3A_3355 : i32 to vector<16xi32>
      %add3A_3357 = arith.addi %xor3A_3351, %add3A_3356 : vector<16xi32>
      %select_n3A_3358 = arith.select %lt3A_3354, %add3A_3357, %xor3A_3351 : vector<16xi1>, vector<16xi32>
      %broadcast_in_dim3A_3359 = vector.shape_cast %select_n3A_3358 : vector<16xi32> to vector<16x1xi32>
      %gather3A_3360 = vector.shape_cast %broadcast_in_dim3A_3359 : vector<16x1xi32> to vector<16xi32>
      %gather3A_3361 = tpu.dynamic_gather %select_n3A_3194[%gather3A_3360] in [0] : vector<16xf32>, vector<16xi32> -> vector<16xf32>
      %and3A_3362 = arith.constant 2 : i32
      %and3A_3363 = vector.broadcast %and3A_3362 : i32 to vector<16xi32>
      %and3A_3364 = arith.andi %iota3A_154, %and3A_3363 : vector<16xi32>
      %eq3A_3365 = arith.constant 0 : i32
      %eq3A_3366 = vector.broadcast %eq3A_3365 : i32 to vector<16xi32>
      %eq3A_3367 = arith.cmpi eq, %and3A_3364, %eq3A_3366 : vector<16xi32>
      %min3A_3368 = arith.minimumf %select_n3A_3194, %gather3A_3361 : vector<16xf32>
      %max3A_3369 = arith.maximumf %select_n3A_3194, %gather3A_3361 : vector<16xf32>
      %select_n3A_3370 = arith.select %eq3A_3367, %min3A_3368, %max3A_3369 : vector<16xi1>, vector<16xf32>
      %xor3A_3371 = arith.constant 2 : i32
      %xor3A_3372 = vector.broadcast %xor3A_3371 : i32 to vector<16xi32>
      %xor3A_3373 = arith.xori %iota3A_154, %xor3A_3372 : vector<16xi32>
      %lt3A_3374 = arith.constant 0 : i32
      %lt3A_3375 = vector.broadcast %lt3A_3374 : i32 to vector<16xi32>
      %lt3A_3376 = arith.cmpi slt, %xor3A_3373, %lt3A_3375 : vector<16xi32>
      %add3A_3377 = arith.constant 16 : i32
      %add3A_3378 = vector.broadcast %add3A_3377 : i32 to vector<16xi32>
      %add3A_3379 = arith.addi %xor3A_3373, %add3A_3378 : vector<16xi32>
      %select_n3A_3380 = arith.select %lt3A_3376, %add3A_3379, %xor3A_3373 : vector<16xi1>, vector<16xi32>
      %broadcast_in_dim3A_3381 = vector.shape_cast %select_n3A_3380 : vector<16xi32> to vector<16x1xi32>
      %gather3A_3382 = vector.shape_cast %broadcast_in_dim3A_3381 : vector<16x1xi32> to vector<16xi32>
      %gather3A_3383 = tpu.dynamic_gather %select_n3A_3216[%gather3A_3382] in [0] : vector<16xf32>, vector<16xi32> -> vector<16xf32>
      %and3A_3384 = arith.constant 2 : i32
      %and3A_3385 = vector.broadcast %and3A_3384 : i32 to vector<16xi32>
      %and3A_3386 = arith.andi %iota3A_154, %and3A_3385 : vector<16xi32>
      %eq3A_3387 = arith.constant 0 : i32
      %eq3A_3388 = vector.broadcast %eq3A_3387 : i32 to vector<16xi32>
      %eq3A_3389 = arith.cmpi eq, %and3A_3386, %eq3A_3388 : vector<16xi32>
      %min3A_3390 = arith.minimumf %select_n3A_3216, %gather3A_3383 : vector<16xf32>
      %max3A_3391 = arith.maximumf %select_n3A_3216, %gather3A_3383 : vector<16xf32>
      %select_n3A_3392 = arith.select %eq3A_3389, %min3A_3390, %max3A_3391 : vector<16xi1>, vector<16xf32>
      %xor3A_3393 = arith.constant 2 : i32
      %xor3A_3394 = vector.broadcast %xor3A_3393 : i32 to vector<16xi32>
      %xor3A_3395 = arith.xori %iota3A_154, %xor3A_3394 : vector<16xi32>
      %lt3A_3396 = arith.constant 0 : i32
      %lt3A_3397 = vector.broadcast %lt3A_3396 : i32 to vector<16xi32>
      %lt3A_3398 = arith.cmpi slt, %xor3A_3395, %lt3A_3397 : vector<16xi32>
      %add3A_3399 = arith.constant 16 : i32
      %add3A_3400 = vector.broadcast %add3A_3399 : i32 to vector<16xi32>
      %add3A_3401 = arith.addi %xor3A_3395, %add3A_3400 : vector<16xi32>
      %select_n3A_3402 = arith.select %lt3A_3398, %add3A_3401, %xor3A_3395 : vector<16xi1>, vector<16xi32>
      %broadcast_in_dim3A_3403 = vector.shape_cast %select_n3A_3402 : vector<16xi32> to vector<16x1xi32>
      %gather3A_3404 = vector.shape_cast %broadcast_in_dim3A_3403 : vector<16x1xi32> to vector<16xi32>
      %gather3A_3405 = tpu.dynamic_gather %select_n3A_3238[%gather3A_3404] in [0] : vector<16xf32>, vector<16xi32> -> vector<16xf32>
      %and3A_3406 = arith.constant 2 : i32
      %and3A_3407 = vector.broadcast %and3A_3406 : i32 to vector<16xi32>
      %and3A_3408 = arith.andi %iota3A_154, %and3A_3407 : vector<16xi32>
      %eq3A_3409 = arith.constant 0 : i32
      %eq3A_3410 = vector.broadcast %eq3A_3409 : i32 to vector<16xi32>
      %eq3A_3411 = arith.cmpi eq, %and3A_3408, %eq3A_3410 : vector<16xi32>
      %min3A_3412 = arith.minimumf %select_n3A_3238, %gather3A_3405 : vector<16xf32>
      %max3A_3413 = arith.maximumf %select_n3A_3238, %gather3A_3405 : vector<16xf32>
      %select_n3A_3414 = arith.select %eq3A_3411, %min3A_3412, %max3A_3413 : vector<16xi1>, vector<16xf32>
      %xor3A_3415 = arith.constant 2 : i32
      %xor3A_3416 = vector.broadcast %xor3A_3415 : i32 to vector<16xi32>
      %xor3A_3417 = arith.xori %iota3A_154, %xor3A_3416 : vector<16xi32>
      %lt3A_3418 = arith.constant 0 : i32
      %lt3A_3419 = vector.broadcast %lt3A_3418 : i32 to vector<16xi32>
      %lt3A_3420 = arith.cmpi slt, %xor3A_3417, %lt3A_3419 : vector<16xi32>
      %add3A_3421 = arith.constant 16 : i32
      %add3A_3422 = vector.broadcast %add3A_3421 : i32 to vector<16xi32>
      %add3A_3423 = arith.addi %xor3A_3417, %add3A_3422 : vector<16xi32>
      %select_n3A_3424 = arith.select %lt3A_3420, %add3A_3423, %xor3A_3417 : vector<16xi1>, vector<16xi32>
      %broadcast_in_dim3A_3425 = vector.shape_cast %select_n3A_3424 : vector<16xi32> to vector<16x1xi32>
      %gather3A_3426 = vector.shape_cast %broadcast_in_dim3A_3425 : vector<16x1xi32> to vector<16xi32>
      %gather3A_3427 = tpu.dynamic_gather %select_n3A_3260[%gather3A_3426] in [0] : vector<16xf32>, vector<16xi32> -> vector<16xf32>
      %and3A_3428 = arith.constant 2 : i32
      %and3A_3429 = vector.broadcast %and3A_3428 : i32 to vector<16xi32>
      %and3A_3430 = arith.andi %iota3A_154, %and3A_3429 : vector<16xi32>
      %ne3A_3431 = arith.constant 0 : i32
      %ne3A_3432 = vector.broadcast %ne3A_3431 : i32 to vector<16xi32>
      %ne3A_3433 = arith.cmpi ne, %and3A_3430, %ne3A_3432 : vector<16xi32>
      %min3A_3434 = arith.minimumf %select_n3A_3260, %gather3A_3427 : vector<16xf32>
      %max3A_3435 = arith.maximumf %select_n3A_3260, %gather3A_3427 : vector<16xf32>
      %select_n3A_3436 = arith.select %ne3A_3433, %min3A_3434, %max3A_3435 : vector<16xi1>, vector<16xf32>
      %xor3A_3437 = arith.constant 2 : i32
      %xor3A_3438 = vector.broadcast %xor3A_3437 : i32 to vector<16xi32>
      %xor3A_3439 = arith.xori %iota3A_154, %xor3A_3438 : vector<16xi32>
      %lt3A_3440 = arith.constant 0 : i32
      %lt3A_3441 = vector.broadcast %lt3A_3440 : i32 to vector<16xi32>
      %lt3A_3442 = arith.cmpi slt, %xor3A_3439, %lt3A_3441 : vector<16xi32>
      %add3A_3443 = arith.constant 16 : i32
      %add3A_3444 = vector.broadcast %add3A_3443 : i32 to vector<16xi32>
      %add3A_3445 = arith.addi %xor3A_3439, %add3A_3444 : vector<16xi32>
      %select_n3A_3446 = arith.select %lt3A_3442, %add3A_3445, %xor3A_3439 : vector<16xi1>, vector<16xi32>
      %broadcast_in_dim3A_3447 = vector.shape_cast %select_n3A_3446 : vector<16xi32> to vector<16x1xi32>
      %gather3A_3448 = vector.shape_cast %broadcast_in_dim3A_3447 : vector<16x1xi32> to vector<16xi32>
      %gather3A_3449 = tpu.dynamic_gather %select_n3A_3282[%gather3A_3448] in [0] : vector<16xf32>, vector<16xi32> -> vector<16xf32>
      %and3A_3450 = arith.constant 2 : i32
      %and3A_3451 = vector.broadcast %and3A_3450 : i32 to vector<16xi32>
      %and3A_3452 = arith.andi %iota3A_154, %and3A_3451 : vector<16xi32>
      %ne3A_3453 = arith.constant 0 : i32
      %ne3A_3454 = vector.broadcast %ne3A_3453 : i32 to vector<16xi32>
      %ne3A_3455 = arith.cmpi ne, %and3A_3452, %ne3A_3454 : vector<16xi32>
      %min3A_3456 = arith.minimumf %select_n3A_3282, %gather3A_3449 : vector<16xf32>
      %max3A_3457 = arith.maximumf %select_n3A_3282, %gather3A_3449 : vector<16xf32>
      %select_n3A_3458 = arith.select %ne3A_3455, %min3A_3456, %max3A_3457 : vector<16xi1>, vector<16xf32>
      %xor3A_3459 = arith.constant 2 : i32
      %xor3A_3460 = vector.broadcast %xor3A_3459 : i32 to vector<16xi32>
      %xor3A_3461 = arith.xori %iota3A_154, %xor3A_3460 : vector<16xi32>
      %lt3A_3462 = arith.constant 0 : i32
      %lt3A_3463 = vector.broadcast %lt3A_3462 : i32 to vector<16xi32>
      %lt3A_3464 = arith.cmpi slt, %xor3A_3461, %lt3A_3463 : vector<16xi32>
      %add3A_3465 = arith.constant 16 : i32
      %add3A_3466 = vector.broadcast %add3A_3465 : i32 to vector<16xi32>
      %add3A_3467 = arith.addi %xor3A_3461, %add3A_3466 : vector<16xi32>
      %select_n3A_3468 = arith.select %lt3A_3464, %add3A_3467, %xor3A_3461 : vector<16xi1>, vector<16xi32>
      %broadcast_in_dim3A_3469 = vector.shape_cast %select_n3A_3468 : vector<16xi32> to vector<16x1xi32>
      %gather3A_3470 = vector.shape_cast %broadcast_in_dim3A_3469 : vector<16x1xi32> to vector<16xi32>
      %gather3A_3471 = tpu.dynamic_gather %select_n3A_3304[%gather3A_3470] in [0] : vector<16xf32>, vector<16xi32> -> vector<16xf32>
      %and3A_3472 = arith.constant 2 : i32
      %and3A_3473 = vector.broadcast %and3A_3472 : i32 to vector<16xi32>
      %and3A_3474 = arith.andi %iota3A_154, %and3A_3473 : vector<16xi32>
      %ne3A_3475 = arith.constant 0 : i32
      %ne3A_3476 = vector.broadcast %ne3A_3475 : i32 to vector<16xi32>
      %ne3A_3477 = arith.cmpi ne, %and3A_3474, %ne3A_3476 : vector<16xi32>
      %min3A_3478 = arith.minimumf %select_n3A_3304, %gather3A_3471 : vector<16xf32>
      %max3A_3479 = arith.maximumf %select_n3A_3304, %gather3A_3471 : vector<16xf32>
      %select_n3A_3480 = arith.select %ne3A_3477, %min3A_3478, %max3A_3479 : vector<16xi1>, vector<16xf32>
      %xor3A_3481 = arith.constant 2 : i32
      %xor3A_3482 = vector.broadcast %xor3A_3481 : i32 to vector<16xi32>
      %xor3A_3483 = arith.xori %iota3A_154, %xor3A_3482 : vector<16xi32>
      %lt3A_3484 = arith.constant 0 : i32
      %lt3A_3485 = vector.broadcast %lt3A_3484 : i32 to vector<16xi32>
      %lt3A_3486 = arith.cmpi slt, %xor3A_3483, %lt3A_3485 : vector<16xi32>
      %add3A_3487 = arith.constant 16 : i32
      %add3A_3488 = vector.broadcast %add3A_3487 : i32 to vector<16xi32>
      %add3A_3489 = arith.addi %xor3A_3483, %add3A_3488 : vector<16xi32>
      %select_n3A_3490 = arith.select %lt3A_3486, %add3A_3489, %xor3A_3483 : vector<16xi1>, vector<16xi32>
      %broadcast_in_dim3A_3491 = vector.shape_cast %select_n3A_3490 : vector<16xi32> to vector<16x1xi32>
      %gather3A_3492 = vector.shape_cast %broadcast_in_dim3A_3491 : vector<16x1xi32> to vector<16xi32>
      %gather3A_3493 = tpu.dynamic_gather %select_n3A_3326[%gather3A_3492] in [0] : vector<16xf32>, vector<16xi32> -> vector<16xf32>
      %and3A_3494 = arith.constant 2 : i32
      %and3A_3495 = vector.broadcast %and3A_3494 : i32 to vector<16xi32>
      %and3A_3496 = arith.andi %iota3A_154, %and3A_3495 : vector<16xi32>
      %ne3A_3497 = arith.constant 0 : i32
      %ne3A_3498 = vector.broadcast %ne3A_3497 : i32 to vector<16xi32>
      %ne3A_3499 = arith.cmpi ne, %and3A_3496, %ne3A_3498 : vector<16xi32>
      %min3A_3500 = arith.minimumf %select_n3A_3326, %gather3A_3493 : vector<16xf32>
      %max3A_3501 = arith.maximumf %select_n3A_3326, %gather3A_3493 : vector<16xf32>
      %select_n3A_3502 = arith.select %ne3A_3499, %min3A_3500, %max3A_3501 : vector<16xi1>, vector<16xf32>
      %xor3A_3503 = arith.constant 1 : i32
      %xor3A_3504 = vector.broadcast %xor3A_3503 : i32 to vector<16xi32>
      %xor3A_3505 = arith.xori %iota3A_154, %xor3A_3504 : vector<16xi32>
      %lt3A_3506 = arith.constant 0 : i32
      %lt3A_3507 = vector.broadcast %lt3A_3506 : i32 to vector<16xi32>
      %lt3A_3508 = arith.cmpi slt, %xor3A_3505, %lt3A_3507 : vector<16xi32>
      %add3A_3509 = arith.constant 16 : i32
      %add3A_3510 = vector.broadcast %add3A_3509 : i32 to vector<16xi32>
      %add3A_3511 = arith.addi %xor3A_3505, %add3A_3510 : vector<16xi32>
      %select_n3A_3512 = arith.select %lt3A_3508, %add3A_3511, %xor3A_3505 : vector<16xi1>, vector<16xi32>
      %broadcast_in_dim3A_3513 = vector.shape_cast %select_n3A_3512 : vector<16xi32> to vector<16x1xi32>
      %gather3A_3514 = vector.shape_cast %broadcast_in_dim3A_3513 : vector<16x1xi32> to vector<16xi32>
      %gather3A_3515 = tpu.dynamic_gather %select_n3A_3348[%gather3A_3514] in [0] : vector<16xf32>, vector<16xi32> -> vector<16xf32>
      %and3A_3516 = arith.constant 1 : i32
      %and3A_3517 = vector.broadcast %and3A_3516 : i32 to vector<16xi32>
      %and3A_3518 = arith.andi %iota3A_154, %and3A_3517 : vector<16xi32>
      %eq3A_3519 = arith.constant 0 : i32
      %eq3A_3520 = vector.broadcast %eq3A_3519 : i32 to vector<16xi32>
      %eq3A_3521 = arith.cmpi eq, %and3A_3518, %eq3A_3520 : vector<16xi32>
      %min3A_3522 = arith.minimumf %select_n3A_3348, %gather3A_3515 : vector<16xf32>
      %max3A_3523 = arith.maximumf %select_n3A_3348, %gather3A_3515 : vector<16xf32>
      %select_n3A_3524 = arith.select %eq3A_3521, %min3A_3522, %max3A_3523 : vector<16xi1>, vector<16xf32>
      %xor3A_3525 = arith.constant 1 : i32
      %xor3A_3526 = vector.broadcast %xor3A_3525 : i32 to vector<16xi32>
      %xor3A_3527 = arith.xori %iota3A_154, %xor3A_3526 : vector<16xi32>
      %lt3A_3528 = arith.constant 0 : i32
      %lt3A_3529 = vector.broadcast %lt3A_3528 : i32 to vector<16xi32>
      %lt3A_3530 = arith.cmpi slt, %xor3A_3527, %lt3A_3529 : vector<16xi32>
      %add3A_3531 = arith.constant 16 : i32
      %add3A_3532 = vector.broadcast %add3A_3531 : i32 to vector<16xi32>
      %add3A_3533 = arith.addi %xor3A_3527, %add3A_3532 : vector<16xi32>
      %select_n3A_3534 = arith.select %lt3A_3530, %add3A_3533, %xor3A_3527 : vector<16xi1>, vector<16xi32>
      %broadcast_in_dim3A_3535 = vector.shape_cast %select_n3A_3534 : vector<16xi32> to vector<16x1xi32>
      %gather3A_3536 = vector.shape_cast %broadcast_in_dim3A_3535 : vector<16x1xi32> to vector<16xi32>
      %gather3A_3537 = tpu.dynamic_gather %select_n3A_3370[%gather3A_3536] in [0] : vector<16xf32>, vector<16xi32> -> vector<16xf32>
      %and3A_3538 = arith.constant 1 : i32
      %and3A_3539 = vector.broadcast %and3A_3538 : i32 to vector<16xi32>
      %and3A_3540 = arith.andi %iota3A_154, %and3A_3539 : vector<16xi32>
      %eq3A_3541 = arith.constant 0 : i32
      %eq3A_3542 = vector.broadcast %eq3A_3541 : i32 to vector<16xi32>
      %eq3A_3543 = arith.cmpi eq, %and3A_3540, %eq3A_3542 : vector<16xi32>
      %min3A_3544 = arith.minimumf %select_n3A_3370, %gather3A_3537 : vector<16xf32>
      %max3A_3545 = arith.maximumf %select_n3A_3370, %gather3A_3537 : vector<16xf32>
      %select_n3A_3546 = arith.select %eq3A_3543, %min3A_3544, %max3A_3545 : vector<16xi1>, vector<16xf32>
      %xor3A_3547 = arith.constant 1 : i32
      %xor3A_3548 = vector.broadcast %xor3A_3547 : i32 to vector<16xi32>
      %xor3A_3549 = arith.xori %iota3A_154, %xor3A_3548 : vector<16xi32>
      %lt3A_3550 = arith.constant 0 : i32
      %lt3A_3551 = vector.broadcast %lt3A_3550 : i32 to vector<16xi32>
      %lt3A_3552 = arith.cmpi slt, %xor3A_3549, %lt3A_3551 : vector<16xi32>
      %add3A_3553 = arith.constant 16 : i32
      %add3A_3554 = vector.broadcast %add3A_3553 : i32 to vector<16xi32>
      %add3A_3555 = arith.addi %xor3A_3549, %add3A_3554 : vector<16xi32>
      %select_n3A_3556 = arith.select %lt3A_3552, %add3A_3555, %xor3A_3549 : vector<16xi1>, vector<16xi32>
      %broadcast_in_dim3A_3557 = vector.shape_cast %select_n3A_3556 : vector<16xi32> to vector<16x1xi32>
      %gather3A_3558 = vector.shape_cast %broadcast_in_dim3A_3557 : vector<16x1xi32> to vector<16xi32>
      %gather3A_3559 = tpu.dynamic_gather %select_n3A_3392[%gather3A_3558] in [0] : vector<16xf32>, vector<16xi32> -> vector<16xf32>
      %and3A_3560 = arith.constant 1 : i32
      %and3A_3561 = vector.broadcast %and3A_3560 : i32 to vector<16xi32>
      %and3A_3562 = arith.andi %iota3A_154, %and3A_3561 : vector<16xi32>
      %eq3A_3563 = arith.constant 0 : i32
      %eq3A_3564 = vector.broadcast %eq3A_3563 : i32 to vector<16xi32>
      %eq3A_3565 = arith.cmpi eq, %and3A_3562, %eq3A_3564 : vector<16xi32>
      %min3A_3566 = arith.minimumf %select_n3A_3392, %gather3A_3559 : vector<16xf32>
      %max3A_3567 = arith.maximumf %select_n3A_3392, %gather3A_3559 : vector<16xf32>
      %select_n3A_3568 = arith.select %eq3A_3565, %min3A_3566, %max3A_3567 : vector<16xi1>, vector<16xf32>
      %xor3A_3569 = arith.constant 1 : i32
      %xor3A_3570 = vector.broadcast %xor3A_3569 : i32 to vector<16xi32>
      %xor3A_3571 = arith.xori %iota3A_154, %xor3A_3570 : vector<16xi32>
      %lt3A_3572 = arith.constant 0 : i32
      %lt3A_3573 = vector.broadcast %lt3A_3572 : i32 to vector<16xi32>
      %lt3A_3574 = arith.cmpi slt, %xor3A_3571, %lt3A_3573 : vector<16xi32>
      %add3A_3575 = arith.constant 16 : i32
      %add3A_3576 = vector.broadcast %add3A_3575 : i32 to vector<16xi32>
      %add3A_3577 = arith.addi %xor3A_3571, %add3A_3576 : vector<16xi32>
      %select_n3A_3578 = arith.select %lt3A_3574, %add3A_3577, %xor3A_3571 : vector<16xi1>, vector<16xi32>
      %broadcast_in_dim3A_3579 = vector.shape_cast %select_n3A_3578 : vector<16xi32> to vector<16x1xi32>
      %gather3A_3580 = vector.shape_cast %broadcast_in_dim3A_3579 : vector<16x1xi32> to vector<16xi32>
      %gather3A_3581 = tpu.dynamic_gather %select_n3A_3414[%gather3A_3580] in [0] : vector<16xf32>, vector<16xi32> -> vector<16xf32>
      %and3A_3582 = arith.constant 1 : i32
      %and3A_3583 = vector.broadcast %and3A_3582 : i32 to vector<16xi32>
      %and3A_3584 = arith.andi %iota3A_154, %and3A_3583 : vector<16xi32>
      %eq3A_3585 = arith.constant 0 : i32
      %eq3A_3586 = vector.broadcast %eq3A_3585 : i32 to vector<16xi32>
      %eq3A_3587 = arith.cmpi eq, %and3A_3584, %eq3A_3586 : vector<16xi32>
      %min3A_3588 = arith.minimumf %select_n3A_3414, %gather3A_3581 : vector<16xf32>
      %max3A_3589 = arith.maximumf %select_n3A_3414, %gather3A_3581 : vector<16xf32>
      %select_n3A_3590 = arith.select %eq3A_3587, %min3A_3588, %max3A_3589 : vector<16xi1>, vector<16xf32>
      %xor3A_3591 = arith.constant 1 : i32
      %xor3A_3592 = vector.broadcast %xor3A_3591 : i32 to vector<16xi32>
      %xor3A_3593 = arith.xori %iota3A_154, %xor3A_3592 : vector<16xi32>
      %lt3A_3594 = arith.constant 0 : i32
      %lt3A_3595 = vector.broadcast %lt3A_3594 : i32 to vector<16xi32>
      %lt3A_3596 = arith.cmpi slt, %xor3A_3593, %lt3A_3595 : vector<16xi32>
      %add3A_3597 = arith.constant 16 : i32
      %add3A_3598 = vector.broadcast %add3A_3597 : i32 to vector<16xi32>
      %add3A_3599 = arith.addi %xor3A_3593, %add3A_3598 : vector<16xi32>
      %select_n3A_3600 = arith.select %lt3A_3596, %add3A_3599, %xor3A_3593 : vector<16xi1>, vector<16xi32>
      %broadcast_in_dim3A_3601 = vector.shape_cast %select_n3A_3600 : vector<16xi32> to vector<16x1xi32>
      %gather3A_3602 = vector.shape_cast %broadcast_in_dim3A_3601 : vector<16x1xi32> to vector<16xi32>
      %gather3A_3603 = tpu.dynamic_gather %select_n3A_3436[%gather3A_3602] in [0] : vector<16xf32>, vector<16xi32> -> vector<16xf32>
      %and3A_3604 = arith.constant 1 : i32
      %and3A_3605 = vector.broadcast %and3A_3604 : i32 to vector<16xi32>
      %and3A_3606 = arith.andi %iota3A_154, %and3A_3605 : vector<16xi32>
      %ne3A_3607 = arith.constant 0 : i32
      %ne3A_3608 = vector.broadcast %ne3A_3607 : i32 to vector<16xi32>
      %ne3A_3609 = arith.cmpi ne, %and3A_3606, %ne3A_3608 : vector<16xi32>
      %min3A_3610 = arith.minimumf %select_n3A_3436, %gather3A_3603 : vector<16xf32>
      %max3A_3611 = arith.maximumf %select_n3A_3436, %gather3A_3603 : vector<16xf32>
      %select_n3A_3612 = arith.select %ne3A_3609, %min3A_3610, %max3A_3611 : vector<16xi1>, vector<16xf32>
      %xor3A_3613 = arith.constant 1 : i32
      %xor3A_3614 = vector.broadcast %xor3A_3613 : i32 to vector<16xi32>
      %xor3A_3615 = arith.xori %iota3A_154, %xor3A_3614 : vector<16xi32>
      %lt3A_3616 = arith.constant 0 : i32
      %lt3A_3617 = vector.broadcast %lt3A_3616 : i32 to vector<16xi32>
      %lt3A_3618 = arith.cmpi slt, %xor3A_3615, %lt3A_3617 : vector<16xi32>
      %add3A_3619 = arith.constant 16 : i32
      %add3A_3620 = vector.broadcast %add3A_3619 : i32 to vector<16xi32>
      %add3A_3621 = arith.addi %xor3A_3615, %add3A_3620 : vector<16xi32>
      %select_n3A_3622 = arith.select %lt3A_3618, %add3A_3621, %xor3A_3615 : vector<16xi1>, vector<16xi32>
      %broadcast_in_dim3A_3623 = vector.shape_cast %select_n3A_3622 : vector<16xi32> to vector<16x1xi32>
      %gather3A_3624 = vector.shape_cast %broadcast_in_dim3A_3623 : vector<16x1xi32> to vector<16xi32>
      %gather3A_3625 = tpu.dynamic_gather %select_n3A_3458[%gather3A_3624] in [0] : vector<16xf32>, vector<16xi32> -> vector<16xf32>
      %and3A_3626 = arith.constant 1 : i32
      %and3A_3627 = vector.broadcast %and3A_3626 : i32 to vector<16xi32>
      %and3A_3628 = arith.andi %iota3A_154, %and3A_3627 : vector<16xi32>
      %ne3A_3629 = arith.constant 0 : i32
      %ne3A_3630 = vector.broadcast %ne3A_3629 : i32 to vector<16xi32>
      %ne3A_3631 = arith.cmpi ne, %and3A_3628, %ne3A_3630 : vector<16xi32>
      %min3A_3632 = arith.minimumf %select_n3A_3458, %gather3A_3625 : vector<16xf32>
      %max3A_3633 = arith.maximumf %select_n3A_3458, %gather3A_3625 : vector<16xf32>
      %select_n3A_3634 = arith.select %ne3A_3631, %min3A_3632, %max3A_3633 : vector<16xi1>, vector<16xf32>
      %xor3A_3635 = arith.constant 1 : i32
      %xor3A_3636 = vector.broadcast %xor3A_3635 : i32 to vector<16xi32>
      %xor3A_3637 = arith.xori %iota3A_154, %xor3A_3636 : vector<16xi32>
      %lt3A_3638 = arith.constant 0 : i32
      %lt3A_3639 = vector.broadcast %lt3A_3638 : i32 to vector<16xi32>
      %lt3A_3640 = arith.cmpi slt, %xor3A_3637, %lt3A_3639 : vector<16xi32>
      %add3A_3641 = arith.constant 16 : i32
      %add3A_3642 = vector.broadcast %add3A_3641 : i32 to vector<16xi32>
      %add3A_3643 = arith.addi %xor3A_3637, %add3A_3642 : vector<16xi32>
      %select_n3A_3644 = arith.select %lt3A_3640, %add3A_3643, %xor3A_3637 : vector<16xi1>, vector<16xi32>
      %broadcast_in_dim3A_3645 = vector.shape_cast %select_n3A_3644 : vector<16xi32> to vector<16x1xi32>
      %gather3A_3646 = vector.shape_cast %broadcast_in_dim3A_3645 : vector<16x1xi32> to vector<16xi32>
      %gather3A_3647 = tpu.dynamic_gather %select_n3A_3480[%gather3A_3646] in [0] : vector<16xf32>, vector<16xi32> -> vector<16xf32>
      %and3A_3648 = arith.constant 1 : i32
      %and3A_3649 = vector.broadcast %and3A_3648 : i32 to vector<16xi32>
      %and3A_3650 = arith.andi %iota3A_154, %and3A_3649 : vector<16xi32>
      %ne3A_3651 = arith.constant 0 : i32
      %ne3A_3652 = vector.broadcast %ne3A_3651 : i32 to vector<16xi32>
      %ne3A_3653 = arith.cmpi ne, %and3A_3650, %ne3A_3652 : vector<16xi32>
      %min3A_3654 = arith.minimumf %select_n3A_3480, %gather3A_3647 : vector<16xf32>
      %max3A_3655 = arith.maximumf %select_n3A_3480, %gather3A_3647 : vector<16xf32>
      %select_n3A_3656 = arith.select %ne3A_3653, %min3A_3654, %max3A_3655 : vector<16xi1>, vector<16xf32>
      %xor3A_3657 = arith.constant 1 : i32
      %xor3A_3658 = vector.broadcast %xor3A_3657 : i32 to vector<16xi32>
      %xor3A_3659 = arith.xori %iota3A_154, %xor3A_3658 : vector<16xi32>
      %lt3A_3660 = arith.constant 0 : i32
      %lt3A_3661 = vector.broadcast %lt3A_3660 : i32 to vector<16xi32>
      %lt3A_3662 = arith.cmpi slt, %xor3A_3659, %lt3A_3661 : vector<16xi32>
      %add3A_3663 = arith.constant 16 : i32
      %add3A_3664 = vector.broadcast %add3A_3663 : i32 to vector<16xi32>
      %add3A_3665 = arith.addi %xor3A_3659, %add3A_3664 : vector<16xi32>
      %select_n3A_3666 = arith.select %lt3A_3662, %add3A_3665, %xor3A_3659 : vector<16xi1>, vector<16xi32>
      %broadcast_in_dim3A_3667 = vector.shape_cast %select_n3A_3666 : vector<16xi32> to vector<16x1xi32>
      %gather3A_3668 = vector.shape_cast %broadcast_in_dim3A_3667 : vector<16x1xi32> to vector<16xi32>
      %gather3A_3669 = tpu.dynamic_gather %select_n3A_3502[%gather3A_3668] in [0] : vector<16xf32>, vector<16xi32> -> vector<16xf32>
      %and3A_3670 = arith.constant 1 : i32
      %and3A_3671 = vector.broadcast %and3A_3670 : i32 to vector<16xi32>
      %and3A_3672 = arith.andi %iota3A_154, %and3A_3671 : vector<16xi32>
      %ne3A_3673 = arith.constant 0 : i32
      %ne3A_3674 = vector.broadcast %ne3A_3673 : i32 to vector<16xi32>
      %ne3A_3675 = arith.cmpi ne, %and3A_3672, %ne3A_3674 : vector<16xi32>
      %min3A_3676 = arith.minimumf %select_n3A_3502, %gather3A_3669 : vector<16xf32>
      %max3A_3677 = arith.maximumf %select_n3A_3502, %gather3A_3669 : vector<16xf32>
      %select_n3A_3678 = arith.select %ne3A_3675, %min3A_3676, %max3A_3677 : vector<16xi1>, vector<16xf32>
      %min3A_3679 = arith.minimumf %select_n3A_3524, %select_n3A_3612 : vector<16xf32>
      %max3A_3680 = arith.maximumf %select_n3A_3524, %select_n3A_3612 : vector<16xf32>
      %min3A_3681 = arith.minimumf %select_n3A_3546, %select_n3A_3634 : vector<16xf32>
      %max3A_3682 = arith.maximumf %select_n3A_3546, %select_n3A_3634 : vector<16xf32>
      %min3A_3683 = arith.minimumf %select_n3A_3568, %select_n3A_3656 : vector<16xf32>
      %max3A_3684 = arith.maximumf %select_n3A_3568, %select_n3A_3656 : vector<16xf32>
      %min3A_3685 = arith.minimumf %select_n3A_3590, %select_n3A_3678 : vector<16xf32>
      %max3A_3686 = arith.maximumf %select_n3A_3590, %select_n3A_3678 : vector<16xf32>
      %min3A_3687 = arith.minimumf %min3A_3679, %min3A_3683 : vector<16xf32>
      %max3A_3688 = arith.maximumf %min3A_3679, %min3A_3683 : vector<16xf32>
      %min3A_3689 = arith.minimumf %min3A_3681, %min3A_3685 : vector<16xf32>
      %max3A_3690 = arith.maximumf %min3A_3681, %min3A_3685 : vector<16xf32>
      %min3A_3691 = arith.minimumf %max3A_3680, %max3A_3684 : vector<16xf32>
      %max3A_3692 = arith.maximumf %max3A_3680, %max3A_3684 : vector<16xf32>
      %min3A_3693 = arith.minimumf %max3A_3682, %max3A_3686 : vector<16xf32>
      %max3A_3694 = arith.maximumf %max3A_3682, %max3A_3686 : vector<16xf32>
      %min3A_3695 = arith.minimumf %min3A_3687, %min3A_3689 : vector<16xf32>
      %max3A_3696 = arith.maximumf %min3A_3687, %min3A_3689 : vector<16xf32>
      %min3A_3697 = arith.minimumf %max3A_3688, %max3A_3690 : vector<16xf32>
      %max3A_3698 = arith.maximumf %max3A_3688, %max3A_3690 : vector<16xf32>
      %min3A_3699 = arith.minimumf %min3A_3691, %min3A_3693 : vector<16xf32>
      %max3A_3700 = arith.maximumf %min3A_3691, %min3A_3693 : vector<16xf32>
      %min3A_3701 = arith.minimumf %max3A_3692, %max3A_3694 : vector<16xf32>
      %max3A_3702 = arith.maximumf %max3A_3692, %max3A_3694 : vector<16xf32>
      %xor3A_3703 = arith.constant 8 : i32
      %xor3A_3704 = vector.broadcast %xor3A_3703 : i32 to vector<16xi32>
      %xor3A_3705 = arith.xori %iota3A_154, %xor3A_3704 : vector<16xi32>
      %lt3A_3706 = arith.constant 0 : i32
      %lt3A_3707 = vector.broadcast %lt3A_3706 : i32 to vector<16xi32>
      %lt3A_3708 = arith.cmpi slt, %xor3A_3705, %lt3A_3707 : vector<16xi32>
      %add3A_3709 = arith.constant 16 : i32
      %add3A_3710 = vector.broadcast %add3A_3709 : i32 to vector<16xi32>
      %add3A_3711 = arith.addi %xor3A_3705, %add3A_3710 : vector<16xi32>
      %select_n3A_3712 = arith.select %lt3A_3708, %add3A_3711, %xor3A_3705 : vector<16xi1>, vector<16xi32>
      %broadcast_in_dim3A_3713 = vector.shape_cast %select_n3A_3712 : vector<16xi32> to vector<16x1xi32>
      %gather3A_3714 = vector.shape_cast %broadcast_in_dim3A_3713 : vector<16x1xi32> to vector<16xi32>
      %gather3A_3715 = tpu.dynamic_gather %min3A_3695[%gather3A_3714] in [0] : vector<16xf32>, vector<16xi32> -> vector<16xf32>
      %and3A_3716 = arith.constant 8 : i32
      %and3A_3717 = vector.broadcast %and3A_3716 : i32 to vector<16xi32>
      %and3A_3718 = arith.andi %iota3A_154, %and3A_3717 : vector<16xi32>
      %eq3A_3719 = arith.constant 0 : i32
      %eq3A_3720 = vector.broadcast %eq3A_3719 : i32 to vector<16xi32>
      %eq3A_3721 = arith.cmpi eq, %and3A_3718, %eq3A_3720 : vector<16xi32>
      %min3A_3722 = arith.minimumf %min3A_3695, %gather3A_3715 : vector<16xf32>
      %max3A_3723 = arith.maximumf %min3A_3695, %gather3A_3715 : vector<16xf32>
      %select_n3A_3724 = arith.select %eq3A_3721, %min3A_3722, %max3A_3723 : vector<16xi1>, vector<16xf32>
      %xor3A_3725 = arith.constant 8 : i32
      %xor3A_3726 = vector.broadcast %xor3A_3725 : i32 to vector<16xi32>
      %xor3A_3727 = arith.xori %iota3A_154, %xor3A_3726 : vector<16xi32>
      %lt3A_3728 = arith.constant 0 : i32
      %lt3A_3729 = vector.broadcast %lt3A_3728 : i32 to vector<16xi32>
      %lt3A_3730 = arith.cmpi slt, %xor3A_3727, %lt3A_3729 : vector<16xi32>
      %add3A_3731 = arith.constant 16 : i32
      %add3A_3732 = vector.broadcast %add3A_3731 : i32 to vector<16xi32>
      %add3A_3733 = arith.addi %xor3A_3727, %add3A_3732 : vector<16xi32>
      %select_n3A_3734 = arith.select %lt3A_3730, %add3A_3733, %xor3A_3727 : vector<16xi1>, vector<16xi32>
      %broadcast_in_dim3A_3735 = vector.shape_cast %select_n3A_3734 : vector<16xi32> to vector<16x1xi32>
      %gather3A_3736 = vector.shape_cast %broadcast_in_dim3A_3735 : vector<16x1xi32> to vector<16xi32>
      %gather3A_3737 = tpu.dynamic_gather %max3A_3696[%gather3A_3736] in [0] : vector<16xf32>, vector<16xi32> -> vector<16xf32>
      %and3A_3738 = arith.constant 8 : i32
      %and3A_3739 = vector.broadcast %and3A_3738 : i32 to vector<16xi32>
      %and3A_3740 = arith.andi %iota3A_154, %and3A_3739 : vector<16xi32>
      %eq3A_3741 = arith.constant 0 : i32
      %eq3A_3742 = vector.broadcast %eq3A_3741 : i32 to vector<16xi32>
      %eq3A_3743 = arith.cmpi eq, %and3A_3740, %eq3A_3742 : vector<16xi32>
      %min3A_3744 = arith.minimumf %max3A_3696, %gather3A_3737 : vector<16xf32>
      %max3A_3745 = arith.maximumf %max3A_3696, %gather3A_3737 : vector<16xf32>
      %select_n3A_3746 = arith.select %eq3A_3743, %min3A_3744, %max3A_3745 : vector<16xi1>, vector<16xf32>
      %xor3A_3747 = arith.constant 8 : i32
      %xor3A_3748 = vector.broadcast %xor3A_3747 : i32 to vector<16xi32>
      %xor3A_3749 = arith.xori %iota3A_154, %xor3A_3748 : vector<16xi32>
      %lt3A_3750 = arith.constant 0 : i32
      %lt3A_3751 = vector.broadcast %lt3A_3750 : i32 to vector<16xi32>
      %lt3A_3752 = arith.cmpi slt, %xor3A_3749, %lt3A_3751 : vector<16xi32>
      %add3A_3753 = arith.constant 16 : i32
      %add3A_3754 = vector.broadcast %add3A_3753 : i32 to vector<16xi32>
      %add3A_3755 = arith.addi %xor3A_3749, %add3A_3754 : vector<16xi32>
      %select_n3A_3756 = arith.select %lt3A_3752, %add3A_3755, %xor3A_3749 : vector<16xi1>, vector<16xi32>
      %broadcast_in_dim3A_3757 = vector.shape_cast %select_n3A_3756 : vector<16xi32> to vector<16x1xi32>
      %gather3A_3758 = vector.shape_cast %broadcast_in_dim3A_3757 : vector<16x1xi32> to vector<16xi32>
      %gather3A_3759 = tpu.dynamic_gather %min3A_3697[%gather3A_3758] in [0] : vector<16xf32>, vector<16xi32> -> vector<16xf32>
      %and3A_3760 = arith.constant 8 : i32
      %and3A_3761 = vector.broadcast %and3A_3760 : i32 to vector<16xi32>
      %and3A_3762 = arith.andi %iota3A_154, %and3A_3761 : vector<16xi32>
      %eq3A_3763 = arith.constant 0 : i32
      %eq3A_3764 = vector.broadcast %eq3A_3763 : i32 to vector<16xi32>
      %eq3A_3765 = arith.cmpi eq, %and3A_3762, %eq3A_3764 : vector<16xi32>
      %min3A_3766 = arith.minimumf %min3A_3697, %gather3A_3759 : vector<16xf32>
      %max3A_3767 = arith.maximumf %min3A_3697, %gather3A_3759 : vector<16xf32>
      %select_n3A_3768 = arith.select %eq3A_3765, %min3A_3766, %max3A_3767 : vector<16xi1>, vector<16xf32>
      %xor3A_3769 = arith.constant 8 : i32
      %xor3A_3770 = vector.broadcast %xor3A_3769 : i32 to vector<16xi32>
      %xor3A_3771 = arith.xori %iota3A_154, %xor3A_3770 : vector<16xi32>
      %lt3A_3772 = arith.constant 0 : i32
      %lt3A_3773 = vector.broadcast %lt3A_3772 : i32 to vector<16xi32>
      %lt3A_3774 = arith.cmpi slt, %xor3A_3771, %lt3A_3773 : vector<16xi32>
      %add3A_3775 = arith.constant 16 : i32
      %add3A_3776 = vector.broadcast %add3A_3775 : i32 to vector<16xi32>
      %add3A_3777 = arith.addi %xor3A_3771, %add3A_3776 : vector<16xi32>
      %select_n3A_3778 = arith.select %lt3A_3774, %add3A_3777, %xor3A_3771 : vector<16xi1>, vector<16xi32>
      %broadcast_in_dim3A_3779 = vector.shape_cast %select_n3A_3778 : vector<16xi32> to vector<16x1xi32>
      %gather3A_3780 = vector.shape_cast %broadcast_in_dim3A_3779 : vector<16x1xi32> to vector<16xi32>
      %gather3A_3781 = tpu.dynamic_gather %max3A_3698[%gather3A_3780] in [0] : vector<16xf32>, vector<16xi32> -> vector<16xf32>
      %and3A_3782 = arith.constant 8 : i32
      %and3A_3783 = vector.broadcast %and3A_3782 : i32 to vector<16xi32>
      %and3A_3784 = arith.andi %iota3A_154, %and3A_3783 : vector<16xi32>
      %eq3A_3785 = arith.constant 0 : i32
      %eq3A_3786 = vector.broadcast %eq3A_3785 : i32 to vector<16xi32>
      %eq3A_3787 = arith.cmpi eq, %and3A_3784, %eq3A_3786 : vector<16xi32>
      %min3A_3788 = arith.minimumf %max3A_3698, %gather3A_3781 : vector<16xf32>
      %max3A_3789 = arith.maximumf %max3A_3698, %gather3A_3781 : vector<16xf32>
      %select_n3A_3790 = arith.select %eq3A_3787, %min3A_3788, %max3A_3789 : vector<16xi1>, vector<16xf32>
      %xor3A_3791 = arith.constant 8 : i32
      %xor3A_3792 = vector.broadcast %xor3A_3791 : i32 to vector<16xi32>
      %xor3A_3793 = arith.xori %iota3A_154, %xor3A_3792 : vector<16xi32>
      %lt3A_3794 = arith.constant 0 : i32
      %lt3A_3795 = vector.broadcast %lt3A_3794 : i32 to vector<16xi32>
      %lt3A_3796 = arith.cmpi slt, %xor3A_3793, %lt3A_3795 : vector<16xi32>
      %add3A_3797 = arith.constant 16 : i32
      %add3A_3798 = vector.broadcast %add3A_3797 : i32 to vector<16xi32>
      %add3A_3799 = arith.addi %xor3A_3793, %add3A_3798 : vector<16xi32>
      %select_n3A_3800 = arith.select %lt3A_3796, %add3A_3799, %xor3A_3793 : vector<16xi1>, vector<16xi32>
      %broadcast_in_dim3A_3801 = vector.shape_cast %select_n3A_3800 : vector<16xi32> to vector<16x1xi32>
      %gather3A_3802 = vector.shape_cast %broadcast_in_dim3A_3801 : vector<16x1xi32> to vector<16xi32>
      %gather3A_3803 = tpu.dynamic_gather %min3A_3699[%gather3A_3802] in [0] : vector<16xf32>, vector<16xi32> -> vector<16xf32>
      %and3A_3804 = arith.constant 8 : i32
      %and3A_3805 = vector.broadcast %and3A_3804 : i32 to vector<16xi32>
      %and3A_3806 = arith.andi %iota3A_154, %and3A_3805 : vector<16xi32>
      %eq3A_3807 = arith.constant 0 : i32
      %eq3A_3808 = vector.broadcast %eq3A_3807 : i32 to vector<16xi32>
      %eq3A_3809 = arith.cmpi eq, %and3A_3806, %eq3A_3808 : vector<16xi32>
      %min3A_3810 = arith.minimumf %min3A_3699, %gather3A_3803 : vector<16xf32>
      %max3A_3811 = arith.maximumf %min3A_3699, %gather3A_3803 : vector<16xf32>
      %select_n3A_3812 = arith.select %eq3A_3809, %min3A_3810, %max3A_3811 : vector<16xi1>, vector<16xf32>
      %xor3A_3813 = arith.constant 8 : i32
      %xor3A_3814 = vector.broadcast %xor3A_3813 : i32 to vector<16xi32>
      %xor3A_3815 = arith.xori %iota3A_154, %xor3A_3814 : vector<16xi32>
      %lt3A_3816 = arith.constant 0 : i32
      %lt3A_3817 = vector.broadcast %lt3A_3816 : i32 to vector<16xi32>
      %lt3A_3818 = arith.cmpi slt, %xor3A_3815, %lt3A_3817 : vector<16xi32>
      %add3A_3819 = arith.constant 16 : i32
      %add3A_3820 = vector.broadcast %add3A_3819 : i32 to vector<16xi32>
      %add3A_3821 = arith.addi %xor3A_3815, %add3A_3820 : vector<16xi32>
      %select_n3A_3822 = arith.select %lt3A_3818, %add3A_3821, %xor3A_3815 : vector<16xi1>, vector<16xi32>
      %broadcast_in_dim3A_3823 = vector.shape_cast %select_n3A_3822 : vector<16xi32> to vector<16x1xi32>
      %gather3A_3824 = vector.shape_cast %broadcast_in_dim3A_3823 : vector<16x1xi32> to vector<16xi32>
      %gather3A_3825 = tpu.dynamic_gather %max3A_3700[%gather3A_3824] in [0] : vector<16xf32>, vector<16xi32> -> vector<16xf32>
      %and3A_3826 = arith.constant 8 : i32
      %and3A_3827 = vector.broadcast %and3A_3826 : i32 to vector<16xi32>
      %and3A_3828 = arith.andi %iota3A_154, %and3A_3827 : vector<16xi32>
      %eq3A_3829 = arith.constant 0 : i32
      %eq3A_3830 = vector.broadcast %eq3A_3829 : i32 to vector<16xi32>
      %eq3A_3831 = arith.cmpi eq, %and3A_3828, %eq3A_3830 : vector<16xi32>
      %min3A_3832 = arith.minimumf %max3A_3700, %gather3A_3825 : vector<16xf32>
      %max3A_3833 = arith.maximumf %max3A_3700, %gather3A_3825 : vector<16xf32>
      %select_n3A_3834 = arith.select %eq3A_3831, %min3A_3832, %max3A_3833 : vector<16xi1>, vector<16xf32>
      %xor3A_3835 = arith.constant 8 : i32
      %xor3A_3836 = vector.broadcast %xor3A_3835 : i32 to vector<16xi32>
      %xor3A_3837 = arith.xori %iota3A_154, %xor3A_3836 : vector<16xi32>
      %lt3A_3838 = arith.constant 0 : i32
      %lt3A_3839 = vector.broadcast %lt3A_3838 : i32 to vector<16xi32>
      %lt3A_3840 = arith.cmpi slt, %xor3A_3837, %lt3A_3839 : vector<16xi32>
      %add3A_3841 = arith.constant 16 : i32
      %add3A_3842 = vector.broadcast %add3A_3841 : i32 to vector<16xi32>
      %add3A_3843 = arith.addi %xor3A_3837, %add3A_3842 : vector<16xi32>
      %select_n3A_3844 = arith.select %lt3A_3840, %add3A_3843, %xor3A_3837 : vector<16xi1>, vector<16xi32>
      %broadcast_in_dim3A_3845 = vector.shape_cast %select_n3A_3844 : vector<16xi32> to vector<16x1xi32>
      %gather3A_3846 = vector.shape_cast %broadcast_in_dim3A_3845 : vector<16x1xi32> to vector<16xi32>
      %gather3A_3847 = tpu.dynamic_gather %min3A_3701[%gather3A_3846] in [0] : vector<16xf32>, vector<16xi32> -> vector<16xf32>
      %and3A_3848 = arith.constant 8 : i32
      %and3A_3849 = vector.broadcast %and3A_3848 : i32 to vector<16xi32>
      %and3A_3850 = arith.andi %iota3A_154, %and3A_3849 : vector<16xi32>
      %eq3A_3851 = arith.constant 0 : i32
      %eq3A_3852 = vector.broadcast %eq3A_3851 : i32 to vector<16xi32>
      %eq3A_3853 = arith.cmpi eq, %and3A_3850, %eq3A_3852 : vector<16xi32>
      %min3A_3854 = arith.minimumf %min3A_3701, %gather3A_3847 : vector<16xf32>
      %max3A_3855 = arith.maximumf %min3A_3701, %gather3A_3847 : vector<16xf32>
      %select_n3A_3856 = arith.select %eq3A_3853, %min3A_3854, %max3A_3855 : vector<16xi1>, vector<16xf32>
      %xor3A_3857 = arith.constant 8 : i32
      %xor3A_3858 = vector.broadcast %xor3A_3857 : i32 to vector<16xi32>
      %xor3A_3859 = arith.xori %iota3A_154, %xor3A_3858 : vector<16xi32>
      %lt3A_3860 = arith.constant 0 : i32
      %lt3A_3861 = vector.broadcast %lt3A_3860 : i32 to vector<16xi32>
      %lt3A_3862 = arith.cmpi slt, %xor3A_3859, %lt3A_3861 : vector<16xi32>
      %add3A_3863 = arith.constant 16 : i32
      %add3A_3864 = vector.broadcast %add3A_3863 : i32 to vector<16xi32>
      %add3A_3865 = arith.addi %xor3A_3859, %add3A_3864 : vector<16xi32>
      %select_n3A_3866 = arith.select %lt3A_3862, %add3A_3865, %xor3A_3859 : vector<16xi1>, vector<16xi32>
      %broadcast_in_dim3A_3867 = vector.shape_cast %select_n3A_3866 : vector<16xi32> to vector<16x1xi32>
      %gather3A_3868 = vector.shape_cast %broadcast_in_dim3A_3867 : vector<16x1xi32> to vector<16xi32>
      %gather3A_3869 = tpu.dynamic_gather %max3A_3702[%gather3A_3868] in [0] : vector<16xf32>, vector<16xi32> -> vector<16xf32>
      %and3A_3870 = arith.constant 8 : i32
      %and3A_3871 = vector.broadcast %and3A_3870 : i32 to vector<16xi32>
      %and3A_3872 = arith.andi %iota3A_154, %and3A_3871 : vector<16xi32>
      %eq3A_3873 = arith.constant 0 : i32
      %eq3A_3874 = vector.broadcast %eq3A_3873 : i32 to vector<16xi32>
      %eq3A_3875 = arith.cmpi eq, %and3A_3872, %eq3A_3874 : vector<16xi32>
      %min3A_3876 = arith.minimumf %max3A_3702, %gather3A_3869 : vector<16xf32>
      %max3A_3877 = arith.maximumf %max3A_3702, %gather3A_3869 : vector<16xf32>
      %select_n3A_3878 = arith.select %eq3A_3875, %min3A_3876, %max3A_3877 : vector<16xi1>, vector<16xf32>
      %xor3A_3879 = arith.constant 4 : i32
      %xor3A_3880 = vector.broadcast %xor3A_3879 : i32 to vector<16xi32>
      %xor3A_3881 = arith.xori %iota3A_154, %xor3A_3880 : vector<16xi32>
      %lt3A_3882 = arith.constant 0 : i32
      %lt3A_3883 = vector.broadcast %lt3A_3882 : i32 to vector<16xi32>
      %lt3A_3884 = arith.cmpi slt, %xor3A_3881, %lt3A_3883 : vector<16xi32>
      %add3A_3885 = arith.constant 16 : i32
      %add3A_3886 = vector.broadcast %add3A_3885 : i32 to vector<16xi32>
      %add3A_3887 = arith.addi %xor3A_3881, %add3A_3886 : vector<16xi32>
      %select_n3A_3888 = arith.select %lt3A_3884, %add3A_3887, %xor3A_3881 : vector<16xi1>, vector<16xi32>
      %broadcast_in_dim3A_3889 = vector.shape_cast %select_n3A_3888 : vector<16xi32> to vector<16x1xi32>
      %gather3A_3890 = vector.shape_cast %broadcast_in_dim3A_3889 : vector<16x1xi32> to vector<16xi32>
      %gather3A_3891 = tpu.dynamic_gather %select_n3A_3724[%gather3A_3890] in [0] : vector<16xf32>, vector<16xi32> -> vector<16xf32>
      %and3A_3892 = arith.constant 4 : i32
      %and3A_3893 = vector.broadcast %and3A_3892 : i32 to vector<16xi32>
      %and3A_3894 = arith.andi %iota3A_154, %and3A_3893 : vector<16xi32>
      %eq3A_3895 = arith.constant 0 : i32
      %eq3A_3896 = vector.broadcast %eq3A_3895 : i32 to vector<16xi32>
      %eq3A_3897 = arith.cmpi eq, %and3A_3894, %eq3A_3896 : vector<16xi32>
      %min3A_3898 = arith.minimumf %select_n3A_3724, %gather3A_3891 : vector<16xf32>
      %max3A_3899 = arith.maximumf %select_n3A_3724, %gather3A_3891 : vector<16xf32>
      %select_n3A_3900 = arith.select %eq3A_3897, %min3A_3898, %max3A_3899 : vector<16xi1>, vector<16xf32>
      %xor3A_3901 = arith.constant 4 : i32
      %xor3A_3902 = vector.broadcast %xor3A_3901 : i32 to vector<16xi32>
      %xor3A_3903 = arith.xori %iota3A_154, %xor3A_3902 : vector<16xi32>
      %lt3A_3904 = arith.constant 0 : i32
      %lt3A_3905 = vector.broadcast %lt3A_3904 : i32 to vector<16xi32>
      %lt3A_3906 = arith.cmpi slt, %xor3A_3903, %lt3A_3905 : vector<16xi32>
      %add3A_3907 = arith.constant 16 : i32
      %add3A_3908 = vector.broadcast %add3A_3907 : i32 to vector<16xi32>
      %add3A_3909 = arith.addi %xor3A_3903, %add3A_3908 : vector<16xi32>
      %select_n3A_3910 = arith.select %lt3A_3906, %add3A_3909, %xor3A_3903 : vector<16xi1>, vector<16xi32>
      %broadcast_in_dim3A_3911 = vector.shape_cast %select_n3A_3910 : vector<16xi32> to vector<16x1xi32>
      %gather3A_3912 = vector.shape_cast %broadcast_in_dim3A_3911 : vector<16x1xi32> to vector<16xi32>
      %gather3A_3913 = tpu.dynamic_gather %select_n3A_3746[%gather3A_3912] in [0] : vector<16xf32>, vector<16xi32> -> vector<16xf32>
      %and3A_3914 = arith.constant 4 : i32
      %and3A_3915 = vector.broadcast %and3A_3914 : i32 to vector<16xi32>
      %and3A_3916 = arith.andi %iota3A_154, %and3A_3915 : vector<16xi32>
      %eq3A_3917 = arith.constant 0 : i32
      %eq3A_3918 = vector.broadcast %eq3A_3917 : i32 to vector<16xi32>
      %eq3A_3919 = arith.cmpi eq, %and3A_3916, %eq3A_3918 : vector<16xi32>
      %min3A_3920 = arith.minimumf %select_n3A_3746, %gather3A_3913 : vector<16xf32>
      %max3A_3921 = arith.maximumf %select_n3A_3746, %gather3A_3913 : vector<16xf32>
      %select_n3A_3922 = arith.select %eq3A_3919, %min3A_3920, %max3A_3921 : vector<16xi1>, vector<16xf32>
      %xor3A_3923 = arith.constant 4 : i32
      %xor3A_3924 = vector.broadcast %xor3A_3923 : i32 to vector<16xi32>
      %xor3A_3925 = arith.xori %iota3A_154, %xor3A_3924 : vector<16xi32>
      %lt3A_3926 = arith.constant 0 : i32
      %lt3A_3927 = vector.broadcast %lt3A_3926 : i32 to vector<16xi32>
      %lt3A_3928 = arith.cmpi slt, %xor3A_3925, %lt3A_3927 : vector<16xi32>
      %add3A_3929 = arith.constant 16 : i32
      %add3A_3930 = vector.broadcast %add3A_3929 : i32 to vector<16xi32>
      %add3A_3931 = arith.addi %xor3A_3925, %add3A_3930 : vector<16xi32>
      %select_n3A_3932 = arith.select %lt3A_3928, %add3A_3931, %xor3A_3925 : vector<16xi1>, vector<16xi32>
      %broadcast_in_dim3A_3933 = vector.shape_cast %select_n3A_3932 : vector<16xi32> to vector<16x1xi32>
      %gather3A_3934 = vector.shape_cast %broadcast_in_dim3A_3933 : vector<16x1xi32> to vector<16xi32>
      %gather3A_3935 = tpu.dynamic_gather %select_n3A_3768[%gather3A_3934] in [0] : vector<16xf32>, vector<16xi32> -> vector<16xf32>
      %and3A_3936 = arith.constant 4 : i32
      %and3A_3937 = vector.broadcast %and3A_3936 : i32 to vector<16xi32>
      %and3A_3938 = arith.andi %iota3A_154, %and3A_3937 : vector<16xi32>
      %eq3A_3939 = arith.constant 0 : i32
      %eq3A_3940 = vector.broadcast %eq3A_3939 : i32 to vector<16xi32>
      %eq3A_3941 = arith.cmpi eq, %and3A_3938, %eq3A_3940 : vector<16xi32>
      %min3A_3942 = arith.minimumf %select_n3A_3768, %gather3A_3935 : vector<16xf32>
      %max3A_3943 = arith.maximumf %select_n3A_3768, %gather3A_3935 : vector<16xf32>
      %select_n3A_3944 = arith.select %eq3A_3941, %min3A_3942, %max3A_3943 : vector<16xi1>, vector<16xf32>
      %xor3A_3945 = arith.constant 4 : i32
      %xor3A_3946 = vector.broadcast %xor3A_3945 : i32 to vector<16xi32>
      %xor3A_3947 = arith.xori %iota3A_154, %xor3A_3946 : vector<16xi32>
      %lt3A_3948 = arith.constant 0 : i32
      %lt3A_3949 = vector.broadcast %lt3A_3948 : i32 to vector<16xi32>
      %lt3A_3950 = arith.cmpi slt, %xor3A_3947, %lt3A_3949 : vector<16xi32>
      %add3A_3951 = arith.constant 16 : i32
      %add3A_3952 = vector.broadcast %add3A_3951 : i32 to vector<16xi32>
      %add3A_3953 = arith.addi %xor3A_3947, %add3A_3952 : vector<16xi32>
      %select_n3A_3954 = arith.select %lt3A_3950, %add3A_3953, %xor3A_3947 : vector<16xi1>, vector<16xi32>
      %broadcast_in_dim3A_3955 = vector.shape_cast %select_n3A_3954 : vector<16xi32> to vector<16x1xi32>
      %gather3A_3956 = vector.shape_cast %broadcast_in_dim3A_3955 : vector<16x1xi32> to vector<16xi32>
      %gather3A_3957 = tpu.dynamic_gather %select_n3A_3790[%gather3A_3956] in [0] : vector<16xf32>, vector<16xi32> -> vector<16xf32>
      %and3A_3958 = arith.constant 4 : i32
      %and3A_3959 = vector.broadcast %and3A_3958 : i32 to vector<16xi32>
      %and3A_3960 = arith.andi %iota3A_154, %and3A_3959 : vector<16xi32>
      %eq3A_3961 = arith.constant 0 : i32
      %eq3A_3962 = vector.broadcast %eq3A_3961 : i32 to vector<16xi32>
      %eq3A_3963 = arith.cmpi eq, %and3A_3960, %eq3A_3962 : vector<16xi32>
      %min3A_3964 = arith.minimumf %select_n3A_3790, %gather3A_3957 : vector<16xf32>
      %max3A_3965 = arith.maximumf %select_n3A_3790, %gather3A_3957 : vector<16xf32>
      %select_n3A_3966 = arith.select %eq3A_3963, %min3A_3964, %max3A_3965 : vector<16xi1>, vector<16xf32>
      %xor3A_3967 = arith.constant 4 : i32
      %xor3A_3968 = vector.broadcast %xor3A_3967 : i32 to vector<16xi32>
      %xor3A_3969 = arith.xori %iota3A_154, %xor3A_3968 : vector<16xi32>
      %lt3A_3970 = arith.constant 0 : i32
      %lt3A_3971 = vector.broadcast %lt3A_3970 : i32 to vector<16xi32>
      %lt3A_3972 = arith.cmpi slt, %xor3A_3969, %lt3A_3971 : vector<16xi32>
      %add3A_3973 = arith.constant 16 : i32
      %add3A_3974 = vector.broadcast %add3A_3973 : i32 to vector<16xi32>
      %add3A_3975 = arith.addi %xor3A_3969, %add3A_3974 : vector<16xi32>
      %select_n3A_3976 = arith.select %lt3A_3972, %add3A_3975, %xor3A_3969 : vector<16xi1>, vector<16xi32>
      %broadcast_in_dim3A_3977 = vector.shape_cast %select_n3A_3976 : vector<16xi32> to vector<16x1xi32>
      %gather3A_3978 = vector.shape_cast %broadcast_in_dim3A_3977 : vector<16x1xi32> to vector<16xi32>
      %gather3A_3979 = tpu.dynamic_gather %select_n3A_3812[%gather3A_3978] in [0] : vector<16xf32>, vector<16xi32> -> vector<16xf32>
      %and3A_3980 = arith.constant 4 : i32
      %and3A_3981 = vector.broadcast %and3A_3980 : i32 to vector<16xi32>
      %and3A_3982 = arith.andi %iota3A_154, %and3A_3981 : vector<16xi32>
      %eq3A_3983 = arith.constant 0 : i32
      %eq3A_3984 = vector.broadcast %eq3A_3983 : i32 to vector<16xi32>
      %eq3A_3985 = arith.cmpi eq, %and3A_3982, %eq3A_3984 : vector<16xi32>
      %min3A_3986 = arith.minimumf %select_n3A_3812, %gather3A_3979 : vector<16xf32>
      %max3A_3987 = arith.maximumf %select_n3A_3812, %gather3A_3979 : vector<16xf32>
      %select_n3A_3988 = arith.select %eq3A_3985, %min3A_3986, %max3A_3987 : vector<16xi1>, vector<16xf32>
      %xor3A_3989 = arith.constant 4 : i32
      %xor3A_3990 = vector.broadcast %xor3A_3989 : i32 to vector<16xi32>
      %xor3A_3991 = arith.xori %iota3A_154, %xor3A_3990 : vector<16xi32>
      %lt3A_3992 = arith.constant 0 : i32
      %lt3A_3993 = vector.broadcast %lt3A_3992 : i32 to vector<16xi32>
      %lt3A_3994 = arith.cmpi slt, %xor3A_3991, %lt3A_3993 : vector<16xi32>
      %add3A_3995 = arith.constant 16 : i32
      %add3A_3996 = vector.broadcast %add3A_3995 : i32 to vector<16xi32>
      %add3A_3997 = arith.addi %xor3A_3991, %add3A_3996 : vector<16xi32>
      %select_n3A_3998 = arith.select %lt3A_3994, %add3A_3997, %xor3A_3991 : vector<16xi1>, vector<16xi32>
      %broadcast_in_dim3A_3999 = vector.shape_cast %select_n3A_3998 : vector<16xi32> to vector<16x1xi32>
      %gather3A_4000 = vector.shape_cast %broadcast_in_dim3A_3999 : vector<16x1xi32> to vector<16xi32>
      %gather3A_4001 = tpu.dynamic_gather %select_n3A_3834[%gather3A_4000] in [0] : vector<16xf32>, vector<16xi32> -> vector<16xf32>
      %and3A_4002 = arith.constant 4 : i32
      %and3A_4003 = vector.broadcast %and3A_4002 : i32 to vector<16xi32>
      %and3A_4004 = arith.andi %iota3A_154, %and3A_4003 : vector<16xi32>
      %eq3A_4005 = arith.constant 0 : i32
      %eq3A_4006 = vector.broadcast %eq3A_4005 : i32 to vector<16xi32>
      %eq3A_4007 = arith.cmpi eq, %and3A_4004, %eq3A_4006 : vector<16xi32>
      %min3A_4008 = arith.minimumf %select_n3A_3834, %gather3A_4001 : vector<16xf32>
      %max3A_4009 = arith.maximumf %select_n3A_3834, %gather3A_4001 : vector<16xf32>
      %select_n3A_4010 = arith.select %eq3A_4007, %min3A_4008, %max3A_4009 : vector<16xi1>, vector<16xf32>
      %xor3A_4011 = arith.constant 4 : i32
      %xor3A_4012 = vector.broadcast %xor3A_4011 : i32 to vector<16xi32>
      %xor3A_4013 = arith.xori %iota3A_154, %xor3A_4012 : vector<16xi32>
      %lt3A_4014 = arith.constant 0 : i32
      %lt3A_4015 = vector.broadcast %lt3A_4014 : i32 to vector<16xi32>
      %lt3A_4016 = arith.cmpi slt, %xor3A_4013, %lt3A_4015 : vector<16xi32>
      %add3A_4017 = arith.constant 16 : i32
      %add3A_4018 = vector.broadcast %add3A_4017 : i32 to vector<16xi32>
      %add3A_4019 = arith.addi %xor3A_4013, %add3A_4018 : vector<16xi32>
      %select_n3A_4020 = arith.select %lt3A_4016, %add3A_4019, %xor3A_4013 : vector<16xi1>, vector<16xi32>
      %broadcast_in_dim3A_4021 = vector.shape_cast %select_n3A_4020 : vector<16xi32> to vector<16x1xi32>
      %gather3A_4022 = vector.shape_cast %broadcast_in_dim3A_4021 : vector<16x1xi32> to vector<16xi32>
      %gather3A_4023 = tpu.dynamic_gather %select_n3A_3856[%gather3A_4022] in [0] : vector<16xf32>, vector<16xi32> -> vector<16xf32>
      %and3A_4024 = arith.constant 4 : i32
      %and3A_4025 = vector.broadcast %and3A_4024 : i32 to vector<16xi32>
      %and3A_4026 = arith.andi %iota3A_154, %and3A_4025 : vector<16xi32>
      %eq3A_4027 = arith.constant 0 : i32
      %eq3A_4028 = vector.broadcast %eq3A_4027 : i32 to vector<16xi32>
      %eq3A_4029 = arith.cmpi eq, %and3A_4026, %eq3A_4028 : vector<16xi32>
      %min3A_4030 = arith.minimumf %select_n3A_3856, %gather3A_4023 : vector<16xf32>
      %max3A_4031 = arith.maximumf %select_n3A_3856, %gather3A_4023 : vector<16xf32>
      %select_n3A_4032 = arith.select %eq3A_4029, %min3A_4030, %max3A_4031 : vector<16xi1>, vector<16xf32>
      %xor3A_4033 = arith.constant 4 : i32
      %xor3A_4034 = vector.broadcast %xor3A_4033 : i32 to vector<16xi32>
      %xor3A_4035 = arith.xori %iota3A_154, %xor3A_4034 : vector<16xi32>
      %lt3A_4036 = arith.constant 0 : i32
      %lt3A_4037 = vector.broadcast %lt3A_4036 : i32 to vector<16xi32>
      %lt3A_4038 = arith.cmpi slt, %xor3A_4035, %lt3A_4037 : vector<16xi32>
      %add3A_4039 = arith.constant 16 : i32
      %add3A_4040 = vector.broadcast %add3A_4039 : i32 to vector<16xi32>
      %add3A_4041 = arith.addi %xor3A_4035, %add3A_4040 : vector<16xi32>
      %select_n3A_4042 = arith.select %lt3A_4038, %add3A_4041, %xor3A_4035 : vector<16xi1>, vector<16xi32>
      %broadcast_in_dim3A_4043 = vector.shape_cast %select_n3A_4042 : vector<16xi32> to vector<16x1xi32>
      %gather3A_4044 = vector.shape_cast %broadcast_in_dim3A_4043 : vector<16x1xi32> to vector<16xi32>
      %gather3A_4045 = tpu.dynamic_gather %select_n3A_3878[%gather3A_4044] in [0] : vector<16xf32>, vector<16xi32> -> vector<16xf32>
      %and3A_4046 = arith.constant 4 : i32
      %and3A_4047 = vector.broadcast %and3A_4046 : i32 to vector<16xi32>
      %and3A_4048 = arith.andi %iota3A_154, %and3A_4047 : vector<16xi32>
      %eq3A_4049 = arith.constant 0 : i32
      %eq3A_4050 = vector.broadcast %eq3A_4049 : i32 to vector<16xi32>
      %eq3A_4051 = arith.cmpi eq, %and3A_4048, %eq3A_4050 : vector<16xi32>
      %min3A_4052 = arith.minimumf %select_n3A_3878, %gather3A_4045 : vector<16xf32>
      %max3A_4053 = arith.maximumf %select_n3A_3878, %gather3A_4045 : vector<16xf32>
      %select_n3A_4054 = arith.select %eq3A_4051, %min3A_4052, %max3A_4053 : vector<16xi1>, vector<16xf32>
      %xor3A_4055 = arith.constant 2 : i32
      %xor3A_4056 = vector.broadcast %xor3A_4055 : i32 to vector<16xi32>
      %xor3A_4057 = arith.xori %iota3A_154, %xor3A_4056 : vector<16xi32>
      %lt3A_4058 = arith.constant 0 : i32
      %lt3A_4059 = vector.broadcast %lt3A_4058 : i32 to vector<16xi32>
      %lt3A_4060 = arith.cmpi slt, %xor3A_4057, %lt3A_4059 : vector<16xi32>
      %add3A_4061 = arith.constant 16 : i32
      %add3A_4062 = vector.broadcast %add3A_4061 : i32 to vector<16xi32>
      %add3A_4063 = arith.addi %xor3A_4057, %add3A_4062 : vector<16xi32>
      %select_n3A_4064 = arith.select %lt3A_4060, %add3A_4063, %xor3A_4057 : vector<16xi1>, vector<16xi32>
      %broadcast_in_dim3A_4065 = vector.shape_cast %select_n3A_4064 : vector<16xi32> to vector<16x1xi32>
      %gather3A_4066 = vector.shape_cast %broadcast_in_dim3A_4065 : vector<16x1xi32> to vector<16xi32>
      %gather3A_4067 = tpu.dynamic_gather %select_n3A_3900[%gather3A_4066] in [0] : vector<16xf32>, vector<16xi32> -> vector<16xf32>
      %and3A_4068 = arith.constant 2 : i32
      %and3A_4069 = vector.broadcast %and3A_4068 : i32 to vector<16xi32>
      %and3A_4070 = arith.andi %iota3A_154, %and3A_4069 : vector<16xi32>
      %eq3A_4071 = arith.constant 0 : i32
      %eq3A_4072 = vector.broadcast %eq3A_4071 : i32 to vector<16xi32>
      %eq3A_4073 = arith.cmpi eq, %and3A_4070, %eq3A_4072 : vector<16xi32>
      %min3A_4074 = arith.minimumf %select_n3A_3900, %gather3A_4067 : vector<16xf32>
      %max3A_4075 = arith.maximumf %select_n3A_3900, %gather3A_4067 : vector<16xf32>
      %select_n3A_4076 = arith.select %eq3A_4073, %min3A_4074, %max3A_4075 : vector<16xi1>, vector<16xf32>
      %xor3A_4077 = arith.constant 2 : i32
      %xor3A_4078 = vector.broadcast %xor3A_4077 : i32 to vector<16xi32>
      %xor3A_4079 = arith.xori %iota3A_154, %xor3A_4078 : vector<16xi32>
      %lt3A_4080 = arith.constant 0 : i32
      %lt3A_4081 = vector.broadcast %lt3A_4080 : i32 to vector<16xi32>
      %lt3A_4082 = arith.cmpi slt, %xor3A_4079, %lt3A_4081 : vector<16xi32>
      %add3A_4083 = arith.constant 16 : i32
      %add3A_4084 = vector.broadcast %add3A_4083 : i32 to vector<16xi32>
      %add3A_4085 = arith.addi %xor3A_4079, %add3A_4084 : vector<16xi32>
      %select_n3A_4086 = arith.select %lt3A_4082, %add3A_4085, %xor3A_4079 : vector<16xi1>, vector<16xi32>
      %broadcast_in_dim3A_4087 = vector.shape_cast %select_n3A_4086 : vector<16xi32> to vector<16x1xi32>
      %gather3A_4088 = vector.shape_cast %broadcast_in_dim3A_4087 : vector<16x1xi32> to vector<16xi32>
      %gather3A_4089 = tpu.dynamic_gather %select_n3A_3922[%gather3A_4088] in [0] : vector<16xf32>, vector<16xi32> -> vector<16xf32>
      %and3A_4090 = arith.constant 2 : i32
      %and3A_4091 = vector.broadcast %and3A_4090 : i32 to vector<16xi32>
      %and3A_4092 = arith.andi %iota3A_154, %and3A_4091 : vector<16xi32>
      %eq3A_4093 = arith.constant 0 : i32
      %eq3A_4094 = vector.broadcast %eq3A_4093 : i32 to vector<16xi32>
      %eq3A_4095 = arith.cmpi eq, %and3A_4092, %eq3A_4094 : vector<16xi32>
      %min3A_4096 = arith.minimumf %select_n3A_3922, %gather3A_4089 : vector<16xf32>
      %max3A_4097 = arith.maximumf %select_n3A_3922, %gather3A_4089 : vector<16xf32>
      %select_n3A_4098 = arith.select %eq3A_4095, %min3A_4096, %max3A_4097 : vector<16xi1>, vector<16xf32>
      %xor3A_4099 = arith.constant 2 : i32
      %xor3A_4100 = vector.broadcast %xor3A_4099 : i32 to vector<16xi32>
      %xor3A_4101 = arith.xori %iota3A_154, %xor3A_4100 : vector<16xi32>
      %lt3A_4102 = arith.constant 0 : i32
      %lt3A_4103 = vector.broadcast %lt3A_4102 : i32 to vector<16xi32>
      %lt3A_4104 = arith.cmpi slt, %xor3A_4101, %lt3A_4103 : vector<16xi32>
      %add3A_4105 = arith.constant 16 : i32
      %add3A_4106 = vector.broadcast %add3A_4105 : i32 to vector<16xi32>
      %add3A_4107 = arith.addi %xor3A_4101, %add3A_4106 : vector<16xi32>
      %select_n3A_4108 = arith.select %lt3A_4104, %add3A_4107, %xor3A_4101 : vector<16xi1>, vector<16xi32>
      %broadcast_in_dim3A_4109 = vector.shape_cast %select_n3A_4108 : vector<16xi32> to vector<16x1xi32>
      %gather3A_4110 = vector.shape_cast %broadcast_in_dim3A_4109 : vector<16x1xi32> to vector<16xi32>
      %gather3A_4111 = tpu.dynamic_gather %select_n3A_3944[%gather3A_4110] in [0] : vector<16xf32>, vector<16xi32> -> vector<16xf32>
      %and3A_4112 = arith.constant 2 : i32
      %and3A_4113 = vector.broadcast %and3A_4112 : i32 to vector<16xi32>
      %and3A_4114 = arith.andi %iota3A_154, %and3A_4113 : vector<16xi32>
      %eq3A_4115 = arith.constant 0 : i32
      %eq3A_4116 = vector.broadcast %eq3A_4115 : i32 to vector<16xi32>
      %eq3A_4117 = arith.cmpi eq, %and3A_4114, %eq3A_4116 : vector<16xi32>
      %min3A_4118 = arith.minimumf %select_n3A_3944, %gather3A_4111 : vector<16xf32>
      %max3A_4119 = arith.maximumf %select_n3A_3944, %gather3A_4111 : vector<16xf32>
      %select_n3A_4120 = arith.select %eq3A_4117, %min3A_4118, %max3A_4119 : vector<16xi1>, vector<16xf32>
      %xor3A_4121 = arith.constant 2 : i32
      %xor3A_4122 = vector.broadcast %xor3A_4121 : i32 to vector<16xi32>
      %xor3A_4123 = arith.xori %iota3A_154, %xor3A_4122 : vector<16xi32>
      %lt3A_4124 = arith.constant 0 : i32
      %lt3A_4125 = vector.broadcast %lt3A_4124 : i32 to vector<16xi32>
      %lt3A_4126 = arith.cmpi slt, %xor3A_4123, %lt3A_4125 : vector<16xi32>
      %add3A_4127 = arith.constant 16 : i32
      %add3A_4128 = vector.broadcast %add3A_4127 : i32 to vector<16xi32>
      %add3A_4129 = arith.addi %xor3A_4123, %add3A_4128 : vector<16xi32>
      %select_n3A_4130 = arith.select %lt3A_4126, %add3A_4129, %xor3A_4123 : vector<16xi1>, vector<16xi32>
      %broadcast_in_dim3A_4131 = vector.shape_cast %select_n3A_4130 : vector<16xi32> to vector<16x1xi32>
      %gather3A_4132 = vector.shape_cast %broadcast_in_dim3A_4131 : vector<16x1xi32> to vector<16xi32>
      %gather3A_4133 = tpu.dynamic_gather %select_n3A_3966[%gather3A_4132] in [0] : vector<16xf32>, vector<16xi32> -> vector<16xf32>
      %and3A_4134 = arith.constant 2 : i32
      %and3A_4135 = vector.broadcast %and3A_4134 : i32 to vector<16xi32>
      %and3A_4136 = arith.andi %iota3A_154, %and3A_4135 : vector<16xi32>
      %eq3A_4137 = arith.constant 0 : i32
      %eq3A_4138 = vector.broadcast %eq3A_4137 : i32 to vector<16xi32>
      %eq3A_4139 = arith.cmpi eq, %and3A_4136, %eq3A_4138 : vector<16xi32>
      %min3A_4140 = arith.minimumf %select_n3A_3966, %gather3A_4133 : vector<16xf32>
      %max3A_4141 = arith.maximumf %select_n3A_3966, %gather3A_4133 : vector<16xf32>
      %select_n3A_4142 = arith.select %eq3A_4139, %min3A_4140, %max3A_4141 : vector<16xi1>, vector<16xf32>
      %xor3A_4143 = arith.constant 2 : i32
      %xor3A_4144 = vector.broadcast %xor3A_4143 : i32 to vector<16xi32>
      %xor3A_4145 = arith.xori %iota3A_154, %xor3A_4144 : vector<16xi32>
      %lt3A_4146 = arith.constant 0 : i32
      %lt3A_4147 = vector.broadcast %lt3A_4146 : i32 to vector<16xi32>
      %lt3A_4148 = arith.cmpi slt, %xor3A_4145, %lt3A_4147 : vector<16xi32>
      %add3A_4149 = arith.constant 16 : i32
      %add3A_4150 = vector.broadcast %add3A_4149 : i32 to vector<16xi32>
      %add3A_4151 = arith.addi %xor3A_4145, %add3A_4150 : vector<16xi32>
      %select_n3A_4152 = arith.select %lt3A_4148, %add3A_4151, %xor3A_4145 : vector<16xi1>, vector<16xi32>
      %broadcast_in_dim3A_4153 = vector.shape_cast %select_n3A_4152 : vector<16xi32> to vector<16x1xi32>
      %gather3A_4154 = vector.shape_cast %broadcast_in_dim3A_4153 : vector<16x1xi32> to vector<16xi32>
      %gather3A_4155 = tpu.dynamic_gather %select_n3A_3988[%gather3A_4154] in [0] : vector<16xf32>, vector<16xi32> -> vector<16xf32>
      %and3A_4156 = arith.constant 2 : i32
      %and3A_4157 = vector.broadcast %and3A_4156 : i32 to vector<16xi32>
      %and3A_4158 = arith.andi %iota3A_154, %and3A_4157 : vector<16xi32>
      %eq3A_4159 = arith.constant 0 : i32
      %eq3A_4160 = vector.broadcast %eq3A_4159 : i32 to vector<16xi32>
      %eq3A_4161 = arith.cmpi eq, %and3A_4158, %eq3A_4160 : vector<16xi32>
      %min3A_4162 = arith.minimumf %select_n3A_3988, %gather3A_4155 : vector<16xf32>
      %max3A_4163 = arith.maximumf %select_n3A_3988, %gather3A_4155 : vector<16xf32>
      %select_n3A_4164 = arith.select %eq3A_4161, %min3A_4162, %max3A_4163 : vector<16xi1>, vector<16xf32>
      %xor3A_4165 = arith.constant 2 : i32
      %xor3A_4166 = vector.broadcast %xor3A_4165 : i32 to vector<16xi32>
      %xor3A_4167 = arith.xori %iota3A_154, %xor3A_4166 : vector<16xi32>
      %lt3A_4168 = arith.constant 0 : i32
      %lt3A_4169 = vector.broadcast %lt3A_4168 : i32 to vector<16xi32>
      %lt3A_4170 = arith.cmpi slt, %xor3A_4167, %lt3A_4169 : vector<16xi32>
      %add3A_4171 = arith.constant 16 : i32
      %add3A_4172 = vector.broadcast %add3A_4171 : i32 to vector<16xi32>
      %add3A_4173 = arith.addi %xor3A_4167, %add3A_4172 : vector<16xi32>
      %select_n3A_4174 = arith.select %lt3A_4170, %add3A_4173, %xor3A_4167 : vector<16xi1>, vector<16xi32>
      %broadcast_in_dim3A_4175 = vector.shape_cast %select_n3A_4174 : vector<16xi32> to vector<16x1xi32>
      %gather3A_4176 = vector.shape_cast %broadcast_in_dim3A_4175 : vector<16x1xi32> to vector<16xi32>
      %gather3A_4177 = tpu.dynamic_gather %select_n3A_4010[%gather3A_4176] in [0] : vector<16xf32>, vector<16xi32> -> vector<16xf32>
      %and3A_4178 = arith.constant 2 : i32
      %and3A_4179 = vector.broadcast %and3A_4178 : i32 to vector<16xi32>
      %and3A_4180 = arith.andi %iota3A_154, %and3A_4179 : vector<16xi32>
      %eq3A_4181 = arith.constant 0 : i32
      %eq3A_4182 = vector.broadcast %eq3A_4181 : i32 to vector<16xi32>
      %eq3A_4183 = arith.cmpi eq, %and3A_4180, %eq3A_4182 : vector<16xi32>
      %min3A_4184 = arith.minimumf %select_n3A_4010, %gather3A_4177 : vector<16xf32>
      %max3A_4185 = arith.maximumf %select_n3A_4010, %gather3A_4177 : vector<16xf32>
      %select_n3A_4186 = arith.select %eq3A_4183, %min3A_4184, %max3A_4185 : vector<16xi1>, vector<16xf32>
      %xor3A_4187 = arith.constant 2 : i32
      %xor3A_4188 = vector.broadcast %xor3A_4187 : i32 to vector<16xi32>
      %xor3A_4189 = arith.xori %iota3A_154, %xor3A_4188 : vector<16xi32>
      %lt3A_4190 = arith.constant 0 : i32
      %lt3A_4191 = vector.broadcast %lt3A_4190 : i32 to vector<16xi32>
      %lt3A_4192 = arith.cmpi slt, %xor3A_4189, %lt3A_4191 : vector<16xi32>
      %add3A_4193 = arith.constant 16 : i32
      %add3A_4194 = vector.broadcast %add3A_4193 : i32 to vector<16xi32>
      %add3A_4195 = arith.addi %xor3A_4189, %add3A_4194 : vector<16xi32>
      %select_n3A_4196 = arith.select %lt3A_4192, %add3A_4195, %xor3A_4189 : vector<16xi1>, vector<16xi32>
      %broadcast_in_dim3A_4197 = vector.shape_cast %select_n3A_4196 : vector<16xi32> to vector<16x1xi32>
      %gather3A_4198 = vector.shape_cast %broadcast_in_dim3A_4197 : vector<16x1xi32> to vector<16xi32>
      %gather3A_4199 = tpu.dynamic_gather %select_n3A_4032[%gather3A_4198] in [0] : vector<16xf32>, vector<16xi32> -> vector<16xf32>
      %and3A_4200 = arith.constant 2 : i32
      %and3A_4201 = vector.broadcast %and3A_4200 : i32 to vector<16xi32>
      %and3A_4202 = arith.andi %iota3A_154, %and3A_4201 : vector<16xi32>
      %eq3A_4203 = arith.constant 0 : i32
      %eq3A_4204 = vector.broadcast %eq3A_4203 : i32 to vector<16xi32>
      %eq3A_4205 = arith.cmpi eq, %and3A_4202, %eq3A_4204 : vector<16xi32>
      %min3A_4206 = arith.minimumf %select_n3A_4032, %gather3A_4199 : vector<16xf32>
      %max3A_4207 = arith.maximumf %select_n3A_4032, %gather3A_4199 : vector<16xf32>
      %select_n3A_4208 = arith.select %eq3A_4205, %min3A_4206, %max3A_4207 : vector<16xi1>, vector<16xf32>
      %xor3A_4209 = arith.constant 2 : i32
      %xor3A_4210 = vector.broadcast %xor3A_4209 : i32 to vector<16xi32>
      %xor3A_4211 = arith.xori %iota3A_154, %xor3A_4210 : vector<16xi32>
      %lt3A_4212 = arith.constant 0 : i32
      %lt3A_4213 = vector.broadcast %lt3A_4212 : i32 to vector<16xi32>
      %lt3A_4214 = arith.cmpi slt, %xor3A_4211, %lt3A_4213 : vector<16xi32>
      %add3A_4215 = arith.constant 16 : i32
      %add3A_4216 = vector.broadcast %add3A_4215 : i32 to vector<16xi32>
      %add3A_4217 = arith.addi %xor3A_4211, %add3A_4216 : vector<16xi32>
      %select_n3A_4218 = arith.select %lt3A_4214, %add3A_4217, %xor3A_4211 : vector<16xi1>, vector<16xi32>
      %broadcast_in_dim3A_4219 = vector.shape_cast %select_n3A_4218 : vector<16xi32> to vector<16x1xi32>
      %gather3A_4220 = vector.shape_cast %broadcast_in_dim3A_4219 : vector<16x1xi32> to vector<16xi32>
      %gather3A_4221 = tpu.dynamic_gather %select_n3A_4054[%gather3A_4220] in [0] : vector<16xf32>, vector<16xi32> -> vector<16xf32>
      %and3A_4222 = arith.constant 2 : i32
      %and3A_4223 = vector.broadcast %and3A_4222 : i32 to vector<16xi32>
      %and3A_4224 = arith.andi %iota3A_154, %and3A_4223 : vector<16xi32>
      %eq3A_4225 = arith.constant 0 : i32
      %eq3A_4226 = vector.broadcast %eq3A_4225 : i32 to vector<16xi32>
      %eq3A_4227 = arith.cmpi eq, %and3A_4224, %eq3A_4226 : vector<16xi32>
      %min3A_4228 = arith.minimumf %select_n3A_4054, %gather3A_4221 : vector<16xf32>
      %max3A_4229 = arith.maximumf %select_n3A_4054, %gather3A_4221 : vector<16xf32>
      %select_n3A_4230 = arith.select %eq3A_4227, %min3A_4228, %max3A_4229 : vector<16xi1>, vector<16xf32>
      %xor3A_4231 = arith.constant 1 : i32
      %xor3A_4232 = vector.broadcast %xor3A_4231 : i32 to vector<16xi32>
      %xor3A_4233 = arith.xori %iota3A_154, %xor3A_4232 : vector<16xi32>
      %lt3A_4234 = arith.constant 0 : i32
      %lt3A_4235 = vector.broadcast %lt3A_4234 : i32 to vector<16xi32>
      %lt3A_4236 = arith.cmpi slt, %xor3A_4233, %lt3A_4235 : vector<16xi32>
      %add3A_4237 = arith.constant 16 : i32
      %add3A_4238 = vector.broadcast %add3A_4237 : i32 to vector<16xi32>
      %add3A_4239 = arith.addi %xor3A_4233, %add3A_4238 : vector<16xi32>
      %select_n3A_4240 = arith.select %lt3A_4236, %add3A_4239, %xor3A_4233 : vector<16xi1>, vector<16xi32>
      %broadcast_in_dim3A_4241 = vector.shape_cast %select_n3A_4240 : vector<16xi32> to vector<16x1xi32>
      %gather3A_4242 = vector.shape_cast %broadcast_in_dim3A_4241 : vector<16x1xi32> to vector<16xi32>
      %gather3A_4243 = tpu.dynamic_gather %select_n3A_4076[%gather3A_4242] in [0] : vector<16xf32>, vector<16xi32> -> vector<16xf32>
      %and3A_4244 = arith.constant 1 : i32
      %and3A_4245 = vector.broadcast %and3A_4244 : i32 to vector<16xi32>
      %and3A_4246 = arith.andi %iota3A_154, %and3A_4245 : vector<16xi32>
      %eq3A_4247 = arith.constant 0 : i32
      %eq3A_4248 = vector.broadcast %eq3A_4247 : i32 to vector<16xi32>
      %eq3A_4249 = arith.cmpi eq, %and3A_4246, %eq3A_4248 : vector<16xi32>
      %min3A_4250 = arith.minimumf %select_n3A_4076, %gather3A_4243 : vector<16xf32>
      %max3A_4251 = arith.maximumf %select_n3A_4076, %gather3A_4243 : vector<16xf32>
      %select_n3A_4252 = arith.select %eq3A_4249, %min3A_4250, %max3A_4251 : vector<16xi1>, vector<16xf32>
      %xor3A_4253 = arith.constant 1 : i32
      %xor3A_4254 = vector.broadcast %xor3A_4253 : i32 to vector<16xi32>
      %xor3A_4255 = arith.xori %iota3A_154, %xor3A_4254 : vector<16xi32>
      %lt3A_4256 = arith.constant 0 : i32
      %lt3A_4257 = vector.broadcast %lt3A_4256 : i32 to vector<16xi32>
      %lt3A_4258 = arith.cmpi slt, %xor3A_4255, %lt3A_4257 : vector<16xi32>
      %add3A_4259 = arith.constant 16 : i32
      %add3A_4260 = vector.broadcast %add3A_4259 : i32 to vector<16xi32>
      %add3A_4261 = arith.addi %xor3A_4255, %add3A_4260 : vector<16xi32>
      %select_n3A_4262 = arith.select %lt3A_4258, %add3A_4261, %xor3A_4255 : vector<16xi1>, vector<16xi32>
      %broadcast_in_dim3A_4263 = vector.shape_cast %select_n3A_4262 : vector<16xi32> to vector<16x1xi32>
      %gather3A_4264 = vector.shape_cast %broadcast_in_dim3A_4263 : vector<16x1xi32> to vector<16xi32>
      %gather3A_4265 = tpu.dynamic_gather %select_n3A_4098[%gather3A_4264] in [0] : vector<16xf32>, vector<16xi32> -> vector<16xf32>
      %and3A_4266 = arith.constant 1 : i32
      %and3A_4267 = vector.broadcast %and3A_4266 : i32 to vector<16xi32>
      %and3A_4268 = arith.andi %iota3A_154, %and3A_4267 : vector<16xi32>
      %eq3A_4269 = arith.constant 0 : i32
      %eq3A_4270 = vector.broadcast %eq3A_4269 : i32 to vector<16xi32>
      %eq3A_4271 = arith.cmpi eq, %and3A_4268, %eq3A_4270 : vector<16xi32>
      %min3A_4272 = arith.minimumf %select_n3A_4098, %gather3A_4265 : vector<16xf32>
      %max3A_4273 = arith.maximumf %select_n3A_4098, %gather3A_4265 : vector<16xf32>
      %select_n3A_4274 = arith.select %eq3A_4271, %min3A_4272, %max3A_4273 : vector<16xi1>, vector<16xf32>
      %xor3A_4275 = arith.constant 1 : i32
      %xor3A_4276 = vector.broadcast %xor3A_4275 : i32 to vector<16xi32>
      %xor3A_4277 = arith.xori %iota3A_154, %xor3A_4276 : vector<16xi32>
      %lt3A_4278 = arith.constant 0 : i32
      %lt3A_4279 = vector.broadcast %lt3A_4278 : i32 to vector<16xi32>
      %lt3A_4280 = arith.cmpi slt, %xor3A_4277, %lt3A_4279 : vector<16xi32>
      %add3A_4281 = arith.constant 16 : i32
      %add3A_4282 = vector.broadcast %add3A_4281 : i32 to vector<16xi32>
      %add3A_4283 = arith.addi %xor3A_4277, %add3A_4282 : vector<16xi32>
      %select_n3A_4284 = arith.select %lt3A_4280, %add3A_4283, %xor3A_4277 : vector<16xi1>, vector<16xi32>
      %broadcast_in_dim3A_4285 = vector.shape_cast %select_n3A_4284 : vector<16xi32> to vector<16x1xi32>
      %gather3A_4286 = vector.shape_cast %broadcast_in_dim3A_4285 : vector<16x1xi32> to vector<16xi32>
      %gather3A_4287 = tpu.dynamic_gather %select_n3A_4120[%gather3A_4286] in [0] : vector<16xf32>, vector<16xi32> -> vector<16xf32>
      %and3A_4288 = arith.constant 1 : i32
      %and3A_4289 = vector.broadcast %and3A_4288 : i32 to vector<16xi32>
      %and3A_4290 = arith.andi %iota3A_154, %and3A_4289 : vector<16xi32>
      %eq3A_4291 = arith.constant 0 : i32
      %eq3A_4292 = vector.broadcast %eq3A_4291 : i32 to vector<16xi32>
      %eq3A_4293 = arith.cmpi eq, %and3A_4290, %eq3A_4292 : vector<16xi32>
      %min3A_4294 = arith.minimumf %select_n3A_4120, %gather3A_4287 : vector<16xf32>
      %max3A_4295 = arith.maximumf %select_n3A_4120, %gather3A_4287 : vector<16xf32>
      %select_n3A_4296 = arith.select %eq3A_4293, %min3A_4294, %max3A_4295 : vector<16xi1>, vector<16xf32>
      %xor3A_4297 = arith.constant 1 : i32
      %xor3A_4298 = vector.broadcast %xor3A_4297 : i32 to vector<16xi32>
      %xor3A_4299 = arith.xori %iota3A_154, %xor3A_4298 : vector<16xi32>
      %lt3A_4300 = arith.constant 0 : i32
      %lt3A_4301 = vector.broadcast %lt3A_4300 : i32 to vector<16xi32>
      %lt3A_4302 = arith.cmpi slt, %xor3A_4299, %lt3A_4301 : vector<16xi32>
      %add3A_4303 = arith.constant 16 : i32
      %add3A_4304 = vector.broadcast %add3A_4303 : i32 to vector<16xi32>
      %add3A_4305 = arith.addi %xor3A_4299, %add3A_4304 : vector<16xi32>
      %select_n3A_4306 = arith.select %lt3A_4302, %add3A_4305, %xor3A_4299 : vector<16xi1>, vector<16xi32>
      %broadcast_in_dim3A_4307 = vector.shape_cast %select_n3A_4306 : vector<16xi32> to vector<16x1xi32>
      %gather3A_4308 = vector.shape_cast %broadcast_in_dim3A_4307 : vector<16x1xi32> to vector<16xi32>
      %gather3A_4309 = tpu.dynamic_gather %select_n3A_4142[%gather3A_4308] in [0] : vector<16xf32>, vector<16xi32> -> vector<16xf32>
      %and3A_4310 = arith.constant 1 : i32
      %and3A_4311 = vector.broadcast %and3A_4310 : i32 to vector<16xi32>
      %and3A_4312 = arith.andi %iota3A_154, %and3A_4311 : vector<16xi32>
      %eq3A_4313 = arith.constant 0 : i32
      %eq3A_4314 = vector.broadcast %eq3A_4313 : i32 to vector<16xi32>
      %eq3A_4315 = arith.cmpi eq, %and3A_4312, %eq3A_4314 : vector<16xi32>
      %min3A_4316 = arith.minimumf %select_n3A_4142, %gather3A_4309 : vector<16xf32>
      %max3A_4317 = arith.maximumf %select_n3A_4142, %gather3A_4309 : vector<16xf32>
      %select_n3A_4318 = arith.select %eq3A_4315, %min3A_4316, %max3A_4317 : vector<16xi1>, vector<16xf32>
      %xor3A_4319 = arith.constant 1 : i32
      %xor3A_4320 = vector.broadcast %xor3A_4319 : i32 to vector<16xi32>
      %xor3A_4321 = arith.xori %iota3A_154, %xor3A_4320 : vector<16xi32>
      %lt3A_4322 = arith.constant 0 : i32
      %lt3A_4323 = vector.broadcast %lt3A_4322 : i32 to vector<16xi32>
      %lt3A_4324 = arith.cmpi slt, %xor3A_4321, %lt3A_4323 : vector<16xi32>
      %add3A_4325 = arith.constant 16 : i32
      %add3A_4326 = vector.broadcast %add3A_4325 : i32 to vector<16xi32>
      %add3A_4327 = arith.addi %xor3A_4321, %add3A_4326 : vector<16xi32>
      %select_n3A_4328 = arith.select %lt3A_4324, %add3A_4327, %xor3A_4321 : vector<16xi1>, vector<16xi32>
      %broadcast_in_dim3A_4329 = vector.shape_cast %select_n3A_4328 : vector<16xi32> to vector<16x1xi32>
      %gather3A_4330 = vector.shape_cast %broadcast_in_dim3A_4329 : vector<16x1xi32> to vector<16xi32>
      %gather3A_4331 = tpu.dynamic_gather %select_n3A_4164[%gather3A_4330] in [0] : vector<16xf32>, vector<16xi32> -> vector<16xf32>
      %and3A_4332 = arith.constant 1 : i32
      %and3A_4333 = vector.broadcast %and3A_4332 : i32 to vector<16xi32>
      %and3A_4334 = arith.andi %iota3A_154, %and3A_4333 : vector<16xi32>
      %eq3A_4335 = arith.constant 0 : i32
      %eq3A_4336 = vector.broadcast %eq3A_4335 : i32 to vector<16xi32>
      %eq3A_4337 = arith.cmpi eq, %and3A_4334, %eq3A_4336 : vector<16xi32>
      %min3A_4338 = arith.minimumf %select_n3A_4164, %gather3A_4331 : vector<16xf32>
      %max3A_4339 = arith.maximumf %select_n3A_4164, %gather3A_4331 : vector<16xf32>
      %select_n3A_4340 = arith.select %eq3A_4337, %min3A_4338, %max3A_4339 : vector<16xi1>, vector<16xf32>
      %xor3A_4341 = arith.constant 1 : i32
      %xor3A_4342 = vector.broadcast %xor3A_4341 : i32 to vector<16xi32>
      %xor3A_4343 = arith.xori %iota3A_154, %xor3A_4342 : vector<16xi32>
      %lt3A_4344 = arith.constant 0 : i32
      %lt3A_4345 = vector.broadcast %lt3A_4344 : i32 to vector<16xi32>
      %lt3A_4346 = arith.cmpi slt, %xor3A_4343, %lt3A_4345 : vector<16xi32>
      %add3A_4347 = arith.constant 16 : i32
      %add3A_4348 = vector.broadcast %add3A_4347 : i32 to vector<16xi32>
      %add3A_4349 = arith.addi %xor3A_4343, %add3A_4348 : vector<16xi32>
      %select_n3A_4350 = arith.select %lt3A_4346, %add3A_4349, %xor3A_4343 : vector<16xi1>, vector<16xi32>
      %broadcast_in_dim3A_4351 = vector.shape_cast %select_n3A_4350 : vector<16xi32> to vector<16x1xi32>
      %gather3A_4352 = vector.shape_cast %broadcast_in_dim3A_4351 : vector<16x1xi32> to vector<16xi32>
      %gather3A_4353 = tpu.dynamic_gather %select_n3A_4186[%gather3A_4352] in [0] : vector<16xf32>, vector<16xi32> -> vector<16xf32>
      %and3A_4354 = arith.constant 1 : i32
      %and3A_4355 = vector.broadcast %and3A_4354 : i32 to vector<16xi32>
      %and3A_4356 = arith.andi %iota3A_154, %and3A_4355 : vector<16xi32>
      %eq3A_4357 = arith.constant 0 : i32
      %eq3A_4358 = vector.broadcast %eq3A_4357 : i32 to vector<16xi32>
      %eq3A_4359 = arith.cmpi eq, %and3A_4356, %eq3A_4358 : vector<16xi32>
      %min3A_4360 = arith.minimumf %select_n3A_4186, %gather3A_4353 : vector<16xf32>
      %max3A_4361 = arith.maximumf %select_n3A_4186, %gather3A_4353 : vector<16xf32>
      %select_n3A_4362 = arith.select %eq3A_4359, %min3A_4360, %max3A_4361 : vector<16xi1>, vector<16xf32>
      %xor3A_4363 = arith.constant 1 : i32
      %xor3A_4364 = vector.broadcast %xor3A_4363 : i32 to vector<16xi32>
      %xor3A_4365 = arith.xori %iota3A_154, %xor3A_4364 : vector<16xi32>
      %lt3A_4366 = arith.constant 0 : i32
      %lt3A_4367 = vector.broadcast %lt3A_4366 : i32 to vector<16xi32>
      %lt3A_4368 = arith.cmpi slt, %xor3A_4365, %lt3A_4367 : vector<16xi32>
      %add3A_4369 = arith.constant 16 : i32
      %add3A_4370 = vector.broadcast %add3A_4369 : i32 to vector<16xi32>
      %add3A_4371 = arith.addi %xor3A_4365, %add3A_4370 : vector<16xi32>
      %select_n3A_4372 = arith.select %lt3A_4368, %add3A_4371, %xor3A_4365 : vector<16xi1>, vector<16xi32>
      %broadcast_in_dim3A_4373 = vector.shape_cast %select_n3A_4372 : vector<16xi32> to vector<16x1xi32>
      %gather3A_4374 = vector.shape_cast %broadcast_in_dim3A_4373 : vector<16x1xi32> to vector<16xi32>
      %gather3A_4375 = tpu.dynamic_gather %select_n3A_4208[%gather3A_4374] in [0] : vector<16xf32>, vector<16xi32> -> vector<16xf32>
      %and3A_4376 = arith.constant 1 : i32
      %and3A_4377 = vector.broadcast %and3A_4376 : i32 to vector<16xi32>
      %and3A_4378 = arith.andi %iota3A_154, %and3A_4377 : vector<16xi32>
      %eq3A_4379 = arith.constant 0 : i32
      %eq3A_4380 = vector.broadcast %eq3A_4379 : i32 to vector<16xi32>
      %eq3A_4381 = arith.cmpi eq, %and3A_4378, %eq3A_4380 : vector<16xi32>
      %min3A_4382 = arith.minimumf %select_n3A_4208, %gather3A_4375 : vector<16xf32>
      %max3A_4383 = arith.maximumf %select_n3A_4208, %gather3A_4375 : vector<16xf32>
      %select_n3A_4384 = arith.select %eq3A_4381, %min3A_4382, %max3A_4383 : vector<16xi1>, vector<16xf32>
      %xor3A_4385 = arith.constant 1 : i32
      %xor3A_4386 = vector.broadcast %xor3A_4385 : i32 to vector<16xi32>
      %xor3A_4387 = arith.xori %iota3A_154, %xor3A_4386 : vector<16xi32>
      %lt3A_4388 = arith.constant 0 : i32
      %lt3A_4389 = vector.broadcast %lt3A_4388 : i32 to vector<16xi32>
      %lt3A_4390 = arith.cmpi slt, %xor3A_4387, %lt3A_4389 : vector<16xi32>
      %add3A_4391 = arith.constant 16 : i32
      %add3A_4392 = vector.broadcast %add3A_4391 : i32 to vector<16xi32>
      %add3A_4393 = arith.addi %xor3A_4387, %add3A_4392 : vector<16xi32>
      %select_n3A_4394 = arith.select %lt3A_4390, %add3A_4393, %xor3A_4387 : vector<16xi1>, vector<16xi32>
      %broadcast_in_dim3A_4395 = vector.shape_cast %select_n3A_4394 : vector<16xi32> to vector<16x1xi32>
      %gather3A_4396 = vector.shape_cast %broadcast_in_dim3A_4395 : vector<16x1xi32> to vector<16xi32>
      %gather3A_4397 = tpu.dynamic_gather %select_n3A_4230[%gather3A_4396] in [0] : vector<16xf32>, vector<16xi32> -> vector<16xf32>
      %and3A_4398 = arith.constant 1 : i32
      %and3A_4399 = vector.broadcast %and3A_4398 : i32 to vector<16xi32>
      %and3A_4400 = arith.andi %iota3A_154, %and3A_4399 : vector<16xi32>
      %eq3A_4401 = arith.constant 0 : i32
      %eq3A_4402 = vector.broadcast %eq3A_4401 : i32 to vector<16xi32>
      %eq3A_4403 = arith.cmpi eq, %and3A_4400, %eq3A_4402 : vector<16xi32>
      %min3A_4404 = arith.minimumf %select_n3A_4230, %gather3A_4397 : vector<16xf32>
      %max3A_4405 = arith.maximumf %select_n3A_4230, %gather3A_4397 : vector<16xf32>
      %select_n3A_4406 = arith.select %eq3A_4403, %min3A_4404, %max3A_4405 : vector<16xi1>, vector<16xf32>
      %broadcast_in_dim3A_4407 = arith.constant 0 : i32
      %broadcast_in_dim3A_4408 = vector.broadcast %broadcast_in_dim3A_4407 : i32 to vector<16xi32>
      %lt3A_4409 = arith.constant 0 : i32
      %lt3A_4410 = vector.broadcast %lt3A_4409 : i32 to vector<16xi32>
      %lt3A_4411 = arith.cmpi slt, %broadcast_in_dim3A_4408, %lt3A_4410 : vector<16xi32>
      %add3A_4412 = arith.constant 16 : i32
      %add3A_4413 = vector.broadcast %add3A_4412 : i32 to vector<16xi32>
      %add3A_4414 = arith.addi %broadcast_in_dim3A_4408, %add3A_4413 : vector<16xi32>
      %select_n3A_4415 = arith.select %lt3A_4411, %add3A_4414, %broadcast_in_dim3A_4408 : vector<16xi1>, vector<16xi32>
      %broadcast_in_dim3A_4416 = vector.shape_cast %select_n3A_4415 : vector<16xi32> to vector<16x1xi32>
      %gather3A_4417 = vector.shape_cast %broadcast_in_dim3A_4416 : vector<16x1xi32> to vector<16xi32>
      %gather3A_4418 = tpu.dynamic_gather %select_n3A_4296[%gather3A_4417] in [0] : vector<16xf32>, vector<16xi32> -> vector<16xf32>
      %and3A_4419 = arith.constant 15 : i32
      %and3A_4420 = arith.andi %scan3A_41, %and3A_4419 : i32
      %eq3A_4421 = vector.broadcast %and3A_4420 : i32 to vector<16xi32>
      %eq3A_4422 = arith.cmpi eq, %iota3A, %eq3A_4421 : vector<16xi32>
      %select_n3A_4423 = arith.select %eq3A_4422, %gather3A_4418, %scan3A_42 : vector<16xi1>, vector<16xf32>
      %jit3A_4424 = arith.constant 16 : i32
      %div3A_4425 = arith.divsi %scan3A_41, %jit3A_4424 : i32
      %sign3A_4426 = arith.constant 0 : i32
      %sign3A_4427 = arith.cmpi sgt, %scan3A_41, %sign3A_4426 : i32
      %sign3A_4428 = arith.extui %sign3A_4427 : i1 to i32
      %sign3A_4429 = arith.constant 0 : i32
      %sign3A_4430 = arith.cmpi slt, %scan3A_41, %sign3A_4429 : i32
      %sign3A_4431 = arith.extui %sign3A_4430 : i1 to i32
      %sign3A_4432 = arith.subi %sign3A_4428, %sign3A_4431 : i32
      %sign3A_4433 = arith.constant 0 : i32
      %sign3A_4434 = arith.cmpi sgt, %jit3A_4424, %sign3A_4433 : i32
      %sign3A_4435 = arith.extui %sign3A_4434 : i1 to i32
      %sign3A_4436 = arith.constant 0 : i32
      %sign3A_4437 = arith.cmpi slt, %jit3A_4424, %sign3A_4436 : i32
      %sign3A_4438 = arith.extui %sign3A_4437 : i1 to i32
      %sign3A_4439 = arith.subi %sign3A_4435, %sign3A_4438 : i32
      %ne3A_4440 = arith.cmpi ne, %sign3A_4432, %sign3A_4439 : i32
      %rem3A_4441 = arith.remsi %scan3A_41, %jit3A_4424 : i32
      %ne3A_4442 = arith.constant 0 : i32
      %ne3A_4443 = arith.cmpi ne, %rem3A_4441, %ne3A_4442 : i32
      %and3A_4444 = arith.andi %ne3A_4440, %ne3A_4443 : i1
      %sub3A_4445 = arith.constant 1 : i32
      %sub3A_4446 = arith.subi %div3A_4425, %sub3A_4445 : i32
      %select_n3A_4447 = arith.select %and3A_4444, %sub3A_4446, %div3A_4425 : i32
      %mul3A_4448 = arith.constant 16 : i32
      %mul3A_4449 = arith.muli %select_n3A_4447, %mul3A_4448 : i32
      %swap3A = arith.index_cast %mul3A_4449 : i32 to index
      %swap3A_4450 = tpu.vector_load %arg5[%swap3A] {strides = array<i32>} : memref<256xf32, #tpu.memory_space<vmem>>, vector<16xf32>,
      %swap3A_4451 = vector.shape_cast %swap3A_4450 : vector<16xf32> to vector<16xf32>
      %swap3A_4452 = vector.shape_cast %select_n3A_4423 : vector<16xf32> to vector<16xf32>
      tpu.vector_store %arg5[%swap3A], %swap3A_4452 {strides = array<i32>} : memref<256xf32, #tpu.memory_space<vmem>>, vector<16xf32>,
      scf.yield %select_n3A_4423 : vector<16xf32>
    }
    %scan3A_40 = arith.constant 256 : i32
    "tpu.region"() ({
      %run_scoped3A = tpu.sem_alloc : memref<!tpu.dma_semaphore, #tpu.memory_space<semaphore_mem>>
      %dma_start3A = tpu.memref_slice %arg3[%select_n3A, %mul3A_32] : memref<4x2048xf32, #tpu.memory_space<hbm>> -> memref<1x256xf32, #tpu.memory_space<hbm>>
      %dma_start3A_41 = tpu.memref_squeeze %dma_start3A : memref<1x256xf32, #tpu.memory_space<hbm>> -> memref<256xf32, #tpu.memory_space<hbm>>
      %dma_start3A_42 = tpu.memref_slice %arg3[%select_n3A, %mul3A_32] : memref<4x2048xf32, #tpu.memory_space<hbm>> -> memref<1x256xf32, #tpu.memory_space<hbm>>
      %dma_start3A_43 = tpu.memref_squeeze %dma_start3A_42 : memref<1x256xf32, #tpu.memory_space<hbm>> -> memref<256xf32, #tpu.memory_space<hbm>>
      tpu.enqueue_dma source(%arg5 : memref<256xf32, #tpu.memory_space<vmem>>) target(%dma_start3A_43 : memref<256xf32, #tpu.memory_space<hbm>>) target_semaphore(%run_scoped3A : memref<!tpu.dma_semaphore, #tpu.memory_space<semaphore_mem>>)
      %dma_wait3A = tpu.memref_slice %arg3[%select_n3A, %mul3A_32] : memref<4x2048xf32, #tpu.memory_space<hbm>> -> memref<1x256xf32, #tpu.memory_space<hbm>>
      %dma_wait3A_44 = tpu.memref_squeeze %dma_wait3A : memref<1x256xf32, #tpu.memory_space<hbm>> -> memref<256xf32, #tpu.memory_space<hbm>>
      %dma_wait3A_45 = tpu.memref_slice %arg3[%select_n3A, %mul3A_32] : memref<4x2048xf32, #tpu.memory_space<hbm>> -> memref<1x256xf32, #tpu.memory_space<hbm>>
      %dma_wait3A_46 = tpu.memref_squeeze %dma_wait3A_45 : memref<1x256xf32, #tpu.memory_space<hbm>> -> memref<256xf32, #tpu.memory_space<hbm>>
      tpu.wait_dma2 semaphore(%run_scoped3A : memref<!tpu.dma_semaphore, #tpu.memory_space<semaphore_mem>>) src(%arg5 : memref<256xf32, #tpu.memory_space<vmem>>) dst(%dma_wait3A_46 : memref<256xf32, #tpu.memory_space<hbm>>)
      tpu.yield
    }) : () -> ()
    return
  }
}

module attributes {stable_mosaic.version = 14 : i64} {
  func.func @_soa_kernel(%arg0: i32, %arg1: memref<1x2048x6xf32, #tpu.memory_space<vmem>>, %arg2: memref<1x8x2048xf32, #tpu.memory_space<vmem>>) attributes {dimension_semantics = [#tpu.dimension_semantics<arbitrary>], iteration_bounds = array<i64: 4>, scalar_prefetch = 0 : i64, scratch_operands = 0 : i64, tpu.core_type = #tpu.core_type<tc>, window_params = [{transform_indices = @transform_0, window_bounds = array<i64: 1, 2048, 6>}, {transform_indices = @transform_1, window_bounds = array<i64: 1, 8, 2048>}]} {
    %get3A = arith.constant 0 : index
    %get3A_0 = arith.constant 0 : index
    %get3A_1 = arith.constant 0 : index
    %get3A_2 = vector.load %arg1[%get3A, %get3A_0, %get3A_1] : memref<1x2048x6xf32, #tpu.memory_space<vmem>>, vector<1x2048x6xf32>
    %get3A_3 = vector.shape_cast %get3A_2 : vector<1x2048x6xf32> to vector<2048x6xf32>
    %transpose3A = tpu.transpose %get3A_3, [1, 0] : vector<2048x6xf32> -> vector<6x2048xf32>
    %slice3A = vector.extract_strided_slice %transpose3A {offsets = [0, 0], sizes = [1, 2048], strides = [1, 1]} : vector<6x2048xf32> to vector<1x2048xf32>
    %slice3A_4 = vector.extract_strided_slice %transpose3A {offsets = [3, 0], sizes = [1, 2048], strides = [1, 1]} : vector<6x2048xf32> to vector<1x2048xf32>
    %add3A = arith.addf %slice3A, %slice3A_4 : vector<1x2048xf32>
    %mul3A = arith.constant 5.000000e-01 : f32
    %mul3A_5 = vector.broadcast %mul3A : f32 to vector<1x2048xf32>
    %mul3A_6 = arith.mulf %add3A, %mul3A_5 : vector<1x2048xf32>
    %slice3A_7 = vector.extract_strided_slice %transpose3A {offsets = [1, 0], sizes = [1, 2048], strides = [1, 1]} : vector<6x2048xf32> to vector<1x2048xf32>
    %slice3A_8 = vector.extract_strided_slice %transpose3A {offsets = [4, 0], sizes = [1, 2048], strides = [1, 1]} : vector<6x2048xf32> to vector<1x2048xf32>
    %add3A_9 = arith.addf %slice3A_7, %slice3A_8 : vector<1x2048xf32>
    %mul3A_10 = arith.constant 5.000000e-01 : f32
    %mul3A_11 = vector.broadcast %mul3A_10 : f32 to vector<1x2048xf32>
    %mul3A_12 = arith.mulf %add3A_9, %mul3A_11 : vector<1x2048xf32>
    %slice3A_13 = vector.extract_strided_slice %transpose3A {offsets = [2, 0], sizes = [1, 2048], strides = [1, 1]} : vector<6x2048xf32> to vector<1x2048xf32>
    %slice3A_14 = vector.extract_strided_slice %transpose3A {offsets = [5, 0], sizes = [1, 2048], strides = [1, 1]} : vector<6x2048xf32> to vector<1x2048xf32>
    %add3A_15 = arith.addf %slice3A_13, %slice3A_14 : vector<1x2048xf32>
    %mul3A_16 = arith.constant 5.000000e-01 : f32
    %mul3A_17 = vector.broadcast %mul3A_16 : f32 to vector<1x2048xf32>
    %mul3A_18 = arith.mulf %add3A_15, %mul3A_17 : vector<1x2048xf32>
    %mul3A_19 = arith.mulf %mul3A_6, %mul3A_6 : vector<1x2048xf32>
    %mul3A_20 = arith.mulf %mul3A_12, %mul3A_12 : vector<1x2048xf32>
    %add3A_21 = arith.addf %mul3A_19, %mul3A_20 : vector<1x2048xf32>
    %mul3A_22 = arith.mulf %mul3A_18, %mul3A_18 : vector<1x2048xf32>
    %add3A_23 = arith.addf %add3A_21, %mul3A_22 : vector<1x2048xf32>
    %slice3A_24 = vector.extract_strided_slice %transpose3A {offsets = [0, 0], sizes = [1, 2048], strides = [1, 1]} : vector<6x2048xf32> to vector<1x2048xf32>
    %abs3A = math.absf %slice3A_24 : vector<1x2048xf32>
    %slice3A_25 = vector.extract_strided_slice %transpose3A {offsets = [1, 0], sizes = [1, 2048], strides = [1, 1]} : vector<6x2048xf32> to vector<1x2048xf32>
    %abs3A_26 = math.absf %slice3A_25 : vector<1x2048xf32>
    %add3A_27 = arith.addf %abs3A, %abs3A_26 : vector<1x2048xf32>
    %slice3A_28 = vector.extract_strided_slice %transpose3A {offsets = [2, 0], sizes = [1, 2048], strides = [1, 1]} : vector<6x2048xf32> to vector<1x2048xf32>
    %abs3A_29 = math.absf %slice3A_28 : vector<1x2048xf32>
    %add3A_30 = arith.addf %add3A_27, %abs3A_29 : vector<1x2048xf32>
    %slice3A_31 = vector.extract_strided_slice %transpose3A {offsets = [3, 0], sizes = [1, 2048], strides = [1, 1]} : vector<6x2048xf32> to vector<1x2048xf32>
    %abs3A_32 = math.absf %slice3A_31 : vector<1x2048xf32>
    %add3A_33 = arith.addf %add3A_30, %abs3A_32 : vector<1x2048xf32>
    %slice3A_34 = vector.extract_strided_slice %transpose3A {offsets = [4, 0], sizes = [1, 2048], strides = [1, 1]} : vector<6x2048xf32> to vector<1x2048xf32>
    %abs3A_35 = math.absf %slice3A_34 : vector<1x2048xf32>
    %add3A_36 = arith.addf %add3A_33, %abs3A_35 : vector<1x2048xf32>
    %slice3A_37 = vector.extract_strided_slice %transpose3A {offsets = [5, 0], sizes = [1, 2048], strides = [1, 1]} : vector<6x2048xf32> to vector<1x2048xf32>
    %abs3A_38 = math.absf %slice3A_37 : vector<1x2048xf32>
    %add3A_39 = arith.addf %add3A_36, %abs3A_38 : vector<1x2048xf32>
    %gt3A = arith.constant 0.000000e+00 : f32
    %gt3A_40 = vector.broadcast %gt3A : f32 to vector<1x2048xf32>
    %gt3A_41 = arith.cmpf ogt, %add3A_39, %gt3A_40 : vector<1x2048xf32>
    %convert_element_type3A = arith.extui %gt3A_41 : vector<1x2048xi1> to vector<1x2048xi32>
    %convert_element_type3A_42 = arith.sitofp %convert_element_type3A : vector<1x2048xi32> to vector<1x2048xf32>
    %gt3A_43 = arith.constant 5.000000e-01 : f32
    %gt3A_44 = vector.broadcast %gt3A_43 : f32 to vector<1x2048xf32>
    %gt3A_45 = arith.cmpf ogt, %convert_element_type3A_42, %gt3A_44 : vector<1x2048xf32>
    %jit3A = arith.constant 0x7F800000 : f32
    %broadcast_in_dim3A = vector.broadcast %jit3A : f32 to vector<1x2048xf32>
    %select_n3A = arith.select %gt3A_45, %add3A_23, %broadcast_in_dim3A : vector<1x2048xi1>, vector<1x2048xf32>
    %broadcast_in_dim3A_46 = arith.constant 0.000000e+00 : f32
    %broadcast_in_dim3A_47 = vector.broadcast %broadcast_in_dim3A_46 : f32 to vector<4x2048xf32>
    %concatenate3A = tpu.concatenate %mul3A_6, %mul3A_12, %mul3A_18, %select_n3A, %broadcast_in_dim3A_47 in 0 : vector<1x2048xf32>, vector<1x2048xf32>, vector<1x2048xf32>, vector<1x2048xf32>, vector<4x2048xf32> -> vector<8x2048xf32>
    %swap3A = arith.constant 0 : index
    %swap3A_48 = arith.constant 0 : index
    %swap3A_49 = arith.constant 0 : index
    %swap3A_50 = vector.load %arg2[%swap3A, %swap3A_48, %swap3A_49] : memref<1x8x2048xf32, #tpu.memory_space<vmem>>, vector<1x8x2048xf32>
    %swap3A_51 = vector.shape_cast %swap3A_50 : vector<1x8x2048xf32> to vector<8x2048xf32>
    %swap3A_52 = vector.shape_cast %concatenate3A : vector<8x2048xf32> to vector<1x8x2048xf32>
    tpu.vector_store %arg2[%swap3A, %swap3A_48, %swap3A_49], %swap3A_52 {strides = array<i32>} : memref<1x8x2048xf32, #tpu.memory_space<vmem>>, vector<1x8x2048xf32>,
    return
  }
  func.func @transform_0(%arg0: i32) -> (i32, i32, i32) {
    %c0_i32 = arith.constant 0 : i32
    %c0_i32_0 = arith.constant 0 : i32
    %c0_i32_1 = arith.constant 0 : i32
    return %arg0, %c0_i32, %c0_i32_0 : i32, i32, i32
  }
  func.func @transform_1(%arg0: i32) -> (i32, i32, i32) {
    %c0_i32 = arith.constant 0 : i32
    %c0_i32_0 = arith.constant 0 : i32
    %c0_i32_1 = arith.constant 0 : i32
    return %arg0, %c0_i32, %c0_i32_0 : i32, i32, i32
  }
}

module attributes {stable_mosaic.version = 14 : i64} {
  func.func @_aff_kernel(%arg0: i32, %arg1: i32, %arg2: memref<1x2048x6xf32, #tpu.memory_space<vmem>>, %arg3: memref<1x256x6xf32, #tpu.memory_space<vmem>>, %arg4: memref<1x2048x256xf32, #tpu.memory_space<vmem>>, %arg5: memref<1x256x256xf32, #tpu.memory_space<vmem>>, %arg6: memref<1x1xf32, #tpu.memory_space<vmem>>, %arg7: memref<1x256x2048xbf16, #tpu.memory_space<vmem>>) attributes {dimension_semantics = [#tpu.dimension_semantics<arbitrary>, #tpu.dimension_semantics<arbitrary>], iteration_bounds = array<i64: 4, 8>, scalar_prefetch = 0 : i64, scratch_operands = 0 : i64, tpu.core_type = #tpu.core_type<tc>, window_params = [{transform_indices = @transform_0, window_bounds = array<i64: 1, 2048, 6>}, {transform_indices = @transform_1, window_bounds = array<i64: 1, 256, 6>}, {transform_indices = @transform_2, window_bounds = array<i64: 1, 2048, 256>}, {transform_indices = @transform_3, window_bounds = array<i64: 1, 256, 256>}, {pipeline_mode = #tpu.pipeline_mode<synchronous>, transform_indices = @transform_4, window_bounds = array<i64: 1, 1>}, {transform_indices = @transform_5, window_bounds = array<i64: 1, 256, 2048>}]} {
    %get3A = arith.constant 0 : index
    %get3A_0 = arith.constant 0 : index
    %get3A_1 = arith.constant 0 : index
    %get3A_2 = vector.load %arg2[%get3A, %get3A_0, %get3A_1] : memref<1x2048x6xf32, #tpu.memory_space<vmem>>, vector<1x2048x6xf32>
    %get3A_3 = vector.shape_cast %get3A_2 : vector<1x2048x6xf32> to vector<2048x6xf32>
    %get3A_4 = arith.constant 0 : index
    %get3A_5 = arith.constant 0 : index
    %get3A_6 = arith.constant 0 : index
    %get3A_7 = vector.load %arg3[%get3A_4, %get3A_5, %get3A_6] : memref<1x256x6xf32, #tpu.memory_space<vmem>>, vector<1x256x6xf32>
    %get3A_8 = vector.shape_cast %get3A_7 : vector<1x256x6xf32> to vector<256x6xf32>
    %slice3A = vector.extract_strided_slice %get3A_8 {offsets = [0, 0], sizes = [256, 1], strides = [1, 1]} : vector<256x6xf32> to vector<256x1xf32>
    %slice3A_9 = vector.extract_strided_slice %get3A_8 {offsets = [0, 3], sizes = [256, 1], strides = [1, 1]} : vector<256x6xf32> to vector<256x1xf32>
    %add3A = arith.addf %slice3A, %slice3A_9 : vector<256x1xf32>
    %mul3A = arith.constant 5.000000e-01 : f32
    %mul3A_10 = vector.broadcast %mul3A : f32 to vector<256x1xf32>
    %mul3A_11 = arith.mulf %add3A, %mul3A_10 : vector<256x1xf32>
    %slice3A_12 = vector.extract_strided_slice %get3A_8 {offsets = [0, 1], sizes = [256, 1], strides = [1, 1]} : vector<256x6xf32> to vector<256x1xf32>
    %slice3A_13 = vector.extract_strided_slice %get3A_8 {offsets = [0, 4], sizes = [256, 1], strides = [1, 1]} : vector<256x6xf32> to vector<256x1xf32>
    %add3A_14 = arith.addf %slice3A_12, %slice3A_13 : vector<256x1xf32>
    %mul3A_15 = arith.constant 5.000000e-01 : f32
    %mul3A_16 = vector.broadcast %mul3A_15 : f32 to vector<256x1xf32>
    %mul3A_17 = arith.mulf %add3A_14, %mul3A_16 : vector<256x1xf32>
    %slice3A_18 = vector.extract_strided_slice %get3A_8 {offsets = [0, 2], sizes = [256, 1], strides = [1, 1]} : vector<256x6xf32> to vector<256x1xf32>
    %slice3A_19 = vector.extract_strided_slice %get3A_8 {offsets = [0, 5], sizes = [256, 1], strides = [1, 1]} : vector<256x6xf32> to vector<256x1xf32>
    %add3A_20 = arith.addf %slice3A_18, %slice3A_19 : vector<256x1xf32>
    %mul3A_21 = arith.constant 5.000000e-01 : f32
    %mul3A_22 = vector.broadcast %mul3A_21 : f32 to vector<256x1xf32>
    %mul3A_23 = arith.mulf %add3A_20, %mul3A_22 : vector<256x1xf32>
    %mul3A_24 = arith.mulf %mul3A_11, %mul3A_11 : vector<256x1xf32>
    %mul3A_25 = arith.mulf %mul3A_17, %mul3A_17 : vector<256x1xf32>
    %add3A_26 = arith.addf %mul3A_24, %mul3A_25 : vector<256x1xf32>
    %mul3A_27 = arith.mulf %mul3A_23, %mul3A_23 : vector<256x1xf32>
    %add3A_28 = arith.addf %add3A_26, %mul3A_27 : vector<256x1xf32>
    %slice3A_29 = vector.extract_strided_slice %get3A_8 {offsets = [0, 0], sizes = [256, 1], strides = [1, 1]} : vector<256x6xf32> to vector<256x1xf32>
    %abs3A = math.absf %slice3A_29 : vector<256x1xf32>
    %slice3A_30 = vector.extract_strided_slice %get3A_8 {offsets = [0, 1], sizes = [256, 1], strides = [1, 1]} : vector<256x6xf32> to vector<256x1xf32>
    %abs3A_31 = math.absf %slice3A_30 : vector<256x1xf32>
    %add3A_32 = arith.addf %abs3A, %abs3A_31 : vector<256x1xf32>
    %slice3A_33 = vector.extract_strided_slice %get3A_8 {offsets = [0, 2], sizes = [256, 1], strides = [1, 1]} : vector<256x6xf32> to vector<256x1xf32>
    %abs3A_34 = math.absf %slice3A_33 : vector<256x1xf32>
    %add3A_35 = arith.addf %add3A_32, %abs3A_34 : vector<256x1xf32>
    %slice3A_36 = vector.extract_strided_slice %get3A_8 {offsets = [0, 3], sizes = [256, 1], strides = [1, 1]} : vector<256x6xf32> to vector<256x1xf32>
    %abs3A_37 = math.absf %slice3A_36 : vector<256x1xf32>
    %add3A_38 = arith.addf %add3A_35, %abs3A_37 : vector<256x1xf32>
    %slice3A_39 = vector.extract_strided_slice %get3A_8 {offsets = [0, 4], sizes = [256, 1], strides = [1, 1]} : vector<256x6xf32> to vector<256x1xf32>
    %abs3A_40 = math.absf %slice3A_39 : vector<256x1xf32>
    %add3A_41 = arith.addf %add3A_38, %abs3A_40 : vector<256x1xf32>
    %slice3A_42 = vector.extract_strided_slice %get3A_8 {offsets = [0, 5], sizes = [256, 1], strides = [1, 1]} : vector<256x6xf32> to vector<256x1xf32>
    %abs3A_43 = math.absf %slice3A_42 : vector<256x1xf32>
    %add3A_44 = arith.addf %add3A_41, %abs3A_43 : vector<256x1xf32>
    %gt3A = arith.constant 0.000000e+00 : f32
    %gt3A_45 = vector.broadcast %gt3A : f32 to vector<256x1xf32>
    %gt3A_46 = arith.cmpf ogt, %add3A_44, %gt3A_45 : vector<256x1xf32>
    %convert_element_type3A = arith.extui %gt3A_46 : vector<256x1xi1> to vector<256x1xi32>
    %convert_element_type3A_47 = arith.sitofp %convert_element_type3A : vector<256x1xi32> to vector<256x1xf32>
    %gt3A_48 = arith.constant 5.000000e-01 : f32
    %gt3A_49 = vector.broadcast %gt3A_48 : f32 to vector<256x1xf32>
    %gt3A_50 = arith.cmpf ogt, %convert_element_type3A_47, %gt3A_49 : vector<256x1xf32>
    %jit3A = arith.constant 0x7F800000 : f32
    %broadcast_in_dim3A = vector.broadcast %jit3A : f32 to vector<256x1xf32>
    %select_n3A = arith.select %gt3A_50, %add3A_28, %broadcast_in_dim3A : vector<256x1xi1>, vector<256x1xf32>
    %transpose3A = tpu.transpose %get3A_3, [1, 0] : vector<2048x6xf32> -> vector<6x2048xf32>
    %slice3A_51 = vector.extract_strided_slice %transpose3A {offsets = [0, 0], sizes = [1, 2048], strides = [1, 1]} : vector<6x2048xf32> to vector<1x2048xf32>
    %slice3A_52 = vector.extract_strided_slice %transpose3A {offsets = [3, 0], sizes = [1, 2048], strides = [1, 1]} : vector<6x2048xf32> to vector<1x2048xf32>
    %add3A_53 = arith.addf %slice3A_51, %slice3A_52 : vector<1x2048xf32>
    %mul3A_54 = arith.constant 5.000000e-01 : f32
    %mul3A_55 = vector.broadcast %mul3A_54 : f32 to vector<1x2048xf32>
    %mul3A_56 = arith.mulf %add3A_53, %mul3A_55 : vector<1x2048xf32>
    %slice3A_57 = vector.extract_strided_slice %transpose3A {offsets = [1, 0], sizes = [1, 2048], strides = [1, 1]} : vector<6x2048xf32> to vector<1x2048xf32>
    %slice3A_58 = vector.extract_strided_slice %transpose3A {offsets = [4, 0], sizes = [1, 2048], strides = [1, 1]} : vector<6x2048xf32> to vector<1x2048xf32>
    %add3A_59 = arith.addf %slice3A_57, %slice3A_58 : vector<1x2048xf32>
    %mul3A_60 = arith.constant 5.000000e-01 : f32
    %mul3A_61 = vector.broadcast %mul3A_60 : f32 to vector<1x2048xf32>
    %mul3A_62 = arith.mulf %add3A_59, %mul3A_61 : vector<1x2048xf32>
    %slice3A_63 = vector.extract_strided_slice %transpose3A {offsets = [2, 0], sizes = [1, 2048], strides = [1, 1]} : vector<6x2048xf32> to vector<1x2048xf32>
    %slice3A_64 = vector.extract_strided_slice %transpose3A {offsets = [5, 0], sizes = [1, 2048], strides = [1, 1]} : vector<6x2048xf32> to vector<1x2048xf32>
    %add3A_65 = arith.addf %slice3A_63, %slice3A_64 : vector<1x2048xf32>
    %mul3A_66 = arith.constant 5.000000e-01 : f32
    %mul3A_67 = vector.broadcast %mul3A_66 : f32 to vector<1x2048xf32>
    %mul3A_68 = arith.mulf %add3A_65, %mul3A_67 : vector<1x2048xf32>
    %mul3A_69 = arith.mulf %mul3A_56, %mul3A_56 : vector<1x2048xf32>
    %mul3A_70 = arith.mulf %mul3A_62, %mul3A_62 : vector<1x2048xf32>
    %add3A_71 = arith.addf %mul3A_69, %mul3A_70 : vector<1x2048xf32>
    %mul3A_72 = arith.mulf %mul3A_68, %mul3A_68 : vector<1x2048xf32>
    %add3A_73 = arith.addf %add3A_71, %mul3A_72 : vector<1x2048xf32>
    %slice3A_74 = vector.extract_strided_slice %transpose3A {offsets = [0, 0], sizes = [1, 2048], strides = [1, 1]} : vector<6x2048xf32> to vector<1x2048xf32>
    %abs3A_75 = math.absf %slice3A_74 : vector<1x2048xf32>
    %slice3A_76 = vector.extract_strided_slice %transpose3A {offsets = [1, 0], sizes = [1, 2048], strides = [1, 1]} : vector<6x2048xf32> to vector<1x2048xf32>
    %abs3A_77 = math.absf %slice3A_76 : vector<1x2048xf32>
    %add3A_78 = arith.addf %abs3A_75, %abs3A_77 : vector<1x2048xf32>
    %slice3A_79 = vector.extract_strided_slice %transpose3A {offsets = [2, 0], sizes = [1, 2048], strides = [1, 1]} : vector<6x2048xf32> to vector<1x2048xf32>
    %abs3A_80 = math.absf %slice3A_79 : vector<1x2048xf32>
    %add3A_81 = arith.addf %add3A_78, %abs3A_80 : vector<1x2048xf32>
    %slice3A_82 = vector.extract_strided_slice %transpose3A {offsets = [3, 0], sizes = [1, 2048], strides = [1, 1]} : vector<6x2048xf32> to vector<1x2048xf32>
    %abs3A_83 = math.absf %slice3A_82 : vector<1x2048xf32>
    %add3A_84 = arith.addf %add3A_81, %abs3A_83 : vector<1x2048xf32>
    %slice3A_85 = vector.extract_strided_slice %transpose3A {offsets = [4, 0], sizes = [1, 2048], strides = [1, 1]} : vector<6x2048xf32> to vector<1x2048xf32>
    %abs3A_86 = math.absf %slice3A_85 : vector<1x2048xf32>
    %add3A_87 = arith.addf %add3A_84, %abs3A_86 : vector<1x2048xf32>
    %slice3A_88 = vector.extract_strided_slice %transpose3A {offsets = [5, 0], sizes = [1, 2048], strides = [1, 1]} : vector<6x2048xf32> to vector<1x2048xf32>
    %abs3A_89 = math.absf %slice3A_88 : vector<1x2048xf32>
    %add3A_90 = arith.addf %add3A_87, %abs3A_89 : vector<1x2048xf32>
    %gt3A_91 = arith.constant 0.000000e+00 : f32
    %gt3A_92 = vector.broadcast %gt3A_91 : f32 to vector<1x2048xf32>
    %gt3A_93 = arith.cmpf ogt, %add3A_90, %gt3A_92 : vector<1x2048xf32>
    %convert_element_type3A_94 = arith.extui %gt3A_93 : vector<1x2048xi1> to vector<1x2048xi32>
    %convert_element_type3A_95 = arith.sitofp %convert_element_type3A_94 : vector<1x2048xi32> to vector<1x2048xf32>
    %gt3A_96 = arith.constant 5.000000e-01 : f32
    %gt3A_97 = vector.broadcast %gt3A_96 : f32 to vector<1x2048xf32>
    %gt3A_98 = arith.cmpf ogt, %convert_element_type3A_95, %gt3A_97 : vector<1x2048xf32>
    %jit3A_99 = arith.constant 0x7F800000 : f32
    %broadcast_in_dim3A_100 = vector.broadcast %jit3A_99 : f32 to vector<1x2048xf32>
    %select_n3A_101 = arith.select %gt3A_98, %add3A_73, %broadcast_in_dim3A_100 : vector<1x2048xi1>, vector<1x2048xf32>
    %mul3A_102 = vector.broadcast %mul3A_56 : vector<1x2048xf32> to vector<256x2048xf32>
    %mul3A_103 = vector.broadcast %mul3A_11 : vector<256x1xf32> to vector<256x2048xf32>
    %mul3A_104 = arith.mulf %mul3A_102, %mul3A_103 : vector<256x2048xf32>
    %mul3A_105 = vector.broadcast %mul3A_62 : vector<1x2048xf32> to vector<256x2048xf32>
    %mul3A_106 = vector.broadcast %mul3A_17 : vector<256x1xf32> to vector<256x2048xf32>
    %mul3A_107 = arith.mulf %mul3A_105, %mul3A_106 : vector<256x2048xf32>
    %add3A_108 = arith.addf %mul3A_104, %mul3A_107 : vector<256x2048xf32>
    %mul3A_109 = vector.broadcast %mul3A_68 : vector<1x2048xf32> to vector<256x2048xf32>
    %mul3A_110 = vector.broadcast %mul3A_23 : vector<256x1xf32> to vector<256x2048xf32>
    %mul3A_111 = arith.mulf %mul3A_109, %mul3A_110 : vector<256x2048xf32>
    %add3A_112 = arith.addf %add3A_108, %mul3A_111 : vector<256x2048xf32>
    %add3A_113 = arith.addf %add3A_112, %add3A_112 : vector<256x2048xf32>
    %sub3A = vector.broadcast %select_n3A : vector<256x1xf32> to vector<256x2048xf32>
    %sub3A_114 = arith.subf %sub3A, %add3A_113 : vector<256x2048xf32>
    %add3A_115 = vector.broadcast %select_n3A_101 : vector<1x2048xf32> to vector<256x2048xf32>
    %add3A_116 = arith.addf %sub3A_114, %add3A_115 : vector<256x2048xf32>
    %max3A = arith.constant 0.000000e+00 : f32
    %max3A_117 = vector.broadcast %max3A : f32 to vector<256x2048xf32>
    %max3A_118 = arith.maximumf %add3A_116, %max3A_117 : vector<256x2048xf32>
    %get3A_119 = arith.constant 0 : index
    %get3A_120 = arith.constant 0 : index
    %get3A_121 = vector.load %arg6[%get3A_119, %get3A_120] : memref<1x1xf32, #tpu.memory_space<vmem>>, vector<1x1xf32>
    %get3A_122 = vector.extract %get3A_121[0, 0] : f32 from vector<1x1xf32>
    %is_finite3A = tpu.weird %max3A_118 : vector<256x2048xf32> -> vector<256x2048xi1>
    %is_finite3A_123 = arith.constant dense<true> : vector<256x2048xi1>
    %is_finite3A_124 = arith.xori %is_finite3A, %is_finite3A_123 : vector<256x2048xi1>
    %jit3A_125 = arith.constant 0.000000e+00 : f32
    %broadcast_in_dim3A_126 = vector.broadcast %jit3A_125 : f32 to vector<256x2048xf32>
    %select_n3A_127 = arith.select %is_finite3A_124, %max3A_118, %broadcast_in_dim3A_126 : vector<256x2048xi1>, vector<256x2048xf32>
    %mul3A_128 = arith.mulf %get3A_122, %get3A_122 : f32
    %div3A = arith.constant -5.000000e-01 : f32
    %div3A_129 = arith.divf %div3A, %mul3A_128 : f32
    %mul3A_130 = vector.broadcast %div3A_129 : f32 to vector<256x2048xf32>
    %mul3A_131 = arith.mulf %select_n3A_127, %mul3A_130 : vector<256x2048xf32>
    %exp3A = math.exp %mul3A_131 : vector<256x2048xf32>
    %get3A_132 = arith.constant 0 : index
    %get3A_133 = arith.constant 0 : index
    %get3A_134 = arith.constant 0 : index
    %get3A_135 = vector.load %arg4[%get3A_132, %get3A_133, %get3A_134] : memref<1x2048x256xf32, #tpu.memory_space<vmem>>, vector<1x2048x256xf32>
    %get3A_136 = vector.shape_cast %get3A_135 : vector<1x2048x256xf32> to vector<2048x256xf32>
    %get3A_137 = arith.constant 0 : index
    %get3A_138 = arith.constant 0 : index
    %get3A_139 = arith.constant 0 : index
    %get3A_140 = vector.load %arg5[%get3A_137, %get3A_138, %get3A_139] : memref<1x256x256xf32, #tpu.memory_space<vmem>>, vector<1x256x256xf32>
    %get3A_141 = vector.shape_cast %get3A_140 : vector<1x256x256xf32> to vector<256x256xf32>
    %mul3A_142 = arith.mulf %get3A_136, %get3A_136 : vector<2048x256xf32>
    %reduce_sum3A = arith.constant dense<0.000000e+00> : vector<2048xf32>
    %reduce_sum3A_143 = vector.multi_reduction <add>, %mul3A_142, %reduce_sum3A [1] : vector<2048x256xf32> to vector<2048xf32>
    %broadcast_in_dim3A_144 = vector.shape_cast %reduce_sum3A_143 : vector<2048xf32> to vector<2048x1xf32>
    %sqrt3A = math.sqrt %broadcast_in_dim3A_144 : vector<2048x1xf32>
    %mul3A_145 = arith.mulf %get3A_141, %get3A_141 : vector<256x256xf32>
    %reduce_sum3A_146 = arith.constant dense<0.000000e+00> : vector<256xf32>
    %reduce_sum3A_147 = vector.multi_reduction <add>, %mul3A_145, %reduce_sum3A_146 [1] : vector<256x256xf32> to vector<256xf32>
    %broadcast_in_dim3A_148 = vector.shape_cast %reduce_sum3A_147 : vector<256xf32> to vector<256x1xf32>
    %sqrt3A_149 = math.sqrt %broadcast_in_dim3A_148 : vector<256x1xf32>
    %max3A_150 = arith.constant 9.99999997E-7 : f32
    %max3A_151 = vector.broadcast %max3A_150 : f32 to vector<2048x1xf32>
    %max3A_152 = arith.maximumf %sqrt3A, %max3A_151 : vector<2048x1xf32>
    %div3A_153 = vector.broadcast %max3A_152 : vector<2048x1xf32> to vector<2048x256xf32>
    %div3A_154 = arith.divf %get3A_136, %div3A_153 : vector<2048x256xf32>
    %max3A_155 = arith.constant 9.99999997E-7 : f32
    %max3A_156 = vector.broadcast %max3A_155 : f32 to vector<256x1xf32>
    %max3A_157 = arith.maximumf %sqrt3A_149, %max3A_156 : vector<256x1xf32>
    %div3A_158 = vector.broadcast %max3A_157 : vector<256x1xf32> to vector<256x256xf32>
    %div3A_159 = arith.divf %get3A_141, %div3A_158 : vector<256x256xf32>
    %convert_element_type3A_160 = arith.truncf %div3A_159 : vector<256x256xf32> to vector<256x256xbf16>
    %convert_element_type3A_161 = arith.truncf %div3A_154 : vector<2048x256xf32> to vector<2048x256xbf16>
    %dot_general3A = arith.constant dense<0.000000e+00> : vector<256x2048xf32>
    %dot_general3A_162 = tpu.matmul %convert_element_type3A_160, %convert_element_type3A_161, %dot_general3A {dimension_numbers = #tpu.dot_dimension_numbers<[1], [1], [0], [0], [0, 0, 1, 0], [], []>, transpose_lhs_hint = false} : vector<256x256xbf16>, vector<2048x256xbf16>, vector<256x2048xf32> -> vector<256x2048xf32>
    %add3A_163 = arith.constant 1.000000e+00 : f32
    %add3A_164 = vector.broadcast %add3A_163 : f32 to vector<256x2048xf32>
    %add3A_165 = arith.addf %dot_general3A_162, %add3A_164 : vector<256x2048xf32>
    %mul3A_166 = arith.constant 5.000000e-01 : f32
    %mul3A_167 = vector.broadcast %mul3A_166 : f32 to vector<256x2048xf32>
    %mul3A_168 = arith.mulf %add3A_165, %mul3A_167 : vector<256x2048xf32>
    %jit3A_169 = arith.constant 0.000000e+00 : f32
    %jit3A_170 = arith.constant 1.000000e+00 : f32
    %max3A_171 = vector.broadcast %jit3A_169 : f32 to vector<256x2048xf32>
    %max3A_172 = arith.maximumf %max3A_171, %mul3A_168 : vector<256x2048xf32>
    %min3A = vector.broadcast %jit3A_170 : f32 to vector<256x2048xf32>
    %min3A_173 = arith.minimumf %min3A, %max3A_172 : vector<256x2048xf32>
    %mul3A_174 = arith.mulf %exp3A, %min3A_173 : vector<256x2048xf32>
    %convert_element_type3A_175 = arith.truncf %mul3A_174 : vector<256x2048xf32> to vector<256x2048xbf16>
    %swap3A = arith.constant 0 : index
    %swap3A_176 = arith.constant 0 : index
    %swap3A_177 = arith.constant 0 : index
    %swap3A_178 = vector.load %arg7[%swap3A, %swap3A_176, %swap3A_177] : memref<1x256x2048xbf16, #tpu.memory_space<vmem>>, vector<1x256x2048xbf16>
    %swap3A_179 = vector.shape_cast %swap3A_178 : vector<1x256x2048xbf16> to vector<256x2048xbf16>
    %swap3A_180 = vector.shape_cast %convert_element_type3A_175 : vector<256x2048xbf16> to vector<1x256x2048xbf16>
    tpu.vector_store %arg7[%swap3A, %swap3A_176, %swap3A_177], %swap3A_180 {strides = array<i32>} : memref<1x256x2048xbf16, #tpu.memory_space<vmem>>, vector<1x256x2048xbf16>,
    return
  }
  func.func @transform_0(%arg0: i32, %arg1: i32) -> (i32, i32, i32) {
    %c0_i32 = arith.constant 0 : i32
    %c0_i32_0 = arith.constant 0 : i32
    %c0_i32_1 = arith.constant 0 : i32
    return %arg0, %c0_i32, %c0_i32_0 : i32, i32, i32
  }
  func.func @transform_1(%arg0: i32, %arg1: i32) -> (i32, i32, i32) {
    %c0_i32 = arith.constant 0 : i32
    %c0_i32_0 = arith.constant 0 : i32
    return %arg0, %arg1, %c0_i32 : i32, i32, i32
  }
  func.func @transform_2(%arg0: i32, %arg1: i32) -> (i32, i32, i32) {
    %c0_i32 = arith.constant 0 : i32
    %c0_i32_0 = arith.constant 0 : i32
    %c0_i32_1 = arith.constant 0 : i32
    return %arg0, %c0_i32, %c0_i32_0 : i32, i32, i32
  }
  func.func @transform_3(%arg0: i32, %arg1: i32) -> (i32, i32, i32) {
    %c0_i32 = arith.constant 0 : i32
    %c0_i32_0 = arith.constant 0 : i32
    return %arg0, %arg1, %c0_i32 : i32, i32, i32
  }
  func.func @transform_4(%arg0: i32, %arg1: i32) -> (i32, i32) {
    %c0_i32 = arith.constant 0 : i32
    %c0_i32_0 = arith.constant 0 : i32
    %c0_i32_1 = arith.constant 0 : i32
    return %c0_i32, %c0_i32_0 : i32, i32
  }
  func.func @transform_5(%arg0: i32, %arg1: i32) -> (i32, i32, i32) {
    %c0_i32 = arith.constant 0 : i32
    %c0_i32_0 = arith.constant 0 : i32
    return %arg0, %arg1, %c0_i32 : i32, i32, i32
  }
}

module attributes {stable_mosaic.version = 14 : i64} {
  func.func @_weights_kernel(%arg0: i32, %arg1: i32, %arg2: memref<1x2048x6xf32, #tpu.memory_space<vmem>>, %arg3: memref<1x256x6xf32, #tpu.memory_space<vmem>>, %arg4: memref<1x256x2048xbf16, #tpu.memory_space<vmem>>, %arg5: memref<1x2048x1xf32, #tpu.memory_space<vmem>>, %arg6: memref<1x256x1xf32, #tpu.memory_space<vmem>>, %arg7: memref<1x256x2048xbf16, #tpu.memory_space<vmem>>) attributes {dimension_semantics = [#tpu.dimension_semantics<arbitrary>, #tpu.dimension_semantics<arbitrary>], iteration_bounds = array<i64: 4, 8>, scalar_prefetch = 0 : i64, scratch_operands = 0 : i64, tpu.core_type = #tpu.core_type<tc>, window_params = [{transform_indices = @transform_0, window_bounds = array<i64: 1, 2048, 6>}, {transform_indices = @transform_1, window_bounds = array<i64: 1, 256, 6>}, {transform_indices = @transform_2, window_bounds = array<i64: 1, 256, 2048>}, {transform_indices = @transform_3, window_bounds = array<i64: 1, 2048, 1>}, {transform_indices = @transform_4, window_bounds = array<i64: 1, 256, 1>}, {transform_indices = @transform_5, window_bounds = array<i64: 1, 256, 2048>}]} {
    %get3A = arith.constant 0 : index
    %get3A_0 = arith.constant 0 : index
    %get3A_1 = arith.constant 0 : index
    %get3A_2 = vector.load %arg2[%get3A, %get3A_0, %get3A_1] : memref<1x2048x6xf32, #tpu.memory_space<vmem>>, vector<1x2048x6xf32>
    %get3A_3 = vector.shape_cast %get3A_2 : vector<1x2048x6xf32> to vector<2048x6xf32>
    %get3A_4 = arith.constant 0 : index
    %get3A_5 = arith.constant 0 : index
    %get3A_6 = arith.constant 0 : index
    %get3A_7 = vector.load %arg3[%get3A_4, %get3A_5, %get3A_6] : memref<1x256x6xf32, #tpu.memory_space<vmem>>, vector<1x256x6xf32>
    %get3A_8 = vector.shape_cast %get3A_7 : vector<1x256x6xf32> to vector<256x6xf32>
    %slice3A = vector.extract_strided_slice %get3A_8 {offsets = [0, 0], sizes = [256, 1], strides = [1, 1]} : vector<256x6xf32> to vector<256x1xf32>
    %slice3A_9 = vector.extract_strided_slice %get3A_8 {offsets = [0, 3], sizes = [256, 1], strides = [1, 1]} : vector<256x6xf32> to vector<256x1xf32>
    %add3A = arith.addf %slice3A, %slice3A_9 : vector<256x1xf32>
    %mul3A = arith.constant 5.000000e-01 : f32
    %mul3A_10 = vector.broadcast %mul3A : f32 to vector<256x1xf32>
    %mul3A_11 = arith.mulf %add3A, %mul3A_10 : vector<256x1xf32>
    %slice3A_12 = vector.extract_strided_slice %get3A_8 {offsets = [0, 1], sizes = [256, 1], strides = [1, 1]} : vector<256x6xf32> to vector<256x1xf32>
    %slice3A_13 = vector.extract_strided_slice %get3A_8 {offsets = [0, 4], sizes = [256, 1], strides = [1, 1]} : vector<256x6xf32> to vector<256x1xf32>
    %add3A_14 = arith.addf %slice3A_12, %slice3A_13 : vector<256x1xf32>
    %mul3A_15 = arith.constant 5.000000e-01 : f32
    %mul3A_16 = vector.broadcast %mul3A_15 : f32 to vector<256x1xf32>
    %mul3A_17 = arith.mulf %add3A_14, %mul3A_16 : vector<256x1xf32>
    %slice3A_18 = vector.extract_strided_slice %get3A_8 {offsets = [0, 2], sizes = [256, 1], strides = [1, 1]} : vector<256x6xf32> to vector<256x1xf32>
    %slice3A_19 = vector.extract_strided_slice %get3A_8 {offsets = [0, 5], sizes = [256, 1], strides = [1, 1]} : vector<256x6xf32> to vector<256x1xf32>
    %add3A_20 = arith.addf %slice3A_18, %slice3A_19 : vector<256x1xf32>
    %mul3A_21 = arith.constant 5.000000e-01 : f32
    %mul3A_22 = vector.broadcast %mul3A_21 : f32 to vector<256x1xf32>
    %mul3A_23 = arith.mulf %add3A_20, %mul3A_22 : vector<256x1xf32>
    %mul3A_24 = arith.mulf %mul3A_11, %mul3A_11 : vector<256x1xf32>
    %mul3A_25 = arith.mulf %mul3A_17, %mul3A_17 : vector<256x1xf32>
    %add3A_26 = arith.addf %mul3A_24, %mul3A_25 : vector<256x1xf32>
    %mul3A_27 = arith.mulf %mul3A_23, %mul3A_23 : vector<256x1xf32>
    %add3A_28 = arith.addf %add3A_26, %mul3A_27 : vector<256x1xf32>
    %slice3A_29 = vector.extract_strided_slice %get3A_8 {offsets = [0, 0], sizes = [256, 1], strides = [1, 1]} : vector<256x6xf32> to vector<256x1xf32>
    %abs3A = math.absf %slice3A_29 : vector<256x1xf32>
    %slice3A_30 = vector.extract_strided_slice %get3A_8 {offsets = [0, 1], sizes = [256, 1], strides = [1, 1]} : vector<256x6xf32> to vector<256x1xf32>
    %abs3A_31 = math.absf %slice3A_30 : vector<256x1xf32>
    %add3A_32 = arith.addf %abs3A, %abs3A_31 : vector<256x1xf32>
    %slice3A_33 = vector.extract_strided_slice %get3A_8 {offsets = [0, 2], sizes = [256, 1], strides = [1, 1]} : vector<256x6xf32> to vector<256x1xf32>
    %abs3A_34 = math.absf %slice3A_33 : vector<256x1xf32>
    %add3A_35 = arith.addf %add3A_32, %abs3A_34 : vector<256x1xf32>
    %slice3A_36 = vector.extract_strided_slice %get3A_8 {offsets = [0, 3], sizes = [256, 1], strides = [1, 1]} : vector<256x6xf32> to vector<256x1xf32>
    %abs3A_37 = math.absf %slice3A_36 : vector<256x1xf32>
    %add3A_38 = arith.addf %add3A_35, %abs3A_37 : vector<256x1xf32>
    %slice3A_39 = vector.extract_strided_slice %get3A_8 {offsets = [0, 4], sizes = [256, 1], strides = [1, 1]} : vector<256x6xf32> to vector<256x1xf32>
    %abs3A_40 = math.absf %slice3A_39 : vector<256x1xf32>
    %add3A_41 = arith.addf %add3A_38, %abs3A_40 : vector<256x1xf32>
    %slice3A_42 = vector.extract_strided_slice %get3A_8 {offsets = [0, 5], sizes = [256, 1], strides = [1, 1]} : vector<256x6xf32> to vector<256x1xf32>
    %abs3A_43 = math.absf %slice3A_42 : vector<256x1xf32>
    %add3A_44 = arith.addf %add3A_41, %abs3A_43 : vector<256x1xf32>
    %gt3A = arith.constant 0.000000e+00 : f32
    %gt3A_45 = vector.broadcast %gt3A : f32 to vector<256x1xf32>
    %gt3A_46 = arith.cmpf ogt, %add3A_44, %gt3A_45 : vector<256x1xf32>
    %convert_element_type3A = arith.extui %gt3A_46 : vector<256x1xi1> to vector<256x1xi32>
    %convert_element_type3A_47 = arith.sitofp %convert_element_type3A : vector<256x1xi32> to vector<256x1xf32>
    %gt3A_48 = arith.constant 5.000000e-01 : f32
    %gt3A_49 = vector.broadcast %gt3A_48 : f32 to vector<256x1xf32>
    %gt3A_50 = arith.cmpf ogt, %convert_element_type3A_47, %gt3A_49 : vector<256x1xf32>
    %jit3A = arith.constant 0x7F800000 : f32
    %broadcast_in_dim3A = vector.broadcast %jit3A : f32 to vector<256x1xf32>
    %select_n3A = arith.select %gt3A_50, %add3A_28, %broadcast_in_dim3A : vector<256x1xi1>, vector<256x1xf32>
    %transpose3A = tpu.transpose %get3A_3, [1, 0] : vector<2048x6xf32> -> vector<6x2048xf32>
    %slice3A_51 = vector.extract_strided_slice %transpose3A {offsets = [0, 0], sizes = [1, 2048], strides = [1, 1]} : vector<6x2048xf32> to vector<1x2048xf32>
    %slice3A_52 = vector.extract_strided_slice %transpose3A {offsets = [3, 0], sizes = [1, 2048], strides = [1, 1]} : vector<6x2048xf32> to vector<1x2048xf32>
    %add3A_53 = arith.addf %slice3A_51, %slice3A_52 : vector<1x2048xf32>
    %mul3A_54 = arith.constant 5.000000e-01 : f32
    %mul3A_55 = vector.broadcast %mul3A_54 : f32 to vector<1x2048xf32>
    %mul3A_56 = arith.mulf %add3A_53, %mul3A_55 : vector<1x2048xf32>
    %slice3A_57 = vector.extract_strided_slice %transpose3A {offsets = [1, 0], sizes = [1, 2048], strides = [1, 1]} : vector<6x2048xf32> to vector<1x2048xf32>
    %slice3A_58 = vector.extract_strided_slice %transpose3A {offsets = [4, 0], sizes = [1, 2048], strides = [1, 1]} : vector<6x2048xf32> to vector<1x2048xf32>
    %add3A_59 = arith.addf %slice3A_57, %slice3A_58 : vector<1x2048xf32>
    %mul3A_60 = arith.constant 5.000000e-01 : f32
    %mul3A_61 = vector.broadcast %mul3A_60 : f32 to vector<1x2048xf32>
    %mul3A_62 = arith.mulf %add3A_59, %mul3A_61 : vector<1x2048xf32>
    %slice3A_63 = vector.extract_strided_slice %transpose3A {offsets = [2, 0], sizes = [1, 2048], strides = [1, 1]} : vector<6x2048xf32> to vector<1x2048xf32>
    %slice3A_64 = vector.extract_strided_slice %transpose3A {offsets = [5, 0], sizes = [1, 2048], strides = [1, 1]} : vector<6x2048xf32> to vector<1x2048xf32>
    %add3A_65 = arith.addf %slice3A_63, %slice3A_64 : vector<1x2048xf32>
    %mul3A_66 = arith.constant 5.000000e-01 : f32
    %mul3A_67 = vector.broadcast %mul3A_66 : f32 to vector<1x2048xf32>
    %mul3A_68 = arith.mulf %add3A_65, %mul3A_67 : vector<1x2048xf32>
    %mul3A_69 = arith.mulf %mul3A_56, %mul3A_56 : vector<1x2048xf32>
    %mul3A_70 = arith.mulf %mul3A_62, %mul3A_62 : vector<1x2048xf32>
    %add3A_71 = arith.addf %mul3A_69, %mul3A_70 : vector<1x2048xf32>
    %mul3A_72 = arith.mulf %mul3A_68, %mul3A_68 : vector<1x2048xf32>
    %add3A_73 = arith.addf %add3A_71, %mul3A_72 : vector<1x2048xf32>
    %slice3A_74 = vector.extract_strided_slice %transpose3A {offsets = [0, 0], sizes = [1, 2048], strides = [1, 1]} : vector<6x2048xf32> to vector<1x2048xf32>
    %abs3A_75 = math.absf %slice3A_74 : vector<1x2048xf32>
    %slice3A_76 = vector.extract_strided_slice %transpose3A {offsets = [1, 0], sizes = [1, 2048], strides = [1, 1]} : vector<6x2048xf32> to vector<1x2048xf32>
    %abs3A_77 = math.absf %slice3A_76 : vector<1x2048xf32>
    %add3A_78 = arith.addf %abs3A_75, %abs3A_77 : vector<1x2048xf32>
    %slice3A_79 = vector.extract_strided_slice %transpose3A {offsets = [2, 0], sizes = [1, 2048], strides = [1, 1]} : vector<6x2048xf32> to vector<1x2048xf32>
    %abs3A_80 = math.absf %slice3A_79 : vector<1x2048xf32>
    %add3A_81 = arith.addf %add3A_78, %abs3A_80 : vector<1x2048xf32>
    %slice3A_82 = vector.extract_strided_slice %transpose3A {offsets = [3, 0], sizes = [1, 2048], strides = [1, 1]} : vector<6x2048xf32> to vector<1x2048xf32>
    %abs3A_83 = math.absf %slice3A_82 : vector<1x2048xf32>
    %add3A_84 = arith.addf %add3A_81, %abs3A_83 : vector<1x2048xf32>
    %slice3A_85 = vector.extract_strided_slice %transpose3A {offsets = [4, 0], sizes = [1, 2048], strides = [1, 1]} : vector<6x2048xf32> to vector<1x2048xf32>
    %abs3A_86 = math.absf %slice3A_85 : vector<1x2048xf32>
    %add3A_87 = arith.addf %add3A_84, %abs3A_86 : vector<1x2048xf32>
    %slice3A_88 = vector.extract_strided_slice %transpose3A {offsets = [5, 0], sizes = [1, 2048], strides = [1, 1]} : vector<6x2048xf32> to vector<1x2048xf32>
    %abs3A_89 = math.absf %slice3A_88 : vector<1x2048xf32>
    %add3A_90 = arith.addf %add3A_87, %abs3A_89 : vector<1x2048xf32>
    %gt3A_91 = arith.constant 0.000000e+00 : f32
    %gt3A_92 = vector.broadcast %gt3A_91 : f32 to vector<1x2048xf32>
    %gt3A_93 = arith.cmpf ogt, %add3A_90, %gt3A_92 : vector<1x2048xf32>
    %convert_element_type3A_94 = arith.extui %gt3A_93 : vector<1x2048xi1> to vector<1x2048xi32>
    %convert_element_type3A_95 = arith.sitofp %convert_element_type3A_94 : vector<1x2048xi32> to vector<1x2048xf32>
    %gt3A_96 = arith.constant 5.000000e-01 : f32
    %gt3A_97 = vector.broadcast %gt3A_96 : f32 to vector<1x2048xf32>
    %gt3A_98 = arith.cmpf ogt, %convert_element_type3A_95, %gt3A_97 : vector<1x2048xf32>
    %jit3A_99 = arith.constant 0x7F800000 : f32
    %broadcast_in_dim3A_100 = vector.broadcast %jit3A_99 : f32 to vector<1x2048xf32>
    %select_n3A_101 = arith.select %gt3A_98, %add3A_73, %broadcast_in_dim3A_100 : vector<1x2048xi1>, vector<1x2048xf32>
    %mul3A_102 = vector.broadcast %mul3A_56 : vector<1x2048xf32> to vector<256x2048xf32>
    %mul3A_103 = vector.broadcast %mul3A_11 : vector<256x1xf32> to vector<256x2048xf32>
    %mul3A_104 = arith.mulf %mul3A_102, %mul3A_103 : vector<256x2048xf32>
    %mul3A_105 = vector.broadcast %mul3A_62 : vector<1x2048xf32> to vector<256x2048xf32>
    %mul3A_106 = vector.broadcast %mul3A_17 : vector<256x1xf32> to vector<256x2048xf32>
    %mul3A_107 = arith.mulf %mul3A_105, %mul3A_106 : vector<256x2048xf32>
    %add3A_108 = arith.addf %mul3A_104, %mul3A_107 : vector<256x2048xf32>
    %mul3A_109 = vector.broadcast %mul3A_68 : vector<1x2048xf32> to vector<256x2048xf32>
    %mul3A_110 = vector.broadcast %mul3A_23 : vector<256x1xf32> to vector<256x2048xf32>
    %mul3A_111 = arith.mulf %mul3A_109, %mul3A_110 : vector<256x2048xf32>
    %add3A_112 = arith.addf %add3A_108, %mul3A_111 : vector<256x2048xf32>
    %add3A_113 = arith.addf %add3A_112, %add3A_112 : vector<256x2048xf32>
    %sub3A = vector.broadcast %select_n3A : vector<256x1xf32> to vector<256x2048xf32>
    %sub3A_114 = arith.subf %sub3A, %add3A_113 : vector<256x2048xf32>
    %add3A_115 = vector.broadcast %select_n3A_101 : vector<1x2048xf32> to vector<256x2048xf32>
    %add3A_116 = arith.addf %sub3A_114, %add3A_115 : vector<256x2048xf32>
    %max3A = arith.constant 0.000000e+00 : f32
    %max3A_117 = vector.broadcast %max3A : f32 to vector<256x2048xf32>
    %max3A_118 = arith.maximumf %add3A_116, %max3A_117 : vector<256x2048xf32>
    %mul3A_119 = arith.constant 256 : i32
    %mul3A_120 = arith.muli %arg1, %mul3A_119 : i32
    %iota3A = tpu.iota {dimensions = array<i32: 0>} : vector<256x2048xi32>
    %add3A_121 = vector.broadcast %mul3A_120 : i32 to vector<256x2048xi32>
    %add3A_122 = arith.addi %add3A_121, %iota3A : vector<256x2048xi32>
    %iota3A_123 = tpu.iota {dimensions = array<i32: 1>} : vector<256x2048xi32>
    %eq3A = arith.cmpi eq, %add3A_122, %iota3A_123 : vector<256x2048xi32>
    %jit3A_124 = arith.constant 0x7F800000 : f32
    %broadcast_in_dim3A_125 = vector.broadcast %jit3A_124 : f32 to vector<256x2048xf32>
    %select_n3A_126 = arith.select %eq3A, %broadcast_in_dim3A_125, %max3A_118 : vector<256x2048xi1>, vector<256x2048xf32>
    %get3A_127 = arith.constant 0 : index
    %get3A_128 = arith.constant 0 : index
    %get3A_129 = arith.constant 0 : index
    %get3A_130 = vector.load %arg6[%get3A_127, %get3A_128, %get3A_129] : memref<1x256x1xf32, #tpu.memory_space<vmem>>, vector<1x256x1xf32>
    %get3A_131 = vector.shape_cast %get3A_130 : vector<1x256x1xf32> to vector<256x1xf32>
    %get3A_132 = arith.constant 0 : index
    %get3A_133 = arith.constant 0 : index
    %get3A_134 = arith.constant 0 : index
    %get3A_135 = vector.load %arg5[%get3A_132, %get3A_133, %get3A_134] : memref<1x2048x1xf32, #tpu.memory_space<vmem>>, vector<1x2048x1xf32>
    %get3A_136 = vector.shape_cast %get3A_135 : vector<1x2048x1xf32> to vector<2048x1xf32>
    %transpose3A_137 = tpu.transpose %get3A_136, [1, 0] : vector<2048x1xf32> -> vector<1x2048xf32>
    %max3A_138 = vector.broadcast %get3A_131 : vector<256x1xf32> to vector<256x2048xf32>
    %max3A_139 = vector.broadcast %transpose3A_137 : vector<1x2048xf32> to vector<256x2048xf32>
    %max3A_140 = arith.maximumf %max3A_138, %max3A_139 : vector<256x2048xf32>
    %le3A = arith.cmpf ole, %select_n3A_126, %max3A_140 : vector<256x2048xf32>
    %is_finite3A = tpu.weird %select_n3A_126 : vector<256x2048xf32> -> vector<256x2048xi1>
    %is_finite3A_141 = arith.constant dense<true> : vector<256x2048xi1>
    %is_finite3A_142 = arith.xori %is_finite3A, %is_finite3A_141 : vector<256x2048xi1>
    %and3A = arith.andi %le3A, %is_finite3A_142 : vector<256x2048xi1>
    %get3A_143 = arith.constant 0 : index
    %get3A_144 = arith.constant 0 : index
    %get3A_145 = arith.constant 0 : index
    %get3A_146 = vector.load %arg4[%get3A_143, %get3A_144, %get3A_145] : memref<1x256x2048xbf16, #tpu.memory_space<vmem>>, vector<1x256x2048xbf16>
    %get3A_147 = vector.shape_cast %get3A_146 : vector<1x256x2048xbf16> to vector<256x2048xbf16>
    %convert_element_type3A_148 = arith.extf %get3A_147 : vector<256x2048xbf16> to vector<256x2048xf32>
    %jit3A_149 = arith.constant 0.000000e+00 : f32
    %broadcast_in_dim3A_150 = vector.broadcast %jit3A_149 : f32 to vector<256x2048xf32>
    %select_n3A_151 = arith.select %and3A, %convert_element_type3A_148, %broadcast_in_dim3A_150 : vector<256x2048xi1>, vector<256x2048xf32>
    %reduce_sum3A = arith.constant dense<0.000000e+00> : vector<256xf32>
    %reduce_sum3A_152 = vector.multi_reduction <add>, %select_n3A_151, %reduce_sum3A [1] : vector<256x2048xf32> to vector<256xf32>
    %broadcast_in_dim3A_153 = vector.shape_cast %reduce_sum3A_152 : vector<256xf32> to vector<256x1xf32>
    %max3A_154 = arith.constant 9.99999997E-7 : f32
    %max3A_155 = vector.broadcast %max3A_154 : f32 to vector<256x1xf32>
    %max3A_156 = arith.maximumf %broadcast_in_dim3A_153, %max3A_155 : vector<256x1xf32>
    %div3A = vector.broadcast %max3A_156 : vector<256x1xf32> to vector<256x2048xf32>
    %div3A_157 = arith.divf %select_n3A_151, %div3A : vector<256x2048xf32>
    %convert_element_type3A_158 = arith.truncf %div3A_157 : vector<256x2048xf32> to vector<256x2048xbf16>
    %swap3A = arith.constant 0 : index
    %swap3A_159 = arith.constant 0 : index
    %swap3A_160 = arith.constant 0 : index
    %swap3A_161 = vector.load %arg7[%swap3A, %swap3A_159, %swap3A_160] : memref<1x256x2048xbf16, #tpu.memory_space<vmem>>, vector<1x256x2048xbf16>
    %swap3A_162 = vector.shape_cast %swap3A_161 : vector<1x256x2048xbf16> to vector<256x2048xbf16>
    %swap3A_163 = vector.shape_cast %convert_element_type3A_158 : vector<256x2048xbf16> to vector<1x256x2048xbf16>
    tpu.vector_store %arg7[%swap3A, %swap3A_159, %swap3A_160], %swap3A_163 {strides = array<i32>} : memref<1x256x2048xbf16, #tpu.memory_space<vmem>>, vector<1x256x2048xbf16>,
    return
  }
  func.func @transform_0(%arg0: i32, %arg1: i32) -> (i32, i32, i32) {
    %c0_i32 = arith.constant 0 : i32
    %c0_i32_0 = arith.constant 0 : i32
    %c0_i32_1 = arith.constant 0 : i32
    return %arg0, %c0_i32, %c0_i32_0 : i32, i32, i32
  }
  func.func @transform_1(%arg0: i32, %arg1: i32) -> (i32, i32, i32) {
    %c0_i32 = arith.constant 0 : i32
    %c0_i32_0 = arith.constant 0 : i32
    return %arg0, %arg1, %c0_i32 : i32, i32, i32
  }
  func.func @transform_2(%arg0: i32, %arg1: i32) -> (i32, i32, i32) {
    %c0_i32 = arith.constant 0 : i32
    %c0_i32_0 = arith.constant 0 : i32
    return %arg0, %arg1, %c0_i32 : i32, i32, i32
  }
  func.func @transform_3(%arg0: i32, %arg1: i32) -> (i32, i32, i32) {
    %c0_i32 = arith.constant 0 : i32
    %c0_i32_0 = arith.constant 0 : i32
    %c0_i32_1 = arith.constant 0 : i32
    return %arg0, %c0_i32, %c0_i32_0 : i32, i32, i32
  }
  func.func @transform_4(%arg0: i32, %arg1: i32) -> (i32, i32, i32) {
    %c0_i32 = arith.constant 0 : i32
    %c0_i32_0 = arith.constant 0 : i32
    return %arg0, %arg1, %c0_i32 : i32, i32, i32
  }
  func.func @transform_5(%arg0: i32, %arg1: i32) -> (i32, i32, i32) {
    %c0_i32 = arith.constant 0 : i32
    %c0_i32_0 = arith.constant 0 : i32
    return %arg0, %arg1, %c0_i32 : i32, i32, i32
  }
}

module attributes {stable_mosaic.version = 14 : i64} {
  func.func @_crf_kernel(%arg0: i32, %arg1: memref<1x2048x2048xbf16, #tpu.memory_space<vmem>>, %arg2: memref<1x2048x32xf32, #tpu.memory_space<vmem>>, %arg3: memref<1x1xf32, #tpu.memory_space<vmem>>, %arg4: memref<1x2048x32xf32, #tpu.memory_space<vmem>>) attributes {dimension_semantics = [#tpu.dimension_semantics<arbitrary>], iteration_bounds = array<i64: 4>, scalar_prefetch = 0 : i64, scratch_operands = 0 : i64, tpu.core_type = #tpu.core_type<tc>, window_params = [{transform_indices = @transform_0, window_bounds = array<i64: 1, 2048, 2048>}, {transform_indices = @transform_1, window_bounds = array<i64: 1, 2048, 32>}, {pipeline_mode = #tpu.pipeline_mode<synchronous>, transform_indices = @transform_2, window_bounds = array<i64: 1, 1>}, {transform_indices = @transform_3, window_bounds = array<i64: 1, 2048, 32>}]} {
    %get3A = arith.constant 0 : index
    %get3A_0 = arith.constant 0 : index
    %get3A_1 = arith.constant 0 : index
    %get3A_2 = vector.load %arg2[%get3A, %get3A_0, %get3A_1] : memref<1x2048x32xf32, #tpu.memory_space<vmem>>, vector<1x2048x32xf32>
    %get3A_3 = vector.shape_cast %get3A_2 : vector<1x2048x32xf32> to vector<2048x32xf32>
    %get3A_4 = arith.constant 0 : index
    %get3A_5 = arith.constant 0 : index
    %get3A_6 = arith.constant 0 : index
    %get3A_7 = vector.load %arg1[%get3A_4, %get3A_5, %get3A_6] : memref<1x2048x2048xbf16, #tpu.memory_space<vmem>>, vector<1x2048x2048xbf16>
    %get3A_8 = vector.shape_cast %get3A_7 : vector<1x2048x2048xbf16> to vector<2048x2048xbf16>
    %get3A_9 = arith.constant 0 : index
    %get3A_10 = arith.constant 0 : index
    %get3A_11 = vector.load %arg3[%get3A_9, %get3A_10] : memref<1x1xf32, #tpu.memory_space<vmem>>, vector<1x1xf32>
    %get3A_12 = vector.extract %get3A_11[0, 0] : f32 from vector<1x1xf32>
    %iota3A = tpu.iota {dimensions = array<i32: 0>} : vector<32x32xi32>
    %iota3A_13 = tpu.iota {dimensions = array<i32: 1>} : vector<32x32xi32>
    %sub3A = arith.subi %iota3A, %iota3A_13 : vector<32x32xi32>
    %integer_pow3A = arith.muli %sub3A, %sub3A : vector<32x32xi32>
    %convert_element_type3A = arith.sitofp %integer_pow3A : vector<32x32xi32> to vector<32x32xf32>
    %reduce_max3A = vector.shape_cast %convert_element_type3A : vector<32x32xf32> to vector<1x32x32xf32>
    %reduce_max3A_14 = arith.constant dense<0xFF800000> : vector<1xf32>
    %reduce_max3A_15 = vector.multi_reduction <maximumf>, %reduce_max3A, %reduce_max3A_14 [1, 2] : vector<1x32x32xf32> to vector<1xf32>
    %reduce_max3A_16 = vector.shape_cast %reduce_max3A_15 : vector<1xf32> to vector<1x1x1xf32>
    %reduce_max3A_17 = vector.extract %reduce_max3A_16[0, 0, 0] : f32 from vector<1x1x1xf32>
    %max3A = arith.constant 1.000000e+00 : f32
    %max3A_18 = arith.maximumf %reduce_max3A_17, %max3A : f32
    %div3A = vector.broadcast %max3A_18 : f32 to vector<32x32xf32>
    %div3A_19 = arith.divf %convert_element_type3A, %div3A : vector<32x32xf32>
    %reduce_max3A_20 = arith.constant dense<0xFF800000> : vector<2048xf32>
    %reduce_max3A_21 = vector.multi_reduction <maximumf>, %get3A_3, %reduce_max3A_20 [1] : vector<2048x32xf32> to vector<2048xf32>
    %max3A_22 = arith.constant 0xFF800000 : f32
    %max3A_23 = vector.broadcast %max3A_22 : f32 to vector<2048xf32>
    %max3A_24 = arith.maximumf %max3A_23, %reduce_max3A_21 : vector<2048xf32>
    %broadcast_in_dim3A = vector.shape_cast %max3A_24 : vector<2048xf32> to vector<2048x1xf32>
    %sub3A_25 = vector.broadcast %broadcast_in_dim3A : vector<2048x1xf32> to vector<2048x32xf32>
    %sub3A_26 = arith.subf %get3A_3, %sub3A_25 : vector<2048x32xf32>
    %exp3A = math.exp %sub3A_26 : vector<2048x32xf32>
    %reduce_sum3A = arith.constant dense<0.000000e+00> : vector<2048xf32>
    %reduce_sum3A_27 = vector.multi_reduction <add>, %exp3A, %reduce_sum3A [1] : vector<2048x32xf32> to vector<2048xf32>
    %broadcast_in_dim3A_28 = vector.shape_cast %reduce_sum3A_27 : vector<2048xf32> to vector<2048x1xf32>
    %div3A_29 = vector.broadcast %broadcast_in_dim3A_28 : vector<2048x1xf32> to vector<2048x32xf32>
    %div3A_30 = arith.divf %exp3A, %div3A_29 : vector<2048x32xf32>
    %scan3A = arith.constant 0 : i32
    %scan3A_31 = arith.constant 5 : i32
    %scan3A_32 = arith.addi %scan3A, %scan3A_31 : i32
    %scan3A_33 = arith.constant 1 : i32
    %scan3A_34:2 = scf.for %scan3A_40 = %scan3A to %scan3A_32 step %scan3A_33 iter_args(%scan3A_41 = %div3A_30, %scan3A_42 = %get3A_3) -> (vector<2048x32xf32>, vector<2048x32xf32>)  : i32 {
      %convert_element_type3A_43 = arith.truncf %scan3A_41 : vector<2048x32xf32> to vector<2048x32xbf16>
      %dot_general3A = arith.constant dense<0.000000e+00> : vector<2048x32xf32>
      %dot_general3A_44 = tpu.matmul %get3A_8, %convert_element_type3A_43, %dot_general3A {dimension_numbers = #tpu.dot_dimension_numbers<[1], [0], [0], [1], [0, 0, 1, 1], [], []>, transpose_lhs_hint = false} : vector<2048x2048xbf16>, vector<2048x32xbf16>, vector<2048x32xf32> -> vector<2048x32xf32>
      %dot_general3A_45 = arith.constant dense<0.000000e+00> : vector<2048x32xf32>
      %dot_general3A_46 = tpu.matmul %dot_general3A_44, %div3A_19, %dot_general3A_45 {dimension_numbers = #tpu.dot_dimension_numbers<[1], [0], [0], [1], [0, 0, 1, 1], [], []>, transpose_lhs_hint = false} : vector<2048x32xf32>, vector<32x32xf32>, vector<2048x32xf32> -> vector<2048x32xf32>
      %mul3A = vector.broadcast %get3A_12 : f32 to vector<2048x32xf32>
      %mul3A_47 = arith.mulf %mul3A, %dot_general3A_46 : vector<2048x32xf32>
      %sub3A_48 = arith.subf %get3A_3, %mul3A_47 : vector<2048x32xf32>
      %reduce_max3A_49 = arith.constant dense<0xFF800000> : vector<2048xf32>
      %reduce_max3A_50 = vector.multi_reduction <maximumf>, %sub3A_48, %reduce_max3A_49 [1] : vector<2048x32xf32> to vector<2048xf32>
      %max3A_51 = arith.constant 0xFF800000 : f32
      %max3A_52 = vector.broadcast %max3A_51 : f32 to vector<2048xf32>
      %max3A_53 = arith.maximumf %max3A_52, %reduce_max3A_50 : vector<2048xf32>
      %broadcast_in_dim3A_54 = vector.shape_cast %max3A_53 : vector<2048xf32> to vector<2048x1xf32>
      %sub3A_55 = vector.broadcast %broadcast_in_dim3A_54 : vector<2048x1xf32> to vector<2048x32xf32>
      %sub3A_56 = arith.subf %sub3A_48, %sub3A_55 : vector<2048x32xf32>
      %exp3A_57 = math.exp %sub3A_56 : vector<2048x32xf32>
      %reduce_sum3A_58 = arith.constant dense<0.000000e+00> : vector<2048xf32>
      %reduce_sum3A_59 = vector.multi_reduction <add>, %exp3A_57, %reduce_sum3A_58 [1] : vector<2048x32xf32> to vector<2048xf32>
      %broadcast_in_dim3A_60 = vector.shape_cast %reduce_sum3A_59 : vector<2048xf32> to vector<2048x1xf32>
      %div3A_61 = vector.broadcast %broadcast_in_dim3A_60 : vector<2048x1xf32> to vector<2048x32xf32>
      %div3A_62 = arith.divf %exp3A_57, %div3A_61 : vector<2048x32xf32>
      scf.yield %div3A_62, %sub3A_48 : vector<2048x32xf32>, vector<2048x32xf32>
    }
    %swap3A = arith.constant 0 : index
    %swap3A_35 = arith.constant 0 : index
    %swap3A_36 = arith.constant 0 : index
    %swap3A_37 = vector.load %arg4[%swap3A, %swap3A_35, %swap3A_36] : memref<1x2048x32xf32, #tpu.memory_space<vmem>>, vector<1x2048x32xf32>
    %swap3A_38 = vector.shape_cast %swap3A_37 : vector<1x2048x32xf32> to vector<2048x32xf32>
    %swap3A_39 = vector.shape_cast %scan3A_34#1 : vector<2048x32xf32> to vector<1x2048x32xf32>
    tpu.vector_store %arg4[%swap3A, %swap3A_35, %swap3A_36], %swap3A_39 {strides = array<i32>} : memref<1x2048x32xf32, #tpu.memory_space<vmem>>, vector<1x2048x32xf32>,
    return
  }
  func.func @transform_0(%arg0: i32) -> (i32, i32, i32) {
    %c0_i32 = arith.constant 0 : i32
    %c0_i32_0 = arith.constant 0 : i32
    %c0_i32_1 = arith.constant 0 : i32
    return %arg0, %c0_i32, %c0_i32_0 : i32, i32, i32
  }
  func.func @transform_1(%arg0: i32) -> (i32, i32, i32) {
    %c0_i32 = arith.constant 0 : i32
    %c0_i32_0 = arith.constant 0 : i32
    %c0_i32_1 = arith.constant 0 : i32
    return %arg0, %c0_i32, %c0_i32_0 : i32, i32, i32
  }
  func.func @transform_2(%arg0: i32) -> (i32, i32) {
    %c0_i32 = arith.constant 0 : i32
    %c0_i32_0 = arith.constant 0 : i32
    %c0_i32_1 = arith.constant 0 : i32
    return %c0_i32, %c0_i32_0 : i32, i32
  }
  func.func @transform_3(%arg0: i32) -> (i32, i32, i32) {
    %c0_i32 = arith.constant 0 : i32
    %c0_i32_0 = arith.constant 0 : i32
    %c0_i32_1 = arith.constant 0 : i32
    return %arg0, %c0_i32, %c0_i32_0 : i32, i32, i32
  }
}

</mosaic_0001>

<sc_bundles>
// kernel: kernel.7.cloned.1.call-start
scs
__scs_entry_jumppad:
0x0: {  	(pc) =	sbr.rel $0x88, $3  }
0x1: {  	(tag) =	ssettag $0x0;
	lr =	simm.s32 $0x1  }
0x2: {  	[smem:$0x3F9C] =	sst lr;
	_ =	strace $0xD0000000  }
0x3: {  	_ = 	snop  }
0x4: {  	_ = 	snop  }
0x5: {  	_ = 	snop  }
0x6: {  	_ = 	snop  }
0x7: {  	_ = 	snop  }
__scs_overlays_trampoline_lowered:
0x8: {  	[smem:$0x3FAB] =	sst s0  }
0x9: {  	[smem:$0x3FAC] =	sst s1  }
0xa: {  	[smem:$0x3FAD] =	sst s2  }
0xb: {  	[smem:$0x3FAE] =	sst s3  }
0xc: {  	[smem:$0x3FAF] =	sst s4  }
0xd: {  	[smem:$0x3FB0] =	sst s5  }
0xe: {  	[smem:$0x3FB1] =	sst s6  }
0xf: {  	[smem:$0x3FB2] =	sst s7  }
0x10: {  	[smem:$0x3FB3] =	sst s8  }
0x11: {  	[smem:$0x3FB4] =	sst s9;
	s0 =	simm.s32 @!p0 $0x0  }
0x12: {  	s1 =	sld [smem:$0x3F9A];
	s0 =	simm.s32 @p0 $0x1  }
0x13: {  	[smem:$0x3FB5] =	sst s0;
	s0 =	simm.s32 @!p1 $0x0  }
0x14: {  	s2 =	sld [smem:$0x3F99];
	s0 =	simm.s32 @p1 $0x1  }
0x15: {  	[smem:$0x3FB6] =	sst s0;
	s0 =	simm.s32 @!p2 $0x0  }
0x16: {  	s3 =	sld [smem:$0x3FDB];
	s0 =	simm.s32 @p2 $0x1  }
0x17: {  	s4 =	simm.s32 $0x1BF5;
	[smem:$0x3FB8] =	sst s0  }
0x18: {  	s0 =	sld [smem:$0x3F9B];
	_ =	swait.ge [sflag:s4], $0x0  }
0x19: {  	s7 =	sld [smem:$0x3F9C]  }
0x1a: {  	s8 =	sadd.s32 $0xFFFFE003, lr  }
0x1b: {  	s9 =	sadd.s32 $0xFFFFFEF7, lr;
	s5 =	simm.s32 $0xFFFFFFFF;
	p2 =	slt.u32 s8, $0xFFFFF086  }
0x1c: {  	p1 =	slt.u32 s9, $0xF7A;
	s5 =	simm.s32 @!p2 $0x0  }
0x1d: {  	s5 =	simm.s32 @p1 $0x1;
	p0 =	seq.s32 s7, s2  }
0x1e: {  	s7 =	smul.u32 @!p0 $0xF7A, s2;
	p2 =	seq.s32 @!p0 s5, $0x0  }
0x1f: {  	s9 =	smul.u32 $0xF7A, s1;
	s8 =	simm.s32 @!p0 $0x1BF5;
	p2 =	por !p2, p0  }
0x20: {  	[sflag:s8] =	ssyncset.s32 @!p0 $0xFFFFF086;
	s6 =	sadd.s32 @!p0 s3, s7;
	s7 =	simm.s32 @!p0 $0x108  }
0x21: {  	s3 =	sadd.s32 s3, s9;
	s6 =	sadd.s32 @!p0 $0x88, s6;
	s7 =	simm.s32 @p2 $0x1082  }
0x22: {  	[simem:s7], [sflag:s8] =	dma.local @!p0 [hbm:s6], $0xF7A  }
0x23: {  	s9 =	sor.u32 $0xD0000000, s2;
	s6 =	simm.s32 $0x108;
	_ =	swait.ge @!p0 [sflag:s8], $0x0  }
0x24: {  	s3 =	sadd.s32 $0x88, s3;
	s6 =	simm.s32 @!p1 $0x1082;
	[sflag:s4] =	ssyncset.s32 $0xFFFFF086  }
0x25: {  	[simem:s6], [sflag:s4] =	dma.local [hbm:s3], $0xF7A  }
0x26: {  	[smem:$0x3F9C] =	sst s1;
	(tag) =	ssettag s2;
	_ =	strace s9  }
0x27: {  	s1 =	sld [smem:$0x3FAC]  }
0x28: {  	s2 =	sld [smem:$0x3FAD]  }
0x29: {  	s4 =	sld [smem:$0x3FAF]  }
0x2a: {  	p0 =	seq.s32 s5, $0x0;
	s5 =	sld [smem:$0x3FB0]  }
0x2b: {  	s6 =	sld [smem:$0x3FB1]  }
0x2c: {  	s7 =	sld [smem:$0x3FB2]  }
0x2d: {  	s3 =	simm.s32 $0x108;
	s8 =	sld [smem:$0x3FB3]  }
0x2e: {  	s3 =	simm.s32 @!p0 $0x1082;
	s9 =	sld [smem:$0x3FB4]  }
0x2f: {  	lr =	sadd.s32 s0, s3;
	s0 =	sld [smem:$0x3FAB]  }
0x30: {  	s3 =	sld [smem:$0x3FAE]  }
0x31: {  	[smem:$0x3FB7] =	sst s10  }
0x32: {  	s10 =	sld [smem:$0x3FB5];
	_ =	sdelay $0x3  }
0x33: {  	p0 =	seq.s32 s10, $0x1;
	s10 =	sld [smem:$0x3FB7];
	_ =	sdelay $0x3  }
0x34: {  	[smem:$0x3FB7] =	sst s10  }
0x35: {  	s10 =	sld [smem:$0x3FB6];
	_ =	sdelay $0x3  }
0x36: {  	p1 =	seq.s32 s10, $0x1;
	s10 =	sld [smem:$0x3FB7];
	_ =	sdelay $0x3  }
0x37: {  	[smem:$0x3FB7] =	sst s10  }
0x38: {  	s10 =	sld [smem:$0x3FB8]  }
0x39: {  	_ = 	snop;
	(pc) =	sbr.ind lr, $3  }
0x3a: {  	_ = 	snop  }
0x3b: {  	_ = 	snop  }
0x3c: {  	p2 =	seq.s32 s10, $0x1;
	s10 =	sld [smem:$0x3FB7]  }
0x3d: {  	_ =	shalt  }
0x3e: {  	_ =	shalt  }
0x3f: {  	_ =	shalt  }
0x40: {  	_ =	shalt  }
0x41: {  	_ =	shalt  }
0x42: {  	_ =	shalt  }
0x43: {  	_ =	shalt  }
0x44: {  	_ =	shalt  }
0x45: {  	_ =	shalt  }
0x46: {  	_ =	shalt  }
0x47: {  	_ =	shalt  }
0x48: {  	_ =	shalt  }
0x49: {  	_ =	shalt  }
0x4a: {  	_ =	shalt  }
0x4b: {  	_ =	shalt  }
0x4c: {  	_ =	shalt  }
0x4d: {  	_ =	shalt  }
0x4e: {  	_ =	shalt  }
0x4f: {  	_ =	shalt  }
0x50: {  	_ =	shalt  }
0x51: {  	_ =	shalt  }
0x52: {  	_ =	shalt  }
0x53: {  	_ =	shalt  }
0x54: {  	_ =	shalt  }
0x55: {  	_ =	shalt  }
0x56: {  	_ =	shalt  }
0x57: {  	_ =	shalt  }
0x58: {  	_ =	shalt  }
0x59: {  	_ =	shalt  }
0x5a: {  	_ =	shalt  }
0x5b: {  	_ =	shalt  }
0x5c: {  	_ =	shalt  }
0x5d: {  	_ =	shalt  }
0x5e: {  	_ =	shalt  }
0x5f: {  	_ =	shalt  }
0x60: {  	_ =	shalt  }
0x61: {  	_ =	shalt  }
0x62: {  	_ =	shalt  }
0x63: {  	_ =	shalt  }
0x64: {  	_ =	shalt  }
0x65: {  	_ =	shalt  }
0x66: {  	_ =	shalt  }
0x67: {  	_ =	shalt  }
0x68: {  	_ =	shalt  }
0x69: {  	_ =	shalt  }
0x6a: {  	_ =	shalt  }
0x6b: {  	_ =	shalt  }
0x6c: {  	_ =	shalt  }
0x6d: {  	_ =	shalt  }
0x6e: {  	_ =	shalt  }
0x6f: {  	_ =	shalt  }
0x70: {  	_ =	shalt  }
0x71: {  	_ =	shalt  }
0x72: {  	_ =	shalt  }
0x73: {  	_ =	shalt  }
0x74: {  	_ =	shalt  }
0x75: {  	_ =	shalt  }
0x76: {  	_ =	shalt  }
0x77: {  	_ =	shalt  }
0x78: {  	_ =	shalt  }
0x79: {  	_ =	shalt  }
0x7a: {  	_ =	shalt  }
0x7b: {  	_ =	shalt  }
0x7c: {  	_ =	shalt  }
0x7d: {  	_ =	shalt  }
0x7e: {  	_ =	shalt  }
0x7f: {  	_ =	shalt  }
0x80: {  	_ =	shalt  }
0x81: {  	_ =	shalt  }
0x82: {  	_ =	shalt  }
0x83: {  	_ =	shalt  }
0x84: {  	_ =	shalt  }
0x85: {  	_ =	shalt  }
0x86: {  	_ =	shalt  }
0x87: {  	_ =	shalt  }
.Lfunc_end0:
.L_simem_size_0:
called_computation_lowered:
.L_overlay_start_0:
0x88: {  	s2 =	sld [smem:$0x3FD9]  }
0x89: {  	s3 =	sld [smem:$0x3FFE];
	_ =	sdelay $0x1  }
0x8a: {  	s1 =	srdreg.scid  }
0x8b: {  	s0 =	sand.u32 $0x1, s1  }
0x8c: {  	s17 =	sshll.u32 s0, $0xA;
	s2 =	sadd.s32 s3, s2  }
0x8d: {  	s2 =	sadd.s32 s2, s17  }
0x8e: {  	[smem:$0x3FC3] =	sst s2  }
0x8f: {  	_ = 	snop  }
0x90: {  	s2 =	sld [smem:$0x3FD0];
	(tm) =	ssettm $0x1  }
0x91: {  	s18 =	sld [smem:$0x3FFB];
	_ =	sdelay $0x3  }
0x92: {  	_ =	strace s18  }
0x93: {  	s3 =	sld [smem:$0x3FFC];
	_ =	sdelay $0x3  }
0x94: {  	_ =	strace s3  }
0x95: {  	s3 =	sld [smem:$0x3FFD];
	_ =	sdelay $0x3  }
0x96: {  	_ =	strace s3  }
0x97: {  	_ =	strace $0x8FFFFFFF  }
0x98: {  	s19 =	sld [smem:$0x3FDB];
	_ =	sdelay $0x1  }
0x99: {  	s4 =	simm.s32 $_scs_section_size  }
0x9a: {  	s5 =	simm.s32 $_size__tile_overlayer_lowered;
	s6 =	simm.s32 $_tile_overlayer_lowered  }
0x9b: {  	s22 =	simm.s32 $0x1BFF;
	s21 =	sshll.u32 s6, $0x1;
	s3 =	sadd.s32 s4, s19  }
0x9c: {  	s7 =	simm.s32 $0x0;
	s20 =	sshll.u32 s5, $0x1;
	s5 =	sadd.s32 s21, s3  }
0x9d: {  	[timem:s7], [sflag:s22] =	dma.local [hbm:s5], s20  }
0x9e: {  	_ =	swait.ge [sflag:s22], s20  }
0x9f: {  	s4 =	ssub.s32 $0x0, s20;
	[sflag:s22] =	ssyncset.done $0x0  }
0xa0: {  	[sflag:s22] =	ssyncadd.s32 s4;
	_ =	sdelay $0x1  }
0xa1: {  	s23 =	simm.s32 $0x1B8B  }
0xa2: {  	_ =	swait.ge [sflag:s23], $0x1  }
0xa3: {  	[sflag:s23] =	ssyncset.done $0x0  }
0xa4: {  	s25 =	simm.s32 $0x1B8E;
	s24 =	sld [smem:$0x3FFE];
	[sflag:s23] =	ssyncadd.s32 $0xFFFFFFFF  }
0xa5: {  	s26 =	simm.s32 $execute0_lowered;
	[smem:$0x3FD2] =	sst s25  }
0xa6: {  	s5 =	sshll.u32 s26, $0x1;
	_ =	strace $0x80000046;
	[dreg:$0x1] =	wrdreg $0xFFFFFFFF  }
0xa7: {  	s28 =	simm.s32 $_size_execute0_lowered;
	s3 =	sadd.s32 s3, s5;
	[dreg:$0x0] =	wrdreg $0x0  }
0xa8: {  	s5 =	sshll.u32 s28, $0x1;
	[dreg:$0x2] =	wrdreg s3  }
0xa9: {  	[dreg:$0x3] =	wrdreg s5  }
0xaa: {  	[dreg:$0x4] =	wrdreg $0xC0  }
0xab: {  	_ =	task [dreg:s7], $0x5FFFF  }
0xac: {  	[dreg:$0x1] =	wrdreg $0xFFFFFFFF  }
0xad: {  	[dreg:$0x0] =	wrdreg $0x60  }
0xae: {  	[dreg:$0x2] =	wrdreg s2  }
0xaf: {  	[dreg:$0x3] =	wrdreg s24  }
0xb0: {  	[dreg:$0x4] =	wrdreg $0x9  }
0xb1: {  	_ =	task.clear_ibuf [dreg:s7], $0x5FFFF;
	_ =	strace $0x90000046  }
0xb2: {  	s29 =	simm.s32 $0x9;
	_ =	strace $0x80000048  }
0xb3: {  	_ =	swait.ge [sflag:s29], $0x1  }
0xb4: {  	[sflag:s29] =	ssyncadd.s32 $0xFFFFFFFF  }
0xb5: {  	_ =	strace $0x90000048  }
0xb6: {  	_ =	sfence  }
0xb7: {  	s30 =	sld [smem:$0x0];
	_ =	sdelay $0x2  }
0xb8: {  	s31 =	sshll.u32 s1, $0xD;
	s1 =	sshrl.u32 s1, $0x2  }
0xb9: {  	s3 =	sand.u32 $0x4000, s31;
	s1 =	sadd.s32 s1, s30  }
0xba: {  	s0 =	sor.u32 s3, s0;
	s1 =	sshll.u32 s1, $0x11  }
0xbb: {  	s0 =	sor.u32 s1, s0  }
0xbc: {  	s0 =	sadd.s32 $0x8F2B, s0  }
0xbd: {  	[sflag:s0] =	ssyncadd.remote.s32 $0x1  }
0xbe: {  	_ =	sfence.sel $0xFFFF  }
0xbf: {  	[dreg:$0x0] =	wrdreg $0xFFFFFFFF;
	(pc) =	sbr.abs _section_cstart, $3  }
0xc0: {  	[dreg:$0x1] =	wrdreg $0xFFFFFFFF  }
0xc1: {  	_ =	task.clear_ibuf [dreg:s7], $0x2FFFF;
	_ =	strace $0x9FFFFFFF  }
0xc2: {  	(tm) =	ssettm $0x7FFFFFFF  }
0xc3: {  	_ =	shalt  }
tec
execute0_lowered:
.L_overlay_start_1:
0x0: {  	(tag) =	ssettag $0x1  }
0x1: {  	v0 =	vimm.s32 $0xEFCDAB89;
	v1 =	vimm.s32 $0x67452301;
	vm0 =	vcmask $0x130C  }
0x2: {  	v2 =	vimm.s32 $0x54761032;
	vm1 =	vcmask $0x33C;
	vm2 =	vcmask $0x231C  }
0x3: {  	vm3 =	vcmask $0x332C;
	vm6 =	vcmask $0xB08;
	v3 =	vimm.s32 $0x32107654  }
0x4: {  	vm9 =	vcmask $0x738;
	vm7 =	vcmask $0x2B28;
	vm5 =	vcmask $0x3734  }
0x5: {  	vm8 =	vcmask $0x1710;
	v4 =	vimm.s32 $0x76543210;
	vm10 =	vcmask $0x1B18  }
0x6: {  	vm11 =	vcmask $0x2724;
	vm12 =	vcmask $0x2F20;
	vm13 =	vcmask $0x2320  }
0x7: {  	v5 =	vlaneseq.u32;
	v0 =	vunpack.c.l.s4.s8 v0;
	v1 =	vunpack.c.l.s4.s8 v1  }
0x8: {  	v2 =	vunpack.c.l.s4.s8 v2;
	vm0 =	vmor vm1, vm0;
	vm4 =	vmor vm1, vm6  }
0x9: {  	vm1 =	vcmask $0x1714;
	v3 =	vunpack.c.l.s4.s8 v3;
	v4 =	vunpack.c.l.s4.s8 v4  }
0xa: {  	vm0 =	vmor vm0, vm2;
	vm1 =	vmor vm4, vm1;
	v0 =	vunpack.c.0.s8.s32 v0  }
0xb: {  	v1 =	vunpack.c.0.s8.s32 v1;
	vm0 =	vmor vm0, vm3;
	vm3 =	vcmask $0x2718  }
0xc: {  	vm2 =	vmor vm1, vm2;
	vm1 =	vmor vm9, vm3;
	vm3 =	vmor vm9, vm8  }
0xd: {  	vm9 =	vcmask $0x2F28;
	v0 =	vcombine.low v1, v0;
	v1 =	vimm.s32 $0xDCFE98BA  }
0xe: {  	vm3 =	vmor vm3, vm9;
	vm9 =	vcmask $0x1310;
	v1 =	vunpack.c.l.s4.s8 v1  }
0xf: {  	v2 =	vunpack.c.0.s8.s32 v2;
	v3 =	vunpack.c.0.s8.s32 v3;
	vm4 =	vmor vm4, vm9  }
0x10: {  	vm2 =	vmor vm2, vm7;
	vm4 =	vmor vm4, vm10;
	v1 =	vunpack.c.0.s8.s32 v1  }
0x11: {  	v4 =	vunpack.c.0.s8.s32 v4;
	vm2 =	vmor vm2, vm5;
	vm4 =	vmor vm4, vm11  }
0x12: {  	s4 =	rddreg [dreg:$0x0];
	vm11 =	vcmask $0x2F2C;
	v1 =	vcombine.low v2, v1;
	v2 =	vimm.s32 $0xBA98FEDC  }
0x13: {  	s3 =	rddreg [dreg:$0x1];
	v0 =	vand.u32 $0xF, v0;
	vm11 =	vmor vm4, vm11;
	v2 =	vunpack.c.l.s4.s8 v2  }
0x14: {  	s0 =	rddreg [dreg:$0x2];
	vm4 =	vcmask $0xF30;
	vm5 =	vmor vm11, vm5;
	vm11 =	vcmask $0x300  }
0x15: {  	s1 =	simm.s32 $0x0;
	s2 =	stileid.u32;
	s5 =	srdreg.scid;
	vm6 =	vmor vm11, vm6;
	vm11 =	vcmask $0x700;
	v2 =	vunpack.c.0.s8.s32 v2  }
0x16: {  	s10 =	simm.s32 $0x4000;
	s11 =	simm.s32 $0x0;
	[smem:$0x7FF] =	sst s1;
	vm8 =	vmor vm11, vm8;
	vm11 =	vcmask $0xF00;
	vm6 =	vmor vm6, vm9  }
0x17: {  	s6 =	sshll.u32 s2, $0x1;
	s7 =	sshrl.u32 s2, $0x2;
	s5 =	sand.u32 $0x1, s5;
	vm9 =	vcmask $0x2720;
	v2 =	vcombine.low v3, v2;
	v3 =	vimm.s32 $0xFEDCBA98  }
0x18: {  	_ =	strace $0x80000047;
	s6 =	sand.u32 $0x6, s6;
	s8 =	sshll.u32 s7, $0x4;
	vm10 =	vmor vm6, vm10;
	vm6 =	vmor vm11, vm12;
	v3 =	vunpack.c.l.s4.s8 v3  }
0x19: {  	s9 =	ssub.s32 $0x2, s5;
	s7 =	sshll.u32 s7, $0xB;
	s5 =	sor.u32 s5, s6;
	vm8 =	vmor vm8, vm9;
	vm11 =	vcmask $0x3330;
	vm9 =	vmor vm10, vm13  }
0x1a: {  	s3 =	sadd.s32 s8, s3;
	s30 =	sshrl.u32 s9, $0x1;
	s4 =	sadd.s32 s4, s7;
	vm10 =	vcmask $0x3730;
	vm9 =	vmor vm9, vm7;
	v3 =	vunpack.c.0.s8.s32 v3  }
0x1b: {  	s7 =	simm.s32 $0x1;
	s31 =	sshll.u32 s5, $0x7;
	s6 =	ssub.s32 s9, s30;
	v1 =	vand.u32 $0xF, v1;
	vm7 =	vmor vm8, vm10;
	vm8 =	vmor vm9, vm11  }
0x1c: {  	s9 =	simm.s32 $0x200;
	s8 =	sadd.s32 s31, s3;
	s3 =	sshll.u32 s5, $0x8;
	vm9 =	vcmask $0x3B38;
	v2 =	vand.u32 $0xF, v2;
	v3 =	vand.u32 $0xF, v3  }
0x1d: {  	s6 =	smax.u32 s6, $0x1;
	s5 =	sadd.s32 $0xA00, s8;
	s8 =	simm.s32 $0x80;
	vm8 =	vmor vm8, vm9;
	v3 =	vcombine.low v3, v4;
	v4 =	vimm.s32 $0x0  }
.LBB2_1:
0x1e: {  	[tilespmem:s1], [sflag:$0x1] =	stream.linear.gather [hbm4b:s4+s1], $0x4000, $0x38;
	[tilespmem:$0x4100] =	vst v63  }
0x1f: {  	_ =	swait.ge [sflag:s7], $0x4000  }
0x20: {  	[sflag:s7] =	ssyncset.done $0x0  }
0x21: {  	v6 =	vimm.f32 $0.0e+00;
	s12 =	simm.s32 $0x0;
	[sflag:s7] =	ssyncadd.s32 $0xFFFFC000  }
.LBB2_2:
0x22: {  	s13 =	sadd.s32 s3, s12;
	s14 =	sand.u32 $0xF, s12  }
0x23: {  	p0 =	seq.s32 s13, $0x0;
	p1 =	sne.s32 s14, $0x0  }
0x24: {  	p0 =	por !p0, !p1  }
0x25: {  	s15 =	simm.s32 $0x1;
	p0 =	por !p0, !p0  }
0x26: {  	s13 =	sshrl.u32 s13, $0x4;
	s15 =	simm.s32 @!p0 $0x0  }
0x27: {  	s13 =	ssub.s32 s13, s15  }
0x28: {  	s15 =	sshll.u32 s13, $0x4;
	s13 =	sshll.u32 s13, $0x7  }
0x29: {  	s15 =	sand.u32 $0x70, s15;
	s13 =	sand.u32 $0xFFFFFC00, s13  }
0x2a: {  	s13 =	sor.u32 s15, s13  }
0x2b: {  	v8 =	vld [tilespmem:s13+$0x0]  }
0x2c: {  	s29 =	simm.s32 $0x0;
	v10 =	vld [tilespmem:s13+$0x80]  }
0x2d: {  	s16 =	sand.u32 $0x40, s29;
	s15 =	sand.u32 $0x3C00, s29;
	v11 =	vld [tilespmem:s13+$0x100]  }
0x2e: {  	v12 =	vld [tilespmem:s13+$0x180];
	s15 =	sor.u32 s16, s15  }
0x2f: {  	v13 =	vld [tilespmem:s15+$0x130]  }
0x30: {  	v14 =	vld [tilespmem:s15+$0xB0]  }
0x31: {  	v15 =	vld [tilespmem:s15+$0xA0]  }
0x32: {  	v16 =	vld [tilespmem:s15+$0x20]  }
0x33: {  	v17 =	vld [tilespmem:s15+$0x0]  }
0x34: {  	v18 =	vld [tilespmem:s15+$0x80]  }
0x35: {  	v19 =	vld [tilespmem:s15+$0x100]  }
0x36: {  	v7 =	vmov s14;
	v21 =	vld [tilespmem:s15+$0x90]  }
0x37: {  	v9 =	vperm.xlane v8, v7;
	v8 =	vld [tilespmem:s15+$0x120]  }
0x38: {  	v22 =	vld [tilespmem:s15+$0x10];
	v10 =	vperm.xlane v10, v7  }
0x39: {  	s30 =	simm.s32 $0x200;
	s31 =	simm.s32 $0x40;
	v23 =	vld [tilespmem:s15+$0x110];
	v11 =	vperm.xlane v11, v7  }
0x3a: {  	s14 =	sand.u32 $0x40, s31;
	s13 =	sand.u32 $0x3C00, s30;
	v20 =	vld [tilespmem:s15+$0x30];
	v16 =	vmul.f32 v16, v9;
	v15 =	vmul.f32 v15, v10  }
0x3b: {  	v24 =	vld [tilespmem:s15+$0x1A0];
	s13 =	sor.u32 s14, s13;
	v17 =	vmul.f32 v17, v9;
	v18 =	vmul.f32 v18, v10  }
0x3c: {  	v25 =	vld [tilespmem:s13+$0xA0];
	v19 =	vmul.f32 v19, v11;
	v15 =	vadd.f32 v15, v16;
	v16 =	vmul.f32 v8, v11  }
0x3d: {  	v29 =	vld [tilespmem:s13+$0x120];
	v21 =	vmul.f32 v21, v10;
	v22 =	vmul.f32 v22, v9;
	v17 =	vadd.f32 v18, v17  }
0x3e: {  	v23 =	vmul.f32 v23, v11;
	v18 =	vld [tilespmem:s15+$0x180];
	v15 =	vadd.f32 v16, v15  }
0x3f: {  	v21 =	vadd.f32 v21, v22;
	v22 =	vld [tilespmem:s13+$0x30];
	v8 =	vperm.xlane v12, v7;
	v12 =	vadd.f32 v19, v17  }
0x40: {  	v14 =	vmul.f32 v14, v10;
	v17 =	vmul.f32 v20, v9;
	v20 =	vld [tilespmem:s13+$0x130];
	v15 =	vadd.f32 v15, v15  }
0x41: {  	v21 =	vadd.f32 v23, v21;
	v23 =	vld [tilespmem:s13+$0x80];
	v12 =	vadd.f32 v12, v12  }
0x42: {  	v13 =	vmul.f32 v13, v11;
	v16 =	vld [tilespmem:s15+$0x190];
	v14 =	vadd.f32 v14, v17;
	v15 =	vsub.f32 v8, v15  }
0x43: {  	v17 =	vld [tilespmem:s13+$0xB0];
	v21 =	vadd.f32 v21, v21;
	v12 =	vsub.f32 v8, v12  }
0x44: {  	v19 =	vld [tilespmem:s15+$0x1B0];
	v22 =	vmul.f32 v22, v9;
	v13 =	vadd.f32 v13, v14;
	v15 =	vadd.f32 v15, v24  }
0x45: {  	v14 =	vimm.f32 $+Inf;
	v21 =	vsub.f32 v8, v21;
	v12 =	vadd.f32 v12, v18;
	v18 =	vld [tilespmem:s13+$0x0]  }
0x46: {  	v20 =	vmul.f32 v20, v11;
	v13 =	vadd.f32 v13, v13;
	v24 =	vmax.f32 v15, $0.0e+00;
	v15 =	vld [tilespmem:s13+$0x20]  }
0x47: {  	v27 =	vld [tilespmem:s13+$0x100];
	v23 =	vmul.f32 v23, v10;
	v16 =	vadd.f32 v21, v16;
	v21 =	vmul.f32 v29, v11  }
0x48: {  	v30 =	vld [tilespmem:s13+$0x90];
	v17 =	vmul.f32 v17, v10;
	v12 =	vmax.f32 v12, $0.0e+00;
	v13 =	vsub.f32 v8, v13  }
0x49: {  	v32 =	vld [tilespmem:s13+$0x10];
	v16 =	vmax.f32 v16, $0.0e+00;
	v26 =	vmin.f32 v14, v12;
	v12 =	vmax.f32 v14, v12  }
0x4a: {  	v17 =	vadd.f32 v17, v22;
	v33 =	vadd.f32 v13, v19;
	v19 =	vld [tilespmem:s13+$0x110];
	v18 =	vmul.f32 v18, v9  }
0x4b: {  	v28 =	vmax.f32 v14, v12;
	v13 =	vmul.f32 v15, v9;
	v15 =	vmul.f32 v25, v10  }
0x4c: {  	v31 =	vmax.f32 v14, v28;
	v18 =	vadd.f32 v23, v18;
	v25 =	vmul.f32 v27, v11  }
0x4d: {  	v12 =	vmin.f32 v14, v12;
	v23 =	vmax.f32 v14, v31;
	v15 =	vadd.f32 v15, v13  }
0x4e: {  	v27 =	vmul.f32 v32, v9;
	v13 =	vmin.f32 v14, v31;
	v18 =	vadd.f32 v25, v18  }
0x4f: {  	v29 =	vld [tilespmem:s13+$0x180];
	v25 =	vmul.f32 v30, v10;
	v30 =	vmul.f32 v19, v11;
	v15 =	vadd.f32 v21, v15  }
0x50: {  	v19 =	vadd.f32 v20, v17;
	v17 =	vmax.f32 v26, v16;
	v18 =	vadd.f32 v18, v18;
	v21 =	vld [tilespmem:s13+$0x1A0]  }
0x51: {  	v26 =	vmin.f32 v26, v16;
	v31 =	vmax.f32 v12, v17;
	v22 =	vadd.f32 v15, v15  }
0x52: {  	v25 =	vadd.f32 v25, v27;
	v20 =	vsub.f32 v8, v18;
	v15 =	vmin.f32 v14, v23  }
0x53: {  	v18 =	vmax.f32 v33, $0.0e+00;
	v27 =	vsub.f32 v8, v22;
	v22 =	vmax.f32 v14, v23  }
0x54: {  	v23 =	vadd.f32 v20, v29;
	v20 =	vmin.f32 v12, v17;
	v12 =	vmin.f32 v14, v28  }
0x55: {  	v28 =	vadd.f32 v30, v25;
	v25 =	vimm.f32 $+Inf;
	v29 =	vadd.f32 v27, v21  }
0x56: {  	v21 =	vmax.f32 v26, v24;
	v16 =	vmax.f32 v23, $0.0e+00;
	v27 =	vmin.f32 v12, v31  }
0x57: {  	v24 =	vmin.f32 v26, v24;
	v26 =	vmax.f32 v12, v31;
	v23 =	vmax.f32 v14, v22  }
0x58: {  	s16 =	simm.s32 $0x80;
	s14 =	simm.s32 $0x4;
	s15 =	simm.s32 $0x400;
	v17 =	vmin.f32 v14, v23;
	v23 =	vmax.f32 v14, v23;
	v12 =	vmax.f32 v29, $0.0e+00  }
.LBB2_3:
0x59: {  	s17 =	sand.u32 $0x40, s16;
	s18 =	sand.u32 $0x3C00, s15;
	s14 =	sadd.s32 $0x4, s14;
	v29 =	vld [tilespmem:s13+$0x190];
	v19 =	vadd.f32 v19, v19;
	v30 =	vmax.f32 v13, v26;
	v31 =	vmin.f32 v24, v18  }
0x5a: {  	v14 =	vmin.f32 v14, v22;
	v22 =	vmax.f32 v20, v21;
	p0 =	slt.u32 s14, $0x7C;
	v32 =	vmin.f32 v31, v16;
	v33 =	vld [tilespmem:s13+$0x1B0];
	s13 =	sor.u32 s17, s18  }
0x5b: {  	v28 =	vadd.f32 v28, v28;
	v35 =	vmin.f32 v27, v22;
	v22 =	vmax.f32 v27, v22;
	v34 =	vld [tilespmem:s13+$0x130]  }
0x5c: {  	v20 =	vmin.f32 v20, v21;
	v18 =	vmax.f32 v24, v18;
	v36 =	vmax.f32 v15, v30;
	v27 =	vld [tilespmem:s13+$0xB0]  }
0x5d: {  	v13 =	vmin.f32 v13, v26;
	v24 =	vmin.f32 v20, v18;
	v18 =	vmax.f32 v20, v18;
	v21 =	vld [tilespmem:s13+$0xA0]  }
0x5e: {  	v15 =	vmin.f32 v15, v30;
	v26 =	vmax.f32 v13, v22;
	v30 =	vmin.f32 v35, v18;
	v20 =	vld [tilespmem:s13+$0x30]  }
0x5f: {  	v23 =	vmin.f32 v25, v23;
	v16 =	vmax.f32 v31, v16;
	v25 =	vmax.f32 v14, v36;
	v37 =	vld [tilespmem:s13+$0x20]  }
0x60: {  	v13 =	vmin.f32 v13, v22;
	v18 =	vmax.f32 v35, v18;
	v38 =	vmax.f32 v17, v25;
	v31 =	vld [tilespmem:s13+$0x100]  }
0x61: {  	v19 =	vsub.f32 v8, v19;
	v23 =	vmin.f32 v23, v38;
	v22 =	vld [tilespmem:s13+$0x90];
	v27 =	vmul.f32 v27, v10  }
0x62: {  	v14 =	vmin.f32 v14, v36;
	v17 =	vmin.f32 v17, v25;
	v38 =	vmax.f32 v24, v16;
	v35 =	vld [tilespmem:s13+$0x0]  }
0x63: {  	v28 =	vsub.f32 v8, v28;
	v36 =	vmax.f32 v30, v38;
	v34 =	vmul.f32 v34, v11;
	v25 =	vld [tilespmem:s13+$0x80]  }
0x64: {  	v16 =	vmin.f32 v24, v16;
	v24 =	vadd.f32 v19, v33;
	v19 =	vmax.f32 v13, v18;
	v39 =	vld [tilespmem:s13+$0x10]  }
0x65: {  	v28 =	vadd.f32 v28, v29;
	v18 =	vmin.f32 v13, v18;
	v20 =	vmul.f32 v20, v9;
	v33 =	vld [tilespmem:s13+$0x110]  }
0x66: {  	v13 =	vmin.f32 v18, v36;
	v18 =	vmax.f32 v18, v36;
	v37 =	vmul.f32 v37, v9;
	v29 =	vld [tilespmem:s13+$0x120]  }
0x67: {  	v36 =	vmax.f32 v15, v26;
	v22 =	vmul.f32 v22, v10;
	v35 =	vmul.f32 v35, v9  }
0x68: {  	v15 =	vmin.f32 v15, v26;
	v31 =	vmul.f32 v31, v11;
	v25 =	vmul.f32 v25, v10  }
0x69: {  	v21 =	vmul.f32 v21, v10;
	v26 =	vmul.f32 v39, v9;
	v39 =	vmin.f32 v15, v19  }
0x6a: {  	v25 =	vadd.f32 v25, v35;
	v33 =	vmul.f32 v33, v11;
	v35 =	vmin.f32 v14, v36  }
0x6b: {  	v21 =	vadd.f32 v21, v37;
	v14 =	vmax.f32 v14, v36;
	v40 =	vld [tilespmem:s13+$0x180];
	v29 =	vmul.f32 v29, v11  }
0x6c: {  	v20 =	vadd.f32 v27, v20;
	v25 =	vadd.f32 v31, v25;
	v31 =	vmax.f32 v17, v14  }
0x6d: {  	v27 =	vmax.f32 v15, v19;
	v26 =	vadd.f32 v22, v26;
	v21 =	vadd.f32 v29, v21  }
0x6e: {  	v19 =	vadd.f32 v34, v20;
	v20 =	vmax.f32 v28, $0.0e+00;
	v15 =	vadd.f32 v25, v25;
	v25 =	vld [tilespmem:s13+$0x1A0]  }
0x6f: {  	v28 =	vmax.f32 v32, v20;
	v17 =	vmin.f32 v17, v14;
	v21 =	vadd.f32 v21, v21  }
0x70: {  	v29 =	vmax.f32 v16, v28;
	v14 =	vsub.f32 v8, v15;
	v15 =	vmin.f32 v39, v18  }
0x71: {  	v22 =	vmax.f32 v39, v18;
	v18 =	vmax.f32 v24, $0.0e+00;
	v21 =	vsub.f32 v8, v21  }
0x72: {  	v32 =	vmin.f32 v32, v20;
	v24 =	vadd.f32 v14, v40;
	v14 =	vmin.f32 v35, v27  }
0x73: {  	v20 =	vmin.f32 v16, v28;
	v25 =	vadd.f32 v21, v25;
	v21 =	vmax.f32 v32, v12  }
.Ltmp0:
0x74: {  	v30 =	vmin.f32 v30, v38;
	v34 =	vmax.f32 v35, v27;
	v16 =	vmax.f32 v24, $0.0e+00;
	(pc) =	sbr.rel @p0 .LBB2_3-.Ltmp0, $4  }
0x75: {  	v27 =	vmin.f32 v30, v29;
	v24 =	vmin.f32 v32, v12;
	v32 =	vmax.f32 v17, v34  }
0x76: {  	v28 =	vadd.f32 v33, v26;
	v26 =	vmax.f32 v30, v29;
	v29 =	vmin.f32 v17, v34  }
0x77: {  	v30 =	vmin.f32 v23, v31;
	v12 =	vmax.f32 v25, $0.0e+00;
	v25 =	vmax.f32 v14, v22  }
0x78: {  	s15 =	sadd.s32 $0x200, s15;
	s16 =	sadd.s32 $0x40, s16;
	v17 =	vmin.f32 v29, v25;
	v23 =	vmax.f32 v29, v25;
	v25 =	vmin.f32 v30, v32  }
0x79: {  	v9 =	vmin.f32 v24, v18;
	v10 =	vadd.f32 v19, v19  }
0x7a: {  	v11 =	vmax.f32 v13, v26;
	v14 =	vmin.f32 v14, v22;
	v52 =	vmax.f32 v20, v21  }
0x7b: {  	v28 =	vadd.f32 v28, v28;
	v54 =	vmin.f32 v20, v21;
	v55 =	vmax.f32 v24, v18  }
0x7c: {  	v56 =	vmin.f32 v13, v26;
	v61 =	vmin.f32 v25, v23;
	vm9 =	vmmov $0xff  }
0x7d: {  	v51 =	vmin.f32 v9, v16;
	v29 =	vmin.f32 v27, v52;
	v22 =	vmax.f32 v27, v52  }
0x7e: {  	v53 =	vmax.f32 v15, v11;
	v21 =	vmin.f32 v54, v55;
	v18 =	vmax.f32 v54, v55  }
0x7f: {  	v11 =	vmin.f32 v15, v11;
	v9 =	vmax.f32 v9, v16;
	v58 =	vmax.f32 v56, v22  }
0x80: {  	v59 =	vmin.f32 v29, v18;
	v60 =	vmax.f32 v14, v53;
	v13 =	vmin.f32 v56, v22  }
0x81: {  	v18 =	vmax.f32 v29, v18;
	v10 =	vsub.f32 v8, v10;
	v63 =	vmax.f32 v21, v9  }
0x82: {  	v57 =	vld [tilespmem:s13+$0x1B0];
	v14 =	vmin.f32 v14, v53;
	v8 =	vsub.f32 v8, v28;
	v9 =	vmin.f32 v21, v9  }
0x83: {  	v30 =	vld [tilespmem:s13+$0x190];
	v62 =	vmax.f32 v17, v60;
	v26 =	vmin.f32 v17, v60;
	v27 =	vmax.f32 v59, v63  }
0x84: {  	v29 =	vmin.f32 v13, v18;
	v13 =	vmax.f32 v13, v18;
	v31 =	vmax.f32 v11, v58  }
0x85: {  	v11 =	vmin.f32 v11, v58;
	v38 =	vmin.f32 v59, v63;
	v16 =	vmin.f32 v61, v62  }
0x86: {  	v15 =	vmax.f32 v29, v27;
	v20 =	vmin.f32 v11, v13;
	v32 =	vmin.f32 v14, v31  }
0x87: {  	v14 =	vmax.f32 v14, v31;
	v11 =	vmax.f32 v11, v13;
	v10 =	vadd.f32 v10, v57  }
0x88: {  	v8 =	vadd.f32 v8, v30;
	v30 =	vmin.f32 v29, v27;
	v21 =	vmax.f32 v26, v14  }
0x89: {  	v14 =	vmin.f32 v26, v14;
	v36 =	vmin.f32 v32, v11;
	v11 =	vmax.f32 v32, v11  }
0x8a: {  	v34 =	vmin.f32 v20, v15;
	v15 =	vmax.f32 v20, v15;
	v39 =	vmax.f32 v14, v11  }
0x8b: {  	v11 =	vmin.f32 v14, v11;
	v40 =	vmax.f32 v36, v15;
	v16 =	vmin.f32 v16, v21  }
0x8c: {  	v15 =	vmin.f32 v36, v15;
	v8 =	vmax.f32 v8, $0.0e+00;
	v10 =	vmax.f32 v10, $0.0e+00  }
0x8d: {  	v41 =	vmin.f32 v11, v40;
	v11 =	vmax.f32 v11, v40;
	v33 =	vmax.f32 v51, v8  }
0x8e: {  	v8 =	vmin.f32 v51, v8;
	v35 =	vmax.f32 v9, v33;
	v9 =	vmin.f32 v9, v33  }
0x8f: {  	v37 =	vmax.f32 v8, v12;
	v8 =	vmin.f32 v8, v12;
	v12 =	vmin.f32 v16, v39  }
0x90: {  	v22 =	vmin.f32 v38, v35;
	v20 =	vmax.f32 v38, v35;
	v43 =	vmax.f32 v9, v37  }
0x91: {  	v44 =	vmin.f32 v8, v10;
	v9 =	vmin.f32 v9, v37;
	v8 =	vmax.f32 v8, v10  }
0x92: {  	v11 =	vmin.f32 v12, v11;
	v42 =	vmax.f32 v30, v20;
	v45 =	vmin.f32 v22, v43  }
0x93: {  	v16 =	vmax.f32 v22, v43;
	v47 =	vmin.f32 v30, v20;
	v48 =	vmin.f32 v9, v8  }
0x94: {  	v8 =	vmax.f32 v9, v8;
	v60 =	vperm.xlane v44, v0;
	v46 =	vmax.f32 v34, v42  }
0x95: {  	v49 =	vmin.f32 v34, v42;
	v50 =	vmax.f32 v47, v16;
	v51 =	vmin.f32 v45, v8  }
0x96: {  	v13 =	vmin.f32 v47, v16;
	v8 =	vmax.f32 v45, v8;
	v61 =	vperm.xlane v48, v0  }
0x97: {  	v52 =	vmax.f32 v15, v46;
	v10 =	vmin.f32 v15, v46;
	v54 =	vmax.f32 v13, v8  }
0x98: {  	v55 =	vmax.f32 v49, v50;
	v9 =	vmin.f32 v49, v50;
	v8 =	vmin.f32 v13, v8  }
0x99: {  	v62 =	vmin.f32 v44, v60;
	v15 =	vmax.f32 v44, v60;
	v63 =	vperm.xlane v51, v0  }
0x9a: {  	v53 =	vmax.f32 v41, v52;
	v12 =	vmin.f32 v41, v52;
	v56 =	vmin.f32 v9, v54  }
0x9b: {  	v57 =	vmax.f32 v10, v55;
	v10 =	vmin.f32 v10, v55;
	v9 =	vmax.f32 v9, v54  }
0x9c: {  	v21 =	vmin.f32 v48, v61;
	v23 =	vperm.xlane v8, v0;
	v11 =	vmin.f32 v11, v53  }
0x9d: {  	v58 =	vmax.f32 v12, v57;
	v12 =	vmin.f32 v12, v57;
	v59 =	vmin.f32 v10, v9  }
0x9e: {  	v9 =	vmax.f32 v10, v9;
	v22 =	vmin.f32 v51, v63;
	v16 =	vmax.f32 v51, v63  }
0x9f: {  	v25 =	vperm.xlane v56, v0;
	v10 =	vmax.f32 v12, v9;
	v11 =	vmin.f32 v11, v58  }
0xa0: {  	v9 =	vmin.f32 v12, v9;
	v12 =	vsel vm0, v62, v15;
	v24 =	vsel vm0, v22, v16  }
0xa1: {  	v26 =	vmin.f32 v8, v23;
	v8 =	vmax.f32 v8, v23;
	v27 =	vperm.xlane v59, v0  }
0xa2: {  	v10 =	vmin.f32 v11, v10;
	v11 =	vmax.f32 v48, v61;
	v8 =	vsel vm0, v26, v8  }
0xa3: {  	v28 =	vmin.f32 v56, v25;
	v13 =	vmax.f32 v56, v25;
	v30 =	vperm.xlane v9, v0  }
0xa4: {  	v33 =	vperm.xlane v12, v1;
	v37 =	vperm.xlane v24, v1;
	v11 =	vsel vm0, v21, v11  }
0xa5: {  	v29 =	vmin.f32 v59, v27;
	v14 =	vmax.f32 v59, v27;
	v13 =	vsel vm0, v28, v13  }
0xa6: {  	v31 =	vperm.xlane v10, v0;
	v39 =	vperm.xlane v8, v1;
	v14 =	vsel vm0, v29, v14  }
0xa7: {  	v32 =	vmin.f32 v9, v30;
	v9 =	vmax.f32 v9, v30;
	v35 =	vmin.f32 v12, v33  }
0xa8: {  	v12 =	vmax.f32 v12, v33;
	v36 =	vperm.xlane v11, v1;
	v40 =	vmin.f32 v24, v37  }
0xa9: {  	v15 =	vmax.f32 v24, v37;
	v42 =	vperm.xlane v13, v1;
	v9 =	vsel vm0, v32, v9  }
0xaa: {  	v34 =	vmin.f32 v10, v31;
	v10 =	vmax.f32 v10, v31;
	v12 =	vsel vm1, v35, v12  }
0xab: {  	v41 =	vmin.f32 v8, v39;
	v8 =	vmax.f32 v8, v39;
	v15 =	vsel vm1, v40, v15  }
0xac: {  	v43 =	vperm.xlane v14, v1;
	v10 =	vsel vm0, v34, v10;
	v38 =	vmin.f32 v11, v36  }
0xad: {  	v11 =	vmax.f32 v11, v36;
	v8 =	vsel vm1, v41, v8;
	v44 =	vmin.f32 v13, v42  }
0xae: {  	v13 =	vmax.f32 v13, v42;
	v45 =	vperm.xlane v9, v1;
	v49 =	vperm.xlane v12, v0  }
0xaf: {  	v54 =	vperm.xlane v15, v0;
	v11 =	vsel vm1, v38, v11;
	v13 =	vsel vm1, v44, v13  }
0xb0: {  	v46 =	vmin.f32 v14, v43;
	v14 =	vmax.f32 v14, v43;
	v48 =	vperm.xlane v10, v1  }
0xb1: {  	v55 =	vperm.xlane v8, v0;
	v47 =	vmin.f32 v9, v45;
	v9 =	vmax.f32 v9, v45  }
0xb2: {  	v14 =	vsel vm1, v46, v14;
	v51 =	vperm.xlane v11, v0;
	v52 =	vmin.f32 v12, v49  }
0xb3: {  	v12 =	vmax.f32 v12, v49;
	v56 =	vmin.f32 v15, v54;
	v15 =	vmax.f32 v15, v54  }
0xb4: {  	v57 =	vperm.xlane v13, v0;
	v9 =	vsel vm1, v47, v9;
	v50 =	vmin.f32 v10, v48  }
0xb5: {  	v10 =	vmax.f32 v10, v48;
	v12 =	vsel vm2, v52, v12;
	v15 =	vsel vm2, v56, v15  }
0xb6: {  	v58 =	vmin.f32 v8, v55;
	v8 =	vmax.f32 v8, v55;
	v60 =	vperm.xlane v14, v0  }
0xb7: {  	v10 =	vsel vm1, v50, v10;
	v53 =	vmin.f32 v11, v51;
	v11 =	vmax.f32 v11, v51  }
0xb8: {  	v59 =	vmin.f32 v13, v57;
	v13 =	vmax.f32 v13, v57;
	v61 =	vperm.xlane v9, v0  }
0xb9: {  	v8 =	vsel vm2, v58, v8;
	v23 =	vperm.xlane v12, v2;
	v26 =	vperm.xlane v15, v2  }
0xba: {  	v11 =	vsel vm2, v53, v11;
	v13 =	vsel vm2, v59, v13;
	v62 =	vmin.f32 v14, v60  }
0xbb: {  	v14 =	vmax.f32 v14, v60;
	v63 =	vperm.xlane v10, v0;
	v29 =	vperm.xlane v8, v2  }
0xbc: {  	v14 =	vsel vm2, v62, v14;
	v21 =	vmin.f32 v9, v61;
	v9 =	vmax.f32 v9, v61  }
0xbd: {  	v24 =	vperm.xlane v11, v2;
	v25 =	vmin.f32 v12, v23;
	v12 =	vmax.f32 v12, v23  }
0xbe: {  	v28 =	vmin.f32 v15, v26;
	v15 =	vmax.f32 v15, v26;
	v30 =	vperm.xlane v13, v2  }
0xbf: {  	v22 =	vmin.f32 v10, v63;
	v10 =	vmax.f32 v10, v63;
	v9 =	vsel vm2, v21, v9  }
0xc0: {  	v12 =	vsel vm4, v25, v12;
	v15 =	vsel vm4, v28, v15;
	v31 =	vmin.f32 v8, v29  }
0xc1: {  	v8 =	vmax.f32 v8, v29;
	v32 =	vperm.xlane v14, v2;
	v10 =	vsel vm2, v22, v10  }
0xc2: {  	v27 =	vmin.f32 v11, v24;
	v11 =	vmax.f32 v11, v24;
	v8 =	vsel vm4, v31, v8  }
0xc3: {  	v33 =	vmin.f32 v13, v30;
	v13 =	vmax.f32 v13, v30;
	v35 =	vperm.xlane v9, v2  }
0xc4: {  	v38 =	vperm.xlane v12, v1;
	v42 =	vperm.xlane v15, v1;
	v11 =	vsel vm4, v27, v11  }
0xc5: {  	v34 =	vmin.f32 v14, v32;
	v14 =	vmax.f32 v14, v32;
	v13 =	vsel vm4, v33, v13  }
0xc6: {  	v36 =	vperm.xlane v10, v2;
	v44 =	vperm.xlane v8, v1;
	v14 =	vsel vm4, v34, v14  }
0xc7: {  	v37 =	vmin.f32 v9, v35;
	v9 =	vmax.f32 v9, v35;
	v40 =	vmin.f32 v12, v38  }
0xc8: {  	v12 =	vmax.f32 v12, v38;
	v41 =	vperm.xlane v11, v1;
	v45 =	vmin.f32 v15, v42  }
0xc9: {  	v15 =	vmax.f32 v15, v42;
	v47 =	vperm.xlane v13, v1;
	v9 =	vsel vm4, v37, v9  }
0xca: {  	v39 =	vmin.f32 v10, v36;
	v10 =	vmax.f32 v10, v36;
	v12 =	vsel vm3, v40, v12  }
0xcb: {  	v46 =	vmin.f32 v8, v44;
	v8 =	vmax.f32 v8, v44;
	v15 =	vsel vm3, v45, v15  }
0xcc: {  	v48 =	vperm.xlane v14, v1;
	v10 =	vsel vm4, v39, v10;
	v43 =	vmin.f32 v11, v41  }
0xcd: {  	v11 =	vmax.f32 v11, v41;
	v8 =	vsel vm3, v46, v8;
	v49 =	vmin.f32 v13, v47  }
0xce: {  	v13 =	vmax.f32 v13, v47;
	v50 =	vperm.xlane v9, v1;
	v54 =	vperm.xlane v12, v0  }
0xcf: {  	v59 =	vperm.xlane v15, v0;
	v11 =	vsel vm3, v43, v11;
	v13 =	vsel vm3, v49, v13  }
0xd0: {  	v51 =	vmin.f32 v14, v48;
	v14 =	vmax.f32 v14, v48;
	v53 =	vperm.xlane v10, v1  }
0xd1: {  	v60 =	vperm.xlane v8, v0;
	v52 =	vmin.f32 v9, v50;
	v9 =	vmax.f32 v9, v50  }
0xd2: {  	v14 =	vsel vm3, v51, v14;
	v56 =	vperm.xlane v11, v0;
	v57 =	vmin.f32 v12, v54  }
0xd3: {  	v12 =	vmax.f32 v12, v54;
	v61 =	vmin.f32 v15, v59;
	v15 =	vmax.f32 v15, v59  }
0xd4: {  	v62 =	vperm.xlane v13, v0;
	v9 =	vsel vm3, v52, v9;
	v55 =	vmin.f32 v10, v53  }
0xd5: {  	v10 =	vmax.f32 v10, v53;
	v12 =	vsel vm5, v57, v12;
	v15 =	vsel vm5, v61, v15  }
0xd6: {  	v63 =	vmin.f32 v8, v60;
	v8 =	vmax.f32 v8, v60;
	v21 =	vperm.xlane v14, v0  }
0xd7: {  	v10 =	vsel vm3, v55, v10;
	v58 =	vmin.f32 v11, v56;
	v11 =	vmax.f32 v11, v56  }
0xd8: {  	v20 =	vmin.f32 v13, v62;
	v13 =	vmax.f32 v13, v62;
	v22 =	vperm.xlane v9, v0  }
0xd9: {  	v8 =	vsel vm5, v63, v8;
	v27 =	vperm.xlane v12, v3;
	v31 =	vperm.xlane v15, v3  }
0xda: {  	v11 =	vsel vm5, v58, v11;
	v13 =	vsel vm5, v20, v13;
	v23 =	vmin.f32 v14, v21  }
0xdb: {  	v14 =	vmax.f32 v14, v21;
	v24 =	vperm.xlane v10, v0;
	v32 =	vperm.xlane v8, v3  }
0xdc: {  	v14 =	vsel vm5, v23, v14;
	v25 =	vmin.f32 v9, v22;
	v9 =	vmax.f32 v9, v22  }
0xdd: {  	v28 =	vperm.xlane v11, v3;
	v29 =	vmin.f32 v12, v27;
	v12 =	vmax.f32 v12, v27  }
0xde: {  	v33 =	vmin.f32 v15, v31;
	v15 =	vmax.f32 v15, v31;
	v34 =	vperm.xlane v13, v3  }
0xdf: {  	v26 =	vmin.f32 v10, v24;
	v10 =	vmax.f32 v10, v24;
	v9 =	vsel vm5, v25, v9  }
0xe0: {  	v12 =	vsel vm9, v29, v12;
	v15 =	vsel vm9, v33, v15;
	v35 =	vmin.f32 v8, v32  }
0xe1: {  	v8 =	vmax.f32 v8, v32;
	v37 =	vperm.xlane v14, v3;
	v10 =	vsel vm5, v26, v10  }
0xe2: {  	v30 =	vmin.f32 v11, v28;
	v11 =	vmax.f32 v11, v28;
	v36 =	vmin.f32 v13, v34  }
0xe3: {  	v13 =	vmax.f32 v13, v34;
	v8 =	vsel vm9, v8, v35;
	v38 =	vperm.xlane v9, v3  }
0xe4: {  	v43 =	vperm.xlane v12, v2;
	v46 =	vperm.xlane v15, v2;
	v11 =	vsel vm9, v11, v30  }
0xe5: {  	v13 =	vsel vm9, v36, v13;
	v39 =	vmin.f32 v14, v37;
	v14 =	vmax.f32 v14, v37  }
0xe6: {  	v40 =	vperm.xlane v10, v3;
	v49 =	vperm.xlane v8, v2;
	v14 =	vsel vm9, v14, v39  }
0xe7: {  	v41 =	vmin.f32 v9, v38;
	v9 =	vmax.f32 v9, v38;
	v44 =	vperm.xlane v11, v2  }
0xe8: {  	v45 =	vmin.f32 v12, v43;
	v12 =	vmax.f32 v12, v43;
	v48 =	vmin.f32 v15, v46  }
0xe9: {  	v15 =	vmax.f32 v15, v46;
	v50 =	vperm.xlane v13, v2;
	v42 =	vmin.f32 v10, v40  }
0xea: {  	v10 =	vmax.f32 v10, v40;
	v9 =	vsel vm9, v41, v9;
	v12 =	vsel vm6, v45, v12  }
0xeb: {  	v15 =	vsel vm6, v48, v15;
	v51 =	vmin.f32 v8, v49;
	v8 =	vmax.f32 v8, v49  }
0xec: {  	v52 =	vperm.xlane v14, v2;
	v10 =	vsel vm9, v10, v42;
	v47 =	vmin.f32 v11, v44  }
0xed: {  	v11 =	vmax.f32 v11, v44;
	v8 =	vsel vm6, v8, v51;
	v53 =	vmin.f32 v13, v50  }
0xee: {  	v13 =	vmax.f32 v13, v50;
	v55 =	vperm.xlane v9, v2;
	v58 =	vperm.xlane v12, v1  }
0xef: {  	v62 =	vperm.xlane v15, v1;
	v11 =	vsel vm6, v11, v47;
	v54 =	vmin.f32 v14, v52  }
0xf0: {  	v14 =	vmax.f32 v14, v52;
	v13 =	vsel vm6, v53, v13;
	v56 =	vperm.xlane v10, v2  }
0xf1: {  	v21 =	vperm.xlane v8, v1;
	v14 =	vsel vm6, v14, v54;
	v57 =	vmin.f32 v9, v55  }
0xf2: {  	v9 =	vmax.f32 v9, v55;
	v60 =	vmin.f32 v12, v58;
	v12 =	vmax.f32 v12, v58  }
0xf3: {  	v61 =	vperm.xlane v11, v1;
	v22 =	vmin.f32 v15, v62;
	v15 =	vmax.f32 v15, v62  }
0xf4: {  	v24 =	vperm.xlane v13, v1;
	v9 =	vsel vm6, v57, v9;
	v59 =	vmin.f32 v10, v56  }
0xf5: {  	v10 =	vmax.f32 v10, v56;
	v12 =	vsel vm7, v60, v12;
	v23 =	vmin.f32 v8, v21  }
0xf6: {  	v8 =	vmax.f32 v8, v21;
	v15 =	vsel vm7, v22, v15;
	v25 =	vperm.xlane v14, v1  }
0xf7: {  	v10 =	vsel vm6, v10, v59;
	v63 =	vmin.f32 v11, v61;
	v11 =	vmax.f32 v11, v61  }
0xf8: {  	v8 =	vsel vm7, v8, v23;
	v26 =	vmin.f32 v13, v24;
	v27 =	vperm.xlane v9, v1  }
0xf9: {  	v13 =	vmax.f32 v13, v24;
	v31 =	vperm.xlane v12, v0;
	v36 =	vperm.xlane v15, v0  }
0xfa: {  	v11 =	vsel vm7, v11, v63;
	v13 =	vsel vm7, v26, v13;
	v28 =	vmin.f32 v14, v25  }
0xfb: {  	v14 =	vmax.f32 v14, v25;
	v30 =	vperm.xlane v10, v1;
	v37 =	vperm.xlane v8, v0  }
0xfc: {  	v29 =	vmin.f32 v9, v27;
	v9 =	vmax.f32 v9, v27;
	v14 =	vsel vm7, v14, v28  }
0xfd: {  	v33 =	vperm.xlane v11, v0;
	v34 =	vmin.f32 v12, v31;
	v12 =	vmax.f32 v12, v31  }
0xfe: {  	v38 =	vmin.f32 v15, v36;
	v15 =	vmax.f32 v15, v36;
	v39 =	vperm.xlane v13, v0  }
0xff: {  	v9 =	vsel vm7, v29, v9;
	v32 =	vmin.f32 v10, v30;
	v10 =	vmax.f32 v10, v30  }
0x100: {  	v12 =	vsel vm8, v34, v12;
	v15 =	vsel vm8, v38, v15;
	v40 =	vmin.f32 v8, v37  }
0x101: {  	v8 =	vmax.f32 v8, v37;
	v42 =	vperm.xlane v14, v0;
	v10 =	vsel vm7, v10, v32  }
0x102: {  	v35 =	vmin.f32 v11, v33;
	v11 =	vmax.f32 v11, v33;
	v41 =	vmin.f32 v13, v39  }
0x103: {  	v13 =	vmax.f32 v13, v39;
	v8 =	vsel vm8, v8, v40;
	v43 =	vperm.xlane v9, v0  }
0x104: {  	v11 =	vsel vm8, v11, v35;
	v13 =	vsel vm8, v41, v13;
	v44 =	vmin.f32 v14, v42  }
0x105: {  	v14 =	vmax.f32 v14, v42;
	v45 =	vperm.xlane v10, v0;
	v49 =	vmin.f32 v15, v8  }
0x106: {  	v8 =	vmax.f32 v15, v8;
	v14 =	vsel vm8, v14, v44;
	v46 =	vmin.f32 v9, v43  }
0x107: {  	v9 =	vmax.f32 v9, v43;
	v48 =	vmin.f32 v12, v11;
	v11 =	vmax.f32 v12, v11  }
0x108: {  	v56 =	vperm.xlane v8, v3;
	v58 =	vperm.xlane v49, v3;
	v9 =	vsel vm8, v46, v9  }
0x109: {  	v47 =	vmin.f32 v10, v45;
	v10 =	vmax.f32 v10, v45;
	v50 =	vperm.xlane v48, v3  }
0x10a: {  	v51 =	vmin.f32 v13, v14;
	v13 =	vmax.f32 v13, v14;
	v54 =	vperm.xlane v11, v3  }
0x10b: {  	v10 =	vsel vm8, v10, v47;
	v59 =	vmin.f32 v8, v56;
	v8 =	vmax.f32 v8, v56  }
0x10c: {  	v60 =	vmin.f32 v49, v58;
	v12 =	vmax.f32 v49, v58;
	v61 =	vperm.xlane v51, v3  }
0x10d: {  	v62 =	vperm.xlane v13, v3;
	v52 =	vmin.f32 v9, v10;
	v53 =	vmin.f32 v48, v50  }
0x10e: {  	v15 =	vmax.f32 v48, v50;
	v9 =	vmax.f32 v9, v10;
	v57 =	vmin.f32 v11, v54  }
0x10f: {  	v11 =	vmax.f32 v11, v54;
	v8 =	vsel vm9, v8, v59;
	v12 =	vsel vm9, v12, v60  }
0x110: {  	v55 =	vsel vm9, v53, v15;
	v11 =	vsel vm9, v57, v11;
	v63 =	vmin.f32 v51, v61  }
0x111: {  	v16 =	vmax.f32 v51, v61;
	v21 =	vperm.xlane v9, v3;
	v22 =	vmin.f32 v13, v62  }
0x112: {  	v13 =	vmax.f32 v13, v62;
	v24 =	vperm.xlane v52, v3;
	v30 =	vperm.xlane v8, v2  }
0x113: {  	v31 =	vperm.xlane v12, v2;
	v16 =	vsel vm9, v63, v16;
	v13 =	vsel vm9, v22, v13  }
0x114: {  	v25 =	vperm.xlane v55, v2;
	v27 =	vperm.xlane v11, v2;
	v23 =	vmin.f32 v9, v21  }
0x115: {  	v9 =	vmax.f32 v9, v21;
	v26 =	vmin.f32 v52, v24;
	v14 =	vmax.f32 v52, v24  }
0x116: {  	v32 =	vmin.f32 v8, v30;
	v8 =	vmax.f32 v8, v30;
	v33 =	vperm.xlane v16, v2  }
0x117: {  	v34 =	vmin.f32 v12, v31;
	v12 =	vmax.f32 v12, v31;
	v36 =	vperm.xlane v13, v2  }
0x118: {  	v9 =	vsel vm9, v9, v23;
	v14 =	vsel vm9, v14, v26;
	v28 =	vmin.f32 v55, v25  }
0x119: {  	v10 =	vmax.f32 v55, v25;
	v29 =	vmin.f32 v11, v27;
	v11 =	vmax.f32 v11, v27  }
0x11a: {  	v8 =	vsel vm6, v8, v32;
	v12 =	vsel vm6, v12, v34;
	v10 =	vsel vm6, v28, v10  }
0x11b: {  	v11 =	vsel vm6, v29, v11;
	v35 =	vmin.f32 v16, v33;
	v16 =	vmax.f32 v16, v33  }
0x11c: {  	v37 =	vperm.xlane v9, v2;
	v38 =	vmin.f32 v13, v36;
	v39 =	vperm.xlane v14, v2  }
0x11d: {  	v13 =	vmax.f32 v13, v36;
	v45 =	vperm.xlane v8, v1;
	v48 =	vperm.xlane v12, v1  }
0x11e: {  	v15 =	vsel vm6, v35, v16;
	v13 =	vsel vm6, v38, v13;
	v42 =	vperm.xlane v10, v1  }
0x11f: {  	v43 =	vperm.xlane v11, v1;
	v40 =	vmin.f32 v9, v37;
	v9 =	vmax.f32 v9, v37  }
0x120: {  	v41 =	vmin.f32 v14, v39;
	v14 =	vmax.f32 v14, v39;
	v47 =	vmin.f32 v8, v45  }
0x121: {  	v8 =	vmax.f32 v8, v45;
	v49 =	vperm.xlane v15, v1;
	v50 =	vmin.f32 v12, v48  }
0x122: {  	v12 =	vmax.f32 v12, v48;
	v51 =	vperm.xlane v13, v1;
	v9 =	vsel vm6, v9, v40  }
0x123: {  	v14 =	vsel vm6, v14, v41;
	v44 =	vmin.f32 v10, v42;
	v10 =	vmax.f32 v10, v42  }
0x124: {  	v46 =	vmin.f32 v11, v43;
	v11 =	vmax.f32 v11, v43;
	v8 =	vsel vm7, v8, v47  }
0x125: {  	v12 =	vsel vm7, v12, v50;
	v10 =	vsel vm7, v44, v10;
	v11 =	vsel vm7, v46, v11  }
0x126: {  	v52 =	vmin.f32 v15, v49;
	v15 =	vmax.f32 v15, v49;
	v53 =	vmin.f32 v13, v51  }
0x127: {  	v13 =	vmax.f32 v13, v51;
	v54 =	vperm.xlane v9, v1;
	v55 =	vperm.xlane v14, v1  }
0x128: {  	v61 =	vperm.xlane v8, v0;
	v63 =	vperm.xlane v12, v0;
	v15 =	vsel vm7, v52, v15  }
0x129: {  	v13 =	vsel vm7, v53, v13;
	v57 =	vperm.xlane v10, v0;
	v60 =	vperm.xlane v11, v0  }
0x12a: {  	v56 =	vmin.f32 v9, v54;
	v9 =	vmax.f32 v9, v54;
	v58 =	vmin.f32 v14, v55  }
0x12b: {  	v14 =	vmax.f32 v14, v55;
	v21 =	vmin.f32 v8, v61;
	v8 =	vmax.f32 v8, v61  }
0x12c: {  	v22 =	vmin.f32 v12, v63;
	v12 =	vmax.f32 v12, v63;
	v23 =	vperm.xlane v15, v0  }
0x12d: {  	v24 =	vperm.xlane v13, v0;
	v9 =	vsel vm7, v9, v56;
	v59 =	vmin.f32 v10, v57  }
0x12e: {  	v10 =	vmax.f32 v10, v57;
	v14 =	vsel vm7, v14, v58;
	v62 =	vmin.f32 v11, v60  }
0x12f: {  	v11 =	vmax.f32 v11, v60;
	v8 =	vsel vm8, v8, v21;
	v12 =	vsel vm8, v12, v22  }
0x130: {  	v10 =	vsel vm8, v59, v10;
	v11 =	vsel vm8, v62, v11;
	v25 =	vmin.f32 v15, v23  }
0x131: {  	v15 =	vmax.f32 v15, v23;
	v26 =	vperm.xlane v9, v0;
	v27 =	vmin.f32 v13, v24  }
0x132: {  	v13 =	vmax.f32 v13, v24;
	v28 =	vperm.xlane v14, v0;
	v15 =	vsel vm8, v25, v15  }
0x133: {  	v13 =	vsel vm8, v27, v13;
	v31 =	vmin.f32 v10, v8;
	v8 =	vmax.f32 v10, v8  }
0x134: {  	v32 =	vmin.f32 v11, v12;
	v11 =	vmax.f32 v11, v12;
	v29 =	vmin.f32 v9, v26  }
0x135: {  	v9 =	vmax.f32 v9, v26;
	v30 =	vmin.f32 v14, v28;
	v14 =	vmax.f32 v14, v28  }
0x136: {  	v35 =	vmin.f32 v31, v32;
	v10 =	vmax.f32 v31, v32;
	v36 =	vmin.f32 v8, v11  }
0x137: {  	v8 =	vmax.f32 v8, v11;
	v9 =	vsel vm8, v9, v29;
	v14 =	vsel vm8, v14, v30  }
0x138: {  	v37 =	vperm.xlane v35, v3;
	v41 =	vperm.xlane v10, v3;
	v33 =	vmin.f32 v15, v9  }
0x139: {  	v9 =	vmax.f32 v15, v9;
	v34 =	vmin.f32 v13, v14;
	v13 =	vmax.f32 v13, v14  }
0x13a: {  	v42 =	vperm.xlane v36, v3;
	v44 =	vperm.xlane v8, v3;
	v38 =	vmin.f32 v9, v13  }
0x13b: {  	v9 =	vmax.f32 v9, v13;
	v39 =	vmin.f32 v33, v34;
	v40 =	vmin.f32 v35, v37  }
0x13c: {  	v11 =	vmax.f32 v35, v37;
	v12 =	vmax.f32 v33, v34;
	v43 =	vmin.f32 v10, v41  }
0x13d: {  	v10 =	vmax.f32 v10, v41;
	v45 =	vmin.f32 v36, v42;
	v15 =	vmax.f32 v36, v42  }
0x13e: {  	v46 =	vmin.f32 v8, v44;
	v8 =	vmax.f32 v8, v44;
	v11 =	vsel vm9, v40, v11  }
0x13f: {  	v10 =	vsel vm9, v43, v10;
	v47 =	vperm.xlane v9, v3;
	v48 =	vperm.xlane v38, v3  }
0x140: {  	v15 =	vsel vm9, v45, v15;
	v50 =	vperm.xlane v12, v3;
	v53 =	vperm.xlane v39, v3  }
0x141: {  	v8 =	vsel vm9, v46, v8;
	v54 =	vperm.xlane v11, v2;
	v56 =	vperm.xlane v10, v2  }
0x142: {  	v59 =	vperm.xlane v15, v2;
	v60 =	vperm.xlane v8, v2  }
0x143: {  	v49 =	vmin.f32 v9, v47;
	v9 =	vmax.f32 v9, v47;
	v51 =	vmin.f32 v38, v48  }
0x144: {  	v16 =	vmax.f32 v38, v48;
	v52 =	vmin.f32 v12, v50;
	v12 =	vmax.f32 v12, v50  }
0x145: {  	v55 =	vmin.f32 v39, v53;
	v13 =	vmax.f32 v39, v53;
	v9 =	vsel vm9, v9, v49  }
0x146: {  	v16 =	vsel vm9, v16, v51;
	v12 =	vsel vm9, v12, v52;
	v13 =	vsel vm9, v13, v55  }
0x147: {  	v57 =	vmin.f32 v11, v54;
	v11 =	vmax.f32 v11, v54;
	v58 =	vmin.f32 v10, v56  }
0x148: {  	v10 =	vmax.f32 v10, v56;
	v61 =	vmin.f32 v15, v59;
	v14 =	vmax.f32 v15, v59  }
0x149: {  	v63 =	vmin.f32 v8, v60;
	v8 =	vmax.f32 v8, v60;
	v11 =	vsel vm6, v57, v11  }
0x14a: {  	v10 =	vsel vm6, v58, v10;
	v62 =	vperm.xlane v9, v2;
	v21 =	vperm.xlane v16, v2  }
0x14b: {  	v14 =	vsel vm6, v61, v14;
	v22 =	vperm.xlane v12, v2;
	v24 =	vperm.xlane v13, v2  }
0x14c: {  	v8 =	vsel vm6, v63, v8;
	v27 =	vperm.xlane v11, v1;
	v28 =	vperm.xlane v10, v1  }
0x14d: {  	v30 =	vperm.xlane v14, v1;
	v33 =	vperm.xlane v8, v1;
	v20 =	vmin.f32 v9, v62  }
0x14e: {  	v9 =	vmax.f32 v9, v62;
	v23 =	vmin.f32 v16, v21;
	v15 =	vmax.f32 v16, v21  }
0x14f: {  	v25 =	vmin.f32 v12, v22;
	v12 =	vmax.f32 v12, v22;
	v26 =	vmin.f32 v13, v24  }
0x150: {  	v13 =	vmax.f32 v13, v24;
	v9 =	vsel vm6, v9, v20;
	v15 =	vsel vm6, v15, v23  }
0x151: {  	v12 =	vsel vm6, v12, v25;
	v13 =	vsel vm6, v13, v26;
	v29 =	vmin.f32 v11, v27  }
0x152: {  	v11 =	vmax.f32 v11, v27;
	v31 =	vmin.f32 v10, v28;
	v10 =	vmax.f32 v10, v28  }
0x153: {  	v32 =	vmin.f32 v14, v30;
	v14 =	vmax.f32 v14, v30;
	v35 =	vmin.f32 v8, v33  }
0x154: {  	v8 =	vmax.f32 v8, v33;
	v11 =	vsel vm7, v29, v11;
	v34 =	vperm.xlane v9, v1  }
0x155: {  	v10 =	vsel vm7, v31, v10;
	v36 =	vperm.xlane v15, v1;
	v39 =	vperm.xlane v12, v1  }
0x156: {  	v14 =	vsel vm7, v32, v14;
	v40 =	vperm.xlane v13, v1;
	v42 =	vperm.xlane v11, v0  }
0x157: {  	v8 =	vsel vm7, v35, v8;
	v45 =	vperm.xlane v10, v0;
	v46 =	vperm.xlane v14, v0  }
0x158: {  	v48 =	vperm.xlane v8, v0;
	v37 =	vmin.f32 v9, v34;
	v9 =	vmax.f32 v9, v34  }
0x159: {  	v38 =	vmin.f32 v15, v36;
	v15 =	vmax.f32 v15, v36;
	v41 =	vmin.f32 v12, v39  }
0x15a: {  	v12 =	vmax.f32 v12, v39;
	v43 =	vmin.f32 v13, v40;
	v13 =	vmax.f32 v13, v40  }
0x15b: {  	v9 =	vsel vm7, v9, v37;
	v15 =	vsel vm7, v15, v38;
	v12 =	vsel vm7, v12, v41  }
0x15c: {  	v44 =	vmin.f32 v11, v42;
	v11 =	vmax.f32 v11, v42;
	v13 =	vsel vm7, v13, v43  }
0x15d: {  	v47 =	vmin.f32 v10, v45;
	v10 =	vmax.f32 v10, v45;
	v49 =	vmin.f32 v14, v46  }
0x15e: {  	v14 =	vmax.f32 v14, v46;
	v50 =	vmin.f32 v8, v48;
	v8 =	vmax.f32 v8, v48  }
0x15f: {  	v11 =	vsel vm8, v44, v11;
	v10 =	vsel vm8, v47, v10;
	v51 =	vperm.xlane v9, v0  }
0x160: {  	v14 =	vsel vm8, v49, v14;
	v8 =	vsel vm8, v50, v8;
	v52 =	vperm.xlane v15, v0  }
0x161: {  	v54 =	vperm.xlane v12, v0;
	v56 =	vperm.xlane v13, v0;
	v53 =	vmin.f32 v9, v51  }
0x162: {  	v9 =	vmax.f32 v9, v51;
	v55 =	vmin.f32 v15, v52;
	v15 =	vmax.f32 v15, v52  }
0x163: {  	v57 =	vmin.f32 v12, v54;
	v12 =	vmax.f32 v12, v54;
	v58 =	vmin.f32 v13, v56  }
0x164: {  	v13 =	vmax.f32 v13, v56;
	v9 =	vsel vm8, v9, v53;
	v15 =	vsel vm8, v15, v55  }
0x165: {  	v12 =	vsel vm8, v12, v57;
	v13 =	vsel vm8, v13, v58;
	v9 =	vmin.f32 v11, v9  }
0x166: {  	v10 =	vmin.f32 v10, v15;
	v59 =	vmin.f32 v14, v12;
	v8 =	vmin.f32 v8, v13  }
0x167: {  	v9 =	vmax.f32 v9, v59;
	v8 =	vmax.f32 v10, v8  }
0x168: {  	v8 =	vmin.f32 v9, v8  }
0x169: {  	v9 =	vperm.xlane v8, v3;
	_ =	sdelay $0x1  }
0x16a: {  	v60 =	vmin.f32 v8, v9;
	v8 =	vmax.f32 v8, v9  }
0x16b: {  	v8 =	vsel vm9, v60, v8  }
0x16c: {  	v61 =	vperm.xlane v8, v2;
	_ =	sdelay $0x1  }
0x16d: {  	v10 =	vmin.f32 v8, v61;
	v8 =	vmax.f32 v8, v61  }
0x16e: {  	v8 =	vsel vm6, v10, v8  }
0x16f: {  	v62 =	vperm.xlane v8, v1;
	_ =	sdelay $0x1  }
0x170: {  	v10 =	vmin.f32 v8, v62;
	v8 =	vmax.f32 v8, v62  }
0x171: {  	v8 =	vsel vm7, v10, v8  }
0x172: {  	v63 =	vperm.xlane v8, v0  }
0x173: {  	s31 =	sand.u32 $0xF0, s12;
	s12 =	sadd.s32 $0x1, s12  }
0x174: {  	p0 =	sne.s32 s12, $0x100;
	v10 =	vmin.f32 v8, v63;
	v8 =	vmax.f32 v8, v63  }
.Ltmp1:
0x175: {  	v8 =	vsel vm8, v10, v8;
	(pc) =	sbr.rel @p0 .LBB2_2-.Ltmp1, $4  }
0x176: {  	v8 =	vperm.xlane v8, v4  }
0x177: {  	vm9 =	veq.s32 v7, v5  }
0x178: {  	v6 =	vsel vm9, v8, v6  }
0x179: {  	[tilespmem:s31+$0x4000] =	vst v6  }
0x17a: {  	s11 =	sadd.s32 $0x1, s11  }
0x17b: {  	p0 =	sne.s32 s11, s6  }
.Ltmp2:
0x17c: {  	_ = 	snop;
	(pc) =	sbr.rel @p0 .LBB2_1-.Ltmp2, $4  }
0x17d: {  	[hbm4b:s5+s8] =	stream.strided.scatter [tilespmem:s10], [sflag:$0x1], $0x100, s9, s8, $0x38;
	[tilespmem:$0x4100] =	vst v63  }
0x17e: {  	_ =	swait.ge [sflag:s7], $0x100  }
0x17f: {  	[sflag:s7] =	ssyncset.done $0x0  }
0x180: {  	[sflag:s7] =	ssyncadd.s32 $0xFFFFFF00  }
0x181: {  	_ =	sfence.sel $0x180000  }
0x182: {  	[bflag:$0x0] =	sbarrier.arrive $0xFFFF  }
0x183: {  	p0 =	sne.s32 s2, $0x0;
	_ =	strace $0x90000047  }
0x184: {  	s0 =	sadd.s32 @!p0 $0x100000, s0;
	[bflag:$0x2] =	sbarrier.arrive $0xFFFF  }
0x185: {  	[sflag:s0] =	ssyncadd.tile.s32 @!p0 $0x1;
	_ =	shalt  }
.Lfunc_end2:
_tile_overlayer_lowered:
.L_overlay_start_2:
0x186: {  	(tag) =	ssettag $0x2  }
0x187: {  	s0 =	rddreg [dreg:$0x0];
	s2 =	stileid.u32  }
0x188: {  	s1 =	rddreg [dreg:$0x1];
	p0 =	sne.s32 s2, $0x0  }
0x189: {  	s3 =	rddreg [dreg:$0x2];
	[bflag:$0x3] =	sbarrier.arrive $0xFFFF;
	s2 =	simm.s32 @!p0 $0x1C01  }
0x18a: {  	[timem:s3], [sflag:s2] =	dma.local @!p0 [hbm:s0], s1  }
0x18b: {  	s0 =	simm.s32 @!p0 $0x1  }
0x18c: {  	_ =	swait.ge @!p0 [sflag:s0], s1  }
0x18d: {  	s1 =	ssub.s32 @!p0 $0x0, s1;
	[sflag:s0] =	ssyncset.done @!p0 $0x0  }
0x18e: {  	[sflag:s0] =	ssyncadd.s32 @!p0 s1  }
0x18f: {  	[bflag:$0x3] =	sbarrier.arrive $0xFFFF  }
0x190: {  	_ =	shalt  }

</sc_bundles>
